<compile_context>
chip_gen: v7x
topology: tpu7x:2x2x1
jax: 0.10.2.dev20260603
libtpu: 0.0.44.dev20260713+nightly
codegen_flags: <defaults>
</compile_context>

<pallas_src>
import functools
import jax
import jax.numpy as jnp
from jax import lax
from jax.experimental import pallas as pl
from jax.experimental.pallas import tpu as pltpu
from jax.experimental.pallas import tpu_sc as plsc

N = 10000
E = 320000
D_IN = 128
D_HID = 64

NTILE = 16
CHK = 80
NCH = E // CHK
TPB = NCH // NTILE
NBUF = 4
IBR = 25
ZR = N // NTILE
NBLK = 25
BR = N // NBLK


def _deg_body(eidx, wch, zn, deg_out, deg_s, idx_v, w_v, wsem):
    c = lax.axis_index("c")
    s = lax.axis_index("s")

    @pl.when(s == 0)
    def _():
        pltpu.sync_copy(zn, deg_s)

    plsc.subcore_barrier()
    pltpu.sync_copy(eidx.at[c, s], idx_v)
    pltpu.sync_copy(wch.at[s], w_v)

    @pl.loop(0, TPB // 25)
    def _(g):
        @pl.loop(0, 25)
        def _(j2):
            j = g * 25 + j2
            pltpu.async_copy(w_v.at[j], deg_s.at[idx_v.at[j]], wsem, add=True)

        @pl.loop(0, 25)
        def _(j2):
            pltpu.make_async_copy(w_v.at[0], deg_s.at[idx_v.at[0]], wsem).wait()

    plsc.subcore_barrier()

    @pl.when(s == 0)
    def _():
        pltpu.sync_copy(deg_s, deg_out.at[c])


def _diff_body(tab, comb, zb, out, acc, civ, buf, gsem, ssem):
    c = lax.axis_index("c")
    s = lax.axis_index("s")
    pltpu.sync_copy(zb, acc.at[pl.ds(s * ZR, ZR)])
    plsc.subcore_barrier()

    def g_start(j, b):
        pltpu.async_copy(tab.at[civ.at[j]], buf.at[b], gsem.at[b])

    def g_wait(j, b):
        pltpu.make_async_copy(tab.at[civ.at[j]], buf.at[b], gsem.at[b]).wait()

    def s_start(j, b):
        pltpu.async_copy(buf.at[b], acc.at[civ.at[IBR + j]], ssem.at[b], add=True)

    def s_wait(j, b):
        pltpu.make_async_copy(buf.at[b], acc.at[civ.at[IBR + j]], ssem.at[b]).wait()

    @pl.loop(0, TPB // IBR)
    def _(kb):
        pltpu.sync_copy(comb.at[c, s, kb], civ)
        g_start(0, 0)
        g_start(1, 1)
        for j in range(IBR):
            b = j % NBUF
            g_wait(j, b)
            s_start(j, b)
            if j + 2 < IBR:
                if j >= 2:
                    s_wait(j - 2, (j - 2) % NBUF)
                g_start(j + 2, (j + 2) % NBUF)
        for j in range(max(IBR - NBUF, 0), IBR):
            s_wait(j, j % NBUF)

    plsc.subcore_barrier()
    pltpu.sync_copy(acc.at[pl.ds(s * ZR, ZR)], out.at[c, s])


def _mm_body(x_ref, deg_ref, wp_ref, wq_ref, tab_ref):
    xb = x_ref[...]
    d = deg_ref[0]
    r_out = jnp.reciprocal(d[:, 0:1])
    r_in = jnp.reciprocal(d[:, 1:2])
    hi = lax.Precision.HIGHEST
    tab_ref[0] = jnp.dot(xb, wp_ref[...], precision=hi, preferred_element_type=jnp.float32) * r_out
    tab_ref[1] = jnp.dot(xb, wq_ref[...], precision=hi, preferred_element_type=jnp.float32) * r_in


def _fin_body(x_ref, wa_ref, ba_ref, s_ref, wl_ref, bl_ref, o_ref):
    xa = (
        jnp.dot(x_ref[...], wa_ref[...], precision=lax.Precision.HIGHEST,
                preferred_element_type=jnp.float32)
        + ba_ref[...]
    )
    s_o = s_ref[0]
    s_i = s_ref[1]
    zp = xa[:, :D_HID] + s_o[:, :D_HID] + s_i[:, :D_HID]
    hp = xa[:, D_HID:] + s_o[:, D_HID:] + s_i[:, D_HID:]
    hnew = (1.0 - jax.nn.sigmoid(zp)) * jnp.tanh(hp)
    o_ref[...] = jnp.dot(hnew, wl_ref[...], precision=lax.Precision.HIGHEST, preferred_element_type=jnp.float32) + bl_ref[...]


def kernel(x, edge_index, edge_weight, Wz, bz, Wr, br, Wh, bh, Wl, bl):
    f32 = jnp.float32
    ei = edge_index.astype(jnp.int32)
    row, col = ei[0], ei[1]
    eidx = ei.reshape(2, NTILE, TPB, CHK)
    gidx = jnp.stack([row, col + N]).reshape(2, NTILE, TPB // IBR, IBR, CHK)
    sidx = jnp.stack([col, row]).reshape(2, NTILE, TPB // IBR, IBR, CHK)
    comb = jnp.concatenate([gidx, sidx], axis=3)
    wch = edge_weight.astype(f32).reshape(NTILE, TPB, CHK)
    zn = jnp.zeros((N,), f32)
    zb = jnp.zeros((ZR, D_IN), f32)

    W_P = jnp.concatenate([Wz[0, 1, :D_IN, :], Wh[0, 1, :D_IN, :]], axis=1)
    W_Q = jnp.concatenate([Wz[1, 1, :D_IN, :], Wh[1, 1, :D_IN, :]], axis=1)
    W_A = jnp.concatenate(
        [Wz[0, 0, :D_IN] + Wz[1, 0, :D_IN], Wh[0, 0, :D_IN] + Wh[1, 0, :D_IN]], axis=1
    )
    b_A = jnp.concatenate([bz, bh]).reshape(1, 2 * D_HID)

    mesh = plsc.VectorSubcoreMesh(core_axis_name="c", subcore_axis_name="s")

    deg = pl.kernel(
        _deg_body,
        out_type=jax.ShapeDtypeStruct((2, N), f32),
        mesh=mesh,
        scratch_types=[
            pltpu.VMEM_SHARED((N,), f32),
            pltpu.VMEM((TPB, CHK), jnp.int32),
            pltpu.VMEM((TPB, CHK), f32),
            pltpu.SemaphoreType.DMA,
        ],
        name="dcrnn_degrees",
    )(eidx, wch, zn)
    deg_t = deg.T.reshape(NBLK, BR, 2)

    tab3 = pl.pallas_call(
        _mm_body,
        grid=(NBLK,),
        in_specs=[
            pl.BlockSpec((BR, D_IN), lambda i: (i, 0)),
            pl.BlockSpec((1, BR, 2), lambda i: (i, 0, 0)),
            pl.BlockSpec((D_IN, D_IN), lambda i: (0, 0)),
            pl.BlockSpec((D_IN, D_IN), lambda i: (0, 0)),
        ],
        out_specs=pl.BlockSpec((2, BR, D_IN), lambda i: (0, i, 0)),
        out_shape=jax.ShapeDtypeStruct((2, N, D_IN), f32),
        name="dcrnn_tables",
    )(x, deg_t, W_P, W_Q)

    tab = tab3.reshape(2 * N, D_IN)

    s_acc = pl.kernel(
        _diff_body,
        out_type=jax.ShapeDtypeStruct((2, NTILE, ZR, D_IN), f32),
        mesh=mesh,
        scratch_types=[
            pltpu.VMEM_SHARED((N, D_IN), f32),
            pltpu.VMEM((2 * IBR, CHK), jnp.int32),
            pltpu.VMEM((NBUF, CHK, D_IN), f32),
            pltpu.SemaphoreType.DMA((NBUF,)),
            pltpu.SemaphoreType.DMA((NBUF,)),
        ],
        name="dcrnn_diffusion",
    )(tab, comb, zb)
    s_acc = s_acc.reshape(2, N, D_IN)

    out = pl.pallas_call(
        _fin_body,
        grid=(NBLK,),
        in_specs=[
            pl.BlockSpec((BR, D_IN), lambda i: (i, 0)),
            pl.BlockSpec((D_IN, D_IN), lambda i: (0, 0)),
            pl.BlockSpec((1, 2 * D_HID), lambda i: (0, 0)),
            pl.BlockSpec((2, BR, D_IN), lambda i: (0, i, 0)),
            pl.BlockSpec((D_HID, 1), lambda i: (0, 0)),
            pl.BlockSpec((1, 1), lambda i: (0, 0)),
        ],
        out_specs=pl.BlockSpec((BR, 1), lambda i: (i, 0)),
        out_shape=jax.ShapeDtypeStruct((N, 1), f32),
        name="dcrnn_head",
    )(x, W_A, b_A, s_acc, Wl, bl.reshape(1, 1))

    return out[:, 0]

# --- scband reference (transcript-rebuilt; emitter-appended) ---
"""Pipeline reference for scband-dcrnnwrapper-21680994910527 (READ-ONLY COPY).

The authoritative reference and input builder live on the scoring server;
editing this copy changes nothing except your own understanding.
"""

import jax, jax.numpy as jnp
import numpy as np

N = 10000
E = 320000
D_IN = 128
D_HID = 64
D_OUT = 1
K = 2


def setup_inputs(seed: int = 0):
    key = jax.random.key(seed)
    ks = jax.random.split(key, 12)
    x = jax.random.normal(ks[0], (N, D_IN), dtype=jnp.float32)
    edge_index = jax.random.randint(ks[1], (2, E), 0, N)
    edge_weight = jax.random.uniform(ks[2], (E,), dtype=jnp.float32, minval=0.05, maxval=1.0)
    d_cat = D_IN + D_HID
    s = 1.0 / np.sqrt(d_cat)
    Wz = jax.random.uniform(ks[3], (2, K, d_cat, D_HID), jnp.float32, -s, s)
    bz = jnp.zeros((D_HID,), jnp.float32)
    Wr = jax.random.uniform(ks[4], (2, K, d_cat, D_HID), jnp.float32, -s, s)
    br = jnp.zeros((D_HID,), jnp.float32)
    Wh = jax.random.uniform(ks[5], (2, K, d_cat, D_HID), jnp.float32, -s, s)
    bh = jnp.zeros((D_HID,), jnp.float32)
    sl = 1.0 / np.sqrt(D_HID)
    Wl = jax.random.uniform(ks[6], (D_HID, D_OUT), jnp.float32, -sl, sl)
    bl = jax.random.uniform(ks[7], (D_OUT,), jnp.float32, -sl, sl)
    return {"x": x, "edge_index": edge_index, "edge_weight": edge_weight,
            "Wz": Wz, "bz": bz, "Wr": Wr, "br": br, "Wh": Wh, "bh": bh,
            "Wl": Wl, "bl": bl}


def _dconv(Xc, row, col, norm_out, norm_in, W, b):
    # DConv with K=2: identity term (k=0) for both directions + 1-hop diffusion (k=1)
    H = Xc @ W[0, 0] + Xc @ W[1, 0]
    # out-diffusion: out[col] += norm_out[e] * Xc[row]
    Tx1_o = jnp.zeros_like(Xc).at[col].add(norm_out[:, None] * Xc[row])
    # in-diffusion (flipped edges): out[row] += norm_in[e] * Xc[col]
    Tx1_i = jnp.zeros_like(Xc).at[row].add(norm_in[:, None] * Xc[col])
    H = H + Tx1_o @ W[0, 1] + Tx1_i @ W[1, 1]
    return H + b


def reference(x, edge_index, edge_weight, Wz, bz, Wr, br, Wh, bh, Wl, bl):
    n = x.shape[0]
    row, col = edge_index[0], edge_index[1]
    # weighted out/in degrees (dense-adjacency row/col sums in the original)
    deg_out = jnp.zeros((n,), x.dtype).at[row].add(edge_weight)
    deg_in = jnp.zeros((n,), x.dtype).at[col].add(edge_weight)
    norm_out = jnp.reciprocal(deg_out)[row]
    norm_in = jnp.reciprocal(deg_in)[col]
    # DCRNN cell with zero-initialized hidden state
    H = jnp.zeros((n, D_HID), x.dtype)
    XH = jnp.concatenate([x, H], axis=1)
    Z = jax.nn.sigmoid(_dconv(XH, row, col, norm_out, norm_in, Wz, bz))
    R = jax.nn.sigmoid(_dconv(XH, row, col, norm_out, norm_in, Wr, br))
    XRH = jnp.concatenate([x, R * H], axis=1)
    H_tilde = jnp.tanh(_dconv(XRH, row, col, norm_out, norm_in, Wh, bh))
    H_new = Z * H + (1.0 - Z) * H_tilde
    out = H_new @ Wl + bl
    return jnp.squeeze(out, axis=-1)

if __name__ == "__main__":
    import jax
    _d = setup_inputs()
    print(jax.jit(kernel)(*tuple(_d.values())))

</pallas_src>

<mosaic_0001>
#map = affine_map<(d0, d1) -> (0, 0)>
#map1 = affine_map<(d0, d1) -> (0, 0, 0, 0, 0)>
#map2 = affine_map<(d0, d1) -> (0, 0, 0, 0)>
module attributes {stable_mosaic.version = 14 : i64} {
  func.func @dcrnn_diffusion(%arg0: i32, %arg1: i32, %arg2: memref<20000x128xf32, #tpu.memory_space<hbm>>, %arg3: memref<2x16x10x50x80xi32, #tpu.memory_space<hbm>>, %arg4: memref<625x128xf32, #tpu.memory_space<hbm>>, %arg5: memref<2x16x625x128xf32, #tpu.memory_space<hbm>>, %arg6: memref<10000x128xf32, #tpu.memory_space<vmem_shared>>, %arg7: memref<50x80xi32, #tpu.memory_space<vmem>>, %arg8: memref<4x80x128xf32, #tpu.memory_space<vmem>>, %arg9: memref<4x!tpu.dma_semaphore, #tpu.memory_space<semaphore_mem>>, %arg10: memref<4x!tpu.dma_semaphore, #tpu.memory_space<semaphore_mem>>) attributes {dimension_semantics = [#tpu.dimension_semantics<core_parallel>, #tpu.dimension_semantics<subcore_parallel>], iteration_bounds = array<i64: 2, 16>, scalar_prefetch = 0 : i64, scratch_operands = 5 : i64, tpu.core_type = #tpu.core_type<sc_vector_subcore>, window_params = [{transform_indices = #map}, {transform_indices = #map1}, {transform_indices = #map}, {transform_indices = #map2}]} {
    %mul3A = arith.constant 625 : i32
    %mul3A_0 = arith.muli %arg1, %mul3A : i32
    "tpu.region"() ({
      %run_scoped3A = tpu.sem_alloc : memref<!tpu.dma_semaphore, #tpu.memory_space<semaphore_mem>>
      %dma_start3A = arith.constant 0 : i32
      %dma_start3A_8 = tpu.memref_slice %arg6[%mul3A_0, %dma_start3A] : memref<10000x128xf32, #tpu.memory_space<vmem_shared>> -> memref<625x128xf32, #tpu.memory_space<vmem_shared>>
      tpu.enqueue_dma source(%arg4 : memref<625x128xf32, #tpu.memory_space<hbm>>) target(%dma_start3A_8 : memref<625x128xf32, #tpu.memory_space<vmem_shared>>) target_semaphore(%run_scoped3A : memref<!tpu.dma_semaphore, #tpu.memory_space<semaphore_mem>>)
      %dma_wait3A = arith.constant 0 : i32
      %dma_wait3A_9 = tpu.memref_slice %arg6[%mul3A_0, %dma_wait3A] : memref<10000x128xf32, #tpu.memory_space<vmem_shared>> -> memref<625x128xf32, #tpu.memory_space<vmem_shared>>
      tpu.wait_dma2 semaphore(%run_scoped3A : memref<!tpu.dma_semaphore, #tpu.memory_space<semaphore_mem>>) src(%arg4 : memref<625x128xf32, #tpu.memory_space<hbm>>) dst(%dma_wait3A_9 : memref<625x128xf32, #tpu.memory_space<vmem_shared>>)
      tpu.yield
    }) : () -> ()
    %barrier3A = arith.constant 0 : index
    tpu.barrier barrier_id(%barrier3A)
    %scan3A = arith.constant 0 : i32
    %scan3A_1 = arith.constant 10 : i32
    %scan3A_2 = arith.addi %scan3A, %scan3A_1 : i32
    %scan3A_3 = arith.constant 1 : i32
    scf.for %scan3A_8 = %scan3A to %scan3A_2 step %scan3A_3  : i32 {
      %mul3A_9 = arith.constant 1 : i32
      %mul3A_10 = arith.muli %scan3A_8, %mul3A_9 : i32
      %add3A = arith.constant 0 : i32
      %add3A_11 = arith.addi %add3A, %mul3A_10 : i32
      "tpu.region"() ({
        %run_scoped3A = tpu.sem_alloc : memref<!tpu.dma_semaphore, #tpu.memory_space<semaphore_mem>>
        %dma_start3A_1510 = arith.constant 0 : i32
        %dma_start3A_1511 = arith.constant 0 : i32
        %dma_start3A_1512 = tpu.memref_slice %arg3[%arg0, %arg1, %add3A_11, %dma_start3A_1510, %dma_start3A_1511] : memref<2x16x10x50x80xi32, #tpu.memory_space<hbm>> -> memref<1x1x1x50x80xi32, #tpu.memory_space<hbm>>
        %dma_start3A_1513 = tpu.memref_squeeze %dma_start3A_1512 : memref<1x1x1x50x80xi32, #tpu.memory_space<hbm>> -> memref<50x80xi32, #tpu.memory_space<hbm>>
        %dma_start3A_1514 = arith.constant 0 : i32
        %dma_start3A_1515 = arith.constant 0 : i32
        %dma_start3A_1516 = tpu.memref_slice %arg3[%arg0, %arg1, %add3A_11, %dma_start3A_1514, %dma_start3A_1515] : memref<2x16x10x50x80xi32, #tpu.memory_space<hbm>> -> memref<1x1x1x50x80xi32, #tpu.memory_space<hbm>>
        %dma_start3A_1517 = tpu.memref_squeeze %dma_start3A_1516 : memref<1x1x1x50x80xi32, #tpu.memory_space<hbm>> -> memref<50x80xi32, #tpu.memory_space<hbm>>
        tpu.enqueue_dma source(%dma_start3A_1517 : memref<50x80xi32, #tpu.memory_space<hbm>>) target(%arg7 : memref<50x80xi32, #tpu.memory_space<vmem>>) target_semaphore(%run_scoped3A : memref<!tpu.dma_semaphore, #tpu.memory_space<semaphore_mem>>)
        %dma_wait3A_1518 = arith.constant 0 : i32
        %dma_wait3A_1519 = arith.constant 0 : i32
        %dma_wait3A_1520 = tpu.memref_slice %arg3[%arg0, %arg1, %add3A_11, %dma_wait3A_1518, %dma_wait3A_1519] : memref<2x16x10x50x80xi32, #tpu.memory_space<hbm>> -> memref<1x1x1x50x80xi32, #tpu.memory_space<hbm>>
        %dma_wait3A_1521 = tpu.memref_squeeze %dma_wait3A_1520 : memref<1x1x1x50x80xi32, #tpu.memory_space<hbm>> -> memref<50x80xi32, #tpu.memory_space<hbm>>
        %dma_wait3A_1522 = arith.constant 0 : i32
        %dma_wait3A_1523 = arith.constant 0 : i32
        %dma_wait3A_1524 = tpu.memref_slice %arg3[%arg0, %arg1, %add3A_11, %dma_wait3A_1522, %dma_wait3A_1523] : memref<2x16x10x50x80xi32, #tpu.memory_space<hbm>> -> memref<1x1x1x50x80xi32, #tpu.memory_space<hbm>>
        %dma_wait3A_1525 = tpu.memref_squeeze %dma_wait3A_1524 : memref<1x1x1x50x80xi32, #tpu.memory_space<hbm>> -> memref<50x80xi32, #tpu.memory_space<hbm>>
        tpu.wait_dma2 semaphore(%run_scoped3A : memref<!tpu.dma_semaphore, #tpu.memory_space<semaphore_mem>>) src(%dma_wait3A_1525 : memref<50x80xi32, #tpu.memory_space<hbm>>) dst(%arg7 : memref<50x80xi32, #tpu.memory_space<vmem>>)
        tpu.yield
      }) : () -> ()
      %dma_start3A = arith.constant 0 : i32
      %dma_start3A_12 = arith.constant 0 : i32
      %dma_start3A_13 = arith.constant 0 : i32
      %dma_start3A_14 = arith.constant 0 : i32
      %dma_start3A_15 = arith.constant 0 : i32
      %dma_start3A_16 = tpu.memref_slice %arg8[%dma_start3A_12, %dma_start3A_14, %dma_start3A_15] : memref<4x80x128xf32, #tpu.memory_space<vmem>> -> memref<1x80x128xf32, #tpu.memory_space<vmem>>
      %dma_start3A_17 = tpu.memref_squeeze %dma_start3A_16 : memref<1x80x128xf32, #tpu.memory_space<vmem>> -> memref<80x128xf32, #tpu.memory_space<vmem>>
      %dma_start3A_18 = arith.constant 0 : i32
      %dma_start3A_19 = tpu.memref_slice %arg7[%dma_start3A, %dma_start3A_18] : memref<50x80xi32, #tpu.memory_space<vmem>> -> memref<1x80xi32, #tpu.memory_space<vmem>>
      %dma_start3A_20 = tpu.memref_squeeze %dma_start3A_19 : memref<1x80xi32, #tpu.memory_space<vmem>> -> memref<80xi32, #tpu.memory_space<vmem>>
      %dma_start3A_21 = arith.constant 0 : i32
      %dma_start3A_22 = arith.constant 0 : i32
      %dma_start3A_23 = tpu.memref_slice %arg2[%dma_start3A_21, %dma_start3A_22] : memref<20000x128xf32, #tpu.memory_space<hbm>> -> memref<20000x128xf32, #tpu.memory_space<hbm>>
      %dma_start3A_24 = tpu.memref_slice %arg9[%dma_start3A_13] : memref<4x!tpu.dma_semaphore, #tpu.memory_space<semaphore_mem>> -> memref<1x!tpu.dma_semaphore, #tpu.memory_space<semaphore_mem>>
      %dma_start3A_25 = tpu.memref_squeeze %dma_start3A_24 : memref<1x!tpu.dma_semaphore, #tpu.memory_space<semaphore_mem>> -> memref<!tpu.dma_semaphore, #tpu.memory_space<semaphore_mem>>
      tpu.enqueue_indirect_dma source(%dma_start3A_23 : memref<20000x128xf32, #tpu.memory_space<hbm>>) target(%dma_start3A_17 : memref<80x128xf32, #tpu.memory_space<vmem>>) offsets(%dma_start3A_20 : memref<80xi32, #tpu.memory_space<vmem>>) semaphore(%dma_start3A_25 : memref<!tpu.dma_semaphore, #tpu.memory_space<semaphore_mem>>)
      %dma_start3A_26 = arith.constant 1 : i32
      %dma_start3A_27 = arith.constant 1 : i32
      %dma_start3A_28 = arith.constant 1 : i32
      %dma_start3A_29 = arith.constant 0 : i32
      %dma_start3A_30 = arith.constant 0 : i32
      %dma_start3A_31 = tpu.memref_slice %arg8[%dma_start3A_27, %dma_start3A_29, %dma_start3A_30] : memref<4x80x128xf32, #tpu.memory_space<vmem>> -> memref<1x80x128xf32, #tpu.memory_space<vmem>>
      %dma_start3A_32 = tpu.memref_squeeze %dma_start3A_31 : memref<1x80x128xf32, #tpu.memory_space<vmem>> -> memref<80x128xf32, #tpu.memory_space<vmem>>
      %dma_start3A_33 = arith.constant 0 : i32
      %dma_start3A_34 = tpu.memref_slice %arg7[%dma_start3A_26, %dma_start3A_33] : memref<50x80xi32, #tpu.memory_space<vmem>> -> memref<1x80xi32, #tpu.memory_space<vmem>>
      %dma_start3A_35 = tpu.memref_squeeze %dma_start3A_34 : memref<1x80xi32, #tpu.memory_space<vmem>> -> memref<80xi32, #tpu.memory_space<vmem>>
      %dma_start3A_36 = arith.constant 0 : i32
      %dma_start3A_37 = arith.constant 0 : i32
      %dma_start3A_38 = tpu.memref_slice %arg2[%dma_start3A_36, %dma_start3A_37] : memref<20000x128xf32, #tpu.memory_space<hbm>> -> memref<20000x128xf32, #tpu.memory_space<hbm>>
      %dma_start3A_39 = tpu.memref_slice %arg9[%dma_start3A_28] : memref<4x!tpu.dma_semaphore, #tpu.memory_space<semaphore_mem>> -> memref<1x!tpu.dma_semaphore, #tpu.memory_space<semaphore_mem>>
      %dma_start3A_40 = tpu.memref_squeeze %dma_start3A_39 : memref<1x!tpu.dma_semaphore, #tpu.memory_space<semaphore_mem>> -> memref<!tpu.dma_semaphore, #tpu.memory_space<semaphore_mem>>
      tpu.enqueue_indirect_dma source(%dma_start3A_38 : memref<20000x128xf32, #tpu.memory_space<hbm>>) target(%dma_start3A_32 : memref<80x128xf32, #tpu.memory_space<vmem>>) offsets(%dma_start3A_35 : memref<80xi32, #tpu.memory_space<vmem>>) semaphore(%dma_start3A_40 : memref<!tpu.dma_semaphore, #tpu.memory_space<semaphore_mem>>)
      %dma_wait3A = arith.constant 0 : i32
      %dma_wait3A_41 = arith.constant 0 : i32
      %dma_wait3A_42 = arith.constant 0 : i32
      %dma_wait3A_43 = arith.constant 0 : i32
      %dma_wait3A_44 = arith.constant 0 : i32
      %dma_wait3A_45 = tpu.memref_slice %arg8[%dma_wait3A_41, %dma_wait3A_43, %dma_wait3A_44] : memref<4x80x128xf32, #tpu.memory_space<vmem>> -> memref<1x80x128xf32, #tpu.memory_space<vmem>>
      %dma_wait3A_46 = tpu.memref_squeeze %dma_wait3A_45 : memref<1x80x128xf32, #tpu.memory_space<vmem>> -> memref<80x128xf32, #tpu.memory_space<vmem>>
      %dma_wait3A_47 = arith.constant 0 : i32
      %dma_wait3A_48 = tpu.memref_slice %arg7[%dma_wait3A, %dma_wait3A_47] : memref<50x80xi32, #tpu.memory_space<vmem>> -> memref<1x80xi32, #tpu.memory_space<vmem>>
      %dma_wait3A_49 = tpu.memref_squeeze %dma_wait3A_48 : memref<1x80xi32, #tpu.memory_space<vmem>> -> memref<80xi32, #tpu.memory_space<vmem>>
      %dma_wait3A_50 = arith.constant 0 : i32
      %dma_wait3A_51 = arith.constant 0 : i32
      %dma_wait3A_52 = tpu.memref_slice %arg2[%dma_wait3A_50, %dma_wait3A_51] : memref<20000x128xf32, #tpu.memory_space<hbm>> -> memref<20000x128xf32, #tpu.memory_space<hbm>>
      %dma_wait3A_53 = tpu.memref_slice %arg9[%dma_wait3A_42] : memref<4x!tpu.dma_semaphore, #tpu.memory_space<semaphore_mem>> -> memref<1x!tpu.dma_semaphore, #tpu.memory_space<semaphore_mem>>
      %dma_wait3A_54 = tpu.memref_squeeze %dma_wait3A_53 : memref<1x!tpu.dma_semaphore, #tpu.memory_space<semaphore_mem>> -> memref<!tpu.dma_semaphore, #tpu.memory_space<semaphore_mem>>
      tpu.wait_indirect_dma semaphore(%dma_wait3A_54 : memref<!tpu.dma_semaphore, #tpu.memory_space<semaphore_mem>>) src(%dma_wait3A_52 : memref<20000x128xf32, #tpu.memory_space<hbm>>) dst(%dma_wait3A_46 : memref<80x128xf32, #tpu.memory_space<vmem>>)
      %dma_start3A_55 = arith.constant 0 : i32
      %dma_start3A_56 = arith.constant 25 : i32
      %dma_start3A_57 = arith.constant 0 : i32
      %dma_start3A_58 = arith.constant 0 : i32
      %dma_start3A_59 = arith.constant 0 : i32
      %dma_start3A_60 = tpu.memref_slice %arg8[%dma_start3A_55, %dma_start3A_58, %dma_start3A_59] : memref<4x80x128xf32, #tpu.memory_space<vmem>> -> memref<1x80x128xf32, #tpu.memory_space<vmem>>
      %dma_start3A_61 = tpu.memref_squeeze %dma_start3A_60 : memref<1x80x128xf32, #tpu.memory_space<vmem>> -> memref<80x128xf32, #tpu.memory_space<vmem>>
      %dma_start3A_62 = arith.constant 0 : i32
      %dma_start3A_63 = tpu.memref_slice %arg7[%dma_start3A_56, %dma_start3A_62] : memref<50x80xi32, #tpu.memory_space<vmem>> -> memref<1x80xi32, #tpu.memory_space<vmem>>
      %dma_start3A_64 = tpu.memref_squeeze %dma_start3A_63 : memref<1x80xi32, #tpu.memory_space<vmem>> -> memref<80xi32, #tpu.memory_space<vmem>>
      %dma_start3A_65 = arith.constant 0 : i32
      %dma_start3A_66 = arith.constant 0 : i32
      %dma_start3A_67 = tpu.memref_slice %arg6[%dma_start3A_65, %dma_start3A_66] : memref<10000x128xf32, #tpu.memory_space<vmem_shared>> -> memref<10000x128xf32, #tpu.memory_space<vmem_shared>>
      %dma_start3A_68 = tpu.memref_slice %arg10[%dma_start3A_57] : memref<4x!tpu.dma_semaphore, #tpu.memory_space<semaphore_mem>> -> memref<1x!tpu.dma_semaphore, #tpu.memory_space<semaphore_mem>>
      %dma_start3A_69 = tpu.memref_squeeze %dma_start3A_68 : memref<1x!tpu.dma_semaphore, #tpu.memory_space<semaphore_mem>> -> memref<!tpu.dma_semaphore, #tpu.memory_space<semaphore_mem>>
      tpu.enqueue_indirect_dma source(%dma_start3A_61 : memref<80x128xf32, #tpu.memory_space<vmem>>) target(%dma_start3A_67 : memref<10000x128xf32, #tpu.memory_space<vmem_shared>>) offsets(%dma_start3A_64 : memref<80xi32, #tpu.memory_space<vmem>>) semaphore(%dma_start3A_69 : memref<!tpu.dma_semaphore, #tpu.memory_space<semaphore_mem>>) {add = true}
      %dma_start3A_70 = arith.constant 2 : i32
      %dma_start3A_71 = arith.constant 2 : i32
      %dma_start3A_72 = arith.constant 2 : i32
      %dma_start3A_73 = arith.constant 0 : i32
      %dma_start3A_74 = arith.constant 0 : i32
      %dma_start3A_75 = tpu.memref_slice %arg8[%dma_start3A_71, %dma_start3A_73, %dma_start3A_74] : memref<4x80x128xf32, #tpu.memory_space<vmem>> -> memref<1x80x128xf32, #tpu.memory_space<vmem>>
      %dma_start3A_76 = tpu.memref_squeeze %dma_start3A_75 : memref<1x80x128xf32, #tpu.memory_space<vmem>> -> memref<80x128xf32, #tpu.memory_space<vmem>>
      %dma_start3A_77 = arith.constant 0 : i32
      %dma_start3A_78 = tpu.memref_slice %arg7[%dma_start3A_70, %dma_start3A_77] : memref<50x80xi32, #tpu.memory_space<vmem>> -> memref<1x80xi32, #tpu.memory_space<vmem>>
      %dma_start3A_79 = tpu.memref_squeeze %dma_start3A_78 : memref<1x80xi32, #tpu.memory_space<vmem>> -> memref<80xi32, #tpu.memory_space<vmem>>
      %dma_start3A_80 = arith.constant 0 : i32
      %dma_start3A_81 = arith.constant 0 : i32
      %dma_start3A_82 = tpu.memref_slice %arg2[%dma_start3A_80, %dma_start3A_81] : memref<20000x128xf32, #tpu.memory_space<hbm>> -> memref<20000x128xf32, #tpu.memory_space<hbm>>
      %dma_start3A_83 = tpu.memref_slice %arg9[%dma_start3A_72] : memref<4x!tpu.dma_semaphore, #tpu.memory_space<semaphore_mem>> -> memref<1x!tpu.dma_semaphore, #tpu.memory_space<semaphore_mem>>
      %dma_start3A_84 = tpu.memref_squeeze %dma_start3A_83 : memref<1x!tpu.dma_semaphore, #tpu.memory_space<semaphore_mem>> -> memref<!tpu.dma_semaphore, #tpu.memory_space<semaphore_mem>>
      tpu.enqueue_indirect_dma source(%dma_start3A_82 : memref<20000x128xf32, #tpu.memory_space<hbm>>) target(%dma_start3A_76 : memref<80x128xf32, #tpu.memory_space<vmem>>) offsets(%dma_start3A_79 : memref<80xi32, #tpu.memory_space<vmem>>) semaphore(%dma_start3A_84 : memref<!tpu.dma_semaphore, #tpu.memory_space<semaphore_mem>>)
      %dma_wait3A_85 = arith.constant 1 : i32
      %dma_wait3A_86 = arith.constant 1 : i32
      %dma_wait3A_87 = arith.constant 1 : i32
      %dma_wait3A_88 = arith.constant 0 : i32
      %dma_wait3A_89 = arith.constant 0 : i32
      %dma_wait3A_90 = tpu.memref_slice %arg8[%dma_wait3A_86, %dma_wait3A_88, %dma_wait3A_89] : memref<4x80x128xf32, #tpu.memory_space<vmem>> -> memref<1x80x128xf32, #tpu.memory_space<vmem>>
      %dma_wait3A_91 = tpu.memref_squeeze %dma_wait3A_90 : memref<1x80x128xf32, #tpu.memory_space<vmem>> -> memref<80x128xf32, #tpu.memory_space<vmem>>
      %dma_wait3A_92 = arith.constant 0 : i32
      %dma_wait3A_93 = tpu.memref_slice %arg7[%dma_wait3A_85, %dma_wait3A_92] : memref<50x80xi32, #tpu.memory_space<vmem>> -> memref<1x80xi32, #tpu.memory_space<vmem>>
      %dma_wait3A_94 = tpu.memref_squeeze %dma_wait3A_93 : memref<1x80xi32, #tpu.memory_space<vmem>> -> memref<80xi32, #tpu.memory_space<vmem>>
      %dma_wait3A_95 = arith.constant 0 : i32
      %dma_wait3A_96 = arith.constant 0 : i32
      %dma_wait3A_97 = tpu.memref_slice %arg2[%dma_wait3A_95, %dma_wait3A_96] : memref<20000x128xf32, #tpu.memory_space<hbm>> -> memref<20000x128xf32, #tpu.memory_space<hbm>>
      %dma_wait3A_98 = tpu.memref_slice %arg9[%dma_wait3A_87] : memref<4x!tpu.dma_semaphore, #tpu.memory_space<semaphore_mem>> -> memref<1x!tpu.dma_semaphore, #tpu.memory_space<semaphore_mem>>
      %dma_wait3A_99 = tpu.memref_squeeze %dma_wait3A_98 : memref<1x!tpu.dma_semaphore, #tpu.memory_space<semaphore_mem>> -> memref<!tpu.dma_semaphore, #tpu.memory_space<semaphore_mem>>
      tpu.wait_indirect_dma semaphore(%dma_wait3A_99 : memref<!tpu.dma_semaphore, #tpu.memory_space<semaphore_mem>>) src(%dma_wait3A_97 : memref<20000x128xf32, #tpu.memory_space<hbm>>) dst(%dma_wait3A_91 : memref<80x128xf32, #tpu.memory_space<vmem>>)
      %dma_start3A_100 = arith.constant 1 : i32
      %dma_start3A_101 = arith.constant 26 : i32
      %dma_start3A_102 = arith.constant 1 : i32
      %dma_start3A_103 = arith.constant 0 : i32
      %dma_start3A_104 = arith.constant 0 : i32
      %dma_start3A_105 = tpu.memref_slice %arg8[%dma_start3A_100, %dma_start3A_103, %dma_start3A_104] : memref<4x80x128xf32, #tpu.memory_space<vmem>> -> memref<1x80x128xf32, #tpu.memory_space<vmem>>
      %dma_start3A_106 = tpu.memref_squeeze %dma_start3A_105 : memref<1x80x128xf32, #tpu.memory_space<vmem>> -> memref<80x128xf32, #tpu.memory_space<vmem>>
      %dma_start3A_107 = arith.constant 0 : i32
      %dma_start3A_108 = tpu.memref_slice %arg7[%dma_start3A_101, %dma_start3A_107] : memref<50x80xi32, #tpu.memory_space<vmem>> -> memref<1x80xi32, #tpu.memory_space<vmem>>
      %dma_start3A_109 = tpu.memref_squeeze %dma_start3A_108 : memref<1x80xi32, #tpu.memory_space<vmem>> -> memref<80xi32, #tpu.memory_space<vmem>>
      %dma_start3A_110 = arith.constant 0 : i32
      %dma_start3A_111 = arith.constant 0 : i32
      %dma_start3A_112 = tpu.memref_slice %arg6[%dma_start3A_110, %dma_start3A_111] : memref<10000x128xf32, #tpu.memory_space<vmem_shared>> -> memref<10000x128xf32, #tpu.memory_space<vmem_shared>>
      %dma_start3A_113 = tpu.memref_slice %arg10[%dma_start3A_102] : memref<4x!tpu.dma_semaphore, #tpu.memory_space<semaphore_mem>> -> memref<1x!tpu.dma_semaphore, #tpu.memory_space<semaphore_mem>>
      %dma_start3A_114 = tpu.memref_squeeze %dma_start3A_113 : memref<1x!tpu.dma_semaphore, #tpu.memory_space<semaphore_mem>> -> memref<!tpu.dma_semaphore, #tpu.memory_space<semaphore_mem>>
      tpu.enqueue_indirect_dma source(%dma_start3A_106 : memref<80x128xf32, #tpu.memory_space<vmem>>) target(%dma_start3A_112 : memref<10000x128xf32, #tpu.memory_space<vmem_shared>>) offsets(%dma_start3A_109 : memref<80xi32, #tpu.memory_space<vmem>>) semaphore(%dma_start3A_114 : memref<!tpu.dma_semaphore, #tpu.memory_space<semaphore_mem>>) {add = true}
      %dma_start3A_115 = arith.constant 3 : i32
      %dma_start3A_116 = arith.constant 3 : i32
      %dma_start3A_117 = arith.constant 3 : i32
      %dma_start3A_118 = arith.constant 0 : i32
      %dma_start3A_119 = arith.constant 0 : i32
      %dma_start3A_120 = tpu.memref_slice %arg8[%dma_start3A_116, %dma_start3A_118, %dma_start3A_119] : memref<4x80x128xf32, #tpu.memory_space<vmem>> -> memref<1x80x128xf32, #tpu.memory_space<vmem>>
      %dma_start3A_121 = tpu.memref_squeeze %dma_start3A_120 : memref<1x80x128xf32, #tpu.memory_space<vmem>> -> memref<80x128xf32, #tpu.memory_space<vmem>>
      %dma_start3A_122 = arith.constant 0 : i32
      %dma_start3A_123 = tpu.memref_slice %arg7[%dma_start3A_115, %dma_start3A_122] : memref<50x80xi32, #tpu.memory_space<vmem>> -> memref<1x80xi32, #tpu.memory_space<vmem>>
      %dma_start3A_124 = tpu.memref_squeeze %dma_start3A_123 : memref<1x80xi32, #tpu.memory_space<vmem>> -> memref<80xi32, #tpu.memory_space<vmem>>
      %dma_start3A_125 = arith.constant 0 : i32
      %dma_start3A_126 = arith.constant 0 : i32
      %dma_start3A_127 = tpu.memref_slice %arg2[%dma_start3A_125, %dma_start3A_126] : memref<20000x128xf32, #tpu.memory_space<hbm>> -> memref<20000x128xf32, #tpu.memory_space<hbm>>
      %dma_start3A_128 = tpu.memref_slice %arg9[%dma_start3A_117] : memref<4x!tpu.dma_semaphore, #tpu.memory_space<semaphore_mem>> -> memref<1x!tpu.dma_semaphore, #tpu.memory_space<semaphore_mem>>
      %dma_start3A_129 = tpu.memref_squeeze %dma_start3A_128 : memref<1x!tpu.dma_semaphore, #tpu.memory_space<semaphore_mem>> -> memref<!tpu.dma_semaphore, #tpu.memory_space<semaphore_mem>>
      tpu.enqueue_indirect_dma source(%dma_start3A_127 : memref<20000x128xf32, #tpu.memory_space<hbm>>) target(%dma_start3A_121 : memref<80x128xf32, #tpu.memory_space<vmem>>) offsets(%dma_start3A_124 : memref<80xi32, #tpu.memory_space<vmem>>) semaphore(%dma_start3A_129 : memref<!tpu.dma_semaphore, #tpu.memory_space<semaphore_mem>>)
      %dma_wait3A_130 = arith.constant 2 : i32
      %dma_wait3A_131 = arith.constant 2 : i32
      %dma_wait3A_132 = arith.constant 2 : i32
      %dma_wait3A_133 = arith.constant 0 : i32
      %dma_wait3A_134 = arith.constant 0 : i32
      %dma_wait3A_135 = tpu.memref_slice %arg8[%dma_wait3A_131, %dma_wait3A_133, %dma_wait3A_134] : memref<4x80x128xf32, #tpu.memory_space<vmem>> -> memref<1x80x128xf32, #tpu.memory_space<vmem>>
      %dma_wait3A_136 = tpu.memref_squeeze %dma_wait3A_135 : memref<1x80x128xf32, #tpu.memory_space<vmem>> -> memref<80x128xf32, #tpu.memory_space<vmem>>
      %dma_wait3A_137 = arith.constant 0 : i32
      %dma_wait3A_138 = tpu.memref_slice %arg7[%dma_wait3A_130, %dma_wait3A_137] : memref<50x80xi32, #tpu.memory_space<vmem>> -> memref<1x80xi32, #tpu.memory_space<vmem>>
      %dma_wait3A_139 = tpu.memref_squeeze %dma_wait3A_138 : memref<1x80xi32, #tpu.memory_space<vmem>> -> memref<80xi32, #tpu.memory_space<vmem>>
      %dma_wait3A_140 = arith.constant 0 : i32
      %dma_wait3A_141 = arith.constant 0 : i32
      %dma_wait3A_142 = tpu.memref_slice %arg2[%dma_wait3A_140, %dma_wait3A_141] : memref<20000x128xf32, #tpu.memory_space<hbm>> -> memref<20000x128xf32, #tpu.memory_space<hbm>>
      %dma_wait3A_143 = tpu.memref_slice %arg9[%dma_wait3A_132] : memref<4x!tpu.dma_semaphore, #tpu.memory_space<semaphore_mem>> -> memref<1x!tpu.dma_semaphore, #tpu.memory_space<semaphore_mem>>
      %dma_wait3A_144 = tpu.memref_squeeze %dma_wait3A_143 : memref<1x!tpu.dma_semaphore, #tpu.memory_space<semaphore_mem>> -> memref<!tpu.dma_semaphore, #tpu.memory_space<semaphore_mem>>
      tpu.wait_indirect_dma semaphore(%dma_wait3A_144 : memref<!tpu.dma_semaphore, #tpu.memory_space<semaphore_mem>>) src(%dma_wait3A_142 : memref<20000x128xf32, #tpu.memory_space<hbm>>) dst(%dma_wait3A_136 : memref<80x128xf32, #tpu.memory_space<vmem>>)
      %dma_start3A_145 = arith.constant 2 : i32
      %dma_start3A_146 = arith.constant 27 : i32
      %dma_start3A_147 = arith.constant 2 : i32
      %dma_start3A_148 = arith.constant 0 : i32
      %dma_start3A_149 = arith.constant 0 : i32
      %dma_start3A_150 = tpu.memref_slice %arg8[%dma_start3A_145, %dma_start3A_148, %dma_start3A_149] : memref<4x80x128xf32, #tpu.memory_space<vmem>> -> memref<1x80x128xf32, #tpu.memory_space<vmem>>
      %dma_start3A_151 = tpu.memref_squeeze %dma_start3A_150 : memref<1x80x128xf32, #tpu.memory_space<vmem>> -> memref<80x128xf32, #tpu.memory_space<vmem>>
      %dma_start3A_152 = arith.constant 0 : i32
      %dma_start3A_153 = tpu.memref_slice %arg7[%dma_start3A_146, %dma_start3A_152] : memref<50x80xi32, #tpu.memory_space<vmem>> -> memref<1x80xi32, #tpu.memory_space<vmem>>
      %dma_start3A_154 = tpu.memref_squeeze %dma_start3A_153 : memref<1x80xi32, #tpu.memory_space<vmem>> -> memref<80xi32, #tpu.memory_space<vmem>>
      %dma_start3A_155 = arith.constant 0 : i32
      %dma_start3A_156 = arith.constant 0 : i32
      %dma_start3A_157 = tpu.memref_slice %arg6[%dma_start3A_155, %dma_start3A_156] : memref<10000x128xf32, #tpu.memory_space<vmem_shared>> -> memref<10000x128xf32, #tpu.memory_space<vmem_shared>>
      %dma_start3A_158 = tpu.memref_slice %arg10[%dma_start3A_147] : memref<4x!tpu.dma_semaphore, #tpu.memory_space<semaphore_mem>> -> memref<1x!tpu.dma_semaphore, #tpu.memory_space<semaphore_mem>>
      %dma_start3A_159 = tpu.memref_squeeze %dma_start3A_158 : memref<1x!tpu.dma_semaphore, #tpu.memory_space<semaphore_mem>> -> memref<!tpu.dma_semaphore, #tpu.memory_space<semaphore_mem>>
      tpu.enqueue_indirect_dma source(%dma_start3A_151 : memref<80x128xf32, #tpu.memory_space<vmem>>) target(%dma_start3A_157 : memref<10000x128xf32, #tpu.memory_space<vmem_shared>>) offsets(%dma_start3A_154 : memref<80xi32, #tpu.memory_space<vmem>>) semaphore(%dma_start3A_159 : memref<!tpu.dma_semaphore, #tpu.memory_space<semaphore_mem>>) {add = true}
      %dma_wait3A_160 = arith.constant 0 : i32
      %dma_wait3A_161 = arith.constant 25 : i32
      %dma_wait3A_162 = arith.constant 0 : i32
      %dma_wait3A_163 = arith.constant 0 : i32
      %dma_wait3A_164 = arith.constant 0 : i32
      %dma_wait3A_165 = tpu.memref_slice %arg8[%dma_wait3A_160, %dma_wait3A_163, %dma_wait3A_164] : memref<4x80x128xf32, #tpu.memory_space<vmem>> -> memref<1x80x128xf32, #tpu.memory_space<vmem>>
      %dma_wait3A_166 = tpu.memref_squeeze %dma_wait3A_165 : memref<1x80x128xf32, #tpu.memory_space<vmem>> -> memref<80x128xf32, #tpu.memory_space<vmem>>
      %dma_wait3A_167 = arith.constant 0 : i32
      %dma_wait3A_168 = tpu.memref_slice %arg7[%dma_wait3A_161, %dma_wait3A_167] : memref<50x80xi32, #tpu.memory_space<vmem>> -> memref<1x80xi32, #tpu.memory_space<vmem>>
      %dma_wait3A_169 = tpu.memref_squeeze %dma_wait3A_168 : memref<1x80xi32, #tpu.memory_space<vmem>> -> memref<80xi32, #tpu.memory_space<vmem>>
      %dma_wait3A_170 = arith.constant 0 : i32
      %dma_wait3A_171 = arith.constant 0 : i32
      %dma_wait3A_172 = tpu.memref_slice %arg6[%dma_wait3A_170, %dma_wait3A_171] : memref<10000x128xf32, #tpu.memory_space<vmem_shared>> -> memref<10000x128xf32, #tpu.memory_space<vmem_shared>>
      %dma_wait3A_173 = tpu.memref_slice %arg10[%dma_wait3A_162] : memref<4x!tpu.dma_semaphore, #tpu.memory_space<semaphore_mem>> -> memref<1x!tpu.dma_semaphore, #tpu.memory_space<semaphore_mem>>
      %dma_wait3A_174 = tpu.memref_squeeze %dma_wait3A_173 : memref<1x!tpu.dma_semaphore, #tpu.memory_space<semaphore_mem>> -> memref<!tpu.dma_semaphore, #tpu.memory_space<semaphore_mem>>
      tpu.wait_indirect_dma semaphore(%dma_wait3A_174 : memref<!tpu.dma_semaphore, #tpu.memory_space<semaphore_mem>>) src(%dma_wait3A_166 : memref<80x128xf32, #tpu.memory_space<vmem>>) dst(%dma_wait3A_172 : memref<10000x128xf32, #tpu.memory_space<vmem_shared>>)
      %dma_start3A_175 = arith.constant 4 : i32
      %dma_start3A_176 = arith.constant 0 : i32
      %dma_start3A_177 = arith.constant 0 : i32
      %dma_start3A_178 = arith.constant 0 : i32
      %dma_start3A_179 = arith.constant 0 : i32
      %dma_start3A_180 = tpu.memref_slice %arg8[%dma_start3A_176, %dma_start3A_178, %dma_start3A_179] : memref<4x80x128xf32, #tpu.memory_space<vmem>> -> memref<1x80x128xf32, #tpu.memory_space<vmem>>
      %dma_start3A_181 = tpu.memref_squeeze %dma_start3A_180 : memref<1x80x128xf32, #tpu.memory_space<vmem>> -> memref<80x128xf32, #tpu.memory_space<vmem>>
      %dma_start3A_182 = arith.constant 0 : i32
      %dma_start3A_183 = tpu.memref_slice %arg7[%dma_start3A_175, %dma_start3A_182] : memref<50x80xi32, #tpu.memory_space<vmem>> -> memref<1x80xi32, #tpu.memory_space<vmem>>
      %dma_start3A_184 = tpu.memref_squeeze %dma_start3A_183 : memref<1x80xi32, #tpu.memory_space<vmem>> -> memref<80xi32, #tpu.memory_space<vmem>>
      %dma_start3A_185 = arith.constant 0 : i32
      %dma_start3A_186 = arith.constant 0 : i32
      %dma_start3A_187 = tpu.memref_slice %arg2[%dma_start3A_185, %dma_start3A_186] : memref<20000x128xf32, #tpu.memory_space<hbm>> -> memref<20000x128xf32, #tpu.memory_space<hbm>>
      %dma_start3A_188 = tpu.memref_slice %arg9[%dma_start3A_177] : memref<4x!tpu.dma_semaphore, #tpu.memory_space<semaphore_mem>> -> memref<1x!tpu.dma_semaphore, #tpu.memory_space<semaphore_mem>>
      %dma_start3A_189 = tpu.memref_squeeze %dma_start3A_188 : memref<1x!tpu.dma_semaphore, #tpu.memory_space<semaphore_mem>> -> memref<!tpu.dma_semaphore, #tpu.memory_space<semaphore_mem>>
      tpu.enqueue_indirect_dma source(%dma_start3A_187 : memref<20000x128xf32, #tpu.memory_space<hbm>>) target(%dma_start3A_181 : memref<80x128xf32, #tpu.memory_space<vmem>>) offsets(%dma_start3A_184 : memref<80xi32, #tpu.memory_space<vmem>>) semaphore(%dma_start3A_189 : memref<!tpu.dma_semaphore, #tpu.memory_space<semaphore_mem>>)
      %dma_wait3A_190 = arith.constant 3 : i32
      %dma_wait3A_191 = arith.constant 3 : i32
      %dma_wait3A_192 = arith.constant 3 : i32
      %dma_wait3A_193 = arith.constant 0 : i32
      %dma_wait3A_194 = arith.constant 0 : i32
      %dma_wait3A_195 = tpu.memref_slice %arg8[%dma_wait3A_191, %dma_wait3A_193, %dma_wait3A_194] : memref<4x80x128xf32, #tpu.memory_space<vmem>> -> memref<1x80x128xf32, #tpu.memory_space<vmem>>
      %dma_wait3A_196 = tpu.memref_squeeze %dma_wait3A_195 : memref<1x80x128xf32, #tpu.memory_space<vmem>> -> memref<80x128xf32, #tpu.memory_space<vmem>>
      %dma_wait3A_197 = arith.constant 0 : i32
      %dma_wait3A_198 = tpu.memref_slice %arg7[%dma_wait3A_190, %dma_wait3A_197] : memref<50x80xi32, #tpu.memory_space<vmem>> -> memref<1x80xi32, #tpu.memory_space<vmem>>
      %dma_wait3A_199 = tpu.memref_squeeze %dma_wait3A_198 : memref<1x80xi32, #tpu.memory_space<vmem>> -> memref<80xi32, #tpu.memory_space<vmem>>
      %dma_wait3A_200 = arith.constant 0 : i32
      %dma_wait3A_201 = arith.constant 0 : i32
      %dma_wait3A_202 = tpu.memref_slice %arg2[%dma_wait3A_200, %dma_wait3A_201] : memref<20000x128xf32, #tpu.memory_space<hbm>> -> memref<20000x128xf32, #tpu.memory_space<hbm>>
      %dma_wait3A_203 = tpu.memref_slice %arg9[%dma_wait3A_192] : memref<4x!tpu.dma_semaphore, #tpu.memory_space<semaphore_mem>> -> memref<1x!tpu.dma_semaphore, #tpu.memory_space<semaphore_mem>>
      %dma_wait3A_204 = tpu.memref_squeeze %dma_wait3A_203 : memref<1x!tpu.dma_semaphore, #tpu.memory_space<semaphore_mem>> -> memref<!tpu.dma_semaphore, #tpu.memory_space<semaphore_mem>>
      tpu.wait_indirect_dma semaphore(%dma_wait3A_204 : memref<!tpu.dma_semaphore, #tpu.memory_space<semaphore_mem>>) src(%dma_wait3A_202 : memref<20000x128xf32, #tpu.memory_space<hbm>>) dst(%dma_wait3A_196 : memref<80x128xf32, #tpu.memory_space<vmem>>)
      %dma_start3A_205 = arith.constant 3 : i32
      %dma_start3A_206 = arith.constant 28 : i32
      %dma_start3A_207 = arith.constant 3 : i32
      %dma_start3A_208 = arith.constant 0 : i32
      %dma_start3A_209 = arith.constant 0 : i32
      %dma_start3A_210 = tpu.memref_slice %arg8[%dma_start3A_205, %dma_start3A_208, %dma_start3A_209] : memref<4x80x128xf32, #tpu.memory_space<vmem>> -> memref<1x80x128xf32, #tpu.memory_space<vmem>>
      %dma_start3A_211 = tpu.memref_squeeze %dma_start3A_210 : memref<1x80x128xf32, #tpu.memory_space<vmem>> -> memref<80x128xf32, #tpu.memory_space<vmem>>
      %dma_start3A_212 = arith.constant 0 : i32
      %dma_start3A_213 = tpu.memref_slice %arg7[%dma_start3A_206, %dma_start3A_212] : memref<50x80xi32, #tpu.memory_space<vmem>> -> memref<1x80xi32, #tpu.memory_space<vmem>>
      %dma_start3A_214 = tpu.memref_squeeze %dma_start3A_213 : memref<1x80xi32, #tpu.memory_space<vmem>> -> memref<80xi32, #tpu.memory_space<vmem>>
      %dma_start3A_215 = arith.constant 0 : i32
      %dma_start3A_216 = arith.constant 0 : i32
      %dma_start3A_217 = tpu.memref_slice %arg6[%dma_start3A_215, %dma_start3A_216] : memref<10000x128xf32, #tpu.memory_space<vmem_shared>> -> memref<10000x128xf32, #tpu.memory_space<vmem_shared>>
      %dma_start3A_218 = tpu.memref_slice %arg10[%dma_start3A_207] : memref<4x!tpu.dma_semaphore, #tpu.memory_space<semaphore_mem>> -> memref<1x!tpu.dma_semaphore, #tpu.memory_space<semaphore_mem>>
      %dma_start3A_219 = tpu.memref_squeeze %dma_start3A_218 : memref<1x!tpu.dma_semaphore, #tpu.memory_space<semaphore_mem>> -> memref<!tpu.dma_semaphore, #tpu.memory_space<semaphore_mem>>
      tpu.enqueue_indirect_dma source(%dma_start3A_211 : memref<80x128xf32, #tpu.memory_space<vmem>>) target(%dma_start3A_217 : memref<10000x128xf32, #tpu.memory_space<vmem_shared>>) offsets(%dma_start3A_214 : memref<80xi32, #tpu.memory_space<vmem>>) semaphore(%dma_start3A_219 : memref<!tpu.dma_semaphore, #tpu.memory_space<semaphore_mem>>) {add = true}
      %dma_wait3A_220 = arith.constant 1 : i32
      %dma_wait3A_221 = arith.constant 26 : i32
      %dma_wait3A_222 = arith.constant 1 : i32
      %dma_wait3A_223 = arith.constant 0 : i32
      %dma_wait3A_224 = arith.constant 0 : i32
      %dma_wait3A_225 = tpu.memref_slice %arg8[%dma_wait3A_220, %dma_wait3A_223, %dma_wait3A_224] : memref<4x80x128xf32, #tpu.memory_space<vmem>> -> memref<1x80x128xf32, #tpu.memory_space<vmem>>
      %dma_wait3A_226 = tpu.memref_squeeze %dma_wait3A_225 : memref<1x80x128xf32, #tpu.memory_space<vmem>> -> memref<80x128xf32, #tpu.memory_space<vmem>>
      %dma_wait3A_227 = arith.constant 0 : i32
      %dma_wait3A_228 = tpu.memref_slice %arg7[%dma_wait3A_221, %dma_wait3A_227] : memref<50x80xi32, #tpu.memory_space<vmem>> -> memref<1x80xi32, #tpu.memory_space<vmem>>
      %dma_wait3A_229 = tpu.memref_squeeze %dma_wait3A_228 : memref<1x80xi32, #tpu.memory_space<vmem>> -> memref<80xi32, #tpu.memory_space<vmem>>
      %dma_wait3A_230 = arith.constant 0 : i32
      %dma_wait3A_231 = arith.constant 0 : i32
      %dma_wait3A_232 = tpu.memref_slice %arg6[%dma_wait3A_230, %dma_wait3A_231] : memref<10000x128xf32, #tpu.memory_space<vmem_shared>> -> memref<10000x128xf32, #tpu.memory_space<vmem_shared>>
      %dma_wait3A_233 = tpu.memref_slice %arg10[%dma_wait3A_222] : memref<4x!tpu.dma_semaphore, #tpu.memory_space<semaphore_mem>> -> memref<1x!tpu.dma_semaphore, #tpu.memory_space<semaphore_mem>>
      %dma_wait3A_234 = tpu.memref_squeeze %dma_wait3A_233 : memref<1x!tpu.dma_semaphore, #tpu.memory_space<semaphore_mem>> -> memref<!tpu.dma_semaphore, #tpu.memory_space<semaphore_mem>>
      tpu.wait_indirect_dma semaphore(%dma_wait3A_234 : memref<!tpu.dma_semaphore, #tpu.memory_space<semaphore_mem>>) src(%dma_wait3A_226 : memref<80x128xf32, #tpu.memory_space<vmem>>) dst(%dma_wait3A_232 : memref<10000x128xf32, #tpu.memory_space<vmem_shared>>)
      %dma_start3A_235 = arith.constant 5 : i32
      %dma_start3A_236 = arith.constant 1 : i32
      %dma_start3A_237 = arith.constant 1 : i32
      %dma_start3A_238 = arith.constant 0 : i32
      %dma_start3A_239 = arith.constant 0 : i32
      %dma_start3A_240 = tpu.memref_slice %arg8[%dma_start3A_236, %dma_start3A_238, %dma_start3A_239] : memref<4x80x128xf32, #tpu.memory_space<vmem>> -> memref<1x80x128xf32, #tpu.memory_space<vmem>>
      %dma_start3A_241 = tpu.memref_squeeze %dma_start3A_240 : memref<1x80x128xf32, #tpu.memory_space<vmem>> -> memref<80x128xf32, #tpu.memory_space<vmem>>
      %dma_start3A_242 = arith.constant 0 : i32
      %dma_start3A_243 = tpu.memref_slice %arg7[%dma_start3A_235, %dma_start3A_242] : memref<50x80xi32, #tpu.memory_space<vmem>> -> memref<1x80xi32, #tpu.memory_space<vmem>>
      %dma_start3A_244 = tpu.memref_squeeze %dma_start3A_243 : memref<1x80xi32, #tpu.memory_space<vmem>> -> memref<80xi32, #tpu.memory_space<vmem>>
      %dma_start3A_245 = arith.constant 0 : i32
      %dma_start3A_246 = arith.constant 0 : i32
      %dma_start3A_247 = tpu.memref_slice %arg2[%dma_start3A_245, %dma_start3A_246] : memref<20000x128xf32, #tpu.memory_space<hbm>> -> memref<20000x128xf32, #tpu.memory_space<hbm>>
      %dma_start3A_248 = tpu.memref_slice %arg9[%dma_start3A_237] : memref<4x!tpu.dma_semaphore, #tpu.memory_space<semaphore_mem>> -> memref<1x!tpu.dma_semaphore, #tpu.memory_space<semaphore_mem>>
      %dma_start3A_249 = tpu.memref_squeeze %dma_start3A_248 : memref<1x!tpu.dma_semaphore, #tpu.memory_space<semaphore_mem>> -> memref<!tpu.dma_semaphore, #tpu.memory_space<semaphore_mem>>
      tpu.enqueue_indirect_dma source(%dma_start3A_247 : memref<20000x128xf32, #tpu.memory_space<hbm>>) target(%dma_start3A_241 : memref<80x128xf32, #tpu.memory_space<vmem>>) offsets(%dma_start3A_244 : memref<80xi32, #tpu.memory_space<vmem>>) semaphore(%dma_start3A_249 : memref<!tpu.dma_semaphore, #tpu.memory_space<semaphore_mem>>)
      %dma_wait3A_250 = arith.constant 4 : i32
      %dma_wait3A_251 = arith.constant 0 : i32
      %dma_wait3A_252 = arith.constant 0 : i32
      %dma_wait3A_253 = arith.constant 0 : i32
      %dma_wait3A_254 = arith.constant 0 : i32
      %dma_wait3A_255 = tpu.memref_slice %arg8[%dma_wait3A_251, %dma_wait3A_253, %dma_wait3A_254] : memref<4x80x128xf32, #tpu.memory_space<vmem>> -> memref<1x80x128xf32, #tpu.memory_space<vmem>>
      %dma_wait3A_256 = tpu.memref_squeeze %dma_wait3A_255 : memref<1x80x128xf32, #tpu.memory_space<vmem>> -> memref<80x128xf32, #tpu.memory_space<vmem>>
      %dma_wait3A_257 = arith.constant 0 : i32
      %dma_wait3A_258 = tpu.memref_slice %arg7[%dma_wait3A_250, %dma_wait3A_257] : memref<50x80xi32, #tpu.memory_space<vmem>> -> memref<1x80xi32, #tpu.memory_space<vmem>>
      %dma_wait3A_259 = tpu.memref_squeeze %dma_wait3A_258 : memref<1x80xi32, #tpu.memory_space<vmem>> -> memref<80xi32, #tpu.memory_space<vmem>>
      %dma_wait3A_260 = arith.constant 0 : i32
      %dma_wait3A_261 = arith.constant 0 : i32
      %dma_wait3A_262 = tpu.memref_slice %arg2[%dma_wait3A_260, %dma_wait3A_261] : memref<20000x128xf32, #tpu.memory_space<hbm>> -> memref<20000x128xf32, #tpu.memory_space<hbm>>
      %dma_wait3A_263 = tpu.memref_slice %arg9[%dma_wait3A_252] : memref<4x!tpu.dma_semaphore, #tpu.memory_space<semaphore_mem>> -> memref<1x!tpu.dma_semaphore, #tpu.memory_space<semaphore_mem>>
      %dma_wait3A_264 = tpu.memref_squeeze %dma_wait3A_263 : memref<1x!tpu.dma_semaphore, #tpu.memory_space<semaphore_mem>> -> memref<!tpu.dma_semaphore, #tpu.memory_space<semaphore_mem>>
      tpu.wait_indirect_dma semaphore(%dma_wait3A_264 : memref<!tpu.dma_semaphore, #tpu.memory_space<semaphore_mem>>) src(%dma_wait3A_262 : memref<20000x128xf32, #tpu.memory_space<hbm>>) dst(%dma_wait3A_256 : memref<80x128xf32, #tpu.memory_space<vmem>>)
      %dma_start3A_265 = arith.constant 0 : i32
      %dma_start3A_266 = arith.constant 29 : i32
      %dma_start3A_267 = arith.constant 0 : i32
      %dma_start3A_268 = arith.constant 0 : i32
      %dma_start3A_269 = arith.constant 0 : i32
      %dma_start3A_270 = tpu.memref_slice %arg8[%dma_start3A_265, %dma_start3A_268, %dma_start3A_269] : memref<4x80x128xf32, #tpu.memory_space<vmem>> -> memref<1x80x128xf32, #tpu.memory_space<vmem>>
      %dma_start3A_271 = tpu.memref_squeeze %dma_start3A_270 : memref<1x80x128xf32, #tpu.memory_space<vmem>> -> memref<80x128xf32, #tpu.memory_space<vmem>>
      %dma_start3A_272 = arith.constant 0 : i32
      %dma_start3A_273 = tpu.memref_slice %arg7[%dma_start3A_266, %dma_start3A_272] : memref<50x80xi32, #tpu.memory_space<vmem>> -> memref<1x80xi32, #tpu.memory_space<vmem>>
      %dma_start3A_274 = tpu.memref_squeeze %dma_start3A_273 : memref<1x80xi32, #tpu.memory_space<vmem>> -> memref<80xi32, #tpu.memory_space<vmem>>
      %dma_start3A_275 = arith.constant 0 : i32
      %dma_start3A_276 = arith.constant 0 : i32
      %dma_start3A_277 = tpu.memref_slice %arg6[%dma_start3A_275, %dma_start3A_276] : memref<10000x128xf32, #tpu.memory_space<vmem_shared>> -> memref<10000x128xf32, #tpu.memory_space<vmem_shared>>
      %dma_start3A_278 = tpu.memref_slice %arg10[%dma_start3A_267] : memref<4x!tpu.dma_semaphore, #tpu.memory_space<semaphore_mem>> -> memref<1x!tpu.dma_semaphore, #tpu.memory_space<semaphore_mem>>
      %dma_start3A_279 = tpu.memref_squeeze %dma_start3A_278 : memref<1x!tpu.dma_semaphore, #tpu.memory_space<semaphore_mem>> -> memref<!tpu.dma_semaphore, #tpu.memory_space<semaphore_mem>>
      tpu.enqueue_indirect_dma source(%dma_start3A_271 : memref<80x128xf32, #tpu.memory_space<vmem>>) target(%dma_start3A_277 : memref<10000x128xf32, #tpu.memory_space<vmem_shared>>) offsets(%dma_start3A_274 : memref<80xi32, #tpu.memory_space<vmem>>) semaphore(%dma_start3A_279 : memref<!tpu.dma_semaphore, #tpu.memory_space<semaphore_mem>>) {add = true}
      %dma_wait3A_280 = arith.constant 2 : i32
      %dma_wait3A_281 = arith.constant 27 : i32
      %dma_wait3A_282 = arith.constant 2 : i32
      %dma_wait3A_283 = arith.constant 0 : i32
      %dma_wait3A_284 = arith.constant 0 : i32
      %dma_wait3A_285 = tpu.memref_slice %arg8[%dma_wait3A_280, %dma_wait3A_283, %dma_wait3A_284] : memref<4x80x128xf32, #tpu.memory_space<vmem>> -> memref<1x80x128xf32, #tpu.memory_space<vmem>>
      %dma_wait3A_286 = tpu.memref_squeeze %dma_wait3A_285 : memref<1x80x128xf32, #tpu.memory_space<vmem>> -> memref<80x128xf32, #tpu.memory_space<vmem>>
      %dma_wait3A_287 = arith.constant 0 : i32
      %dma_wait3A_288 = tpu.memref_slice %arg7[%dma_wait3A_281, %dma_wait3A_287] : memref<50x80xi32, #tpu.memory_space<vmem>> -> memref<1x80xi32, #tpu.memory_space<vmem>>
      %dma_wait3A_289 = tpu.memref_squeeze %dma_wait3A_288 : memref<1x80xi32, #tpu.memory_space<vmem>> -> memref<80xi32, #tpu.memory_space<vmem>>
      %dma_wait3A_290 = arith.constant 0 : i32
      %dma_wait3A_291 = arith.constant 0 : i32
      %dma_wait3A_292 = tpu.memref_slice %arg6[%dma_wait3A_290, %dma_wait3A_291] : memref<10000x128xf32, #tpu.memory_space<vmem_shared>> -> memref<10000x128xf32, #tpu.memory_space<vmem_shared>>
      %dma_wait3A_293 = tpu.memref_slice %arg10[%dma_wait3A_282] : memref<4x!tpu.dma_semaphore, #tpu.memory_space<semaphore_mem>> -> memref<1x!tpu.dma_semaphore, #tpu.memory_space<semaphore_mem>>
      %dma_wait3A_294 = tpu.memref_squeeze %dma_wait3A_293 : memref<1x!tpu.dma_semaphore, #tpu.memory_space<semaphore_mem>> -> memref<!tpu.dma_semaphore, #tpu.memory_space<semaphore_mem>>
      tpu.wait_indirect_dma semaphore(%dma_wait3A_294 : memref<!tpu.dma_semaphore, #tpu.memory_space<semaphore_mem>>) src(%dma_wait3A_286 : memref<80x128xf32, #tpu.memory_space<vmem>>) dst(%dma_wait3A_292 : memref<10000x128xf32, #tpu.memory_space<vmem_shared>>)
      %dma_start3A_295 = arith.constant 6 : i32
      %dma_start3A_296 = arith.constant 2 : i32
      %dma_start3A_297 = arith.constant 2 : i32
      %dma_start3A_298 = arith.constant 0 : i32
      %dma_start3A_299 = arith.constant 0 : i32
      %dma_start3A_300 = tpu.memref_slice %arg8[%dma_start3A_296, %dma_start3A_298, %dma_start3A_299] : memref<4x80x128xf32, #tpu.memory_space<vmem>> -> memref<1x80x128xf32, #tpu.memory_space<vmem>>
      %dma_start3A_301 = tpu.memref_squeeze %dma_start3A_300 : memref<1x80x128xf32, #tpu.memory_space<vmem>> -> memref<80x128xf32, #tpu.memory_space<vmem>>
      %dma_start3A_302 = arith.constant 0 : i32
      %dma_start3A_303 = tpu.memref_slice %arg7[%dma_start3A_295, %dma_start3A_302] : memref<50x80xi32, #tpu.memory_space<vmem>> -> memref<1x80xi32, #tpu.memory_space<vmem>>
      %dma_start3A_304 = tpu.memref_squeeze %dma_start3A_303 : memref<1x80xi32, #tpu.memory_space<vmem>> -> memref<80xi32, #tpu.memory_space<vmem>>
      %dma_start3A_305 = arith.constant 0 : i32
      %dma_start3A_306 = arith.constant 0 : i32
      %dma_start3A_307 = tpu.memref_slice %arg2[%dma_start3A_305, %dma_start3A_306] : memref<20000x128xf32, #tpu.memory_space<hbm>> -> memref<20000x128xf32, #tpu.memory_space<hbm>>
      %dma_start3A_308 = tpu.memref_slice %arg9[%dma_start3A_297] : memref<4x!tpu.dma_semaphore, #tpu.memory_space<semaphore_mem>> -> memref<1x!tpu.dma_semaphore, #tpu.memory_space<semaphore_mem>>
      %dma_start3A_309 = tpu.memref_squeeze %dma_start3A_308 : memref<1x!tpu.dma_semaphore, #tpu.memory_space<semaphore_mem>> -> memref<!tpu.dma_semaphore, #tpu.memory_space<semaphore_mem>>
      tpu.enqueue_indirect_dma source(%dma_start3A_307 : memref<20000x128xf32, #tpu.memory_space<hbm>>) target(%dma_start3A_301 : memref<80x128xf32, #tpu.memory_space<vmem>>) offsets(%dma_start3A_304 : memref<80xi32, #tpu.memory_space<vmem>>) semaphore(%dma_start3A_309 : memref<!tpu.dma_semaphore, #tpu.memory_space<semaphore_mem>>)
      %dma_wait3A_310 = arith.constant 5 : i32
      %dma_wait3A_311 = arith.constant 1 : i32
      %dma_wait3A_312 = arith.constant 1 : i32
      %dma_wait3A_313 = arith.constant 0 : i32
      %dma_wait3A_314 = arith.constant 0 : i32
      %dma_wait3A_315 = tpu.memref_slice %arg8[%dma_wait3A_311, %dma_wait3A_313, %dma_wait3A_314] : memref<4x80x128xf32, #tpu.memory_space<vmem>> -> memref<1x80x128xf32, #tpu.memory_space<vmem>>
      %dma_wait3A_316 = tpu.memref_squeeze %dma_wait3A_315 : memref<1x80x128xf32, #tpu.memory_space<vmem>> -> memref<80x128xf32, #tpu.memory_space<vmem>>
      %dma_wait3A_317 = arith.constant 0 : i32
      %dma_wait3A_318 = tpu.memref_slice %arg7[%dma_wait3A_310, %dma_wait3A_317] : memref<50x80xi32, #tpu.memory_space<vmem>> -> memref<1x80xi32, #tpu.memory_space<vmem>>
      %dma_wait3A_319 = tpu.memref_squeeze %dma_wait3A_318 : memref<1x80xi32, #tpu.memory_space<vmem>> -> memref<80xi32, #tpu.memory_space<vmem>>
      %dma_wait3A_320 = arith.constant 0 : i32
      %dma_wait3A_321 = arith.constant 0 : i32
      %dma_wait3A_322 = tpu.memref_slice %arg2[%dma_wait3A_320, %dma_wait3A_321] : memref<20000x128xf32, #tpu.memory_space<hbm>> -> memref<20000x128xf32, #tpu.memory_space<hbm>>
      %dma_wait3A_323 = tpu.memref_slice %arg9[%dma_wait3A_312] : memref<4x!tpu.dma_semaphore, #tpu.memory_space<semaphore_mem>> -> memref<1x!tpu.dma_semaphore, #tpu.memory_space<semaphore_mem>>
      %dma_wait3A_324 = tpu.memref_squeeze %dma_wait3A_323 : memref<1x!tpu.dma_semaphore, #tpu.memory_space<semaphore_mem>> -> memref<!tpu.dma_semaphore, #tpu.memory_space<semaphore_mem>>
      tpu.wait_indirect_dma semaphore(%dma_wait3A_324 : memref<!tpu.dma_semaphore, #tpu.memory_space<semaphore_mem>>) src(%dma_wait3A_322 : memref<20000x128xf32, #tpu.memory_space<hbm>>) dst(%dma_wait3A_316 : memref<80x128xf32, #tpu.memory_space<vmem>>)
      %dma_start3A_325 = arith.constant 1 : i32
      %dma_start3A_326 = arith.constant 30 : i32
      %dma_start3A_327 = arith.constant 1 : i32
      %dma_start3A_328 = arith.constant 0 : i32
      %dma_start3A_329 = arith.constant 0 : i32
      %dma_start3A_330 = tpu.memref_slice %arg8[%dma_start3A_325, %dma_start3A_328, %dma_start3A_329] : memref<4x80x128xf32, #tpu.memory_space<vmem>> -> memref<1x80x128xf32, #tpu.memory_space<vmem>>
      %dma_start3A_331 = tpu.memref_squeeze %dma_start3A_330 : memref<1x80x128xf32, #tpu.memory_space<vmem>> -> memref<80x128xf32, #tpu.memory_space<vmem>>
      %dma_start3A_332 = arith.constant 0 : i32
      %dma_start3A_333 = tpu.memref_slice %arg7[%dma_start3A_326, %dma_start3A_332] : memref<50x80xi32, #tpu.memory_space<vmem>> -> memref<1x80xi32, #tpu.memory_space<vmem>>
      %dma_start3A_334 = tpu.memref_squeeze %dma_start3A_333 : memref<1x80xi32, #tpu.memory_space<vmem>> -> memref<80xi32, #tpu.memory_space<vmem>>
      %dma_start3A_335 = arith.constant 0 : i32
      %dma_start3A_336 = arith.constant 0 : i32
      %dma_start3A_337 = tpu.memref_slice %arg6[%dma_start3A_335, %dma_start3A_336] : memref<10000x128xf32, #tpu.memory_space<vmem_shared>> -> memref<10000x128xf32, #tpu.memory_space<vmem_shared>>
      %dma_start3A_338 = tpu.memref_slice %arg10[%dma_start3A_327] : memref<4x!tpu.dma_semaphore, #tpu.memory_space<semaphore_mem>> -> memref<1x!tpu.dma_semaphore, #tpu.memory_space<semaphore_mem>>
      %dma_start3A_339 = tpu.memref_squeeze %dma_start3A_338 : memref<1x!tpu.dma_semaphore, #tpu.memory_space<semaphore_mem>> -> memref<!tpu.dma_semaphore, #tpu.memory_space<semaphore_mem>>
      tpu.enqueue_indirect_dma source(%dma_start3A_331 : memref<80x128xf32, #tpu.memory_space<vmem>>) target(%dma_start3A_337 : memref<10000x128xf32, #tpu.memory_space<vmem_shared>>) offsets(%dma_start3A_334 : memref<80xi32, #tpu.memory_space<vmem>>) semaphore(%dma_start3A_339 : memref<!tpu.dma_semaphore, #tpu.memory_space<semaphore_mem>>) {add = true}
      %dma_wait3A_340 = arith.constant 3 : i32
      %dma_wait3A_341 = arith.constant 28 : i32
      %dma_wait3A_342 = arith.constant 3 : i32
      %dma_wait3A_343 = arith.constant 0 : i32
      %dma_wait3A_344 = arith.constant 0 : i32
      %dma_wait3A_345 = tpu.memref_slice %arg8[%dma_wait3A_340, %dma_wait3A_343, %dma_wait3A_344] : memref<4x80x128xf32, #tpu.memory_space<vmem>> -> memref<1x80x128xf32, #tpu.memory_space<vmem>>
      %dma_wait3A_346 = tpu.memref_squeeze %dma_wait3A_345 : memref<1x80x128xf32, #tpu.memory_space<vmem>> -> memref<80x128xf32, #tpu.memory_space<vmem>>
      %dma_wait3A_347 = arith.constant 0 : i32
      %dma_wait3A_348 = tpu.memref_slice %arg7[%dma_wait3A_341, %dma_wait3A_347] : memref<50x80xi32, #tpu.memory_space<vmem>> -> memref<1x80xi32, #tpu.memory_space<vmem>>
      %dma_wait3A_349 = tpu.memref_squeeze %dma_wait3A_348 : memref<1x80xi32, #tpu.memory_space<vmem>> -> memref<80xi32, #tpu.memory_space<vmem>>
      %dma_wait3A_350 = arith.constant 0 : i32
      %dma_wait3A_351 = arith.constant 0 : i32
      %dma_wait3A_352 = tpu.memref_slice %arg6[%dma_wait3A_350, %dma_wait3A_351] : memref<10000x128xf32, #tpu.memory_space<vmem_shared>> -> memref<10000x128xf32, #tpu.memory_space<vmem_shared>>
      %dma_wait3A_353 = tpu.memref_slice %arg10[%dma_wait3A_342] : memref<4x!tpu.dma_semaphore, #tpu.memory_space<semaphore_mem>> -> memref<1x!tpu.dma_semaphore, #tpu.memory_space<semaphore_mem>>
      %dma_wait3A_354 = tpu.memref_squeeze %dma_wait3A_353 : memref<1x!tpu.dma_semaphore, #tpu.memory_space<semaphore_mem>> -> memref<!tpu.dma_semaphore, #tpu.memory_space<semaphore_mem>>
      tpu.wait_indirect_dma semaphore(%dma_wait3A_354 : memref<!tpu.dma_semaphore, #tpu.memory_space<semaphore_mem>>) src(%dma_wait3A_346 : memref<80x128xf32, #tpu.memory_space<vmem>>) dst(%dma_wait3A_352 : memref<10000x128xf32, #tpu.memory_space<vmem_shared>>)
      %dma_start3A_355 = arith.constant 7 : i32
      %dma_start3A_356 = arith.constant 3 : i32
      %dma_start3A_357 = arith.constant 3 : i32
      %dma_start3A_358 = arith.constant 0 : i32
      %dma_start3A_359 = arith.constant 0 : i32
      %dma_start3A_360 = tpu.memref_slice %arg8[%dma_start3A_356, %dma_start3A_358, %dma_start3A_359] : memref<4x80x128xf32, #tpu.memory_space<vmem>> -> memref<1x80x128xf32, #tpu.memory_space<vmem>>
      %dma_start3A_361 = tpu.memref_squeeze %dma_start3A_360 : memref<1x80x128xf32, #tpu.memory_space<vmem>> -> memref<80x128xf32, #tpu.memory_space<vmem>>
      %dma_start3A_362 = arith.constant 0 : i32
      %dma_start3A_363 = tpu.memref_slice %arg7[%dma_start3A_355, %dma_start3A_362] : memref<50x80xi32, #tpu.memory_space<vmem>> -> memref<1x80xi32, #tpu.memory_space<vmem>>
      %dma_start3A_364 = tpu.memref_squeeze %dma_start3A_363 : memref<1x80xi32, #tpu.memory_space<vmem>> -> memref<80xi32, #tpu.memory_space<vmem>>
      %dma_start3A_365 = arith.constant 0 : i32
      %dma_start3A_366 = arith.constant 0 : i32
      %dma_start3A_367 = tpu.memref_slice %arg2[%dma_start3A_365, %dma_start3A_366] : memref<20000x128xf32, #tpu.memory_space<hbm>> -> memref<20000x128xf32, #tpu.memory_space<hbm>>
      %dma_start3A_368 = tpu.memref_slice %arg9[%dma_start3A_357] : memref<4x!tpu.dma_semaphore, #tpu.memory_space<semaphore_mem>> -> memref<1x!tpu.dma_semaphore, #tpu.memory_space<semaphore_mem>>
      %dma_start3A_369 = tpu.memref_squeeze %dma_start3A_368 : memref<1x!tpu.dma_semaphore, #tpu.memory_space<semaphore_mem>> -> memref<!tpu.dma_semaphore, #tpu.memory_space<semaphore_mem>>
      tpu.enqueue_indirect_dma source(%dma_start3A_367 : memref<20000x128xf32, #tpu.memory_space<hbm>>) target(%dma_start3A_361 : memref<80x128xf32, #tpu.memory_space<vmem>>) offsets(%dma_start3A_364 : memref<80xi32, #tpu.memory_space<vmem>>) semaphore(%dma_start3A_369 : memref<!tpu.dma_semaphore, #tpu.memory_space<semaphore_mem>>)
      %dma_wait3A_370 = arith.constant 6 : i32
      %dma_wait3A_371 = arith.constant 2 : i32
      %dma_wait3A_372 = arith.constant 2 : i32
      %dma_wait3A_373 = arith.constant 0 : i32
      %dma_wait3A_374 = arith.constant 0 : i32
      %dma_wait3A_375 = tpu.memref_slice %arg8[%dma_wait3A_371, %dma_wait3A_373, %dma_wait3A_374] : memref<4x80x128xf32, #tpu.memory_space<vmem>> -> memref<1x80x128xf32, #tpu.memory_space<vmem>>
      %dma_wait3A_376 = tpu.memref_squeeze %dma_wait3A_375 : memref<1x80x128xf32, #tpu.memory_space<vmem>> -> memref<80x128xf32, #tpu.memory_space<vmem>>
      %dma_wait3A_377 = arith.constant 0 : i32
      %dma_wait3A_378 = tpu.memref_slice %arg7[%dma_wait3A_370, %dma_wait3A_377] : memref<50x80xi32, #tpu.memory_space<vmem>> -> memref<1x80xi32, #tpu.memory_space<vmem>>
      %dma_wait3A_379 = tpu.memref_squeeze %dma_wait3A_378 : memref<1x80xi32, #tpu.memory_space<vmem>> -> memref<80xi32, #tpu.memory_space<vmem>>
      %dma_wait3A_380 = arith.constant 0 : i32
      %dma_wait3A_381 = arith.constant 0 : i32
      %dma_wait3A_382 = tpu.memref_slice %arg2[%dma_wait3A_380, %dma_wait3A_381] : memref<20000x128xf32, #tpu.memory_space<hbm>> -> memref<20000x128xf32, #tpu.memory_space<hbm>>
      %dma_wait3A_383 = tpu.memref_slice %arg9[%dma_wait3A_372] : memref<4x!tpu.dma_semaphore, #tpu.memory_space<semaphore_mem>> -> memref<1x!tpu.dma_semaphore, #tpu.memory_space<semaphore_mem>>
      %dma_wait3A_384 = tpu.memref_squeeze %dma_wait3A_383 : memref<1x!tpu.dma_semaphore, #tpu.memory_space<semaphore_mem>> -> memref<!tpu.dma_semaphore, #tpu.memory_space<semaphore_mem>>
      tpu.wait_indirect_dma semaphore(%dma_wait3A_384 : memref<!tpu.dma_semaphore, #tpu.memory_space<semaphore_mem>>) src(%dma_wait3A_382 : memref<20000x128xf32, #tpu.memory_space<hbm>>) dst(%dma_wait3A_376 : memref<80x128xf32, #tpu.memory_space<vmem>>)
      %dma_start3A_385 = arith.constant 2 : i32
      %dma_start3A_386 = arith.constant 31 : i32
      %dma_start3A_387 = arith.constant 2 : i32
      %dma_start3A_388 = arith.constant 0 : i32
      %dma_start3A_389 = arith.constant 0 : i32
      %dma_start3A_390 = tpu.memref_slice %arg8[%dma_start3A_385, %dma_start3A_388, %dma_start3A_389] : memref<4x80x128xf32, #tpu.memory_space<vmem>> -> memref<1x80x128xf32, #tpu.memory_space<vmem>>
      %dma_start3A_391 = tpu.memref_squeeze %dma_start3A_390 : memref<1x80x128xf32, #tpu.memory_space<vmem>> -> memref<80x128xf32, #tpu.memory_space<vmem>>
      %dma_start3A_392 = arith.constant 0 : i32
      %dma_start3A_393 = tpu.memref_slice %arg7[%dma_start3A_386, %dma_start3A_392] : memref<50x80xi32, #tpu.memory_space<vmem>> -> memref<1x80xi32, #tpu.memory_space<vmem>>
      %dma_start3A_394 = tpu.memref_squeeze %dma_start3A_393 : memref<1x80xi32, #tpu.memory_space<vmem>> -> memref<80xi32, #tpu.memory_space<vmem>>
      %dma_start3A_395 = arith.constant 0 : i32
      %dma_start3A_396 = arith.constant 0 : i32
      %dma_start3A_397 = tpu.memref_slice %arg6[%dma_start3A_395, %dma_start3A_396] : memref<10000x128xf32, #tpu.memory_space<vmem_shared>> -> memref<10000x128xf32, #tpu.memory_space<vmem_shared>>
      %dma_start3A_398 = tpu.memref_slice %arg10[%dma_start3A_387] : memref<4x!tpu.dma_semaphore, #tpu.memory_space<semaphore_mem>> -> memref<1x!tpu.dma_semaphore, #tpu.memory_space<semaphore_mem>>
      %dma_start3A_399 = tpu.memref_squeeze %dma_start3A_398 : memref<1x!tpu.dma_semaphore, #tpu.memory_space<semaphore_mem>> -> memref<!tpu.dma_semaphore, #tpu.memory_space<semaphore_mem>>
      tpu.enqueue_indirect_dma source(%dma_start3A_391 : memref<80x128xf32, #tpu.memory_space<vmem>>) target(%dma_start3A_397 : memref<10000x128xf32, #tpu.memory_space<vmem_shared>>) offsets(%dma_start3A_394 : memref<80xi32, #tpu.memory_space<vmem>>) semaphore(%dma_start3A_399 : memref<!tpu.dma_semaphore, #tpu.memory_space<semaphore_mem>>) {add = true}
      %dma_wait3A_400 = arith.constant 0 : i32
      %dma_wait3A_401 = arith.constant 29 : i32
      %dma_wait3A_402 = arith.constant 0 : i32
      %dma_wait3A_403 = arith.constant 0 : i32
      %dma_wait3A_404 = arith.constant 0 : i32
      %dma_wait3A_405 = tpu.memref_slice %arg8[%dma_wait3A_400, %dma_wait3A_403, %dma_wait3A_404] : memref<4x80x128xf32, #tpu.memory_space<vmem>> -> memref<1x80x128xf32, #tpu.memory_space<vmem>>
      %dma_wait3A_406 = tpu.memref_squeeze %dma_wait3A_405 : memref<1x80x128xf32, #tpu.memory_space<vmem>> -> memref<80x128xf32, #tpu.memory_space<vmem>>
      %dma_wait3A_407 = arith.constant 0 : i32
      %dma_wait3A_408 = tpu.memref_slice %arg7[%dma_wait3A_401, %dma_wait3A_407] : memref<50x80xi32, #tpu.memory_space<vmem>> -> memref<1x80xi32, #tpu.memory_space<vmem>>
      %dma_wait3A_409 = tpu.memref_squeeze %dma_wait3A_408 : memref<1x80xi32, #tpu.memory_space<vmem>> -> memref<80xi32, #tpu.memory_space<vmem>>
      %dma_wait3A_410 = arith.constant 0 : i32
      %dma_wait3A_411 = arith.constant 0 : i32
      %dma_wait3A_412 = tpu.memref_slice %arg6[%dma_wait3A_410, %dma_wait3A_411] : memref<10000x128xf32, #tpu.memory_space<vmem_shared>> -> memref<10000x128xf32, #tpu.memory_space<vmem_shared>>
      %dma_wait3A_413 = tpu.memref_slice %arg10[%dma_wait3A_402] : memref<4x!tpu.dma_semaphore, #tpu.memory_space<semaphore_mem>> -> memref<1x!tpu.dma_semaphore, #tpu.memory_space<semaphore_mem>>
      %dma_wait3A_414 = tpu.memref_squeeze %dma_wait3A_413 : memref<1x!tpu.dma_semaphore, #tpu.memory_space<semaphore_mem>> -> memref<!tpu.dma_semaphore, #tpu.memory_space<semaphore_mem>>
      tpu.wait_indirect_dma semaphore(%dma_wait3A_414 : memref<!tpu.dma_semaphore, #tpu.memory_space<semaphore_mem>>) src(%dma_wait3A_406 : memref<80x128xf32, #tpu.memory_space<vmem>>) dst(%dma_wait3A_412 : memref<10000x128xf32, #tpu.memory_space<vmem_shared>>)
      %dma_start3A_415 = arith.constant 8 : i32
      %dma_start3A_416 = arith.constant 0 : i32
      %dma_start3A_417 = arith.constant 0 : i32
      %dma_start3A_418 = arith.constant 0 : i32
      %dma_start3A_419 = arith.constant 0 : i32
      %dma_start3A_420 = tpu.memref_slice %arg8[%dma_start3A_416, %dma_start3A_418, %dma_start3A_419] : memref<4x80x128xf32, #tpu.memory_space<vmem>> -> memref<1x80x128xf32, #tpu.memory_space<vmem>>
      %dma_start3A_421 = tpu.memref_squeeze %dma_start3A_420 : memref<1x80x128xf32, #tpu.memory_space<vmem>> -> memref<80x128xf32, #tpu.memory_space<vmem>>
      %dma_start3A_422 = arith.constant 0 : i32
      %dma_start3A_423 = tpu.memref_slice %arg7[%dma_start3A_415, %dma_start3A_422] : memref<50x80xi32, #tpu.memory_space<vmem>> -> memref<1x80xi32, #tpu.memory_space<vmem>>
      %dma_start3A_424 = tpu.memref_squeeze %dma_start3A_423 : memref<1x80xi32, #tpu.memory_space<vmem>> -> memref<80xi32, #tpu.memory_space<vmem>>
      %dma_start3A_425 = arith.constant 0 : i32
      %dma_start3A_426 = arith.constant 0 : i32
      %dma_start3A_427 = tpu.memref_slice %arg2[%dma_start3A_425, %dma_start3A_426] : memref<20000x128xf32, #tpu.memory_space<hbm>> -> memref<20000x128xf32, #tpu.memory_space<hbm>>
      %dma_start3A_428 = tpu.memref_slice %arg9[%dma_start3A_417] : memref<4x!tpu.dma_semaphore, #tpu.memory_space<semaphore_mem>> -> memref<1x!tpu.dma_semaphore, #tpu.memory_space<semaphore_mem>>
      %dma_start3A_429 = tpu.memref_squeeze %dma_start3A_428 : memref<1x!tpu.dma_semaphore, #tpu.memory_space<semaphore_mem>> -> memref<!tpu.dma_semaphore, #tpu.memory_space<semaphore_mem>>
      tpu.enqueue_indirect_dma source(%dma_start3A_427 : memref<20000x128xf32, #tpu.memory_space<hbm>>) target(%dma_start3A_421 : memref<80x128xf32, #tpu.memory_space<vmem>>) offsets(%dma_start3A_424 : memref<80xi32, #tpu.memory_space<vmem>>) semaphore(%dma_start3A_429 : memref<!tpu.dma_semaphore, #tpu.memory_space<semaphore_mem>>)
      %dma_wait3A_430 = arith.constant 7 : i32
      %dma_wait3A_431 = arith.constant 3 : i32
      %dma_wait3A_432 = arith.constant 3 : i32
      %dma_wait3A_433 = arith.constant 0 : i32
      %dma_wait3A_434 = arith.constant 0 : i32
      %dma_wait3A_435 = tpu.memref_slice %arg8[%dma_wait3A_431, %dma_wait3A_433, %dma_wait3A_434] : memref<4x80x128xf32, #tpu.memory_space<vmem>> -> memref<1x80x128xf32, #tpu.memory_space<vmem>>
      %dma_wait3A_436 = tpu.memref_squeeze %dma_wait3A_435 : memref<1x80x128xf32, #tpu.memory_space<vmem>> -> memref<80x128xf32, #tpu.memory_space<vmem>>
      %dma_wait3A_437 = arith.constant 0 : i32
      %dma_wait3A_438 = tpu.memref_slice %arg7[%dma_wait3A_430, %dma_wait3A_437] : memref<50x80xi32, #tpu.memory_space<vmem>> -> memref<1x80xi32, #tpu.memory_space<vmem>>
      %dma_wait3A_439 = tpu.memref_squeeze %dma_wait3A_438 : memref<1x80xi32, #tpu.memory_space<vmem>> -> memref<80xi32, #tpu.memory_space<vmem>>
      %dma_wait3A_440 = arith.constant 0 : i32
      %dma_wait3A_441 = arith.constant 0 : i32
      %dma_wait3A_442 = tpu.memref_slice %arg2[%dma_wait3A_440, %dma_wait3A_441] : memref<20000x128xf32, #tpu.memory_space<hbm>> -> memref<20000x128xf32, #tpu.memory_space<hbm>>
      %dma_wait3A_443 = tpu.memref_slice %arg9[%dma_wait3A_432] : memref<4x!tpu.dma_semaphore, #tpu.memory_space<semaphore_mem>> -> memref<1x!tpu.dma_semaphore, #tpu.memory_space<semaphore_mem>>
      %dma_wait3A_444 = tpu.memref_squeeze %dma_wait3A_443 : memref<1x!tpu.dma_semaphore, #tpu.memory_space<semaphore_mem>> -> memref<!tpu.dma_semaphore, #tpu.memory_space<semaphore_mem>>
      tpu.wait_indirect_dma semaphore(%dma_wait3A_444 : memref<!tpu.dma_semaphore, #tpu.memory_space<semaphore_mem>>) src(%dma_wait3A_442 : memref<20000x128xf32, #tpu.memory_space<hbm>>) dst(%dma_wait3A_436 : memref<80x128xf32, #tpu.memory_space<vmem>>)
      %dma_start3A_445 = arith.constant 3 : i32
      %dma_start3A_446 = arith.constant 32 : i32
      %dma_start3A_447 = arith.constant 3 : i32
      %dma_start3A_448 = arith.constant 0 : i32
      %dma_start3A_449 = arith.constant 0 : i32
      %dma_start3A_450 = tpu.memref_slice %arg8[%dma_start3A_445, %dma_start3A_448, %dma_start3A_449] : memref<4x80x128xf32, #tpu.memory_space<vmem>> -> memref<1x80x128xf32, #tpu.memory_space<vmem>>
      %dma_start3A_451 = tpu.memref_squeeze %dma_start3A_450 : memref<1x80x128xf32, #tpu.memory_space<vmem>> -> memref<80x128xf32, #tpu.memory_space<vmem>>
      %dma_start3A_452 = arith.constant 0 : i32
      %dma_start3A_453 = tpu.memref_slice %arg7[%dma_start3A_446, %dma_start3A_452] : memref<50x80xi32, #tpu.memory_space<vmem>> -> memref<1x80xi32, #tpu.memory_space<vmem>>
      %dma_start3A_454 = tpu.memref_squeeze %dma_start3A_453 : memref<1x80xi32, #tpu.memory_space<vmem>> -> memref<80xi32, #tpu.memory_space<vmem>>
      %dma_start3A_455 = arith.constant 0 : i32
      %dma_start3A_456 = arith.constant 0 : i32
      %dma_start3A_457 = tpu.memref_slice %arg6[%dma_start3A_455, %dma_start3A_456] : memref<10000x128xf32, #tpu.memory_space<vmem_shared>> -> memref<10000x128xf32, #tpu.memory_space<vmem_shared>>
      %dma_start3A_458 = tpu.memref_slice %arg10[%dma_start3A_447] : memref<4x!tpu.dma_semaphore, #tpu.memory_space<semaphore_mem>> -> memref<1x!tpu.dma_semaphore, #tpu.memory_space<semaphore_mem>>
      %dma_start3A_459 = tpu.memref_squeeze %dma_start3A_458 : memref<1x!tpu.dma_semaphore, #tpu.memory_space<semaphore_mem>> -> memref<!tpu.dma_semaphore, #tpu.memory_space<semaphore_mem>>
      tpu.enqueue_indirect_dma source(%dma_start3A_451 : memref<80x128xf32, #tpu.memory_space<vmem>>) target(%dma_start3A_457 : memref<10000x128xf32, #tpu.memory_space<vmem_shared>>) offsets(%dma_start3A_454 : memref<80xi32, #tpu.memory_space<vmem>>) semaphore(%dma_start3A_459 : memref<!tpu.dma_semaphore, #tpu.memory_space<semaphore_mem>>) {add = true}
      %dma_wait3A_460 = arith.constant 1 : i32
      %dma_wait3A_461 = arith.constant 30 : i32
      %dma_wait3A_462 = arith.constant 1 : i32
      %dma_wait3A_463 = arith.constant 0 : i32
      %dma_wait3A_464 = arith.constant 0 : i32
      %dma_wait3A_465 = tpu.memref_slice %arg8[%dma_wait3A_460, %dma_wait3A_463, %dma_wait3A_464] : memref<4x80x128xf32, #tpu.memory_space<vmem>> -> memref<1x80x128xf32, #tpu.memory_space<vmem>>
      %dma_wait3A_466 = tpu.memref_squeeze %dma_wait3A_465 : memref<1x80x128xf32, #tpu.memory_space<vmem>> -> memref<80x128xf32, #tpu.memory_space<vmem>>
      %dma_wait3A_467 = arith.constant 0 : i32
      %dma_wait3A_468 = tpu.memref_slice %arg7[%dma_wait3A_461, %dma_wait3A_467] : memref<50x80xi32, #tpu.memory_space<vmem>> -> memref<1x80xi32, #tpu.memory_space<vmem>>
      %dma_wait3A_469 = tpu.memref_squeeze %dma_wait3A_468 : memref<1x80xi32, #tpu.memory_space<vmem>> -> memref<80xi32, #tpu.memory_space<vmem>>
      %dma_wait3A_470 = arith.constant 0 : i32
      %dma_wait3A_471 = arith.constant 0 : i32
      %dma_wait3A_472 = tpu.memref_slice %arg6[%dma_wait3A_470, %dma_wait3A_471] : memref<10000x128xf32, #tpu.memory_space<vmem_shared>> -> memref<10000x128xf32, #tpu.memory_space<vmem_shared>>
      %dma_wait3A_473 = tpu.memref_slice %arg10[%dma_wait3A_462] : memref<4x!tpu.dma_semaphore, #tpu.memory_space<semaphore_mem>> -> memref<1x!tpu.dma_semaphore, #tpu.memory_space<semaphore_mem>>
      %dma_wait3A_474 = tpu.memref_squeeze %dma_wait3A_473 : memref<1x!tpu.dma_semaphore, #tpu.memory_space<semaphore_mem>> -> memref<!tpu.dma_semaphore, #tpu.memory_space<semaphore_mem>>
      tpu.wait_indirect_dma semaphore(%dma_wait3A_474 : memref<!tpu.dma_semaphore, #tpu.memory_space<semaphore_mem>>) src(%dma_wait3A_466 : memref<80x128xf32, #tpu.memory_space<vmem>>) dst(%dma_wait3A_472 : memref<10000x128xf32, #tpu.memory_space<vmem_shared>>)
      %dma_start3A_475 = arith.constant 9 : i32
      %dma_start3A_476 = arith.constant 1 : i32
      %dma_start3A_477 = arith.constant 1 : i32
      %dma_start3A_478 = arith.constant 0 : i32
      %dma_start3A_479 = arith.constant 0 : i32
      %dma_start3A_480 = tpu.memref_slice %arg8[%dma_start3A_476, %dma_start3A_478, %dma_start3A_479] : memref<4x80x128xf32, #tpu.memory_space<vmem>> -> memref<1x80x128xf32, #tpu.memory_space<vmem>>
      %dma_start3A_481 = tpu.memref_squeeze %dma_start3A_480 : memref<1x80x128xf32, #tpu.memory_space<vmem>> -> memref<80x128xf32, #tpu.memory_space<vmem>>
      %dma_start3A_482 = arith.constant 0 : i32
      %dma_start3A_483 = tpu.memref_slice %arg7[%dma_start3A_475, %dma_start3A_482] : memref<50x80xi32, #tpu.memory_space<vmem>> -> memref<1x80xi32, #tpu.memory_space<vmem>>
      %dma_start3A_484 = tpu.memref_squeeze %dma_start3A_483 : memref<1x80xi32, #tpu.memory_space<vmem>> -> memref<80xi32, #tpu.memory_space<vmem>>
      %dma_start3A_485 = arith.constant 0 : i32
      %dma_start3A_486 = arith.constant 0 : i32
      %dma_start3A_487 = tpu.memref_slice %arg2[%dma_start3A_485, %dma_start3A_486] : memref<20000x128xf32, #tpu.memory_space<hbm>> -> memref<20000x128xf32, #tpu.memory_space<hbm>>
      %dma_start3A_488 = tpu.memref_slice %arg9[%dma_start3A_477] : memref<4x!tpu.dma_semaphore, #tpu.memory_space<semaphore_mem>> -> memref<1x!tpu.dma_semaphore, #tpu.memory_space<semaphore_mem>>
      %dma_start3A_489 = tpu.memref_squeeze %dma_start3A_488 : memref<1x!tpu.dma_semaphore, #tpu.memory_space<semaphore_mem>> -> memref<!tpu.dma_semaphore, #tpu.memory_space<semaphore_mem>>
      tpu.enqueue_indirect_dma source(%dma_start3A_487 : memref<20000x128xf32, #tpu.memory_space<hbm>>) target(%dma_start3A_481 : memref<80x128xf32, #tpu.memory_space<vmem>>) offsets(%dma_start3A_484 : memref<80xi32, #tpu.memory_space<vmem>>) semaphore(%dma_start3A_489 : memref<!tpu.dma_semaphore, #tpu.memory_space<semaphore_mem>>)
      %dma_wait3A_490 = arith.constant 8 : i32
      %dma_wait3A_491 = arith.constant 0 : i32
      %dma_wait3A_492 = arith.constant 0 : i32
      %dma_wait3A_493 = arith.constant 0 : i32
      %dma_wait3A_494 = arith.constant 0 : i32
      %dma_wait3A_495 = tpu.memref_slice %arg8[%dma_wait3A_491, %dma_wait3A_493, %dma_wait3A_494] : memref<4x80x128xf32, #tpu.memory_space<vmem>> -> memref<1x80x128xf32, #tpu.memory_space<vmem>>
      %dma_wait3A_496 = tpu.memref_squeeze %dma_wait3A_495 : memref<1x80x128xf32, #tpu.memory_space<vmem>> -> memref<80x128xf32, #tpu.memory_space<vmem>>
      %dma_wait3A_497 = arith.constant 0 : i32
      %dma_wait3A_498 = tpu.memref_slice %arg7[%dma_wait3A_490, %dma_wait3A_497] : memref<50x80xi32, #tpu.memory_space<vmem>> -> memref<1x80xi32, #tpu.memory_space<vmem>>
      %dma_wait3A_499 = tpu.memref_squeeze %dma_wait3A_498 : memref<1x80xi32, #tpu.memory_space<vmem>> -> memref<80xi32, #tpu.memory_space<vmem>>
      %dma_wait3A_500 = arith.constant 0 : i32
      %dma_wait3A_501 = arith.constant 0 : i32
      %dma_wait3A_502 = tpu.memref_slice %arg2[%dma_wait3A_500, %dma_wait3A_501] : memref<20000x128xf32, #tpu.memory_space<hbm>> -> memref<20000x128xf32, #tpu.memory_space<hbm>>
      %dma_wait3A_503 = tpu.memref_slice %arg9[%dma_wait3A_492] : memref<4x!tpu.dma_semaphore, #tpu.memory_space<semaphore_mem>> -> memref<1x!tpu.dma_semaphore, #tpu.memory_space<semaphore_mem>>
      %dma_wait3A_504 = tpu.memref_squeeze %dma_wait3A_503 : memref<1x!tpu.dma_semaphore, #tpu.memory_space<semaphore_mem>> -> memref<!tpu.dma_semaphore, #tpu.memory_space<semaphore_mem>>
      tpu.wait_indirect_dma semaphore(%dma_wait3A_504 : memref<!tpu.dma_semaphore, #tpu.memory_space<semaphore_mem>>) src(%dma_wait3A_502 : memref<20000x128xf32, #tpu.memory_space<hbm>>) dst(%dma_wait3A_496 : memref<80x128xf32, #tpu.memory_space<vmem>>)
      %dma_start3A_505 = arith.constant 0 : i32
      %dma_start3A_506 = arith.constant 33 : i32
      %dma_start3A_507 = arith.constant 0 : i32
      %dma_start3A_508 = arith.constant 0 : i32
      %dma_start3A_509 = arith.constant 0 : i32
      %dma_start3A_510 = tpu.memref_slice %arg8[%dma_start3A_505, %dma_start3A_508, %dma_start3A_509] : memref<4x80x128xf32, #tpu.memory_space<vmem>> -> memref<1x80x128xf32, #tpu.memory_space<vmem>>
      %dma_start3A_511 = tpu.memref_squeeze %dma_start3A_510 : memref<1x80x128xf32, #tpu.memory_space<vmem>> -> memref<80x128xf32, #tpu.memory_space<vmem>>
      %dma_start3A_512 = arith.constant 0 : i32
      %dma_start3A_513 = tpu.memref_slice %arg7[%dma_start3A_506, %dma_start3A_512] : memref<50x80xi32, #tpu.memory_space<vmem>> -> memref<1x80xi32, #tpu.memory_space<vmem>>
      %dma_start3A_514 = tpu.memref_squeeze %dma_start3A_513 : memref<1x80xi32, #tpu.memory_space<vmem>> -> memref<80xi32, #tpu.memory_space<vmem>>
      %dma_start3A_515 = arith.constant 0 : i32
      %dma_start3A_516 = arith.constant 0 : i32
      %dma_start3A_517 = tpu.memref_slice %arg6[%dma_start3A_515, %dma_start3A_516] : memref<10000x128xf32, #tpu.memory_space<vmem_shared>> -> memref<10000x128xf32, #tpu.memory_space<vmem_shared>>
      %dma_start3A_518 = tpu.memref_slice %arg10[%dma_start3A_507] : memref<4x!tpu.dma_semaphore, #tpu.memory_space<semaphore_mem>> -> memref<1x!tpu.dma_semaphore, #tpu.memory_space<semaphore_mem>>
      %dma_start3A_519 = tpu.memref_squeeze %dma_start3A_518 : memref<1x!tpu.dma_semaphore, #tpu.memory_space<semaphore_mem>> -> memref<!tpu.dma_semaphore, #tpu.memory_space<semaphore_mem>>
      tpu.enqueue_indirect_dma source(%dma_start3A_511 : memref<80x128xf32, #tpu.memory_space<vmem>>) target(%dma_start3A_517 : memref<10000x128xf32, #tpu.memory_space<vmem_shared>>) offsets(%dma_start3A_514 : memref<80xi32, #tpu.memory_space<vmem>>) semaphore(%dma_start3A_519 : memref<!tpu.dma_semaphore, #tpu.memory_space<semaphore_mem>>) {add = true}
      %dma_wait3A_520 = arith.constant 2 : i32
      %dma_wait3A_521 = arith.constant 31 : i32
      %dma_wait3A_522 = arith.constant 2 : i32
      %dma_wait3A_523 = arith.constant 0 : i32
      %dma_wait3A_524 = arith.constant 0 : i32
      %dma_wait3A_525 = tpu.memref_slice %arg8[%dma_wait3A_520, %dma_wait3A_523, %dma_wait3A_524] : memref<4x80x128xf32, #tpu.memory_space<vmem>> -> memref<1x80x128xf32, #tpu.memory_space<vmem>>
      %dma_wait3A_526 = tpu.memref_squeeze %dma_wait3A_525 : memref<1x80x128xf32, #tpu.memory_space<vmem>> -> memref<80x128xf32, #tpu.memory_space<vmem>>
      %dma_wait3A_527 = arith.constant 0 : i32
      %dma_wait3A_528 = tpu.memref_slice %arg7[%dma_wait3A_521, %dma_wait3A_527] : memref<50x80xi32, #tpu.memory_space<vmem>> -> memref<1x80xi32, #tpu.memory_space<vmem>>
      %dma_wait3A_529 = tpu.memref_squeeze %dma_wait3A_528 : memref<1x80xi32, #tpu.memory_space<vmem>> -> memref<80xi32, #tpu.memory_space<vmem>>
      %dma_wait3A_530 = arith.constant 0 : i32
      %dma_wait3A_531 = arith.constant 0 : i32
      %dma_wait3A_532 = tpu.memref_slice %arg6[%dma_wait3A_530, %dma_wait3A_531] : memref<10000x128xf32, #tpu.memory_space<vmem_shared>> -> memref<10000x128xf32, #tpu.memory_space<vmem_shared>>
      %dma_wait3A_533 = tpu.memref_slice %arg10[%dma_wait3A_522] : memref<4x!tpu.dma_semaphore, #tpu.memory_space<semaphore_mem>> -> memref<1x!tpu.dma_semaphore, #tpu.memory_space<semaphore_mem>>
      %dma_wait3A_534 = tpu.memref_squeeze %dma_wait3A_533 : memref<1x!tpu.dma_semaphore, #tpu.memory_space<semaphore_mem>> -> memref<!tpu.dma_semaphore, #tpu.memory_space<semaphore_mem>>
      tpu.wait_indirect_dma semaphore(%dma_wait3A_534 : memref<!tpu.dma_semaphore, #tpu.memory_space<semaphore_mem>>) src(%dma_wait3A_526 : memref<80x128xf32, #tpu.memory_space<vmem>>) dst(%dma_wait3A_532 : memref<10000x128xf32, #tpu.memory_space<vmem_shared>>)
      %dma_start3A_535 = arith.constant 10 : i32
      %dma_start3A_536 = arith.constant 2 : i32
      %dma_start3A_537 = arith.constant 2 : i32
      %dma_start3A_538 = arith.constant 0 : i32
      %dma_start3A_539 = arith.constant 0 : i32
      %dma_start3A_540 = tpu.memref_slice %arg8[%dma_start3A_536, %dma_start3A_538, %dma_start3A_539] : memref<4x80x128xf32, #tpu.memory_space<vmem>> -> memref<1x80x128xf32, #tpu.memory_space<vmem>>
      %dma_start3A_541 = tpu.memref_squeeze %dma_start3A_540 : memref<1x80x128xf32, #tpu.memory_space<vmem>> -> memref<80x128xf32, #tpu.memory_space<vmem>>
      %dma_start3A_542 = arith.constant 0 : i32
      %dma_start3A_543 = tpu.memref_slice %arg7[%dma_start3A_535, %dma_start3A_542] : memref<50x80xi32, #tpu.memory_space<vmem>> -> memref<1x80xi32, #tpu.memory_space<vmem>>
      %dma_start3A_544 = tpu.memref_squeeze %dma_start3A_543 : memref<1x80xi32, #tpu.memory_space<vmem>> -> memref<80xi32, #tpu.memory_space<vmem>>
      %dma_start3A_545 = arith.constant 0 : i32
      %dma_start3A_546 = arith.constant 0 : i32
      %dma_start3A_547 = tpu.memref_slice %arg2[%dma_start3A_545, %dma_start3A_546] : memref<20000x128xf32, #tpu.memory_space<hbm>> -> memref<20000x128xf32, #tpu.memory_space<hbm>>
      %dma_start3A_548 = tpu.memref_slice %arg9[%dma_start3A_537] : memref<4x!tpu.dma_semaphore, #tpu.memory_space<semaphore_mem>> -> memref<1x!tpu.dma_semaphore, #tpu.memory_space<semaphore_mem>>
      %dma_start3A_549 = tpu.memref_squeeze %dma_start3A_548 : memref<1x!tpu.dma_semaphore, #tpu.memory_space<semaphore_mem>> -> memref<!tpu.dma_semaphore, #tpu.memory_space<semaphore_mem>>
      tpu.enqueue_indirect_dma source(%dma_start3A_547 : memref<20000x128xf32, #tpu.memory_space<hbm>>) target(%dma_start3A_541 : memref<80x128xf32, #tpu.memory_space<vmem>>) offsets(%dma_start3A_544 : memref<80xi32, #tpu.memory_space<vmem>>) semaphore(%dma_start3A_549 : memref<!tpu.dma_semaphore, #tpu.memory_space<semaphore_mem>>)
      %dma_wait3A_550 = arith.constant 9 : i32
      %dma_wait3A_551 = arith.constant 1 : i32
      %dma_wait3A_552 = arith.constant 1 : i32
      %dma_wait3A_553 = arith.constant 0 : i32
      %dma_wait3A_554 = arith.constant 0 : i32
      %dma_wait3A_555 = tpu.memref_slice %arg8[%dma_wait3A_551, %dma_wait3A_553, %dma_wait3A_554] : memref<4x80x128xf32, #tpu.memory_space<vmem>> -> memref<1x80x128xf32, #tpu.memory_space<vmem>>
      %dma_wait3A_556 = tpu.memref_squeeze %dma_wait3A_555 : memref<1x80x128xf32, #tpu.memory_space<vmem>> -> memref<80x128xf32, #tpu.memory_space<vmem>>
      %dma_wait3A_557 = arith.constant 0 : i32
      %dma_wait3A_558 = tpu.memref_slice %arg7[%dma_wait3A_550, %dma_wait3A_557] : memref<50x80xi32, #tpu.memory_space<vmem>> -> memref<1x80xi32, #tpu.memory_space<vmem>>
      %dma_wait3A_559 = tpu.memref_squeeze %dma_wait3A_558 : memref<1x80xi32, #tpu.memory_space<vmem>> -> memref<80xi32, #tpu.memory_space<vmem>>
      %dma_wait3A_560 = arith.constant 0 : i32
      %dma_wait3A_561 = arith.constant 0 : i32
      %dma_wait3A_562 = tpu.memref_slice %arg2[%dma_wait3A_560, %dma_wait3A_561] : memref<20000x128xf32, #tpu.memory_space<hbm>> -> memref<20000x128xf32, #tpu.memory_space<hbm>>
      %dma_wait3A_563 = tpu.memref_slice %arg9[%dma_wait3A_552] : memref<4x!tpu.dma_semaphore, #tpu.memory_space<semaphore_mem>> -> memref<1x!tpu.dma_semaphore, #tpu.memory_space<semaphore_mem>>
      %dma_wait3A_564 = tpu.memref_squeeze %dma_wait3A_563 : memref<1x!tpu.dma_semaphore, #tpu.memory_space<semaphore_mem>> -> memref<!tpu.dma_semaphore, #tpu.memory_space<semaphore_mem>>
      tpu.wait_indirect_dma semaphore(%dma_wait3A_564 : memref<!tpu.dma_semaphore, #tpu.memory_space<semaphore_mem>>) src(%dma_wait3A_562 : memref<20000x128xf32, #tpu.memory_space<hbm>>) dst(%dma_wait3A_556 : memref<80x128xf32, #tpu.memory_space<vmem>>)
      %dma_start3A_565 = arith.constant 1 : i32
      %dma_start3A_566 = arith.constant 34 : i32
      %dma_start3A_567 = arith.constant 1 : i32
      %dma_start3A_568 = arith.constant 0 : i32
      %dma_start3A_569 = arith.constant 0 : i32
      %dma_start3A_570 = tpu.memref_slice %arg8[%dma_start3A_565, %dma_start3A_568, %dma_start3A_569] : memref<4x80x128xf32, #tpu.memory_space<vmem>> -> memref<1x80x128xf32, #tpu.memory_space<vmem>>
      %dma_start3A_571 = tpu.memref_squeeze %dma_start3A_570 : memref<1x80x128xf32, #tpu.memory_space<vmem>> -> memref<80x128xf32, #tpu.memory_space<vmem>>
      %dma_start3A_572 = arith.constant 0 : i32
      %dma_start3A_573 = tpu.memref_slice %arg7[%dma_start3A_566, %dma_start3A_572] : memref<50x80xi32, #tpu.memory_space<vmem>> -> memref<1x80xi32, #tpu.memory_space<vmem>>
      %dma_start3A_574 = tpu.memref_squeeze %dma_start3A_573 : memref<1x80xi32, #tpu.memory_space<vmem>> -> memref<80xi32, #tpu.memory_space<vmem>>
      %dma_start3A_575 = arith.constant 0 : i32
      %dma_start3A_576 = arith.constant 0 : i32
      %dma_start3A_577 = tpu.memref_slice %arg6[%dma_start3A_575, %dma_start3A_576] : memref<10000x128xf32, #tpu.memory_space<vmem_shared>> -> memref<10000x128xf32, #tpu.memory_space<vmem_shared>>
      %dma_start3A_578 = tpu.memref_slice %arg10[%dma_start3A_567] : memref<4x!tpu.dma_semaphore, #tpu.memory_space<semaphore_mem>> -> memref<1x!tpu.dma_semaphore, #tpu.memory_space<semaphore_mem>>
      %dma_start3A_579 = tpu.memref_squeeze %dma_start3A_578 : memref<1x!tpu.dma_semaphore, #tpu.memory_space<semaphore_mem>> -> memref<!tpu.dma_semaphore, #tpu.memory_space<semaphore_mem>>
      tpu.enqueue_indirect_dma source(%dma_start3A_571 : memref<80x128xf32, #tpu.memory_space<vmem>>) target(%dma_start3A_577 : memref<10000x128xf32, #tpu.memory_space<vmem_shared>>) offsets(%dma_start3A_574 : memref<80xi32, #tpu.memory_space<vmem>>) semaphore(%dma_start3A_579 : memref<!tpu.dma_semaphore, #tpu.memory_space<semaphore_mem>>) {add = true}
      %dma_wait3A_580 = arith.constant 3 : i32
      %dma_wait3A_581 = arith.constant 32 : i32
      %dma_wait3A_582 = arith.constant 3 : i32
      %dma_wait3A_583 = arith.constant 0 : i32
      %dma_wait3A_584 = arith.constant 0 : i32
      %dma_wait3A_585 = tpu.memref_slice %arg8[%dma_wait3A_580, %dma_wait3A_583, %dma_wait3A_584] : memref<4x80x128xf32, #tpu.memory_space<vmem>> -> memref<1x80x128xf32, #tpu.memory_space<vmem>>
      %dma_wait3A_586 = tpu.memref_squeeze %dma_wait3A_585 : memref<1x80x128xf32, #tpu.memory_space<vmem>> -> memref<80x128xf32, #tpu.memory_space<vmem>>
      %dma_wait3A_587 = arith.constant 0 : i32
      %dma_wait3A_588 = tpu.memref_slice %arg7[%dma_wait3A_581, %dma_wait3A_587] : memref<50x80xi32, #tpu.memory_space<vmem>> -> memref<1x80xi32, #tpu.memory_space<vmem>>
      %dma_wait3A_589 = tpu.memref_squeeze %dma_wait3A_588 : memref<1x80xi32, #tpu.memory_space<vmem>> -> memref<80xi32, #tpu.memory_space<vmem>>
      %dma_wait3A_590 = arith.constant 0 : i32
      %dma_wait3A_591 = arith.constant 0 : i32
      %dma_wait3A_592 = tpu.memref_slice %arg6[%dma_wait3A_590, %dma_wait3A_591] : memref<10000x128xf32, #tpu.memory_space<vmem_shared>> -> memref<10000x128xf32, #tpu.memory_space<vmem_shared>>
      %dma_wait3A_593 = tpu.memref_slice %arg10[%dma_wait3A_582] : memref<4x!tpu.dma_semaphore, #tpu.memory_space<semaphore_mem>> -> memref<1x!tpu.dma_semaphore, #tpu.memory_space<semaphore_mem>>
      %dma_wait3A_594 = tpu.memref_squeeze %dma_wait3A_593 : memref<1x!tpu.dma_semaphore, #tpu.memory_space<semaphore_mem>> -> memref<!tpu.dma_semaphore, #tpu.memory_space<semaphore_mem>>
      tpu.wait_indirect_dma semaphore(%dma_wait3A_594 : memref<!tpu.dma_semaphore, #tpu.memory_space<semaphore_mem>>) src(%dma_wait3A_586 : memref<80x128xf32, #tpu.memory_space<vmem>>) dst(%dma_wait3A_592 : memref<10000x128xf32, #tpu.memory_space<vmem_shared>>)
      %dma_start3A_595 = arith.constant 11 : i32
      %dma_start3A_596 = arith.constant 3 : i32
      %dma_start3A_597 = arith.constant 3 : i32
      %dma_start3A_598 = arith.constant 0 : i32
      %dma_start3A_599 = arith.constant 0 : i32
      %dma_start3A_600 = tpu.memref_slice %arg8[%dma_start3A_596, %dma_start3A_598, %dma_start3A_599] : memref<4x80x128xf32, #tpu.memory_space<vmem>> -> memref<1x80x128xf32, #tpu.memory_space<vmem>>
      %dma_start3A_601 = tpu.memref_squeeze %dma_start3A_600 : memref<1x80x128xf32, #tpu.memory_space<vmem>> -> memref<80x128xf32, #tpu.memory_space<vmem>>
      %dma_start3A_602 = arith.constant 0 : i32
      %dma_start3A_603 = tpu.memref_slice %arg7[%dma_start3A_595, %dma_start3A_602] : memref<50x80xi32, #tpu.memory_space<vmem>> -> memref<1x80xi32, #tpu.memory_space<vmem>>
      %dma_start3A_604 = tpu.memref_squeeze %dma_start3A_603 : memref<1x80xi32, #tpu.memory_space<vmem>> -> memref<80xi32, #tpu.memory_space<vmem>>
      %dma_start3A_605 = arith.constant 0 : i32
      %dma_start3A_606 = arith.constant 0 : i32
      %dma_start3A_607 = tpu.memref_slice %arg2[%dma_start3A_605, %dma_start3A_606] : memref<20000x128xf32, #tpu.memory_space<hbm>> -> memref<20000x128xf32, #tpu.memory_space<hbm>>
      %dma_start3A_608 = tpu.memref_slice %arg9[%dma_start3A_597] : memref<4x!tpu.dma_semaphore, #tpu.memory_space<semaphore_mem>> -> memref<1x!tpu.dma_semaphore, #tpu.memory_space<semaphore_mem>>
      %dma_start3A_609 = tpu.memref_squeeze %dma_start3A_608 : memref<1x!tpu.dma_semaphore, #tpu.memory_space<semaphore_mem>> -> memref<!tpu.dma_semaphore, #tpu.memory_space<semaphore_mem>>
      tpu.enqueue_indirect_dma source(%dma_start3A_607 : memref<20000x128xf32, #tpu.memory_space<hbm>>) target(%dma_start3A_601 : memref<80x128xf32, #tpu.memory_space<vmem>>) offsets(%dma_start3A_604 : memref<80xi32, #tpu.memory_space<vmem>>) semaphore(%dma_start3A_609 : memref<!tpu.dma_semaphore, #tpu.memory_space<semaphore_mem>>)
      %dma_wait3A_610 = arith.constant 10 : i32
      %dma_wait3A_611 = arith.constant 2 : i32
      %dma_wait3A_612 = arith.constant 2 : i32
      %dma_wait3A_613 = arith.constant 0 : i32
      %dma_wait3A_614 = arith.constant 0 : i32
      %dma_wait3A_615 = tpu.memref_slice %arg8[%dma_wait3A_611, %dma_wait3A_613, %dma_wait3A_614] : memref<4x80x128xf32, #tpu.memory_space<vmem>> -> memref<1x80x128xf32, #tpu.memory_space<vmem>>
      %dma_wait3A_616 = tpu.memref_squeeze %dma_wait3A_615 : memref<1x80x128xf32, #tpu.memory_space<vmem>> -> memref<80x128xf32, #tpu.memory_space<vmem>>
      %dma_wait3A_617 = arith.constant 0 : i32
      %dma_wait3A_618 = tpu.memref_slice %arg7[%dma_wait3A_610, %dma_wait3A_617] : memref<50x80xi32, #tpu.memory_space<vmem>> -> memref<1x80xi32, #tpu.memory_space<vmem>>
      %dma_wait3A_619 = tpu.memref_squeeze %dma_wait3A_618 : memref<1x80xi32, #tpu.memory_space<vmem>> -> memref<80xi32, #tpu.memory_space<vmem>>
      %dma_wait3A_620 = arith.constant 0 : i32
      %dma_wait3A_621 = arith.constant 0 : i32
      %dma_wait3A_622 = tpu.memref_slice %arg2[%dma_wait3A_620, %dma_wait3A_621] : memref<20000x128xf32, #tpu.memory_space<hbm>> -> memref<20000x128xf32, #tpu.memory_space<hbm>>
      %dma_wait3A_623 = tpu.memref_slice %arg9[%dma_wait3A_612] : memref<4x!tpu.dma_semaphore, #tpu.memory_space<semaphore_mem>> -> memref<1x!tpu.dma_semaphore, #tpu.memory_space<semaphore_mem>>
      %dma_wait3A_624 = tpu.memref_squeeze %dma_wait3A_623 : memref<1x!tpu.dma_semaphore, #tpu.memory_space<semaphore_mem>> -> memref<!tpu.dma_semaphore, #tpu.memory_space<semaphore_mem>>
      tpu.wait_indirect_dma semaphore(%dma_wait3A_624 : memref<!tpu.dma_semaphore, #tpu.memory_space<semaphore_mem>>) src(%dma_wait3A_622 : memref<20000x128xf32, #tpu.memory_space<hbm>>) dst(%dma_wait3A_616 : memref<80x128xf32, #tpu.memory_space<vmem>>)
      %dma_start3A_625 = arith.constant 2 : i32
      %dma_start3A_626 = arith.constant 35 : i32
      %dma_start3A_627 = arith.constant 2 : i32
      %dma_start3A_628 = arith.constant 0 : i32
      %dma_start3A_629 = arith.constant 0 : i32
      %dma_start3A_630 = tpu.memref_slice %arg8[%dma_start3A_625, %dma_start3A_628, %dma_start3A_629] : memref<4x80x128xf32, #tpu.memory_space<vmem>> -> memref<1x80x128xf32, #tpu.memory_space<vmem>>
      %dma_start3A_631 = tpu.memref_squeeze %dma_start3A_630 : memref<1x80x128xf32, #tpu.memory_space<vmem>> -> memref<80x128xf32, #tpu.memory_space<vmem>>
      %dma_start3A_632 = arith.constant 0 : i32
      %dma_start3A_633 = tpu.memref_slice %arg7[%dma_start3A_626, %dma_start3A_632] : memref<50x80xi32, #tpu.memory_space<vmem>> -> memref<1x80xi32, #tpu.memory_space<vmem>>
      %dma_start3A_634 = tpu.memref_squeeze %dma_start3A_633 : memref<1x80xi32, #tpu.memory_space<vmem>> -> memref<80xi32, #tpu.memory_space<vmem>>
      %dma_start3A_635 = arith.constant 0 : i32
      %dma_start3A_636 = arith.constant 0 : i32
      %dma_start3A_637 = tpu.memref_slice %arg6[%dma_start3A_635, %dma_start3A_636] : memref<10000x128xf32, #tpu.memory_space<vmem_shared>> -> memref<10000x128xf32, #tpu.memory_space<vmem_shared>>
      %dma_start3A_638 = tpu.memref_slice %arg10[%dma_start3A_627] : memref<4x!tpu.dma_semaphore, #tpu.memory_space<semaphore_mem>> -> memref<1x!tpu.dma_semaphore, #tpu.memory_space<semaphore_mem>>
      %dma_start3A_639 = tpu.memref_squeeze %dma_start3A_638 : memref<1x!tpu.dma_semaphore, #tpu.memory_space<semaphore_mem>> -> memref<!tpu.dma_semaphore, #tpu.memory_space<semaphore_mem>>
      tpu.enqueue_indirect_dma source(%dma_start3A_631 : memref<80x128xf32, #tpu.memory_space<vmem>>) target(%dma_start3A_637 : memref<10000x128xf32, #tpu.memory_space<vmem_shared>>) offsets(%dma_start3A_634 : memref<80xi32, #tpu.memory_space<vmem>>) semaphore(%dma_start3A_639 : memref<!tpu.dma_semaphore, #tpu.memory_space<semaphore_mem>>) {add = true}
      %dma_wait3A_640 = arith.constant 0 : i32
      %dma_wait3A_641 = arith.constant 33 : i32
      %dma_wait3A_642 = arith.constant 0 : i32
      %dma_wait3A_643 = arith.constant 0 : i32
      %dma_wait3A_644 = arith.constant 0 : i32
      %dma_wait3A_645 = tpu.memref_slice %arg8[%dma_wait3A_640, %dma_wait3A_643, %dma_wait3A_644] : memref<4x80x128xf32, #tpu.memory_space<vmem>> -> memref<1x80x128xf32, #tpu.memory_space<vmem>>
      %dma_wait3A_646 = tpu.memref_squeeze %dma_wait3A_645 : memref<1x80x128xf32, #tpu.memory_space<vmem>> -> memref<80x128xf32, #tpu.memory_space<vmem>>
      %dma_wait3A_647 = arith.constant 0 : i32
      %dma_wait3A_648 = tpu.memref_slice %arg7[%dma_wait3A_641, %dma_wait3A_647] : memref<50x80xi32, #tpu.memory_space<vmem>> -> memref<1x80xi32, #tpu.memory_space<vmem>>
      %dma_wait3A_649 = tpu.memref_squeeze %dma_wait3A_648 : memref<1x80xi32, #tpu.memory_space<vmem>> -> memref<80xi32, #tpu.memory_space<vmem>>
      %dma_wait3A_650 = arith.constant 0 : i32
      %dma_wait3A_651 = arith.constant 0 : i32
      %dma_wait3A_652 = tpu.memref_slice %arg6[%dma_wait3A_650, %dma_wait3A_651] : memref<10000x128xf32, #tpu.memory_space<vmem_shared>> -> memref<10000x128xf32, #tpu.memory_space<vmem_shared>>
      %dma_wait3A_653 = tpu.memref_slice %arg10[%dma_wait3A_642] : memref<4x!tpu.dma_semaphore, #tpu.memory_space<semaphore_mem>> -> memref<1x!tpu.dma_semaphore, #tpu.memory_space<semaphore_mem>>
      %dma_wait3A_654 = tpu.memref_squeeze %dma_wait3A_653 : memref<1x!tpu.dma_semaphore, #tpu.memory_space<semaphore_mem>> -> memref<!tpu.dma_semaphore, #tpu.memory_space<semaphore_mem>>
      tpu.wait_indirect_dma semaphore(%dma_wait3A_654 : memref<!tpu.dma_semaphore, #tpu.memory_space<semaphore_mem>>) src(%dma_wait3A_646 : memref<80x128xf32, #tpu.memory_space<vmem>>) dst(%dma_wait3A_652 : memref<10000x128xf32, #tpu.memory_space<vmem_shared>>)
      %dma_start3A_655 = arith.constant 12 : i32
      %dma_start3A_656 = arith.constant 0 : i32
      %dma_start3A_657 = arith.constant 0 : i32
      %dma_start3A_658 = arith.constant 0 : i32
      %dma_start3A_659 = arith.constant 0 : i32
      %dma_start3A_660 = tpu.memref_slice %arg8[%dma_start3A_656, %dma_start3A_658, %dma_start3A_659] : memref<4x80x128xf32, #tpu.memory_space<vmem>> -> memref<1x80x128xf32, #tpu.memory_space<vmem>>
      %dma_start3A_661 = tpu.memref_squeeze %dma_start3A_660 : memref<1x80x128xf32, #tpu.memory_space<vmem>> -> memref<80x128xf32, #tpu.memory_space<vmem>>
      %dma_start3A_662 = arith.constant 0 : i32
      %dma_start3A_663 = tpu.memref_slice %arg7[%dma_start3A_655, %dma_start3A_662] : memref<50x80xi32, #tpu.memory_space<vmem>> -> memref<1x80xi32, #tpu.memory_space<vmem>>
      %dma_start3A_664 = tpu.memref_squeeze %dma_start3A_663 : memref<1x80xi32, #tpu.memory_space<vmem>> -> memref<80xi32, #tpu.memory_space<vmem>>
      %dma_start3A_665 = arith.constant 0 : i32
      %dma_start3A_666 = arith.constant 0 : i32
      %dma_start3A_667 = tpu.memref_slice %arg2[%dma_start3A_665, %dma_start3A_666] : memref<20000x128xf32, #tpu.memory_space<hbm>> -> memref<20000x128xf32, #tpu.memory_space<hbm>>
      %dma_start3A_668 = tpu.memref_slice %arg9[%dma_start3A_657] : memref<4x!tpu.dma_semaphore, #tpu.memory_space<semaphore_mem>> -> memref<1x!tpu.dma_semaphore, #tpu.memory_space<semaphore_mem>>
      %dma_start3A_669 = tpu.memref_squeeze %dma_start3A_668 : memref<1x!tpu.dma_semaphore, #tpu.memory_space<semaphore_mem>> -> memref<!tpu.dma_semaphore, #tpu.memory_space<semaphore_mem>>
      tpu.enqueue_indirect_dma source(%dma_start3A_667 : memref<20000x128xf32, #tpu.memory_space<hbm>>) target(%dma_start3A_661 : memref<80x128xf32, #tpu.memory_space<vmem>>) offsets(%dma_start3A_664 : memref<80xi32, #tpu.memory_space<vmem>>) semaphore(%dma_start3A_669 : memref<!tpu.dma_semaphore, #tpu.memory_space<semaphore_mem>>)
      %dma_wait3A_670 = arith.constant 11 : i32
      %dma_wait3A_671 = arith.constant 3 : i32
      %dma_wait3A_672 = arith.constant 3 : i32
      %dma_wait3A_673 = arith.constant 0 : i32
      %dma_wait3A_674 = arith.constant 0 : i32
      %dma_wait3A_675 = tpu.memref_slice %arg8[%dma_wait3A_671, %dma_wait3A_673, %dma_wait3A_674] : memref<4x80x128xf32, #tpu.memory_space<vmem>> -> memref<1x80x128xf32, #tpu.memory_space<vmem>>
      %dma_wait3A_676 = tpu.memref_squeeze %dma_wait3A_675 : memref<1x80x128xf32, #tpu.memory_space<vmem>> -> memref<80x128xf32, #tpu.memory_space<vmem>>
      %dma_wait3A_677 = arith.constant 0 : i32
      %dma_wait3A_678 = tpu.memref_slice %arg7[%dma_wait3A_670, %dma_wait3A_677] : memref<50x80xi32, #tpu.memory_space<vmem>> -> memref<1x80xi32, #tpu.memory_space<vmem>>
      %dma_wait3A_679 = tpu.memref_squeeze %dma_wait3A_678 : memref<1x80xi32, #tpu.memory_space<vmem>> -> memref<80xi32, #tpu.memory_space<vmem>>
      %dma_wait3A_680 = arith.constant 0 : i32
      %dma_wait3A_681 = arith.constant 0 : i32
      %dma_wait3A_682 = tpu.memref_slice %arg2[%dma_wait3A_680, %dma_wait3A_681] : memref<20000x128xf32, #tpu.memory_space<hbm>> -> memref<20000x128xf32, #tpu.memory_space<hbm>>
      %dma_wait3A_683 = tpu.memref_slice %arg9[%dma_wait3A_672] : memref<4x!tpu.dma_semaphore, #tpu.memory_space<semaphore_mem>> -> memref<1x!tpu.dma_semaphore, #tpu.memory_space<semaphore_mem>>
      %dma_wait3A_684 = tpu.memref_squeeze %dma_wait3A_683 : memref<1x!tpu.dma_semaphore, #tpu.memory_space<semaphore_mem>> -> memref<!tpu.dma_semaphore, #tpu.memory_space<semaphore_mem>>
      tpu.wait_indirect_dma semaphore(%dma_wait3A_684 : memref<!tpu.dma_semaphore, #tpu.memory_space<semaphore_mem>>) src(%dma_wait3A_682 : memref<20000x128xf32, #tpu.memory_space<hbm>>) dst(%dma_wait3A_676 : memref<80x128xf32, #tpu.memory_space<vmem>>)
      %dma_start3A_685 = arith.constant 3 : i32
      %dma_start3A_686 = arith.constant 36 : i32
      %dma_start3A_687 = arith.constant 3 : i32
      %dma_start3A_688 = arith.constant 0 : i32
      %dma_start3A_689 = arith.constant 0 : i32
      %dma_start3A_690 = tpu.memref_slice %arg8[%dma_start3A_685, %dma_start3A_688, %dma_start3A_689] : memref<4x80x128xf32, #tpu.memory_space<vmem>> -> memref<1x80x128xf32, #tpu.memory_space<vmem>>
      %dma_start3A_691 = tpu.memref_squeeze %dma_start3A_690 : memref<1x80x128xf32, #tpu.memory_space<vmem>> -> memref<80x128xf32, #tpu.memory_space<vmem>>
      %dma_start3A_692 = arith.constant 0 : i32
      %dma_start3A_693 = tpu.memref_slice %arg7[%dma_start3A_686, %dma_start3A_692] : memref<50x80xi32, #tpu.memory_space<vmem>> -> memref<1x80xi32, #tpu.memory_space<vmem>>
      %dma_start3A_694 = tpu.memref_squeeze %dma_start3A_693 : memref<1x80xi32, #tpu.memory_space<vmem>> -> memref<80xi32, #tpu.memory_space<vmem>>
      %dma_start3A_695 = arith.constant 0 : i32
      %dma_start3A_696 = arith.constant 0 : i32
      %dma_start3A_697 = tpu.memref_slice %arg6[%dma_start3A_695, %dma_start3A_696] : memref<10000x128xf32, #tpu.memory_space<vmem_shared>> -> memref<10000x128xf32, #tpu.memory_space<vmem_shared>>
      %dma_start3A_698 = tpu.memref_slice %arg10[%dma_start3A_687] : memref<4x!tpu.dma_semaphore, #tpu.memory_space<semaphore_mem>> -> memref<1x!tpu.dma_semaphore, #tpu.memory_space<semaphore_mem>>
      %dma_start3A_699 = tpu.memref_squeeze %dma_start3A_698 : memref<1x!tpu.dma_semaphore, #tpu.memory_space<semaphore_mem>> -> memref<!tpu.dma_semaphore, #tpu.memory_space<semaphore_mem>>
      tpu.enqueue_indirect_dma source(%dma_start3A_691 : memref<80x128xf32, #tpu.memory_space<vmem>>) target(%dma_start3A_697 : memref<10000x128xf32, #tpu.memory_space<vmem_shared>>) offsets(%dma_start3A_694 : memref<80xi32, #tpu.memory_space<vmem>>) semaphore(%dma_start3A_699 : memref<!tpu.dma_semaphore, #tpu.memory_space<semaphore_mem>>) {add = true}
      %dma_wait3A_700 = arith.constant 1 : i32
      %dma_wait3A_701 = arith.constant 34 : i32
      %dma_wait3A_702 = arith.constant 1 : i32
      %dma_wait3A_703 = arith.constant 0 : i32
      %dma_wait3A_704 = arith.constant 0 : i32
      %dma_wait3A_705 = tpu.memref_slice %arg8[%dma_wait3A_700, %dma_wait3A_703, %dma_wait3A_704] : memref<4x80x128xf32, #tpu.memory_space<vmem>> -> memref<1x80x128xf32, #tpu.memory_space<vmem>>
      %dma_wait3A_706 = tpu.memref_squeeze %dma_wait3A_705 : memref<1x80x128xf32, #tpu.memory_space<vmem>> -> memref<80x128xf32, #tpu.memory_space<vmem>>
      %dma_wait3A_707 = arith.constant 0 : i32
      %dma_wait3A_708 = tpu.memref_slice %arg7[%dma_wait3A_701, %dma_wait3A_707] : memref<50x80xi32, #tpu.memory_space<vmem>> -> memref<1x80xi32, #tpu.memory_space<vmem>>
      %dma_wait3A_709 = tpu.memref_squeeze %dma_wait3A_708 : memref<1x80xi32, #tpu.memory_space<vmem>> -> memref<80xi32, #tpu.memory_space<vmem>>
      %dma_wait3A_710 = arith.constant 0 : i32
      %dma_wait3A_711 = arith.constant 0 : i32
      %dma_wait3A_712 = tpu.memref_slice %arg6[%dma_wait3A_710, %dma_wait3A_711] : memref<10000x128xf32, #tpu.memory_space<vmem_shared>> -> memref<10000x128xf32, #tpu.memory_space<vmem_shared>>
      %dma_wait3A_713 = tpu.memref_slice %arg10[%dma_wait3A_702] : memref<4x!tpu.dma_semaphore, #tpu.memory_space<semaphore_mem>> -> memref<1x!tpu.dma_semaphore, #tpu.memory_space<semaphore_mem>>
      %dma_wait3A_714 = tpu.memref_squeeze %dma_wait3A_713 : memref<1x!tpu.dma_semaphore, #tpu.memory_space<semaphore_mem>> -> memref<!tpu.dma_semaphore, #tpu.memory_space<semaphore_mem>>
      tpu.wait_indirect_dma semaphore(%dma_wait3A_714 : memref<!tpu.dma_semaphore, #tpu.memory_space<semaphore_mem>>) src(%dma_wait3A_706 : memref<80x128xf32, #tpu.memory_space<vmem>>) dst(%dma_wait3A_712 : memref<10000x128xf32, #tpu.memory_space<vmem_shared>>)
      %dma_start3A_715 = arith.constant 13 : i32
      %dma_start3A_716 = arith.constant 1 : i32
      %dma_start3A_717 = arith.constant 1 : i32
      %dma_start3A_718 = arith.constant 0 : i32
      %dma_start3A_719 = arith.constant 0 : i32
      %dma_start3A_720 = tpu.memref_slice %arg8[%dma_start3A_716, %dma_start3A_718, %dma_start3A_719] : memref<4x80x128xf32, #tpu.memory_space<vmem>> -> memref<1x80x128xf32, #tpu.memory_space<vmem>>
      %dma_start3A_721 = tpu.memref_squeeze %dma_start3A_720 : memref<1x80x128xf32, #tpu.memory_space<vmem>> -> memref<80x128xf32, #tpu.memory_space<vmem>>
      %dma_start3A_722 = arith.constant 0 : i32
      %dma_start3A_723 = tpu.memref_slice %arg7[%dma_start3A_715, %dma_start3A_722] : memref<50x80xi32, #tpu.memory_space<vmem>> -> memref<1x80xi32, #tpu.memory_space<vmem>>
      %dma_start3A_724 = tpu.memref_squeeze %dma_start3A_723 : memref<1x80xi32, #tpu.memory_space<vmem>> -> memref<80xi32, #tpu.memory_space<vmem>>
      %dma_start3A_725 = arith.constant 0 : i32
      %dma_start3A_726 = arith.constant 0 : i32
      %dma_start3A_727 = tpu.memref_slice %arg2[%dma_start3A_725, %dma_start3A_726] : memref<20000x128xf32, #tpu.memory_space<hbm>> -> memref<20000x128xf32, #tpu.memory_space<hbm>>
      %dma_start3A_728 = tpu.memref_slice %arg9[%dma_start3A_717] : memref<4x!tpu.dma_semaphore, #tpu.memory_space<semaphore_mem>> -> memref<1x!tpu.dma_semaphore, #tpu.memory_space<semaphore_mem>>
      %dma_start3A_729 = tpu.memref_squeeze %dma_start3A_728 : memref<1x!tpu.dma_semaphore, #tpu.memory_space<semaphore_mem>> -> memref<!tpu.dma_semaphore, #tpu.memory_space<semaphore_mem>>
      tpu.enqueue_indirect_dma source(%dma_start3A_727 : memref<20000x128xf32, #tpu.memory_space<hbm>>) target(%dma_start3A_721 : memref<80x128xf32, #tpu.memory_space<vmem>>) offsets(%dma_start3A_724 : memref<80xi32, #tpu.memory_space<vmem>>) semaphore(%dma_start3A_729 : memref<!tpu.dma_semaphore, #tpu.memory_space<semaphore_mem>>)
      %dma_wait3A_730 = arith.constant 12 : i32
      %dma_wait3A_731 = arith.constant 0 : i32
      %dma_wait3A_732 = arith.constant 0 : i32
      %dma_wait3A_733 = arith.constant 0 : i32
      %dma_wait3A_734 = arith.constant 0 : i32
      %dma_wait3A_735 = tpu.memref_slice %arg8[%dma_wait3A_731, %dma_wait3A_733, %dma_wait3A_734] : memref<4x80x128xf32, #tpu.memory_space<vmem>> -> memref<1x80x128xf32, #tpu.memory_space<vmem>>
      %dma_wait3A_736 = tpu.memref_squeeze %dma_wait3A_735 : memref<1x80x128xf32, #tpu.memory_space<vmem>> -> memref<80x128xf32, #tpu.memory_space<vmem>>
      %dma_wait3A_737 = arith.constant 0 : i32
      %dma_wait3A_738 = tpu.memref_slice %arg7[%dma_wait3A_730, %dma_wait3A_737] : memref<50x80xi32, #tpu.memory_space<vmem>> -> memref<1x80xi32, #tpu.memory_space<vmem>>
      %dma_wait3A_739 = tpu.memref_squeeze %dma_wait3A_738 : memref<1x80xi32, #tpu.memory_space<vmem>> -> memref<80xi32, #tpu.memory_space<vmem>>
      %dma_wait3A_740 = arith.constant 0 : i32
      %dma_wait3A_741 = arith.constant 0 : i32
      %dma_wait3A_742 = tpu.memref_slice %arg2[%dma_wait3A_740, %dma_wait3A_741] : memref<20000x128xf32, #tpu.memory_space<hbm>> -> memref<20000x128xf32, #tpu.memory_space<hbm>>
      %dma_wait3A_743 = tpu.memref_slice %arg9[%dma_wait3A_732] : memref<4x!tpu.dma_semaphore, #tpu.memory_space<semaphore_mem>> -> memref<1x!tpu.dma_semaphore, #tpu.memory_space<semaphore_mem>>
      %dma_wait3A_744 = tpu.memref_squeeze %dma_wait3A_743 : memref<1x!tpu.dma_semaphore, #tpu.memory_space<semaphore_mem>> -> memref<!tpu.dma_semaphore, #tpu.memory_space<semaphore_mem>>
      tpu.wait_indirect_dma semaphore(%dma_wait3A_744 : memref<!tpu.dma_semaphore, #tpu.memory_space<semaphore_mem>>) src(%dma_wait3A_742 : memref<20000x128xf32, #tpu.memory_space<hbm>>) dst(%dma_wait3A_736 : memref<80x128xf32, #tpu.memory_space<vmem>>)
      %dma_start3A_745 = arith.constant 0 : i32
      %dma_start3A_746 = arith.constant 37 : i32
      %dma_start3A_747 = arith.constant 0 : i32
      %dma_start3A_748 = arith.constant 0 : i32
      %dma_start3A_749 = arith.constant 0 : i32
      %dma_start3A_750 = tpu.memref_slice %arg8[%dma_start3A_745, %dma_start3A_748, %dma_start3A_749] : memref<4x80x128xf32, #tpu.memory_space<vmem>> -> memref<1x80x128xf32, #tpu.memory_space<vmem>>
      %dma_start3A_751 = tpu.memref_squeeze %dma_start3A_750 : memref<1x80x128xf32, #tpu.memory_space<vmem>> -> memref<80x128xf32, #tpu.memory_space<vmem>>
      %dma_start3A_752 = arith.constant 0 : i32
      %dma_start3A_753 = tpu.memref_slice %arg7[%dma_start3A_746, %dma_start3A_752] : memref<50x80xi32, #tpu.memory_space<vmem>> -> memref<1x80xi32, #tpu.memory_space<vmem>>
      %dma_start3A_754 = tpu.memref_squeeze %dma_start3A_753 : memref<1x80xi32, #tpu.memory_space<vmem>> -> memref<80xi32, #tpu.memory_space<vmem>>
      %dma_start3A_755 = arith.constant 0 : i32
      %dma_start3A_756 = arith.constant 0 : i32
      %dma_start3A_757 = tpu.memref_slice %arg6[%dma_start3A_755, %dma_start3A_756] : memref<10000x128xf32, #tpu.memory_space<vmem_shared>> -> memref<10000x128xf32, #tpu.memory_space<vmem_shared>>
      %dma_start3A_758 = tpu.memref_slice %arg10[%dma_start3A_747] : memref<4x!tpu.dma_semaphore, #tpu.memory_space<semaphore_mem>> -> memref<1x!tpu.dma_semaphore, #tpu.memory_space<semaphore_mem>>
      %dma_start3A_759 = tpu.memref_squeeze %dma_start3A_758 : memref<1x!tpu.dma_semaphore, #tpu.memory_space<semaphore_mem>> -> memref<!tpu.dma_semaphore, #tpu.memory_space<semaphore_mem>>
      tpu.enqueue_indirect_dma source(%dma_start3A_751 : memref<80x128xf32, #tpu.memory_space<vmem>>) target(%dma_start3A_757 : memref<10000x128xf32, #tpu.memory_space<vmem_shared>>) offsets(%dma_start3A_754 : memref<80xi32, #tpu.memory_space<vmem>>) semaphore(%dma_start3A_759 : memref<!tpu.dma_semaphore, #tpu.memory_space<semaphore_mem>>) {add = true}
      %dma_wait3A_760 = arith.constant 2 : i32
      %dma_wait3A_761 = arith.constant 35 : i32
      %dma_wait3A_762 = arith.constant 2 : i32
      %dma_wait3A_763 = arith.constant 0 : i32
      %dma_wait3A_764 = arith.constant 0 : i32
      %dma_wait3A_765 = tpu.memref_slice %arg8[%dma_wait3A_760, %dma_wait3A_763, %dma_wait3A_764] : memref<4x80x128xf32, #tpu.memory_space<vmem>> -> memref<1x80x128xf32, #tpu.memory_space<vmem>>
      %dma_wait3A_766 = tpu.memref_squeeze %dma_wait3A_765 : memref<1x80x128xf32, #tpu.memory_space<vmem>> -> memref<80x128xf32, #tpu.memory_space<vmem>>
      %dma_wait3A_767 = arith.constant 0 : i32
      %dma_wait3A_768 = tpu.memref_slice %arg7[%dma_wait3A_761, %dma_wait3A_767] : memref<50x80xi32, #tpu.memory_space<vmem>> -> memref<1x80xi32, #tpu.memory_space<vmem>>
      %dma_wait3A_769 = tpu.memref_squeeze %dma_wait3A_768 : memref<1x80xi32, #tpu.memory_space<vmem>> -> memref<80xi32, #tpu.memory_space<vmem>>
      %dma_wait3A_770 = arith.constant 0 : i32
      %dma_wait3A_771 = arith.constant 0 : i32
      %dma_wait3A_772 = tpu.memref_slice %arg6[%dma_wait3A_770, %dma_wait3A_771] : memref<10000x128xf32, #tpu.memory_space<vmem_shared>> -> memref<10000x128xf32, #tpu.memory_space<vmem_shared>>
      %dma_wait3A_773 = tpu.memref_slice %arg10[%dma_wait3A_762] : memref<4x!tpu.dma_semaphore, #tpu.memory_space<semaphore_mem>> -> memref<1x!tpu.dma_semaphore, #tpu.memory_space<semaphore_mem>>
      %dma_wait3A_774 = tpu.memref_squeeze %dma_wait3A_773 : memref<1x!tpu.dma_semaphore, #tpu.memory_space<semaphore_mem>> -> memref<!tpu.dma_semaphore, #tpu.memory_space<semaphore_mem>>
      tpu.wait_indirect_dma semaphore(%dma_wait3A_774 : memref<!tpu.dma_semaphore, #tpu.memory_space<semaphore_mem>>) src(%dma_wait3A_766 : memref<80x128xf32, #tpu.memory_space<vmem>>) dst(%dma_wait3A_772 : memref<10000x128xf32, #tpu.memory_space<vmem_shared>>)
      %dma_start3A_775 = arith.constant 14 : i32
      %dma_start3A_776 = arith.constant 2 : i32
      %dma_start3A_777 = arith.constant 2 : i32
      %dma_start3A_778 = arith.constant 0 : i32
      %dma_start3A_779 = arith.constant 0 : i32
      %dma_start3A_780 = tpu.memref_slice %arg8[%dma_start3A_776, %dma_start3A_778, %dma_start3A_779] : memref<4x80x128xf32, #tpu.memory_space<vmem>> -> memref<1x80x128xf32, #tpu.memory_space<vmem>>
      %dma_start3A_781 = tpu.memref_squeeze %dma_start3A_780 : memref<1x80x128xf32, #tpu.memory_space<vmem>> -> memref<80x128xf32, #tpu.memory_space<vmem>>
      %dma_start3A_782 = arith.constant 0 : i32
      %dma_start3A_783 = tpu.memref_slice %arg7[%dma_start3A_775, %dma_start3A_782] : memref<50x80xi32, #tpu.memory_space<vmem>> -> memref<1x80xi32, #tpu.memory_space<vmem>>
      %dma_start3A_784 = tpu.memref_squeeze %dma_start3A_783 : memref<1x80xi32, #tpu.memory_space<vmem>> -> memref<80xi32, #tpu.memory_space<vmem>>
      %dma_start3A_785 = arith.constant 0 : i32
      %dma_start3A_786 = arith.constant 0 : i32
      %dma_start3A_787 = tpu.memref_slice %arg2[%dma_start3A_785, %dma_start3A_786] : memref<20000x128xf32, #tpu.memory_space<hbm>> -> memref<20000x128xf32, #tpu.memory_space<hbm>>
      %dma_start3A_788 = tpu.memref_slice %arg9[%dma_start3A_777] : memref<4x!tpu.dma_semaphore, #tpu.memory_space<semaphore_mem>> -> memref<1x!tpu.dma_semaphore, #tpu.memory_space<semaphore_mem>>
      %dma_start3A_789 = tpu.memref_squeeze %dma_start3A_788 : memref<1x!tpu.dma_semaphore, #tpu.memory_space<semaphore_mem>> -> memref<!tpu.dma_semaphore, #tpu.memory_space<semaphore_mem>>
      tpu.enqueue_indirect_dma source(%dma_start3A_787 : memref<20000x128xf32, #tpu.memory_space<hbm>>) target(%dma_start3A_781 : memref<80x128xf32, #tpu.memory_space<vmem>>) offsets(%dma_start3A_784 : memref<80xi32, #tpu.memory_space<vmem>>) semaphore(%dma_start3A_789 : memref<!tpu.dma_semaphore, #tpu.memory_space<semaphore_mem>>)
      %dma_wait3A_790 = arith.constant 13 : i32
      %dma_wait3A_791 = arith.constant 1 : i32
      %dma_wait3A_792 = arith.constant 1 : i32
      %dma_wait3A_793 = arith.constant 0 : i32
      %dma_wait3A_794 = arith.constant 0 : i32
      %dma_wait3A_795 = tpu.memref_slice %arg8[%dma_wait3A_791, %dma_wait3A_793, %dma_wait3A_794] : memref<4x80x128xf32, #tpu.memory_space<vmem>> -> memref<1x80x128xf32, #tpu.memory_space<vmem>>
      %dma_wait3A_796 = tpu.memref_squeeze %dma_wait3A_795 : memref<1x80x128xf32, #tpu.memory_space<vmem>> -> memref<80x128xf32, #tpu.memory_space<vmem>>
      %dma_wait3A_797 = arith.constant 0 : i32
      %dma_wait3A_798 = tpu.memref_slice %arg7[%dma_wait3A_790, %dma_wait3A_797] : memref<50x80xi32, #tpu.memory_space<vmem>> -> memref<1x80xi32, #tpu.memory_space<vmem>>
      %dma_wait3A_799 = tpu.memref_squeeze %dma_wait3A_798 : memref<1x80xi32, #tpu.memory_space<vmem>> -> memref<80xi32, #tpu.memory_space<vmem>>
      %dma_wait3A_800 = arith.constant 0 : i32
      %dma_wait3A_801 = arith.constant 0 : i32
      %dma_wait3A_802 = tpu.memref_slice %arg2[%dma_wait3A_800, %dma_wait3A_801] : memref<20000x128xf32, #tpu.memory_space<hbm>> -> memref<20000x128xf32, #tpu.memory_space<hbm>>
      %dma_wait3A_803 = tpu.memref_slice %arg9[%dma_wait3A_792] : memref<4x!tpu.dma_semaphore, #tpu.memory_space<semaphore_mem>> -> memref<1x!tpu.dma_semaphore, #tpu.memory_space<semaphore_mem>>
      %dma_wait3A_804 = tpu.memref_squeeze %dma_wait3A_803 : memref<1x!tpu.dma_semaphore, #tpu.memory_space<semaphore_mem>> -> memref<!tpu.dma_semaphore, #tpu.memory_space<semaphore_mem>>
      tpu.wait_indirect_dma semaphore(%dma_wait3A_804 : memref<!tpu.dma_semaphore, #tpu.memory_space<semaphore_mem>>) src(%dma_wait3A_802 : memref<20000x128xf32, #tpu.memory_space<hbm>>) dst(%dma_wait3A_796 : memref<80x128xf32, #tpu.memory_space<vmem>>)
      %dma_start3A_805 = arith.constant 1 : i32
      %dma_start3A_806 = arith.constant 38 : i32
      %dma_start3A_807 = arith.constant 1 : i32
      %dma_start3A_808 = arith.constant 0 : i32
      %dma_start3A_809 = arith.constant 0 : i32
      %dma_start3A_810 = tpu.memref_slice %arg8[%dma_start3A_805, %dma_start3A_808, %dma_start3A_809] : memref<4x80x128xf32, #tpu.memory_space<vmem>> -> memref<1x80x128xf32, #tpu.memory_space<vmem>>
      %dma_start3A_811 = tpu.memref_squeeze %dma_start3A_810 : memref<1x80x128xf32, #tpu.memory_space<vmem>> -> memref<80x128xf32, #tpu.memory_space<vmem>>
      %dma_start3A_812 = arith.constant 0 : i32
      %dma_start3A_813 = tpu.memref_slice %arg7[%dma_start3A_806, %dma_start3A_812] : memref<50x80xi32, #tpu.memory_space<vmem>> -> memref<1x80xi32, #tpu.memory_space<vmem>>
      %dma_start3A_814 = tpu.memref_squeeze %dma_start3A_813 : memref<1x80xi32, #tpu.memory_space<vmem>> -> memref<80xi32, #tpu.memory_space<vmem>>
      %dma_start3A_815 = arith.constant 0 : i32
      %dma_start3A_816 = arith.constant 0 : i32
      %dma_start3A_817 = tpu.memref_slice %arg6[%dma_start3A_815, %dma_start3A_816] : memref<10000x128xf32, #tpu.memory_space<vmem_shared>> -> memref<10000x128xf32, #tpu.memory_space<vmem_shared>>
      %dma_start3A_818 = tpu.memref_slice %arg10[%dma_start3A_807] : memref<4x!tpu.dma_semaphore, #tpu.memory_space<semaphore_mem>> -> memref<1x!tpu.dma_semaphore, #tpu.memory_space<semaphore_mem>>
      %dma_start3A_819 = tpu.memref_squeeze %dma_start3A_818 : memref<1x!tpu.dma_semaphore, #tpu.memory_space<semaphore_mem>> -> memref<!tpu.dma_semaphore, #tpu.memory_space<semaphore_mem>>
      tpu.enqueue_indirect_dma source(%dma_start3A_811 : memref<80x128xf32, #tpu.memory_space<vmem>>) target(%dma_start3A_817 : memref<10000x128xf32, #tpu.memory_space<vmem_shared>>) offsets(%dma_start3A_814 : memref<80xi32, #tpu.memory_space<vmem>>) semaphore(%dma_start3A_819 : memref<!tpu.dma_semaphore, #tpu.memory_space<semaphore_mem>>) {add = true}
      %dma_wait3A_820 = arith.constant 3 : i32
      %dma_wait3A_821 = arith.constant 36 : i32
      %dma_wait3A_822 = arith.constant 3 : i32
      %dma_wait3A_823 = arith.constant 0 : i32
      %dma_wait3A_824 = arith.constant 0 : i32
      %dma_wait3A_825 = tpu.memref_slice %arg8[%dma_wait3A_820, %dma_wait3A_823, %dma_wait3A_824] : memref<4x80x128xf32, #tpu.memory_space<vmem>> -> memref<1x80x128xf32, #tpu.memory_space<vmem>>
      %dma_wait3A_826 = tpu.memref_squeeze %dma_wait3A_825 : memref<1x80x128xf32, #tpu.memory_space<vmem>> -> memref<80x128xf32, #tpu.memory_space<vmem>>
      %dma_wait3A_827 = arith.constant 0 : i32
      %dma_wait3A_828 = tpu.memref_slice %arg7[%dma_wait3A_821, %dma_wait3A_827] : memref<50x80xi32, #tpu.memory_space<vmem>> -> memref<1x80xi32, #tpu.memory_space<vmem>>
      %dma_wait3A_829 = tpu.memref_squeeze %dma_wait3A_828 : memref<1x80xi32, #tpu.memory_space<vmem>> -> memref<80xi32, #tpu.memory_space<vmem>>
      %dma_wait3A_830 = arith.constant 0 : i32
      %dma_wait3A_831 = arith.constant 0 : i32
      %dma_wait3A_832 = tpu.memref_slice %arg6[%dma_wait3A_830, %dma_wait3A_831] : memref<10000x128xf32, #tpu.memory_space<vmem_shared>> -> memref<10000x128xf32, #tpu.memory_space<vmem_shared>>
      %dma_wait3A_833 = tpu.memref_slice %arg10[%dma_wait3A_822] : memref<4x!tpu.dma_semaphore, #tpu.memory_space<semaphore_mem>> -> memref<1x!tpu.dma_semaphore, #tpu.memory_space<semaphore_mem>>
      %dma_wait3A_834 = tpu.memref_squeeze %dma_wait3A_833 : memref<1x!tpu.dma_semaphore, #tpu.memory_space<semaphore_mem>> -> memref<!tpu.dma_semaphore, #tpu.memory_space<semaphore_mem>>
      tpu.wait_indirect_dma semaphore(%dma_wait3A_834 : memref<!tpu.dma_semaphore, #tpu.memory_space<semaphore_mem>>) src(%dma_wait3A_826 : memref<80x128xf32, #tpu.memory_space<vmem>>) dst(%dma_wait3A_832 : memref<10000x128xf32, #tpu.memory_space<vmem_shared>>)
      %dma_start3A_835 = arith.constant 15 : i32
      %dma_start3A_836 = arith.constant 3 : i32
      %dma_start3A_837 = arith.constant 3 : i32
      %dma_start3A_838 = arith.constant 0 : i32
      %dma_start3A_839 = arith.constant 0 : i32
      %dma_start3A_840 = tpu.memref_slice %arg8[%dma_start3A_836, %dma_start3A_838, %dma_start3A_839] : memref<4x80x128xf32, #tpu.memory_space<vmem>> -> memref<1x80x128xf32, #tpu.memory_space<vmem>>
      %dma_start3A_841 = tpu.memref_squeeze %dma_start3A_840 : memref<1x80x128xf32, #tpu.memory_space<vmem>> -> memref<80x128xf32, #tpu.memory_space<vmem>>
      %dma_start3A_842 = arith.constant 0 : i32
      %dma_start3A_843 = tpu.memref_slice %arg7[%dma_start3A_835, %dma_start3A_842] : memref<50x80xi32, #tpu.memory_space<vmem>> -> memref<1x80xi32, #tpu.memory_space<vmem>>
      %dma_start3A_844 = tpu.memref_squeeze %dma_start3A_843 : memref<1x80xi32, #tpu.memory_space<vmem>> -> memref<80xi32, #tpu.memory_space<vmem>>
      %dma_start3A_845 = arith.constant 0 : i32
      %dma_start3A_846 = arith.constant 0 : i32
      %dma_start3A_847 = tpu.memref_slice %arg2[%dma_start3A_845, %dma_start3A_846] : memref<20000x128xf32, #tpu.memory_space<hbm>> -> memref<20000x128xf32, #tpu.memory_space<hbm>>
      %dma_start3A_848 = tpu.memref_slice %arg9[%dma_start3A_837] : memref<4x!tpu.dma_semaphore, #tpu.memory_space<semaphore_mem>> -> memref<1x!tpu.dma_semaphore, #tpu.memory_space<semaphore_mem>>
      %dma_start3A_849 = tpu.memref_squeeze %dma_start3A_848 : memref<1x!tpu.dma_semaphore, #tpu.memory_space<semaphore_mem>> -> memref<!tpu.dma_semaphore, #tpu.memory_space<semaphore_mem>>
      tpu.enqueue_indirect_dma source(%dma_start3A_847 : memref<20000x128xf32, #tpu.memory_space<hbm>>) target(%dma_start3A_841 : memref<80x128xf32, #tpu.memory_space<vmem>>) offsets(%dma_start3A_844 : memref<80xi32, #tpu.memory_space<vmem>>) semaphore(%dma_start3A_849 : memref<!tpu.dma_semaphore, #tpu.memory_space<semaphore_mem>>)
      %dma_wait3A_850 = arith.constant 14 : i32
      %dma_wait3A_851 = arith.constant 2 : i32
      %dma_wait3A_852 = arith.constant 2 : i32
      %dma_wait3A_853 = arith.constant 0 : i32
      %dma_wait3A_854 = arith.constant 0 : i32
      %dma_wait3A_855 = tpu.memref_slice %arg8[%dma_wait3A_851, %dma_wait3A_853, %dma_wait3A_854] : memref<4x80x128xf32, #tpu.memory_space<vmem>> -> memref<1x80x128xf32, #tpu.memory_space<vmem>>
      %dma_wait3A_856 = tpu.memref_squeeze %dma_wait3A_855 : memref<1x80x128xf32, #tpu.memory_space<vmem>> -> memref<80x128xf32, #tpu.memory_space<vmem>>
      %dma_wait3A_857 = arith.constant 0 : i32
      %dma_wait3A_858 = tpu.memref_slice %arg7[%dma_wait3A_850, %dma_wait3A_857] : memref<50x80xi32, #tpu.memory_space<vmem>> -> memref<1x80xi32, #tpu.memory_space<vmem>>
      %dma_wait3A_859 = tpu.memref_squeeze %dma_wait3A_858 : memref<1x80xi32, #tpu.memory_space<vmem>> -> memref<80xi32, #tpu.memory_space<vmem>>
      %dma_wait3A_860 = arith.constant 0 : i32
      %dma_wait3A_861 = arith.constant 0 : i32
      %dma_wait3A_862 = tpu.memref_slice %arg2[%dma_wait3A_860, %dma_wait3A_861] : memref<20000x128xf32, #tpu.memory_space<hbm>> -> memref<20000x128xf32, #tpu.memory_space<hbm>>
      %dma_wait3A_863 = tpu.memref_slice %arg9[%dma_wait3A_852] : memref<4x!tpu.dma_semaphore, #tpu.memory_space<semaphore_mem>> -> memref<1x!tpu.dma_semaphore, #tpu.memory_space<semaphore_mem>>
      %dma_wait3A_864 = tpu.memref_squeeze %dma_wait3A_863 : memref<1x!tpu.dma_semaphore, #tpu.memory_space<semaphore_mem>> -> memref<!tpu.dma_semaphore, #tpu.memory_space<semaphore_mem>>
      tpu.wait_indirect_dma semaphore(%dma_wait3A_864 : memref<!tpu.dma_semaphore, #tpu.memory_space<semaphore_mem>>) src(%dma_wait3A_862 : memref<20000x128xf32, #tpu.memory_space<hbm>>) dst(%dma_wait3A_856 : memref<80x128xf32, #tpu.memory_space<vmem>>)
      %dma_start3A_865 = arith.constant 2 : i32
      %dma_start3A_866 = arith.constant 39 : i32
      %dma_start3A_867 = arith.constant 2 : i32
      %dma_start3A_868 = arith.constant 0 : i32
      %dma_start3A_869 = arith.constant 0 : i32
      %dma_start3A_870 = tpu.memref_slice %arg8[%dma_start3A_865, %dma_start3A_868, %dma_start3A_869] : memref<4x80x128xf32, #tpu.memory_space<vmem>> -> memref<1x80x128xf32, #tpu.memory_space<vmem>>
      %dma_start3A_871 = tpu.memref_squeeze %dma_start3A_870 : memref<1x80x128xf32, #tpu.memory_space<vmem>> -> memref<80x128xf32, #tpu.memory_space<vmem>>
      %dma_start3A_872 = arith.constant 0 : i32
      %dma_start3A_873 = tpu.memref_slice %arg7[%dma_start3A_866, %dma_start3A_872] : memref<50x80xi32, #tpu.memory_space<vmem>> -> memref<1x80xi32, #tpu.memory_space<vmem>>
      %dma_start3A_874 = tpu.memref_squeeze %dma_start3A_873 : memref<1x80xi32, #tpu.memory_space<vmem>> -> memref<80xi32, #tpu.memory_space<vmem>>
      %dma_start3A_875 = arith.constant 0 : i32
      %dma_start3A_876 = arith.constant 0 : i32
      %dma_start3A_877 = tpu.memref_slice %arg6[%dma_start3A_875, %dma_start3A_876] : memref<10000x128xf32, #tpu.memory_space<vmem_shared>> -> memref<10000x128xf32, #tpu.memory_space<vmem_shared>>
      %dma_start3A_878 = tpu.memref_slice %arg10[%dma_start3A_867] : memref<4x!tpu.dma_semaphore, #tpu.memory_space<semaphore_mem>> -> memref<1x!tpu.dma_semaphore, #tpu.memory_space<semaphore_mem>>
      %dma_start3A_879 = tpu.memref_squeeze %dma_start3A_878 : memref<1x!tpu.dma_semaphore, #tpu.memory_space<semaphore_mem>> -> memref<!tpu.dma_semaphore, #tpu.memory_space<semaphore_mem>>
      tpu.enqueue_indirect_dma source(%dma_start3A_871 : memref<80x128xf32, #tpu.memory_space<vmem>>) target(%dma_start3A_877 : memref<10000x128xf32, #tpu.memory_space<vmem_shared>>) offsets(%dma_start3A_874 : memref<80xi32, #tpu.memory_space<vmem>>) semaphore(%dma_start3A_879 : memref<!tpu.dma_semaphore, #tpu.memory_space<semaphore_mem>>) {add = true}
      %dma_wait3A_880 = arith.constant 0 : i32
      %dma_wait3A_881 = arith.constant 37 : i32
      %dma_wait3A_882 = arith.constant 0 : i32
      %dma_wait3A_883 = arith.constant 0 : i32
      %dma_wait3A_884 = arith.constant 0 : i32
      %dma_wait3A_885 = tpu.memref_slice %arg8[%dma_wait3A_880, %dma_wait3A_883, %dma_wait3A_884] : memref<4x80x128xf32, #tpu.memory_space<vmem>> -> memref<1x80x128xf32, #tpu.memory_space<vmem>>
      %dma_wait3A_886 = tpu.memref_squeeze %dma_wait3A_885 : memref<1x80x128xf32, #tpu.memory_space<vmem>> -> memref<80x128xf32, #tpu.memory_space<vmem>>
      %dma_wait3A_887 = arith.constant 0 : i32
      %dma_wait3A_888 = tpu.memref_slice %arg7[%dma_wait3A_881, %dma_wait3A_887] : memref<50x80xi32, #tpu.memory_space<vmem>> -> memref<1x80xi32, #tpu.memory_space<vmem>>
      %dma_wait3A_889 = tpu.memref_squeeze %dma_wait3A_888 : memref<1x80xi32, #tpu.memory_space<vmem>> -> memref<80xi32, #tpu.memory_space<vmem>>
      %dma_wait3A_890 = arith.constant 0 : i32
      %dma_wait3A_891 = arith.constant 0 : i32
      %dma_wait3A_892 = tpu.memref_slice %arg6[%dma_wait3A_890, %dma_wait3A_891] : memref<10000x128xf32, #tpu.memory_space<vmem_shared>> -> memref<10000x128xf32, #tpu.memory_space<vmem_shared>>
      %dma_wait3A_893 = tpu.memref_slice %arg10[%dma_wait3A_882] : memref<4x!tpu.dma_semaphore, #tpu.memory_space<semaphore_mem>> -> memref<1x!tpu.dma_semaphore, #tpu.memory_space<semaphore_mem>>
      %dma_wait3A_894 = tpu.memref_squeeze %dma_wait3A_893 : memref<1x!tpu.dma_semaphore, #tpu.memory_space<semaphore_mem>> -> memref<!tpu.dma_semaphore, #tpu.memory_space<semaphore_mem>>
      tpu.wait_indirect_dma semaphore(%dma_wait3A_894 : memref<!tpu.dma_semaphore, #tpu.memory_space<semaphore_mem>>) src(%dma_wait3A_886 : memref<80x128xf32, #tpu.memory_space<vmem>>) dst(%dma_wait3A_892 : memref<10000x128xf32, #tpu.memory_space<vmem_shared>>)
      %dma_start3A_895 = arith.constant 16 : i32
      %dma_start3A_896 = arith.constant 0 : i32
      %dma_start3A_897 = arith.constant 0 : i32
      %dma_start3A_898 = arith.constant 0 : i32
      %dma_start3A_899 = arith.constant 0 : i32
      %dma_start3A_900 = tpu.memref_slice %arg8[%dma_start3A_896, %dma_start3A_898, %dma_start3A_899] : memref<4x80x128xf32, #tpu.memory_space<vmem>> -> memref<1x80x128xf32, #tpu.memory_space<vmem>>
      %dma_start3A_901 = tpu.memref_squeeze %dma_start3A_900 : memref<1x80x128xf32, #tpu.memory_space<vmem>> -> memref<80x128xf32, #tpu.memory_space<vmem>>
      %dma_start3A_902 = arith.constant 0 : i32
      %dma_start3A_903 = tpu.memref_slice %arg7[%dma_start3A_895, %dma_start3A_902] : memref<50x80xi32, #tpu.memory_space<vmem>> -> memref<1x80xi32, #tpu.memory_space<vmem>>
      %dma_start3A_904 = tpu.memref_squeeze %dma_start3A_903 : memref<1x80xi32, #tpu.memory_space<vmem>> -> memref<80xi32, #tpu.memory_space<vmem>>
      %dma_start3A_905 = arith.constant 0 : i32
      %dma_start3A_906 = arith.constant 0 : i32
      %dma_start3A_907 = tpu.memref_slice %arg2[%dma_start3A_905, %dma_start3A_906] : memref<20000x128xf32, #tpu.memory_space<hbm>> -> memref<20000x128xf32, #tpu.memory_space<hbm>>
      %dma_start3A_908 = tpu.memref_slice %arg9[%dma_start3A_897] : memref<4x!tpu.dma_semaphore, #tpu.memory_space<semaphore_mem>> -> memref<1x!tpu.dma_semaphore, #tpu.memory_space<semaphore_mem>>
      %dma_start3A_909 = tpu.memref_squeeze %dma_start3A_908 : memref<1x!tpu.dma_semaphore, #tpu.memory_space<semaphore_mem>> -> memref<!tpu.dma_semaphore, #tpu.memory_space<semaphore_mem>>
      tpu.enqueue_indirect_dma source(%dma_start3A_907 : memref<20000x128xf32, #tpu.memory_space<hbm>>) target(%dma_start3A_901 : memref<80x128xf32, #tpu.memory_space<vmem>>) offsets(%dma_start3A_904 : memref<80xi32, #tpu.memory_space<vmem>>) semaphore(%dma_start3A_909 : memref<!tpu.dma_semaphore, #tpu.memory_space<semaphore_mem>>)
      %dma_wait3A_910 = arith.constant 15 : i32
      %dma_wait3A_911 = arith.constant 3 : i32
      %dma_wait3A_912 = arith.constant 3 : i32
      %dma_wait3A_913 = arith.constant 0 : i32
      %dma_wait3A_914 = arith.constant 0 : i32
      %dma_wait3A_915 = tpu.memref_slice %arg8[%dma_wait3A_911, %dma_wait3A_913, %dma_wait3A_914] : memref<4x80x128xf32, #tpu.memory_space<vmem>> -> memref<1x80x128xf32, #tpu.memory_space<vmem>>
      %dma_wait3A_916 = tpu.memref_squeeze %dma_wait3A_915 : memref<1x80x128xf32, #tpu.memory_space<vmem>> -> memref<80x128xf32, #tpu.memory_space<vmem>>
      %dma_wait3A_917 = arith.constant 0 : i32
      %dma_wait3A_918 = tpu.memref_slice %arg7[%dma_wait3A_910, %dma_wait3A_917] : memref<50x80xi32, #tpu.memory_space<vmem>> -> memref<1x80xi32, #tpu.memory_space<vmem>>
      %dma_wait3A_919 = tpu.memref_squeeze %dma_wait3A_918 : memref<1x80xi32, #tpu.memory_space<vmem>> -> memref<80xi32, #tpu.memory_space<vmem>>
      %dma_wait3A_920 = arith.constant 0 : i32
      %dma_wait3A_921 = arith.constant 0 : i32
      %dma_wait3A_922 = tpu.memref_slice %arg2[%dma_wait3A_920, %dma_wait3A_921] : memref<20000x128xf32, #tpu.memory_space<hbm>> -> memref<20000x128xf32, #tpu.memory_space<hbm>>
      %dma_wait3A_923 = tpu.memref_slice %arg9[%dma_wait3A_912] : memref<4x!tpu.dma_semaphore, #tpu.memory_space<semaphore_mem>> -> memref<1x!tpu.dma_semaphore, #tpu.memory_space<semaphore_mem>>
      %dma_wait3A_924 = tpu.memref_squeeze %dma_wait3A_923 : memref<1x!tpu.dma_semaphore, #tpu.memory_space<semaphore_mem>> -> memref<!tpu.dma_semaphore, #tpu.memory_space<semaphore_mem>>
      tpu.wait_indirect_dma semaphore(%dma_wait3A_924 : memref<!tpu.dma_semaphore, #tpu.memory_space<semaphore_mem>>) src(%dma_wait3A_922 : memref<20000x128xf32, #tpu.memory_space<hbm>>) dst(%dma_wait3A_916 : memref<80x128xf32, #tpu.memory_space<vmem>>)
      %dma_start3A_925 = arith.constant 3 : i32
      %dma_start3A_926 = arith.constant 40 : i32
      %dma_start3A_927 = arith.constant 3 : i32
      %dma_start3A_928 = arith.constant 0 : i32
      %dma_start3A_929 = arith.constant 0 : i32
      %dma_start3A_930 = tpu.memref_slice %arg8[%dma_start3A_925, %dma_start3A_928, %dma_start3A_929] : memref<4x80x128xf32, #tpu.memory_space<vmem>> -> memref<1x80x128xf32, #tpu.memory_space<vmem>>
      %dma_start3A_931 = tpu.memref_squeeze %dma_start3A_930 : memref<1x80x128xf32, #tpu.memory_space<vmem>> -> memref<80x128xf32, #tpu.memory_space<vmem>>
      %dma_start3A_932 = arith.constant 0 : i32
      %dma_start3A_933 = tpu.memref_slice %arg7[%dma_start3A_926, %dma_start3A_932] : memref<50x80xi32, #tpu.memory_space<vmem>> -> memref<1x80xi32, #tpu.memory_space<vmem>>
      %dma_start3A_934 = tpu.memref_squeeze %dma_start3A_933 : memref<1x80xi32, #tpu.memory_space<vmem>> -> memref<80xi32, #tpu.memory_space<vmem>>
      %dma_start3A_935 = arith.constant 0 : i32
      %dma_start3A_936 = arith.constant 0 : i32
      %dma_start3A_937 = tpu.memref_slice %arg6[%dma_start3A_935, %dma_start3A_936] : memref<10000x128xf32, #tpu.memory_space<vmem_shared>> -> memref<10000x128xf32, #tpu.memory_space<vmem_shared>>
      %dma_start3A_938 = tpu.memref_slice %arg10[%dma_start3A_927] : memref<4x!tpu.dma_semaphore, #tpu.memory_space<semaphore_mem>> -> memref<1x!tpu.dma_semaphore, #tpu.memory_space<semaphore_mem>>
      %dma_start3A_939 = tpu.memref_squeeze %dma_start3A_938 : memref<1x!tpu.dma_semaphore, #tpu.memory_space<semaphore_mem>> -> memref<!tpu.dma_semaphore, #tpu.memory_space<semaphore_mem>>
      tpu.enqueue_indirect_dma source(%dma_start3A_931 : memref<80x128xf32, #tpu.memory_space<vmem>>) target(%dma_start3A_937 : memref<10000x128xf32, #tpu.memory_space<vmem_shared>>) offsets(%dma_start3A_934 : memref<80xi32, #tpu.memory_space<vmem>>) semaphore(%dma_start3A_939 : memref<!tpu.dma_semaphore, #tpu.memory_space<semaphore_mem>>) {add = true}
      %dma_wait3A_940 = arith.constant 1 : i32
      %dma_wait3A_941 = arith.constant 38 : i32
      %dma_wait3A_942 = arith.constant 1 : i32
      %dma_wait3A_943 = arith.constant 0 : i32
      %dma_wait3A_944 = arith.constant 0 : i32
      %dma_wait3A_945 = tpu.memref_slice %arg8[%dma_wait3A_940, %dma_wait3A_943, %dma_wait3A_944] : memref<4x80x128xf32, #tpu.memory_space<vmem>> -> memref<1x80x128xf32, #tpu.memory_space<vmem>>
      %dma_wait3A_946 = tpu.memref_squeeze %dma_wait3A_945 : memref<1x80x128xf32, #tpu.memory_space<vmem>> -> memref<80x128xf32, #tpu.memory_space<vmem>>
      %dma_wait3A_947 = arith.constant 0 : i32
      %dma_wait3A_948 = tpu.memref_slice %arg7[%dma_wait3A_941, %dma_wait3A_947] : memref<50x80xi32, #tpu.memory_space<vmem>> -> memref<1x80xi32, #tpu.memory_space<vmem>>
      %dma_wait3A_949 = tpu.memref_squeeze %dma_wait3A_948 : memref<1x80xi32, #tpu.memory_space<vmem>> -> memref<80xi32, #tpu.memory_space<vmem>>
      %dma_wait3A_950 = arith.constant 0 : i32
      %dma_wait3A_951 = arith.constant 0 : i32
      %dma_wait3A_952 = tpu.memref_slice %arg6[%dma_wait3A_950, %dma_wait3A_951] : memref<10000x128xf32, #tpu.memory_space<vmem_shared>> -> memref<10000x128xf32, #tpu.memory_space<vmem_shared>>
      %dma_wait3A_953 = tpu.memref_slice %arg10[%dma_wait3A_942] : memref<4x!tpu.dma_semaphore, #tpu.memory_space<semaphore_mem>> -> memref<1x!tpu.dma_semaphore, #tpu.memory_space<semaphore_mem>>
      %dma_wait3A_954 = tpu.memref_squeeze %dma_wait3A_953 : memref<1x!tpu.dma_semaphore, #tpu.memory_space<semaphore_mem>> -> memref<!tpu.dma_semaphore, #tpu.memory_space<semaphore_mem>>
      tpu.wait_indirect_dma semaphore(%dma_wait3A_954 : memref<!tpu.dma_semaphore, #tpu.memory_space<semaphore_mem>>) src(%dma_wait3A_946 : memref<80x128xf32, #tpu.memory_space<vmem>>) dst(%dma_wait3A_952 : memref<10000x128xf32, #tpu.memory_space<vmem_shared>>)
      %dma_start3A_955 = arith.constant 17 : i32
      %dma_start3A_956 = arith.constant 1 : i32
      %dma_start3A_957 = arith.constant 1 : i32
      %dma_start3A_958 = arith.constant 0 : i32
      %dma_start3A_959 = arith.constant 0 : i32
      %dma_start3A_960 = tpu.memref_slice %arg8[%dma_start3A_956, %dma_start3A_958, %dma_start3A_959] : memref<4x80x128xf32, #tpu.memory_space<vmem>> -> memref<1x80x128xf32, #tpu.memory_space<vmem>>
      %dma_start3A_961 = tpu.memref_squeeze %dma_start3A_960 : memref<1x80x128xf32, #tpu.memory_space<vmem>> -> memref<80x128xf32, #tpu.memory_space<vmem>>
      %dma_start3A_962 = arith.constant 0 : i32
      %dma_start3A_963 = tpu.memref_slice %arg7[%dma_start3A_955, %dma_start3A_962] : memref<50x80xi32, #tpu.memory_space<vmem>> -> memref<1x80xi32, #tpu.memory_space<vmem>>
      %dma_start3A_964 = tpu.memref_squeeze %dma_start3A_963 : memref<1x80xi32, #tpu.memory_space<vmem>> -> memref<80xi32, #tpu.memory_space<vmem>>
      %dma_start3A_965 = arith.constant 0 : i32
      %dma_start3A_966 = arith.constant 0 : i32
      %dma_start3A_967 = tpu.memref_slice %arg2[%dma_start3A_965, %dma_start3A_966] : memref<20000x128xf32, #tpu.memory_space<hbm>> -> memref<20000x128xf32, #tpu.memory_space<hbm>>
      %dma_start3A_968 = tpu.memref_slice %arg9[%dma_start3A_957] : memref<4x!tpu.dma_semaphore, #tpu.memory_space<semaphore_mem>> -> memref<1x!tpu.dma_semaphore, #tpu.memory_space<semaphore_mem>>
      %dma_start3A_969 = tpu.memref_squeeze %dma_start3A_968 : memref<1x!tpu.dma_semaphore, #tpu.memory_space<semaphore_mem>> -> memref<!tpu.dma_semaphore, #tpu.memory_space<semaphore_mem>>
      tpu.enqueue_indirect_dma source(%dma_start3A_967 : memref<20000x128xf32, #tpu.memory_space<hbm>>) target(%dma_start3A_961 : memref<80x128xf32, #tpu.memory_space<vmem>>) offsets(%dma_start3A_964 : memref<80xi32, #tpu.memory_space<vmem>>) semaphore(%dma_start3A_969 : memref<!tpu.dma_semaphore, #tpu.memory_space<semaphore_mem>>)
      %dma_wait3A_970 = arith.constant 16 : i32
      %dma_wait3A_971 = arith.constant 0 : i32
      %dma_wait3A_972 = arith.constant 0 : i32
      %dma_wait3A_973 = arith.constant 0 : i32
      %dma_wait3A_974 = arith.constant 0 : i32
      %dma_wait3A_975 = tpu.memref_slice %arg8[%dma_wait3A_971, %dma_wait3A_973, %dma_wait3A_974] : memref<4x80x128xf32, #tpu.memory_space<vmem>> -> memref<1x80x128xf32, #tpu.memory_space<vmem>>
      %dma_wait3A_976 = tpu.memref_squeeze %dma_wait3A_975 : memref<1x80x128xf32, #tpu.memory_space<vmem>> -> memref<80x128xf32, #tpu.memory_space<vmem>>
      %dma_wait3A_977 = arith.constant 0 : i32
      %dma_wait3A_978 = tpu.memref_slice %arg7[%dma_wait3A_970, %dma_wait3A_977] : memref<50x80xi32, #tpu.memory_space<vmem>> -> memref<1x80xi32, #tpu.memory_space<vmem>>
      %dma_wait3A_979 = tpu.memref_squeeze %dma_wait3A_978 : memref<1x80xi32, #tpu.memory_space<vmem>> -> memref<80xi32, #tpu.memory_space<vmem>>
      %dma_wait3A_980 = arith.constant 0 : i32
      %dma_wait3A_981 = arith.constant 0 : i32
      %dma_wait3A_982 = tpu.memref_slice %arg2[%dma_wait3A_980, %dma_wait3A_981] : memref<20000x128xf32, #tpu.memory_space<hbm>> -> memref<20000x128xf32, #tpu.memory_space<hbm>>
      %dma_wait3A_983 = tpu.memref_slice %arg9[%dma_wait3A_972] : memref<4x!tpu.dma_semaphore, #tpu.memory_space<semaphore_mem>> -> memref<1x!tpu.dma_semaphore, #tpu.memory_space<semaphore_mem>>
      %dma_wait3A_984 = tpu.memref_squeeze %dma_wait3A_983 : memref<1x!tpu.dma_semaphore, #tpu.memory_space<semaphore_mem>> -> memref<!tpu.dma_semaphore, #tpu.memory_space<semaphore_mem>>
      tpu.wait_indirect_dma semaphore(%dma_wait3A_984 : memref<!tpu.dma_semaphore, #tpu.memory_space<semaphore_mem>>) src(%dma_wait3A_982 : memref<20000x128xf32, #tpu.memory_space<hbm>>) dst(%dma_wait3A_976 : memref<80x128xf32, #tpu.memory_space<vmem>>)
      %dma_start3A_985 = arith.constant 0 : i32
      %dma_start3A_986 = arith.constant 41 : i32
      %dma_start3A_987 = arith.constant 0 : i32
      %dma_start3A_988 = arith.constant 0 : i32
      %dma_start3A_989 = arith.constant 0 : i32
      %dma_start3A_990 = tpu.memref_slice %arg8[%dma_start3A_985, %dma_start3A_988, %dma_start3A_989] : memref<4x80x128xf32, #tpu.memory_space<vmem>> -> memref<1x80x128xf32, #tpu.memory_space<vmem>>
      %dma_start3A_991 = tpu.memref_squeeze %dma_start3A_990 : memref<1x80x128xf32, #tpu.memory_space<vmem>> -> memref<80x128xf32, #tpu.memory_space<vmem>>
      %dma_start3A_992 = arith.constant 0 : i32
      %dma_start3A_993 = tpu.memref_slice %arg7[%dma_start3A_986, %dma_start3A_992] : memref<50x80xi32, #tpu.memory_space<vmem>> -> memref<1x80xi32, #tpu.memory_space<vmem>>
      %dma_start3A_994 = tpu.memref_squeeze %dma_start3A_993 : memref<1x80xi32, #tpu.memory_space<vmem>> -> memref<80xi32, #tpu.memory_space<vmem>>
      %dma_start3A_995 = arith.constant 0 : i32
      %dma_start3A_996 = arith.constant 0 : i32
      %dma_start3A_997 = tpu.memref_slice %arg6[%dma_start3A_995, %dma_start3A_996] : memref<10000x128xf32, #tpu.memory_space<vmem_shared>> -> memref<10000x128xf32, #tpu.memory_space<vmem_shared>>
      %dma_start3A_998 = tpu.memref_slice %arg10[%dma_start3A_987] : memref<4x!tpu.dma_semaphore, #tpu.memory_space<semaphore_mem>> -> memref<1x!tpu.dma_semaphore, #tpu.memory_space<semaphore_mem>>
      %dma_start3A_999 = tpu.memref_squeeze %dma_start3A_998 : memref<1x!tpu.dma_semaphore, #tpu.memory_space<semaphore_mem>> -> memref<!tpu.dma_semaphore, #tpu.memory_space<semaphore_mem>>
      tpu.enqueue_indirect_dma source(%dma_start3A_991 : memref<80x128xf32, #tpu.memory_space<vmem>>) target(%dma_start3A_997 : memref<10000x128xf32, #tpu.memory_space<vmem_shared>>) offsets(%dma_start3A_994 : memref<80xi32, #tpu.memory_space<vmem>>) semaphore(%dma_start3A_999 : memref<!tpu.dma_semaphore, #tpu.memory_space<semaphore_mem>>) {add = true}
      %dma_wait3A_1000 = arith.constant 2 : i32
      %dma_wait3A_1001 = arith.constant 39 : i32
      %dma_wait3A_1002 = arith.constant 2 : i32
      %dma_wait3A_1003 = arith.constant 0 : i32
      %dma_wait3A_1004 = arith.constant 0 : i32
      %dma_wait3A_1005 = tpu.memref_slice %arg8[%dma_wait3A_1000, %dma_wait3A_1003, %dma_wait3A_1004] : memref<4x80x128xf32, #tpu.memory_space<vmem>> -> memref<1x80x128xf32, #tpu.memory_space<vmem>>
      %dma_wait3A_1006 = tpu.memref_squeeze %dma_wait3A_1005 : memref<1x80x128xf32, #tpu.memory_space<vmem>> -> memref<80x128xf32, #tpu.memory_space<vmem>>
      %dma_wait3A_1007 = arith.constant 0 : i32
      %dma_wait3A_1008 = tpu.memref_slice %arg7[%dma_wait3A_1001, %dma_wait3A_1007] : memref<50x80xi32, #tpu.memory_space<vmem>> -> memref<1x80xi32, #tpu.memory_space<vmem>>
      %dma_wait3A_1009 = tpu.memref_squeeze %dma_wait3A_1008 : memref<1x80xi32, #tpu.memory_space<vmem>> -> memref<80xi32, #tpu.memory_space<vmem>>
      %dma_wait3A_1010 = arith.constant 0 : i32
      %dma_wait3A_1011 = arith.constant 0 : i32
      %dma_wait3A_1012 = tpu.memref_slice %arg6[%dma_wait3A_1010, %dma_wait3A_1011] : memref<10000x128xf32, #tpu.memory_space<vmem_shared>> -> memref<10000x128xf32, #tpu.memory_space<vmem_shared>>
      %dma_wait3A_1013 = tpu.memref_slice %arg10[%dma_wait3A_1002] : memref<4x!tpu.dma_semaphore, #tpu.memory_space<semaphore_mem>> -> memref<1x!tpu.dma_semaphore, #tpu.memory_space<semaphore_mem>>
      %dma_wait3A_1014 = tpu.memref_squeeze %dma_wait3A_1013 : memref<1x!tpu.dma_semaphore, #tpu.memory_space<semaphore_mem>> -> memref<!tpu.dma_semaphore, #tpu.memory_space<semaphore_mem>>
      tpu.wait_indirect_dma semaphore(%dma_wait3A_1014 : memref<!tpu.dma_semaphore, #tpu.memory_space<semaphore_mem>>) src(%dma_wait3A_1006 : memref<80x128xf32, #tpu.memory_space<vmem>>) dst(%dma_wait3A_1012 : memref<10000x128xf32, #tpu.memory_space<vmem_shared>>)
      %dma_start3A_1015 = arith.constant 18 : i32
      %dma_start3A_1016 = arith.constant 2 : i32
      %dma_start3A_1017 = arith.constant 2 : i32
      %dma_start3A_1018 = arith.constant 0 : i32
      %dma_start3A_1019 = arith.constant 0 : i32
      %dma_start3A_1020 = tpu.memref_slice %arg8[%dma_start3A_1016, %dma_start3A_1018, %dma_start3A_1019] : memref<4x80x128xf32, #tpu.memory_space<vmem>> -> memref<1x80x128xf32, #tpu.memory_space<vmem>>
      %dma_start3A_1021 = tpu.memref_squeeze %dma_start3A_1020 : memref<1x80x128xf32, #tpu.memory_space<vmem>> -> memref<80x128xf32, #tpu.memory_space<vmem>>
      %dma_start3A_1022 = arith.constant 0 : i32
      %dma_start3A_1023 = tpu.memref_slice %arg7[%dma_start3A_1015, %dma_start3A_1022] : memref<50x80xi32, #tpu.memory_space<vmem>> -> memref<1x80xi32, #tpu.memory_space<vmem>>
      %dma_start3A_1024 = tpu.memref_squeeze %dma_start3A_1023 : memref<1x80xi32, #tpu.memory_space<vmem>> -> memref<80xi32, #tpu.memory_space<vmem>>
      %dma_start3A_1025 = arith.constant 0 : i32
      %dma_start3A_1026 = arith.constant 0 : i32
      %dma_start3A_1027 = tpu.memref_slice %arg2[%dma_start3A_1025, %dma_start3A_1026] : memref<20000x128xf32, #tpu.memory_space<hbm>> -> memref<20000x128xf32, #tpu.memory_space<hbm>>
      %dma_start3A_1028 = tpu.memref_slice %arg9[%dma_start3A_1017] : memref<4x!tpu.dma_semaphore, #tpu.memory_space<semaphore_mem>> -> memref<1x!tpu.dma_semaphore, #tpu.memory_space<semaphore_mem>>
      %dma_start3A_1029 = tpu.memref_squeeze %dma_start3A_1028 : memref<1x!tpu.dma_semaphore, #tpu.memory_space<semaphore_mem>> -> memref<!tpu.dma_semaphore, #tpu.memory_space<semaphore_mem>>
      tpu.enqueue_indirect_dma source(%dma_start3A_1027 : memref<20000x128xf32, #tpu.memory_space<hbm>>) target(%dma_start3A_1021 : memref<80x128xf32, #tpu.memory_space<vmem>>) offsets(%dma_start3A_1024 : memref<80xi32, #tpu.memory_space<vmem>>) semaphore(%dma_start3A_1029 : memref<!tpu.dma_semaphore, #tpu.memory_space<semaphore_mem>>)
      %dma_wait3A_1030 = arith.constant 17 : i32
      %dma_wait3A_1031 = arith.constant 1 : i32
      %dma_wait3A_1032 = arith.constant 1 : i32
      %dma_wait3A_1033 = arith.constant 0 : i32
      %dma_wait3A_1034 = arith.constant 0 : i32
      %dma_wait3A_1035 = tpu.memref_slice %arg8[%dma_wait3A_1031, %dma_wait3A_1033, %dma_wait3A_1034] : memref<4x80x128xf32, #tpu.memory_space<vmem>> -> memref<1x80x128xf32, #tpu.memory_space<vmem>>
      %dma_wait3A_1036 = tpu.memref_squeeze %dma_wait3A_1035 : memref<1x80x128xf32, #tpu.memory_space<vmem>> -> memref<80x128xf32, #tpu.memory_space<vmem>>
      %dma_wait3A_1037 = arith.constant 0 : i32
      %dma_wait3A_1038 = tpu.memref_slice %arg7[%dma_wait3A_1030, %dma_wait3A_1037] : memref<50x80xi32, #tpu.memory_space<vmem>> -> memref<1x80xi32, #tpu.memory_space<vmem>>
      %dma_wait3A_1039 = tpu.memref_squeeze %dma_wait3A_1038 : memref<1x80xi32, #tpu.memory_space<vmem>> -> memref<80xi32, #tpu.memory_space<vmem>>
      %dma_wait3A_1040 = arith.constant 0 : i32
      %dma_wait3A_1041 = arith.constant 0 : i32
      %dma_wait3A_1042 = tpu.memref_slice %arg2[%dma_wait3A_1040, %dma_wait3A_1041] : memref<20000x128xf32, #tpu.memory_space<hbm>> -> memref<20000x128xf32, #tpu.memory_space<hbm>>
      %dma_wait3A_1043 = tpu.memref_slice %arg9[%dma_wait3A_1032] : memref<4x!tpu.dma_semaphore, #tpu.memory_space<semaphore_mem>> -> memref<1x!tpu.dma_semaphore, #tpu.memory_space<semaphore_mem>>
      %dma_wait3A_1044 = tpu.memref_squeeze %dma_wait3A_1043 : memref<1x!tpu.dma_semaphore, #tpu.memory_space<semaphore_mem>> -> memref<!tpu.dma_semaphore, #tpu.memory_space<semaphore_mem>>
      tpu.wait_indirect_dma semaphore(%dma_wait3A_1044 : memref<!tpu.dma_semaphore, #tpu.memory_space<semaphore_mem>>) src(%dma_wait3A_1042 : memref<20000x128xf32, #tpu.memory_space<hbm>>) dst(%dma_wait3A_1036 : memref<80x128xf32, #tpu.memory_space<vmem>>)
      %dma_start3A_1045 = arith.constant 1 : i32
      %dma_start3A_1046 = arith.constant 42 : i32
      %dma_start3A_1047 = arith.constant 1 : i32
      %dma_start3A_1048 = arith.constant 0 : i32
      %dma_start3A_1049 = arith.constant 0 : i32
      %dma_start3A_1050 = tpu.memref_slice %arg8[%dma_start3A_1045, %dma_start3A_1048, %dma_start3A_1049] : memref<4x80x128xf32, #tpu.memory_space<vmem>> -> memref<1x80x128xf32, #tpu.memory_space<vmem>>
      %dma_start3A_1051 = tpu.memref_squeeze %dma_start3A_1050 : memref<1x80x128xf32, #tpu.memory_space<vmem>> -> memref<80x128xf32, #tpu.memory_space<vmem>>
      %dma_start3A_1052 = arith.constant 0 : i32
      %dma_start3A_1053 = tpu.memref_slice %arg7[%dma_start3A_1046, %dma_start3A_1052] : memref<50x80xi32, #tpu.memory_space<vmem>> -> memref<1x80xi32, #tpu.memory_space<vmem>>
      %dma_start3A_1054 = tpu.memref_squeeze %dma_start3A_1053 : memref<1x80xi32, #tpu.memory_space<vmem>> -> memref<80xi32, #tpu.memory_space<vmem>>
      %dma_start3A_1055 = arith.constant 0 : i32
      %dma_start3A_1056 = arith.constant 0 : i32
      %dma_start3A_1057 = tpu.memref_slice %arg6[%dma_start3A_1055, %dma_start3A_1056] : memref<10000x128xf32, #tpu.memory_space<vmem_shared>> -> memref<10000x128xf32, #tpu.memory_space<vmem_shared>>
      %dma_start3A_1058 = tpu.memref_slice %arg10[%dma_start3A_1047] : memref<4x!tpu.dma_semaphore, #tpu.memory_space<semaphore_mem>> -> memref<1x!tpu.dma_semaphore, #tpu.memory_space<semaphore_mem>>
      %dma_start3A_1059 = tpu.memref_squeeze %dma_start3A_1058 : memref<1x!tpu.dma_semaphore, #tpu.memory_space<semaphore_mem>> -> memref<!tpu.dma_semaphore, #tpu.memory_space<semaphore_mem>>
      tpu.enqueue_indirect_dma source(%dma_start3A_1051 : memref<80x128xf32, #tpu.memory_space<vmem>>) target(%dma_start3A_1057 : memref<10000x128xf32, #tpu.memory_space<vmem_shared>>) offsets(%dma_start3A_1054 : memref<80xi32, #tpu.memory_space<vmem>>) semaphore(%dma_start3A_1059 : memref<!tpu.dma_semaphore, #tpu.memory_space<semaphore_mem>>) {add = true}
      %dma_wait3A_1060 = arith.constant 3 : i32
      %dma_wait3A_1061 = arith.constant 40 : i32
      %dma_wait3A_1062 = arith.constant 3 : i32
      %dma_wait3A_1063 = arith.constant 0 : i32
      %dma_wait3A_1064 = arith.constant 0 : i32
      %dma_wait3A_1065 = tpu.memref_slice %arg8[%dma_wait3A_1060, %dma_wait3A_1063, %dma_wait3A_1064] : memref<4x80x128xf32, #tpu.memory_space<vmem>> -> memref<1x80x128xf32, #tpu.memory_space<vmem>>
      %dma_wait3A_1066 = tpu.memref_squeeze %dma_wait3A_1065 : memref<1x80x128xf32, #tpu.memory_space<vmem>> -> memref<80x128xf32, #tpu.memory_space<vmem>>
      %dma_wait3A_1067 = arith.constant 0 : i32
      %dma_wait3A_1068 = tpu.memref_slice %arg7[%dma_wait3A_1061, %dma_wait3A_1067] : memref<50x80xi32, #tpu.memory_space<vmem>> -> memref<1x80xi32, #tpu.memory_space<vmem>>
      %dma_wait3A_1069 = tpu.memref_squeeze %dma_wait3A_1068 : memref<1x80xi32, #tpu.memory_space<vmem>> -> memref<80xi32, #tpu.memory_space<vmem>>
      %dma_wait3A_1070 = arith.constant 0 : i32
      %dma_wait3A_1071 = arith.constant 0 : i32
      %dma_wait3A_1072 = tpu.memref_slice %arg6[%dma_wait3A_1070, %dma_wait3A_1071] : memref<10000x128xf32, #tpu.memory_space<vmem_shared>> -> memref<10000x128xf32, #tpu.memory_space<vmem_shared>>
      %dma_wait3A_1073 = tpu.memref_slice %arg10[%dma_wait3A_1062] : memref<4x!tpu.dma_semaphore, #tpu.memory_space<semaphore_mem>> -> memref<1x!tpu.dma_semaphore, #tpu.memory_space<semaphore_mem>>
      %dma_wait3A_1074 = tpu.memref_squeeze %dma_wait3A_1073 : memref<1x!tpu.dma_semaphore, #tpu.memory_space<semaphore_mem>> -> memref<!tpu.dma_semaphore, #tpu.memory_space<semaphore_mem>>
      tpu.wait_indirect_dma semaphore(%dma_wait3A_1074 : memref<!tpu.dma_semaphore, #tpu.memory_space<semaphore_mem>>) src(%dma_wait3A_1066 : memref<80x128xf32, #tpu.memory_space<vmem>>) dst(%dma_wait3A_1072 : memref<10000x128xf32, #tpu.memory_space<vmem_shared>>)
      %dma_start3A_1075 = arith.constant 19 : i32
      %dma_start3A_1076 = arith.constant 3 : i32
      %dma_start3A_1077 = arith.constant 3 : i32
      %dma_start3A_1078 = arith.constant 0 : i32
      %dma_start3A_1079 = arith.constant 0 : i32
      %dma_start3A_1080 = tpu.memref_slice %arg8[%dma_start3A_1076, %dma_start3A_1078, %dma_start3A_1079] : memref<4x80x128xf32, #tpu.memory_space<vmem>> -> memref<1x80x128xf32, #tpu.memory_space<vmem>>
      %dma_start3A_1081 = tpu.memref_squeeze %dma_start3A_1080 : memref<1x80x128xf32, #tpu.memory_space<vmem>> -> memref<80x128xf32, #tpu.memory_space<vmem>>
      %dma_start3A_1082 = arith.constant 0 : i32
      %dma_start3A_1083 = tpu.memref_slice %arg7[%dma_start3A_1075, %dma_start3A_1082] : memref<50x80xi32, #tpu.memory_space<vmem>> -> memref<1x80xi32, #tpu.memory_space<vmem>>
      %dma_start3A_1084 = tpu.memref_squeeze %dma_start3A_1083 : memref<1x80xi32, #tpu.memory_space<vmem>> -> memref<80xi32, #tpu.memory_space<vmem>>
      %dma_start3A_1085 = arith.constant 0 : i32
      %dma_start3A_1086 = arith.constant 0 : i32
      %dma_start3A_1087 = tpu.memref_slice %arg2[%dma_start3A_1085, %dma_start3A_1086] : memref<20000x128xf32, #tpu.memory_space<hbm>> -> memref<20000x128xf32, #tpu.memory_space<hbm>>
      %dma_start3A_1088 = tpu.memref_slice %arg9[%dma_start3A_1077] : memref<4x!tpu.dma_semaphore, #tpu.memory_space<semaphore_mem>> -> memref<1x!tpu.dma_semaphore, #tpu.memory_space<semaphore_mem>>
      %dma_start3A_1089 = tpu.memref_squeeze %dma_start3A_1088 : memref<1x!tpu.dma_semaphore, #tpu.memory_space<semaphore_mem>> -> memref<!tpu.dma_semaphore, #tpu.memory_space<semaphore_mem>>
      tpu.enqueue_indirect_dma source(%dma_start3A_1087 : memref<20000x128xf32, #tpu.memory_space<hbm>>) target(%dma_start3A_1081 : memref<80x128xf32, #tpu.memory_space<vmem>>) offsets(%dma_start3A_1084 : memref<80xi32, #tpu.memory_space<vmem>>) semaphore(%dma_start3A_1089 : memref<!tpu.dma_semaphore, #tpu.memory_space<semaphore_mem>>)
      %dma_wait3A_1090 = arith.constant 18 : i32
      %dma_wait3A_1091 = arith.constant 2 : i32
      %dma_wait3A_1092 = arith.constant 2 : i32
      %dma_wait3A_1093 = arith.constant 0 : i32
      %dma_wait3A_1094 = arith.constant 0 : i32
      %dma_wait3A_1095 = tpu.memref_slice %arg8[%dma_wait3A_1091, %dma_wait3A_1093, %dma_wait3A_1094] : memref<4x80x128xf32, #tpu.memory_space<vmem>> -> memref<1x80x128xf32, #tpu.memory_space<vmem>>
      %dma_wait3A_1096 = tpu.memref_squeeze %dma_wait3A_1095 : memref<1x80x128xf32, #tpu.memory_space<vmem>> -> memref<80x128xf32, #tpu.memory_space<vmem>>
      %dma_wait3A_1097 = arith.constant 0 : i32
      %dma_wait3A_1098 = tpu.memref_slice %arg7[%dma_wait3A_1090, %dma_wait3A_1097] : memref<50x80xi32, #tpu.memory_space<vmem>> -> memref<1x80xi32, #tpu.memory_space<vmem>>
      %dma_wait3A_1099 = tpu.memref_squeeze %dma_wait3A_1098 : memref<1x80xi32, #tpu.memory_space<vmem>> -> memref<80xi32, #tpu.memory_space<vmem>>
      %dma_wait3A_1100 = arith.constant 0 : i32
      %dma_wait3A_1101 = arith.constant 0 : i32
      %dma_wait3A_1102 = tpu.memref_slice %arg2[%dma_wait3A_1100, %dma_wait3A_1101] : memref<20000x128xf32, #tpu.memory_space<hbm>> -> memref<20000x128xf32, #tpu.memory_space<hbm>>
      %dma_wait3A_1103 = tpu.memref_slice %arg9[%dma_wait3A_1092] : memref<4x!tpu.dma_semaphore, #tpu.memory_space<semaphore_mem>> -> memref<1x!tpu.dma_semaphore, #tpu.memory_space<semaphore_mem>>
      %dma_wait3A_1104 = tpu.memref_squeeze %dma_wait3A_1103 : memref<1x!tpu.dma_semaphore, #tpu.memory_space<semaphore_mem>> -> memref<!tpu.dma_semaphore, #tpu.memory_space<semaphore_mem>>
      tpu.wait_indirect_dma semaphore(%dma_wait3A_1104 : memref<!tpu.dma_semaphore, #tpu.memory_space<semaphore_mem>>) src(%dma_wait3A_1102 : memref<20000x128xf32, #tpu.memory_space<hbm>>) dst(%dma_wait3A_1096 : memref<80x128xf32, #tpu.memory_space<vmem>>)
      %dma_start3A_1105 = arith.constant 2 : i32
      %dma_start3A_1106 = arith.constant 43 : i32
      %dma_start3A_1107 = arith.constant 2 : i32
      %dma_start3A_1108 = arith.constant 0 : i32
      %dma_start3A_1109 = arith.constant 0 : i32
      %dma_start3A_1110 = tpu.memref_slice %arg8[%dma_start3A_1105, %dma_start3A_1108, %dma_start3A_1109] : memref<4x80x128xf32, #tpu.memory_space<vmem>> -> memref<1x80x128xf32, #tpu.memory_space<vmem>>
      %dma_start3A_1111 = tpu.memref_squeeze %dma_start3A_1110 : memref<1x80x128xf32, #tpu.memory_space<vmem>> -> memref<80x128xf32, #tpu.memory_space<vmem>>
      %dma_start3A_1112 = arith.constant 0 : i32
      %dma_start3A_1113 = tpu.memref_slice %arg7[%dma_start3A_1106, %dma_start3A_1112] : memref<50x80xi32, #tpu.memory_space<vmem>> -> memref<1x80xi32, #tpu.memory_space<vmem>>
      %dma_start3A_1114 = tpu.memref_squeeze %dma_start3A_1113 : memref<1x80xi32, #tpu.memory_space<vmem>> -> memref<80xi32, #tpu.memory_space<vmem>>
      %dma_start3A_1115 = arith.constant 0 : i32
      %dma_start3A_1116 = arith.constant 0 : i32
      %dma_start3A_1117 = tpu.memref_slice %arg6[%dma_start3A_1115, %dma_start3A_1116] : memref<10000x128xf32, #tpu.memory_space<vmem_shared>> -> memref<10000x128xf32, #tpu.memory_space<vmem_shared>>
      %dma_start3A_1118 = tpu.memref_slice %arg10[%dma_start3A_1107] : memref<4x!tpu.dma_semaphore, #tpu.memory_space<semaphore_mem>> -> memref<1x!tpu.dma_semaphore, #tpu.memory_space<semaphore_mem>>
      %dma_start3A_1119 = tpu.memref_squeeze %dma_start3A_1118 : memref<1x!tpu.dma_semaphore, #tpu.memory_space<semaphore_mem>> -> memref<!tpu.dma_semaphore, #tpu.memory_space<semaphore_mem>>
      tpu.enqueue_indirect_dma source(%dma_start3A_1111 : memref<80x128xf32, #tpu.memory_space<vmem>>) target(%dma_start3A_1117 : memref<10000x128xf32, #tpu.memory_space<vmem_shared>>) offsets(%dma_start3A_1114 : memref<80xi32, #tpu.memory_space<vmem>>) semaphore(%dma_start3A_1119 : memref<!tpu.dma_semaphore, #tpu.memory_space<semaphore_mem>>) {add = true}
      %dma_wait3A_1120 = arith.constant 0 : i32
      %dma_wait3A_1121 = arith.constant 41 : i32
      %dma_wait3A_1122 = arith.constant 0 : i32
      %dma_wait3A_1123 = arith.constant 0 : i32
      %dma_wait3A_1124 = arith.constant 0 : i32
      %dma_wait3A_1125 = tpu.memref_slice %arg8[%dma_wait3A_1120, %dma_wait3A_1123, %dma_wait3A_1124] : memref<4x80x128xf32, #tpu.memory_space<vmem>> -> memref<1x80x128xf32, #tpu.memory_space<vmem>>
      %dma_wait3A_1126 = tpu.memref_squeeze %dma_wait3A_1125 : memref<1x80x128xf32, #tpu.memory_space<vmem>> -> memref<80x128xf32, #tpu.memory_space<vmem>>
      %dma_wait3A_1127 = arith.constant 0 : i32
      %dma_wait3A_1128 = tpu.memref_slice %arg7[%dma_wait3A_1121, %dma_wait3A_1127] : memref<50x80xi32, #tpu.memory_space<vmem>> -> memref<1x80xi32, #tpu.memory_space<vmem>>
      %dma_wait3A_1129 = tpu.memref_squeeze %dma_wait3A_1128 : memref<1x80xi32, #tpu.memory_space<vmem>> -> memref<80xi32, #tpu.memory_space<vmem>>
      %dma_wait3A_1130 = arith.constant 0 : i32
      %dma_wait3A_1131 = arith.constant 0 : i32
      %dma_wait3A_1132 = tpu.memref_slice %arg6[%dma_wait3A_1130, %dma_wait3A_1131] : memref<10000x128xf32, #tpu.memory_space<vmem_shared>> -> memref<10000x128xf32, #tpu.memory_space<vmem_shared>>
      %dma_wait3A_1133 = tpu.memref_slice %arg10[%dma_wait3A_1122] : memref<4x!tpu.dma_semaphore, #tpu.memory_space<semaphore_mem>> -> memref<1x!tpu.dma_semaphore, #tpu.memory_space<semaphore_mem>>
      %dma_wait3A_1134 = tpu.memref_squeeze %dma_wait3A_1133 : memref<1x!tpu.dma_semaphore, #tpu.memory_space<semaphore_mem>> -> memref<!tpu.dma_semaphore, #tpu.memory_space<semaphore_mem>>
      tpu.wait_indirect_dma semaphore(%dma_wait3A_1134 : memref<!tpu.dma_semaphore, #tpu.memory_space<semaphore_mem>>) src(%dma_wait3A_1126 : memref<80x128xf32, #tpu.memory_space<vmem>>) dst(%dma_wait3A_1132 : memref<10000x128xf32, #tpu.memory_space<vmem_shared>>)
      %dma_start3A_1135 = arith.constant 20 : i32
      %dma_start3A_1136 = arith.constant 0 : i32
      %dma_start3A_1137 = arith.constant 0 : i32
      %dma_start3A_1138 = arith.constant 0 : i32
      %dma_start3A_1139 = arith.constant 0 : i32
      %dma_start3A_1140 = tpu.memref_slice %arg8[%dma_start3A_1136, %dma_start3A_1138, %dma_start3A_1139] : memref<4x80x128xf32, #tpu.memory_space<vmem>> -> memref<1x80x128xf32, #tpu.memory_space<vmem>>
      %dma_start3A_1141 = tpu.memref_squeeze %dma_start3A_1140 : memref<1x80x128xf32, #tpu.memory_space<vmem>> -> memref<80x128xf32, #tpu.memory_space<vmem>>
      %dma_start3A_1142 = arith.constant 0 : i32
      %dma_start3A_1143 = tpu.memref_slice %arg7[%dma_start3A_1135, %dma_start3A_1142] : memref<50x80xi32, #tpu.memory_space<vmem>> -> memref<1x80xi32, #tpu.memory_space<vmem>>
      %dma_start3A_1144 = tpu.memref_squeeze %dma_start3A_1143 : memref<1x80xi32, #tpu.memory_space<vmem>> -> memref<80xi32, #tpu.memory_space<vmem>>
      %dma_start3A_1145 = arith.constant 0 : i32
      %dma_start3A_1146 = arith.constant 0 : i32
      %dma_start3A_1147 = tpu.memref_slice %arg2[%dma_start3A_1145, %dma_start3A_1146] : memref<20000x128xf32, #tpu.memory_space<hbm>> -> memref<20000x128xf32, #tpu.memory_space<hbm>>
      %dma_start3A_1148 = tpu.memref_slice %arg9[%dma_start3A_1137] : memref<4x!tpu.dma_semaphore, #tpu.memory_space<semaphore_mem>> -> memref<1x!tpu.dma_semaphore, #tpu.memory_space<semaphore_mem>>
      %dma_start3A_1149 = tpu.memref_squeeze %dma_start3A_1148 : memref<1x!tpu.dma_semaphore, #tpu.memory_space<semaphore_mem>> -> memref<!tpu.dma_semaphore, #tpu.memory_space<semaphore_mem>>
      tpu.enqueue_indirect_dma source(%dma_start3A_1147 : memref<20000x128xf32, #tpu.memory_space<hbm>>) target(%dma_start3A_1141 : memref<80x128xf32, #tpu.memory_space<vmem>>) offsets(%dma_start3A_1144 : memref<80xi32, #tpu.memory_space<vmem>>) semaphore(%dma_start3A_1149 : memref<!tpu.dma_semaphore, #tpu.memory_space<semaphore_mem>>)
      %dma_wait3A_1150 = arith.constant 19 : i32
      %dma_wait3A_1151 = arith.constant 3 : i32
      %dma_wait3A_1152 = arith.constant 3 : i32
      %dma_wait3A_1153 = arith.constant 0 : i32
      %dma_wait3A_1154 = arith.constant 0 : i32
      %dma_wait3A_1155 = tpu.memref_slice %arg8[%dma_wait3A_1151, %dma_wait3A_1153, %dma_wait3A_1154] : memref<4x80x128xf32, #tpu.memory_space<vmem>> -> memref<1x80x128xf32, #tpu.memory_space<vmem>>
      %dma_wait3A_1156 = tpu.memref_squeeze %dma_wait3A_1155 : memref<1x80x128xf32, #tpu.memory_space<vmem>> -> memref<80x128xf32, #tpu.memory_space<vmem>>
      %dma_wait3A_1157 = arith.constant 0 : i32
      %dma_wait3A_1158 = tpu.memref_slice %arg7[%dma_wait3A_1150, %dma_wait3A_1157] : memref<50x80xi32, #tpu.memory_space<vmem>> -> memref<1x80xi32, #tpu.memory_space<vmem>>
      %dma_wait3A_1159 = tpu.memref_squeeze %dma_wait3A_1158 : memref<1x80xi32, #tpu.memory_space<vmem>> -> memref<80xi32, #tpu.memory_space<vmem>>
      %dma_wait3A_1160 = arith.constant 0 : i32
      %dma_wait3A_1161 = arith.constant 0 : i32
      %dma_wait3A_1162 = tpu.memref_slice %arg2[%dma_wait3A_1160, %dma_wait3A_1161] : memref<20000x128xf32, #tpu.memory_space<hbm>> -> memref<20000x128xf32, #tpu.memory_space<hbm>>
      %dma_wait3A_1163 = tpu.memref_slice %arg9[%dma_wait3A_1152] : memref<4x!tpu.dma_semaphore, #tpu.memory_space<semaphore_mem>> -> memref<1x!tpu.dma_semaphore, #tpu.memory_space<semaphore_mem>>
      %dma_wait3A_1164 = tpu.memref_squeeze %dma_wait3A_1163 : memref<1x!tpu.dma_semaphore, #tpu.memory_space<semaphore_mem>> -> memref<!tpu.dma_semaphore, #tpu.memory_space<semaphore_mem>>
      tpu.wait_indirect_dma semaphore(%dma_wait3A_1164 : memref<!tpu.dma_semaphore, #tpu.memory_space<semaphore_mem>>) src(%dma_wait3A_1162 : memref<20000x128xf32, #tpu.memory_space<hbm>>) dst(%dma_wait3A_1156 : memref<80x128xf32, #tpu.memory_space<vmem>>)
      %dma_start3A_1165 = arith.constant 3 : i32
      %dma_start3A_1166 = arith.constant 44 : i32
      %dma_start3A_1167 = arith.constant 3 : i32
      %dma_start3A_1168 = arith.constant 0 : i32
      %dma_start3A_1169 = arith.constant 0 : i32
      %dma_start3A_1170 = tpu.memref_slice %arg8[%dma_start3A_1165, %dma_start3A_1168, %dma_start3A_1169] : memref<4x80x128xf32, #tpu.memory_space<vmem>> -> memref<1x80x128xf32, #tpu.memory_space<vmem>>
      %dma_start3A_1171 = tpu.memref_squeeze %dma_start3A_1170 : memref<1x80x128xf32, #tpu.memory_space<vmem>> -> memref<80x128xf32, #tpu.memory_space<vmem>>
      %dma_start3A_1172 = arith.constant 0 : i32
      %dma_start3A_1173 = tpu.memref_slice %arg7[%dma_start3A_1166, %dma_start3A_1172] : memref<50x80xi32, #tpu.memory_space<vmem>> -> memref<1x80xi32, #tpu.memory_space<vmem>>
      %dma_start3A_1174 = tpu.memref_squeeze %dma_start3A_1173 : memref<1x80xi32, #tpu.memory_space<vmem>> -> memref<80xi32, #tpu.memory_space<vmem>>
      %dma_start3A_1175 = arith.constant 0 : i32
      %dma_start3A_1176 = arith.constant 0 : i32
      %dma_start3A_1177 = tpu.memref_slice %arg6[%dma_start3A_1175, %dma_start3A_1176] : memref<10000x128xf32, #tpu.memory_space<vmem_shared>> -> memref<10000x128xf32, #tpu.memory_space<vmem_shared>>
      %dma_start3A_1178 = tpu.memref_slice %arg10[%dma_start3A_1167] : memref<4x!tpu.dma_semaphore, #tpu.memory_space<semaphore_mem>> -> memref<1x!tpu.dma_semaphore, #tpu.memory_space<semaphore_mem>>
      %dma_start3A_1179 = tpu.memref_squeeze %dma_start3A_1178 : memref<1x!tpu.dma_semaphore, #tpu.memory_space<semaphore_mem>> -> memref<!tpu.dma_semaphore, #tpu.memory_space<semaphore_mem>>
      tpu.enqueue_indirect_dma source(%dma_start3A_1171 : memref<80x128xf32, #tpu.memory_space<vmem>>) target(%dma_start3A_1177 : memref<10000x128xf32, #tpu.memory_space<vmem_shared>>) offsets(%dma_start3A_1174 : memref<80xi32, #tpu.memory_space<vmem>>) semaphore(%dma_start3A_1179 : memref<!tpu.dma_semaphore, #tpu.memory_space<semaphore_mem>>) {add = true}
      %dma_wait3A_1180 = arith.constant 1 : i32
      %dma_wait3A_1181 = arith.constant 42 : i32
      %dma_wait3A_1182 = arith.constant 1 : i32
      %dma_wait3A_1183 = arith.constant 0 : i32
      %dma_wait3A_1184 = arith.constant 0 : i32
      %dma_wait3A_1185 = tpu.memref_slice %arg8[%dma_wait3A_1180, %dma_wait3A_1183, %dma_wait3A_1184] : memref<4x80x128xf32, #tpu.memory_space<vmem>> -> memref<1x80x128xf32, #tpu.memory_space<vmem>>
      %dma_wait3A_1186 = tpu.memref_squeeze %dma_wait3A_1185 : memref<1x80x128xf32, #tpu.memory_space<vmem>> -> memref<80x128xf32, #tpu.memory_space<vmem>>
      %dma_wait3A_1187 = arith.constant 0 : i32
      %dma_wait3A_1188 = tpu.memref_slice %arg7[%dma_wait3A_1181, %dma_wait3A_1187] : memref<50x80xi32, #tpu.memory_space<vmem>> -> memref<1x80xi32, #tpu.memory_space<vmem>>
      %dma_wait3A_1189 = tpu.memref_squeeze %dma_wait3A_1188 : memref<1x80xi32, #tpu.memory_space<vmem>> -> memref<80xi32, #tpu.memory_space<vmem>>
      %dma_wait3A_1190 = arith.constant 0 : i32
      %dma_wait3A_1191 = arith.constant 0 : i32
      %dma_wait3A_1192 = tpu.memref_slice %arg6[%dma_wait3A_1190, %dma_wait3A_1191] : memref<10000x128xf32, #tpu.memory_space<vmem_shared>> -> memref<10000x128xf32, #tpu.memory_space<vmem_shared>>
      %dma_wait3A_1193 = tpu.memref_slice %arg10[%dma_wait3A_1182] : memref<4x!tpu.dma_semaphore, #tpu.memory_space<semaphore_mem>> -> memref<1x!tpu.dma_semaphore, #tpu.memory_space<semaphore_mem>>
      %dma_wait3A_1194 = tpu.memref_squeeze %dma_wait3A_1193 : memref<1x!tpu.dma_semaphore, #tpu.memory_space<semaphore_mem>> -> memref<!tpu.dma_semaphore, #tpu.memory_space<semaphore_mem>>
      tpu.wait_indirect_dma semaphore(%dma_wait3A_1194 : memref<!tpu.dma_semaphore, #tpu.memory_space<semaphore_mem>>) src(%dma_wait3A_1186 : memref<80x128xf32, #tpu.memory_space<vmem>>) dst(%dma_wait3A_1192 : memref<10000x128xf32, #tpu.memory_space<vmem_shared>>)
      %dma_start3A_1195 = arith.constant 21 : i32
      %dma_start3A_1196 = arith.constant 1 : i32
      %dma_start3A_1197 = arith.constant 1 : i32
      %dma_start3A_1198 = arith.constant 0 : i32
      %dma_start3A_1199 = arith.constant 0 : i32
      %dma_start3A_1200 = tpu.memref_slice %arg8[%dma_start3A_1196, %dma_start3A_1198, %dma_start3A_1199] : memref<4x80x128xf32, #tpu.memory_space<vmem>> -> memref<1x80x128xf32, #tpu.memory_space<vmem>>
      %dma_start3A_1201 = tpu.memref_squeeze %dma_start3A_1200 : memref<1x80x128xf32, #tpu.memory_space<vmem>> -> memref<80x128xf32, #tpu.memory_space<vmem>>
      %dma_start3A_1202 = arith.constant 0 : i32
      %dma_start3A_1203 = tpu.memref_slice %arg7[%dma_start3A_1195, %dma_start3A_1202] : memref<50x80xi32, #tpu.memory_space<vmem>> -> memref<1x80xi32, #tpu.memory_space<vmem>>
      %dma_start3A_1204 = tpu.memref_squeeze %dma_start3A_1203 : memref<1x80xi32, #tpu.memory_space<vmem>> -> memref<80xi32, #tpu.memory_space<vmem>>
      %dma_start3A_1205 = arith.constant 0 : i32
      %dma_start3A_1206 = arith.constant 0 : i32
      %dma_start3A_1207 = tpu.memref_slice %arg2[%dma_start3A_1205, %dma_start3A_1206] : memref<20000x128xf32, #tpu.memory_space<hbm>> -> memref<20000x128xf32, #tpu.memory_space<hbm>>
      %dma_start3A_1208 = tpu.memref_slice %arg9[%dma_start3A_1197] : memref<4x!tpu.dma_semaphore, #tpu.memory_space<semaphore_mem>> -> memref<1x!tpu.dma_semaphore, #tpu.memory_space<semaphore_mem>>
      %dma_start3A_1209 = tpu.memref_squeeze %dma_start3A_1208 : memref<1x!tpu.dma_semaphore, #tpu.memory_space<semaphore_mem>> -> memref<!tpu.dma_semaphore, #tpu.memory_space<semaphore_mem>>
      tpu.enqueue_indirect_dma source(%dma_start3A_1207 : memref<20000x128xf32, #tpu.memory_space<hbm>>) target(%dma_start3A_1201 : memref<80x128xf32, #tpu.memory_space<vmem>>) offsets(%dma_start3A_1204 : memref<80xi32, #tpu.memory_space<vmem>>) semaphore(%dma_start3A_1209 : memref<!tpu.dma_semaphore, #tpu.memory_space<semaphore_mem>>)
      %dma_wait3A_1210 = arith.constant 20 : i32
      %dma_wait3A_1211 = arith.constant 0 : i32
      %dma_wait3A_1212 = arith.constant 0 : i32
      %dma_wait3A_1213 = arith.constant 0 : i32
      %dma_wait3A_1214 = arith.constant 0 : i32
      %dma_wait3A_1215 = tpu.memref_slice %arg8[%dma_wait3A_1211, %dma_wait3A_1213, %dma_wait3A_1214] : memref<4x80x128xf32, #tpu.memory_space<vmem>> -> memref<1x80x128xf32, #tpu.memory_space<vmem>>
      %dma_wait3A_1216 = tpu.memref_squeeze %dma_wait3A_1215 : memref<1x80x128xf32, #tpu.memory_space<vmem>> -> memref<80x128xf32, #tpu.memory_space<vmem>>
      %dma_wait3A_1217 = arith.constant 0 : i32
      %dma_wait3A_1218 = tpu.memref_slice %arg7[%dma_wait3A_1210, %dma_wait3A_1217] : memref<50x80xi32, #tpu.memory_space<vmem>> -> memref<1x80xi32, #tpu.memory_space<vmem>>
      %dma_wait3A_1219 = tpu.memref_squeeze %dma_wait3A_1218 : memref<1x80xi32, #tpu.memory_space<vmem>> -> memref<80xi32, #tpu.memory_space<vmem>>
      %dma_wait3A_1220 = arith.constant 0 : i32
      %dma_wait3A_1221 = arith.constant 0 : i32
      %dma_wait3A_1222 = tpu.memref_slice %arg2[%dma_wait3A_1220, %dma_wait3A_1221] : memref<20000x128xf32, #tpu.memory_space<hbm>> -> memref<20000x128xf32, #tpu.memory_space<hbm>>
      %dma_wait3A_1223 = tpu.memref_slice %arg9[%dma_wait3A_1212] : memref<4x!tpu.dma_semaphore, #tpu.memory_space<semaphore_mem>> -> memref<1x!tpu.dma_semaphore, #tpu.memory_space<semaphore_mem>>
      %dma_wait3A_1224 = tpu.memref_squeeze %dma_wait3A_1223 : memref<1x!tpu.dma_semaphore, #tpu.memory_space<semaphore_mem>> -> memref<!tpu.dma_semaphore, #tpu.memory_space<semaphore_mem>>
      tpu.wait_indirect_dma semaphore(%dma_wait3A_1224 : memref<!tpu.dma_semaphore, #tpu.memory_space<semaphore_mem>>) src(%dma_wait3A_1222 : memref<20000x128xf32, #tpu.memory_space<hbm>>) dst(%dma_wait3A_1216 : memref<80x128xf32, #tpu.memory_space<vmem>>)
      %dma_start3A_1225 = arith.constant 0 : i32
      %dma_start3A_1226 = arith.constant 45 : i32
      %dma_start3A_1227 = arith.constant 0 : i32
      %dma_start3A_1228 = arith.constant 0 : i32
      %dma_start3A_1229 = arith.constant 0 : i32
      %dma_start3A_1230 = tpu.memref_slice %arg8[%dma_start3A_1225, %dma_start3A_1228, %dma_start3A_1229] : memref<4x80x128xf32, #tpu.memory_space<vmem>> -> memref<1x80x128xf32, #tpu.memory_space<vmem>>
      %dma_start3A_1231 = tpu.memref_squeeze %dma_start3A_1230 : memref<1x80x128xf32, #tpu.memory_space<vmem>> -> memref<80x128xf32, #tpu.memory_space<vmem>>
      %dma_start3A_1232 = arith.constant 0 : i32
      %dma_start3A_1233 = tpu.memref_slice %arg7[%dma_start3A_1226, %dma_start3A_1232] : memref<50x80xi32, #tpu.memory_space<vmem>> -> memref<1x80xi32, #tpu.memory_space<vmem>>
      %dma_start3A_1234 = tpu.memref_squeeze %dma_start3A_1233 : memref<1x80xi32, #tpu.memory_space<vmem>> -> memref<80xi32, #tpu.memory_space<vmem>>
      %dma_start3A_1235 = arith.constant 0 : i32
      %dma_start3A_1236 = arith.constant 0 : i32
      %dma_start3A_1237 = tpu.memref_slice %arg6[%dma_start3A_1235, %dma_start3A_1236] : memref<10000x128xf32, #tpu.memory_space<vmem_shared>> -> memref<10000x128xf32, #tpu.memory_space<vmem_shared>>
      %dma_start3A_1238 = tpu.memref_slice %arg10[%dma_start3A_1227] : memref<4x!tpu.dma_semaphore, #tpu.memory_space<semaphore_mem>> -> memref<1x!tpu.dma_semaphore, #tpu.memory_space<semaphore_mem>>
      %dma_start3A_1239 = tpu.memref_squeeze %dma_start3A_1238 : memref<1x!tpu.dma_semaphore, #tpu.memory_space<semaphore_mem>> -> memref<!tpu.dma_semaphore, #tpu.memory_space<semaphore_mem>>
      tpu.enqueue_indirect_dma source(%dma_start3A_1231 : memref<80x128xf32, #tpu.memory_space<vmem>>) target(%dma_start3A_1237 : memref<10000x128xf32, #tpu.memory_space<vmem_shared>>) offsets(%dma_start3A_1234 : memref<80xi32, #tpu.memory_space<vmem>>) semaphore(%dma_start3A_1239 : memref<!tpu.dma_semaphore, #tpu.memory_space<semaphore_mem>>) {add = true}
      %dma_wait3A_1240 = arith.constant 2 : i32
      %dma_wait3A_1241 = arith.constant 43 : i32
      %dma_wait3A_1242 = arith.constant 2 : i32
      %dma_wait3A_1243 = arith.constant 0 : i32
      %dma_wait3A_1244 = arith.constant 0 : i32
      %dma_wait3A_1245 = tpu.memref_slice %arg8[%dma_wait3A_1240, %dma_wait3A_1243, %dma_wait3A_1244] : memref<4x80x128xf32, #tpu.memory_space<vmem>> -> memref<1x80x128xf32, #tpu.memory_space<vmem>>
      %dma_wait3A_1246 = tpu.memref_squeeze %dma_wait3A_1245 : memref<1x80x128xf32, #tpu.memory_space<vmem>> -> memref<80x128xf32, #tpu.memory_space<vmem>>
      %dma_wait3A_1247 = arith.constant 0 : i32
      %dma_wait3A_1248 = tpu.memref_slice %arg7[%dma_wait3A_1241, %dma_wait3A_1247] : memref<50x80xi32, #tpu.memory_space<vmem>> -> memref<1x80xi32, #tpu.memory_space<vmem>>
      %dma_wait3A_1249 = tpu.memref_squeeze %dma_wait3A_1248 : memref<1x80xi32, #tpu.memory_space<vmem>> -> memref<80xi32, #tpu.memory_space<vmem>>
      %dma_wait3A_1250 = arith.constant 0 : i32
      %dma_wait3A_1251 = arith.constant 0 : i32
      %dma_wait3A_1252 = tpu.memref_slice %arg6[%dma_wait3A_1250, %dma_wait3A_1251] : memref<10000x128xf32, #tpu.memory_space<vmem_shared>> -> memref<10000x128xf32, #tpu.memory_space<vmem_shared>>
      %dma_wait3A_1253 = tpu.memref_slice %arg10[%dma_wait3A_1242] : memref<4x!tpu.dma_semaphore, #tpu.memory_space<semaphore_mem>> -> memref<1x!tpu.dma_semaphore, #tpu.memory_space<semaphore_mem>>
      %dma_wait3A_1254 = tpu.memref_squeeze %dma_wait3A_1253 : memref<1x!tpu.dma_semaphore, #tpu.memory_space<semaphore_mem>> -> memref<!tpu.dma_semaphore, #tpu.memory_space<semaphore_mem>>
      tpu.wait_indirect_dma semaphore(%dma_wait3A_1254 : memref<!tpu.dma_semaphore, #tpu.memory_space<semaphore_mem>>) src(%dma_wait3A_1246 : memref<80x128xf32, #tpu.memory_space<vmem>>) dst(%dma_wait3A_1252 : memref<10000x128xf32, #tpu.memory_space<vmem_shared>>)
      %dma_start3A_1255 = arith.constant 22 : i32
      %dma_start3A_1256 = arith.constant 2 : i32
      %dma_start3A_1257 = arith.constant 2 : i32
      %dma_start3A_1258 = arith.constant 0 : i32
      %dma_start3A_1259 = arith.constant 0 : i32
      %dma_start3A_1260 = tpu.memref_slice %arg8[%dma_start3A_1256, %dma_start3A_1258, %dma_start3A_1259] : memref<4x80x128xf32, #tpu.memory_space<vmem>> -> memref<1x80x128xf32, #tpu.memory_space<vmem>>
      %dma_start3A_1261 = tpu.memref_squeeze %dma_start3A_1260 : memref<1x80x128xf32, #tpu.memory_space<vmem>> -> memref<80x128xf32, #tpu.memory_space<vmem>>
      %dma_start3A_1262 = arith.constant 0 : i32
      %dma_start3A_1263 = tpu.memref_slice %arg7[%dma_start3A_1255, %dma_start3A_1262] : memref<50x80xi32, #tpu.memory_space<vmem>> -> memref<1x80xi32, #tpu.memory_space<vmem>>
      %dma_start3A_1264 = tpu.memref_squeeze %dma_start3A_1263 : memref<1x80xi32, #tpu.memory_space<vmem>> -> memref<80xi32, #tpu.memory_space<vmem>>
      %dma_start3A_1265 = arith.constant 0 : i32
      %dma_start3A_1266 = arith.constant 0 : i32
      %dma_start3A_1267 = tpu.memref_slice %arg2[%dma_start3A_1265, %dma_start3A_1266] : memref<20000x128xf32, #tpu.memory_space<hbm>> -> memref<20000x128xf32, #tpu.memory_space<hbm>>
      %dma_start3A_1268 = tpu.memref_slice %arg9[%dma_start3A_1257] : memref<4x!tpu.dma_semaphore, #tpu.memory_space<semaphore_mem>> -> memref<1x!tpu.dma_semaphore, #tpu.memory_space<semaphore_mem>>
      %dma_start3A_1269 = tpu.memref_squeeze %dma_start3A_1268 : memref<1x!tpu.dma_semaphore, #tpu.memory_space<semaphore_mem>> -> memref<!tpu.dma_semaphore, #tpu.memory_space<semaphore_mem>>
      tpu.enqueue_indirect_dma source(%dma_start3A_1267 : memref<20000x128xf32, #tpu.memory_space<hbm>>) target(%dma_start3A_1261 : memref<80x128xf32, #tpu.memory_space<vmem>>) offsets(%dma_start3A_1264 : memref<80xi32, #tpu.memory_space<vmem>>) semaphore(%dma_start3A_1269 : memref<!tpu.dma_semaphore, #tpu.memory_space<semaphore_mem>>)
      %dma_wait3A_1270 = arith.constant 21 : i32
      %dma_wait3A_1271 = arith.constant 1 : i32
      %dma_wait3A_1272 = arith.constant 1 : i32
      %dma_wait3A_1273 = arith.constant 0 : i32
      %dma_wait3A_1274 = arith.constant 0 : i32
      %dma_wait3A_1275 = tpu.memref_slice %arg8[%dma_wait3A_1271, %dma_wait3A_1273, %dma_wait3A_1274] : memref<4x80x128xf32, #tpu.memory_space<vmem>> -> memref<1x80x128xf32, #tpu.memory_space<vmem>>
      %dma_wait3A_1276 = tpu.memref_squeeze %dma_wait3A_1275 : memref<1x80x128xf32, #tpu.memory_space<vmem>> -> memref<80x128xf32, #tpu.memory_space<vmem>>
      %dma_wait3A_1277 = arith.constant 0 : i32
      %dma_wait3A_1278 = tpu.memref_slice %arg7[%dma_wait3A_1270, %dma_wait3A_1277] : memref<50x80xi32, #tpu.memory_space<vmem>> -> memref<1x80xi32, #tpu.memory_space<vmem>>
      %dma_wait3A_1279 = tpu.memref_squeeze %dma_wait3A_1278 : memref<1x80xi32, #tpu.memory_space<vmem>> -> memref<80xi32, #tpu.memory_space<vmem>>
      %dma_wait3A_1280 = arith.constant 0 : i32
      %dma_wait3A_1281 = arith.constant 0 : i32
      %dma_wait3A_1282 = tpu.memref_slice %arg2[%dma_wait3A_1280, %dma_wait3A_1281] : memref<20000x128xf32, #tpu.memory_space<hbm>> -> memref<20000x128xf32, #tpu.memory_space<hbm>>
      %dma_wait3A_1283 = tpu.memref_slice %arg9[%dma_wait3A_1272] : memref<4x!tpu.dma_semaphore, #tpu.memory_space<semaphore_mem>> -> memref<1x!tpu.dma_semaphore, #tpu.memory_space<semaphore_mem>>
      %dma_wait3A_1284 = tpu.memref_squeeze %dma_wait3A_1283 : memref<1x!tpu.dma_semaphore, #tpu.memory_space<semaphore_mem>> -> memref<!tpu.dma_semaphore, #tpu.memory_space<semaphore_mem>>
      tpu.wait_indirect_dma semaphore(%dma_wait3A_1284 : memref<!tpu.dma_semaphore, #tpu.memory_space<semaphore_mem>>) src(%dma_wait3A_1282 : memref<20000x128xf32, #tpu.memory_space<hbm>>) dst(%dma_wait3A_1276 : memref<80x128xf32, #tpu.memory_space<vmem>>)
      %dma_start3A_1285 = arith.constant 1 : i32
      %dma_start3A_1286 = arith.constant 46 : i32
      %dma_start3A_1287 = arith.constant 1 : i32
      %dma_start3A_1288 = arith.constant 0 : i32
      %dma_start3A_1289 = arith.constant 0 : i32
      %dma_start3A_1290 = tpu.memref_slice %arg8[%dma_start3A_1285, %dma_start3A_1288, %dma_start3A_1289] : memref<4x80x128xf32, #tpu.memory_space<vmem>> -> memref<1x80x128xf32, #tpu.memory_space<vmem>>
      %dma_start3A_1291 = tpu.memref_squeeze %dma_start3A_1290 : memref<1x80x128xf32, #tpu.memory_space<vmem>> -> memref<80x128xf32, #tpu.memory_space<vmem>>
      %dma_start3A_1292 = arith.constant 0 : i32
      %dma_start3A_1293 = tpu.memref_slice %arg7[%dma_start3A_1286, %dma_start3A_1292] : memref<50x80xi32, #tpu.memory_space<vmem>> -> memref<1x80xi32, #tpu.memory_space<vmem>>
      %dma_start3A_1294 = tpu.memref_squeeze %dma_start3A_1293 : memref<1x80xi32, #tpu.memory_space<vmem>> -> memref<80xi32, #tpu.memory_space<vmem>>
      %dma_start3A_1295 = arith.constant 0 : i32
      %dma_start3A_1296 = arith.constant 0 : i32
      %dma_start3A_1297 = tpu.memref_slice %arg6[%dma_start3A_1295, %dma_start3A_1296] : memref<10000x128xf32, #tpu.memory_space<vmem_shared>> -> memref<10000x128xf32, #tpu.memory_space<vmem_shared>>
      %dma_start3A_1298 = tpu.memref_slice %arg10[%dma_start3A_1287] : memref<4x!tpu.dma_semaphore, #tpu.memory_space<semaphore_mem>> -> memref<1x!tpu.dma_semaphore, #tpu.memory_space<semaphore_mem>>
      %dma_start3A_1299 = tpu.memref_squeeze %dma_start3A_1298 : memref<1x!tpu.dma_semaphore, #tpu.memory_space<semaphore_mem>> -> memref<!tpu.dma_semaphore, #tpu.memory_space<semaphore_mem>>
      tpu.enqueue_indirect_dma source(%dma_start3A_1291 : memref<80x128xf32, #tpu.memory_space<vmem>>) target(%dma_start3A_1297 : memref<10000x128xf32, #tpu.memory_space<vmem_shared>>) offsets(%dma_start3A_1294 : memref<80xi32, #tpu.memory_space<vmem>>) semaphore(%dma_start3A_1299 : memref<!tpu.dma_semaphore, #tpu.memory_space<semaphore_mem>>) {add = true}
      %dma_wait3A_1300 = arith.constant 3 : i32
      %dma_wait3A_1301 = arith.constant 44 : i32
      %dma_wait3A_1302 = arith.constant 3 : i32
      %dma_wait3A_1303 = arith.constant 0 : i32
      %dma_wait3A_1304 = arith.constant 0 : i32
      %dma_wait3A_1305 = tpu.memref_slice %arg8[%dma_wait3A_1300, %dma_wait3A_1303, %dma_wait3A_1304] : memref<4x80x128xf32, #tpu.memory_space<vmem>> -> memref<1x80x128xf32, #tpu.memory_space<vmem>>
      %dma_wait3A_1306 = tpu.memref_squeeze %dma_wait3A_1305 : memref<1x80x128xf32, #tpu.memory_space<vmem>> -> memref<80x128xf32, #tpu.memory_space<vmem>>
      %dma_wait3A_1307 = arith.constant 0 : i32
      %dma_wait3A_1308 = tpu.memref_slice %arg7[%dma_wait3A_1301, %dma_wait3A_1307] : memref<50x80xi32, #tpu.memory_space<vmem>> -> memref<1x80xi32, #tpu.memory_space<vmem>>
      %dma_wait3A_1309 = tpu.memref_squeeze %dma_wait3A_1308 : memref<1x80xi32, #tpu.memory_space<vmem>> -> memref<80xi32, #tpu.memory_space<vmem>>
      %dma_wait3A_1310 = arith.constant 0 : i32
      %dma_wait3A_1311 = arith.constant 0 : i32
      %dma_wait3A_1312 = tpu.memref_slice %arg6[%dma_wait3A_1310, %dma_wait3A_1311] : memref<10000x128xf32, #tpu.memory_space<vmem_shared>> -> memref<10000x128xf32, #tpu.memory_space<vmem_shared>>
      %dma_wait3A_1313 = tpu.memref_slice %arg10[%dma_wait3A_1302] : memref<4x!tpu.dma_semaphore, #tpu.memory_space<semaphore_mem>> -> memref<1x!tpu.dma_semaphore, #tpu.memory_space<semaphore_mem>>
      %dma_wait3A_1314 = tpu.memref_squeeze %dma_wait3A_1313 : memref<1x!tpu.dma_semaphore, #tpu.memory_space<semaphore_mem>> -> memref<!tpu.dma_semaphore, #tpu.memory_space<semaphore_mem>>
      tpu.wait_indirect_dma semaphore(%dma_wait3A_1314 : memref<!tpu.dma_semaphore, #tpu.memory_space<semaphore_mem>>) src(%dma_wait3A_1306 : memref<80x128xf32, #tpu.memory_space<vmem>>) dst(%dma_wait3A_1312 : memref<10000x128xf32, #tpu.memory_space<vmem_shared>>)
      %dma_start3A_1315 = arith.constant 23 : i32
      %dma_start3A_1316 = arith.constant 3 : i32
      %dma_start3A_1317 = arith.constant 3 : i32
      %dma_start3A_1318 = arith.constant 0 : i32
      %dma_start3A_1319 = arith.constant 0 : i32
      %dma_start3A_1320 = tpu.memref_slice %arg8[%dma_start3A_1316, %dma_start3A_1318, %dma_start3A_1319] : memref<4x80x128xf32, #tpu.memory_space<vmem>> -> memref<1x80x128xf32, #tpu.memory_space<vmem>>
      %dma_start3A_1321 = tpu.memref_squeeze %dma_start3A_1320 : memref<1x80x128xf32, #tpu.memory_space<vmem>> -> memref<80x128xf32, #tpu.memory_space<vmem>>
      %dma_start3A_1322 = arith.constant 0 : i32
      %dma_start3A_1323 = tpu.memref_slice %arg7[%dma_start3A_1315, %dma_start3A_1322] : memref<50x80xi32, #tpu.memory_space<vmem>> -> memref<1x80xi32, #tpu.memory_space<vmem>>
      %dma_start3A_1324 = tpu.memref_squeeze %dma_start3A_1323 : memref<1x80xi32, #tpu.memory_space<vmem>> -> memref<80xi32, #tpu.memory_space<vmem>>
      %dma_start3A_1325 = arith.constant 0 : i32
      %dma_start3A_1326 = arith.constant 0 : i32
      %dma_start3A_1327 = tpu.memref_slice %arg2[%dma_start3A_1325, %dma_start3A_1326] : memref<20000x128xf32, #tpu.memory_space<hbm>> -> memref<20000x128xf32, #tpu.memory_space<hbm>>
      %dma_start3A_1328 = tpu.memref_slice %arg9[%dma_start3A_1317] : memref<4x!tpu.dma_semaphore, #tpu.memory_space<semaphore_mem>> -> memref<1x!tpu.dma_semaphore, #tpu.memory_space<semaphore_mem>>
      %dma_start3A_1329 = tpu.memref_squeeze %dma_start3A_1328 : memref<1x!tpu.dma_semaphore, #tpu.memory_space<semaphore_mem>> -> memref<!tpu.dma_semaphore, #tpu.memory_space<semaphore_mem>>
      tpu.enqueue_indirect_dma source(%dma_start3A_1327 : memref<20000x128xf32, #tpu.memory_space<hbm>>) target(%dma_start3A_1321 : memref<80x128xf32, #tpu.memory_space<vmem>>) offsets(%dma_start3A_1324 : memref<80xi32, #tpu.memory_space<vmem>>) semaphore(%dma_start3A_1329 : memref<!tpu.dma_semaphore, #tpu.memory_space<semaphore_mem>>)
      %dma_wait3A_1330 = arith.constant 22 : i32
      %dma_wait3A_1331 = arith.constant 2 : i32
      %dma_wait3A_1332 = arith.constant 2 : i32
      %dma_wait3A_1333 = arith.constant 0 : i32
      %dma_wait3A_1334 = arith.constant 0 : i32
      %dma_wait3A_1335 = tpu.memref_slice %arg8[%dma_wait3A_1331, %dma_wait3A_1333, %dma_wait3A_1334] : memref<4x80x128xf32, #tpu.memory_space<vmem>> -> memref<1x80x128xf32, #tpu.memory_space<vmem>>
      %dma_wait3A_1336 = tpu.memref_squeeze %dma_wait3A_1335 : memref<1x80x128xf32, #tpu.memory_space<vmem>> -> memref<80x128xf32, #tpu.memory_space<vmem>>
      %dma_wait3A_1337 = arith.constant 0 : i32
      %dma_wait3A_1338 = tpu.memref_slice %arg7[%dma_wait3A_1330, %dma_wait3A_1337] : memref<50x80xi32, #tpu.memory_space<vmem>> -> memref<1x80xi32, #tpu.memory_space<vmem>>
      %dma_wait3A_1339 = tpu.memref_squeeze %dma_wait3A_1338 : memref<1x80xi32, #tpu.memory_space<vmem>> -> memref<80xi32, #tpu.memory_space<vmem>>
      %dma_wait3A_1340 = arith.constant 0 : i32
      %dma_wait3A_1341 = arith.constant 0 : i32
      %dma_wait3A_1342 = tpu.memref_slice %arg2[%dma_wait3A_1340, %dma_wait3A_1341] : memref<20000x128xf32, #tpu.memory_space<hbm>> -> memref<20000x128xf32, #tpu.memory_space<hbm>>
      %dma_wait3A_1343 = tpu.memref_slice %arg9[%dma_wait3A_1332] : memref<4x!tpu.dma_semaphore, #tpu.memory_space<semaphore_mem>> -> memref<1x!tpu.dma_semaphore, #tpu.memory_space<semaphore_mem>>
      %dma_wait3A_1344 = tpu.memref_squeeze %dma_wait3A_1343 : memref<1x!tpu.dma_semaphore, #tpu.memory_space<semaphore_mem>> -> memref<!tpu.dma_semaphore, #tpu.memory_space<semaphore_mem>>
      tpu.wait_indirect_dma semaphore(%dma_wait3A_1344 : memref<!tpu.dma_semaphore, #tpu.memory_space<semaphore_mem>>) src(%dma_wait3A_1342 : memref<20000x128xf32, #tpu.memory_space<hbm>>) dst(%dma_wait3A_1336 : memref<80x128xf32, #tpu.memory_space<vmem>>)
      %dma_start3A_1345 = arith.constant 2 : i32
      %dma_start3A_1346 = arith.constant 47 : i32
      %dma_start3A_1347 = arith.constant 2 : i32
      %dma_start3A_1348 = arith.constant 0 : i32
      %dma_start3A_1349 = arith.constant 0 : i32
      %dma_start3A_1350 = tpu.memref_slice %arg8[%dma_start3A_1345, %dma_start3A_1348, %dma_start3A_1349] : memref<4x80x128xf32, #tpu.memory_space<vmem>> -> memref<1x80x128xf32, #tpu.memory_space<vmem>>
      %dma_start3A_1351 = tpu.memref_squeeze %dma_start3A_1350 : memref<1x80x128xf32, #tpu.memory_space<vmem>> -> memref<80x128xf32, #tpu.memory_space<vmem>>
      %dma_start3A_1352 = arith.constant 0 : i32
      %dma_start3A_1353 = tpu.memref_slice %arg7[%dma_start3A_1346, %dma_start3A_1352] : memref<50x80xi32, #tpu.memory_space<vmem>> -> memref<1x80xi32, #tpu.memory_space<vmem>>
      %dma_start3A_1354 = tpu.memref_squeeze %dma_start3A_1353 : memref<1x80xi32, #tpu.memory_space<vmem>> -> memref<80xi32, #tpu.memory_space<vmem>>
      %dma_start3A_1355 = arith.constant 0 : i32
      %dma_start3A_1356 = arith.constant 0 : i32
      %dma_start3A_1357 = tpu.memref_slice %arg6[%dma_start3A_1355, %dma_start3A_1356] : memref<10000x128xf32, #tpu.memory_space<vmem_shared>> -> memref<10000x128xf32, #tpu.memory_space<vmem_shared>>
      %dma_start3A_1358 = tpu.memref_slice %arg10[%dma_start3A_1347] : memref<4x!tpu.dma_semaphore, #tpu.memory_space<semaphore_mem>> -> memref<1x!tpu.dma_semaphore, #tpu.memory_space<semaphore_mem>>
      %dma_start3A_1359 = tpu.memref_squeeze %dma_start3A_1358 : memref<1x!tpu.dma_semaphore, #tpu.memory_space<semaphore_mem>> -> memref<!tpu.dma_semaphore, #tpu.memory_space<semaphore_mem>>
      tpu.enqueue_indirect_dma source(%dma_start3A_1351 : memref<80x128xf32, #tpu.memory_space<vmem>>) target(%dma_start3A_1357 : memref<10000x128xf32, #tpu.memory_space<vmem_shared>>) offsets(%dma_start3A_1354 : memref<80xi32, #tpu.memory_space<vmem>>) semaphore(%dma_start3A_1359 : memref<!tpu.dma_semaphore, #tpu.memory_space<semaphore_mem>>) {add = true}
      %dma_wait3A_1360 = arith.constant 0 : i32
      %dma_wait3A_1361 = arith.constant 45 : i32
      %dma_wait3A_1362 = arith.constant 0 : i32
      %dma_wait3A_1363 = arith.constant 0 : i32
      %dma_wait3A_1364 = arith.constant 0 : i32
      %dma_wait3A_1365 = tpu.memref_slice %arg8[%dma_wait3A_1360, %dma_wait3A_1363, %dma_wait3A_1364] : memref<4x80x128xf32, #tpu.memory_space<vmem>> -> memref<1x80x128xf32, #tpu.memory_space<vmem>>
      %dma_wait3A_1366 = tpu.memref_squeeze %dma_wait3A_1365 : memref<1x80x128xf32, #tpu.memory_space<vmem>> -> memref<80x128xf32, #tpu.memory_space<vmem>>
      %dma_wait3A_1367 = arith.constant 0 : i32
      %dma_wait3A_1368 = tpu.memref_slice %arg7[%dma_wait3A_1361, %dma_wait3A_1367] : memref<50x80xi32, #tpu.memory_space<vmem>> -> memref<1x80xi32, #tpu.memory_space<vmem>>
      %dma_wait3A_1369 = tpu.memref_squeeze %dma_wait3A_1368 : memref<1x80xi32, #tpu.memory_space<vmem>> -> memref<80xi32, #tpu.memory_space<vmem>>
      %dma_wait3A_1370 = arith.constant 0 : i32
      %dma_wait3A_1371 = arith.constant 0 : i32
      %dma_wait3A_1372 = tpu.memref_slice %arg6[%dma_wait3A_1370, %dma_wait3A_1371] : memref<10000x128xf32, #tpu.memory_space<vmem_shared>> -> memref<10000x128xf32, #tpu.memory_space<vmem_shared>>
      %dma_wait3A_1373 = tpu.memref_slice %arg10[%dma_wait3A_1362] : memref<4x!tpu.dma_semaphore, #tpu.memory_space<semaphore_mem>> -> memref<1x!tpu.dma_semaphore, #tpu.memory_space<semaphore_mem>>
      %dma_wait3A_1374 = tpu.memref_squeeze %dma_wait3A_1373 : memref<1x!tpu.dma_semaphore, #tpu.memory_space<semaphore_mem>> -> memref<!tpu.dma_semaphore, #tpu.memory_space<semaphore_mem>>
      tpu.wait_indirect_dma semaphore(%dma_wait3A_1374 : memref<!tpu.dma_semaphore, #tpu.memory_space<semaphore_mem>>) src(%dma_wait3A_1366 : memref<80x128xf32, #tpu.memory_space<vmem>>) dst(%dma_wait3A_1372 : memref<10000x128xf32, #tpu.memory_space<vmem_shared>>)
      %dma_start3A_1375 = arith.constant 24 : i32
      %dma_start3A_1376 = arith.constant 0 : i32
      %dma_start3A_1377 = arith.constant 0 : i32
      %dma_start3A_1378 = arith.constant 0 : i32
      %dma_start3A_1379 = arith.constant 0 : i32
      %dma_start3A_1380 = tpu.memref_slice %arg8[%dma_start3A_1376, %dma_start3A_1378, %dma_start3A_1379] : memref<4x80x128xf32, #tpu.memory_space<vmem>> -> memref<1x80x128xf32, #tpu.memory_space<vmem>>
      %dma_start3A_1381 = tpu.memref_squeeze %dma_start3A_1380 : memref<1x80x128xf32, #tpu.memory_space<vmem>> -> memref<80x128xf32, #tpu.memory_space<vmem>>
      %dma_start3A_1382 = arith.constant 0 : i32
      %dma_start3A_1383 = tpu.memref_slice %arg7[%dma_start3A_1375, %dma_start3A_1382] : memref<50x80xi32, #tpu.memory_space<vmem>> -> memref<1x80xi32, #tpu.memory_space<vmem>>
      %dma_start3A_1384 = tpu.memref_squeeze %dma_start3A_1383 : memref<1x80xi32, #tpu.memory_space<vmem>> -> memref<80xi32, #tpu.memory_space<vmem>>
      %dma_start3A_1385 = arith.constant 0 : i32
      %dma_start3A_1386 = arith.constant 0 : i32
      %dma_start3A_1387 = tpu.memref_slice %arg2[%dma_start3A_1385, %dma_start3A_1386] : memref<20000x128xf32, #tpu.memory_space<hbm>> -> memref<20000x128xf32, #tpu.memory_space<hbm>>
      %dma_start3A_1388 = tpu.memref_slice %arg9[%dma_start3A_1377] : memref<4x!tpu.dma_semaphore, #tpu.memory_space<semaphore_mem>> -> memref<1x!tpu.dma_semaphore, #tpu.memory_space<semaphore_mem>>
      %dma_start3A_1389 = tpu.memref_squeeze %dma_start3A_1388 : memref<1x!tpu.dma_semaphore, #tpu.memory_space<semaphore_mem>> -> memref<!tpu.dma_semaphore, #tpu.memory_space<semaphore_mem>>
      tpu.enqueue_indirect_dma source(%dma_start3A_1387 : memref<20000x128xf32, #tpu.memory_space<hbm>>) target(%dma_start3A_1381 : memref<80x128xf32, #tpu.memory_space<vmem>>) offsets(%dma_start3A_1384 : memref<80xi32, #tpu.memory_space<vmem>>) semaphore(%dma_start3A_1389 : memref<!tpu.dma_semaphore, #tpu.memory_space<semaphore_mem>>)
      %dma_wait3A_1390 = arith.constant 23 : i32
      %dma_wait3A_1391 = arith.constant 3 : i32
      %dma_wait3A_1392 = arith.constant 3 : i32
      %dma_wait3A_1393 = arith.constant 0 : i32
      %dma_wait3A_1394 = arith.constant 0 : i32
      %dma_wait3A_1395 = tpu.memref_slice %arg8[%dma_wait3A_1391, %dma_wait3A_1393, %dma_wait3A_1394] : memref<4x80x128xf32, #tpu.memory_space<vmem>> -> memref<1x80x128xf32, #tpu.memory_space<vmem>>
      %dma_wait3A_1396 = tpu.memref_squeeze %dma_wait3A_1395 : memref<1x80x128xf32, #tpu.memory_space<vmem>> -> memref<80x128xf32, #tpu.memory_space<vmem>>
      %dma_wait3A_1397 = arith.constant 0 : i32
      %dma_wait3A_1398 = tpu.memref_slice %arg7[%dma_wait3A_1390, %dma_wait3A_1397] : memref<50x80xi32, #tpu.memory_space<vmem>> -> memref<1x80xi32, #tpu.memory_space<vmem>>
      %dma_wait3A_1399 = tpu.memref_squeeze %dma_wait3A_1398 : memref<1x80xi32, #tpu.memory_space<vmem>> -> memref<80xi32, #tpu.memory_space<vmem>>
      %dma_wait3A_1400 = arith.constant 0 : i32
      %dma_wait3A_1401 = arith.constant 0 : i32
      %dma_wait3A_1402 = tpu.memref_slice %arg2[%dma_wait3A_1400, %dma_wait3A_1401] : memref<20000x128xf32, #tpu.memory_space<hbm>> -> memref<20000x128xf32, #tpu.memory_space<hbm>>
      %dma_wait3A_1403 = tpu.memref_slice %arg9[%dma_wait3A_1392] : memref<4x!tpu.dma_semaphore, #tpu.memory_space<semaphore_mem>> -> memref<1x!tpu.dma_semaphore, #tpu.memory_space<semaphore_mem>>
      %dma_wait3A_1404 = tpu.memref_squeeze %dma_wait3A_1403 : memref<1x!tpu.dma_semaphore, #tpu.memory_space<semaphore_mem>> -> memref<!tpu.dma_semaphore, #tpu.memory_space<semaphore_mem>>
      tpu.wait_indirect_dma semaphore(%dma_wait3A_1404 : memref<!tpu.dma_semaphore, #tpu.memory_space<semaphore_mem>>) src(%dma_wait3A_1402 : memref<20000x128xf32, #tpu.memory_space<hbm>>) dst(%dma_wait3A_1396 : memref<80x128xf32, #tpu.memory_space<vmem>>)
      %dma_start3A_1405 = arith.constant 3 : i32
      %dma_start3A_1406 = arith.constant 48 : i32
      %dma_start3A_1407 = arith.constant 3 : i32
      %dma_start3A_1408 = arith.constant 0 : i32
      %dma_start3A_1409 = arith.constant 0 : i32
      %dma_start3A_1410 = tpu.memref_slice %arg8[%dma_start3A_1405, %dma_start3A_1408, %dma_start3A_1409] : memref<4x80x128xf32, #tpu.memory_space<vmem>> -> memref<1x80x128xf32, #tpu.memory_space<vmem>>
      %dma_start3A_1411 = tpu.memref_squeeze %dma_start3A_1410 : memref<1x80x128xf32, #tpu.memory_space<vmem>> -> memref<80x128xf32, #tpu.memory_space<vmem>>
      %dma_start3A_1412 = arith.constant 0 : i32
      %dma_start3A_1413 = tpu.memref_slice %arg7[%dma_start3A_1406, %dma_start3A_1412] : memref<50x80xi32, #tpu.memory_space<vmem>> -> memref<1x80xi32, #tpu.memory_space<vmem>>
      %dma_start3A_1414 = tpu.memref_squeeze %dma_start3A_1413 : memref<1x80xi32, #tpu.memory_space<vmem>> -> memref<80xi32, #tpu.memory_space<vmem>>
      %dma_start3A_1415 = arith.constant 0 : i32
      %dma_start3A_1416 = arith.constant 0 : i32
      %dma_start3A_1417 = tpu.memref_slice %arg6[%dma_start3A_1415, %dma_start3A_1416] : memref<10000x128xf32, #tpu.memory_space<vmem_shared>> -> memref<10000x128xf32, #tpu.memory_space<vmem_shared>>
      %dma_start3A_1418 = tpu.memref_slice %arg10[%dma_start3A_1407] : memref<4x!tpu.dma_semaphore, #tpu.memory_space<semaphore_mem>> -> memref<1x!tpu.dma_semaphore, #tpu.memory_space<semaphore_mem>>
      %dma_start3A_1419 = tpu.memref_squeeze %dma_start3A_1418 : memref<1x!tpu.dma_semaphore, #tpu.memory_space<semaphore_mem>> -> memref<!tpu.dma_semaphore, #tpu.memory_space<semaphore_mem>>
      tpu.enqueue_indirect_dma source(%dma_start3A_1411 : memref<80x128xf32, #tpu.memory_space<vmem>>) target(%dma_start3A_1417 : memref<10000x128xf32, #tpu.memory_space<vmem_shared>>) offsets(%dma_start3A_1414 : memref<80xi32, #tpu.memory_space<vmem>>) semaphore(%dma_start3A_1419 : memref<!tpu.dma_semaphore, #tpu.memory_space<semaphore_mem>>) {add = true}
      %dma_wait3A_1420 = arith.constant 24 : i32
      %dma_wait3A_1421 = arith.constant 0 : i32
      %dma_wait3A_1422 = arith.constant 0 : i32
      %dma_wait3A_1423 = arith.constant 0 : i32
      %dma_wait3A_1424 = arith.constant 0 : i32
      %dma_wait3A_1425 = tpu.memref_slice %arg8[%dma_wait3A_1421, %dma_wait3A_1423, %dma_wait3A_1424] : memref<4x80x128xf32, #tpu.memory_space<vmem>> -> memref<1x80x128xf32, #tpu.memory_space<vmem>>
      %dma_wait3A_1426 = tpu.memref_squeeze %dma_wait3A_1425 : memref<1x80x128xf32, #tpu.memory_space<vmem>> -> memref<80x128xf32, #tpu.memory_space<vmem>>
      %dma_wait3A_1427 = arith.constant 0 : i32
      %dma_wait3A_1428 = tpu.memref_slice %arg7[%dma_wait3A_1420, %dma_wait3A_1427] : memref<50x80xi32, #tpu.memory_space<vmem>> -> memref<1x80xi32, #tpu.memory_space<vmem>>
      %dma_wait3A_1429 = tpu.memref_squeeze %dma_wait3A_1428 : memref<1x80xi32, #tpu.memory_space<vmem>> -> memref<80xi32, #tpu.memory_space<vmem>>
      %dma_wait3A_1430 = arith.constant 0 : i32
      %dma_wait3A_1431 = arith.constant 0 : i32
      %dma_wait3A_1432 = tpu.memref_slice %arg2[%dma_wait3A_1430, %dma_wait3A_1431] : memref<20000x128xf32, #tpu.memory_space<hbm>> -> memref<20000x128xf32, #tpu.memory_space<hbm>>
      %dma_wait3A_1433 = tpu.memref_slice %arg9[%dma_wait3A_1422] : memref<4x!tpu.dma_semaphore, #tpu.memory_space<semaphore_mem>> -> memref<1x!tpu.dma_semaphore, #tpu.memory_space<semaphore_mem>>
      %dma_wait3A_1434 = tpu.memref_squeeze %dma_wait3A_1433 : memref<1x!tpu.dma_semaphore, #tpu.memory_space<semaphore_mem>> -> memref<!tpu.dma_semaphore, #tpu.memory_space<semaphore_mem>>
      tpu.wait_indirect_dma semaphore(%dma_wait3A_1434 : memref<!tpu.dma_semaphore, #tpu.memory_space<semaphore_mem>>) src(%dma_wait3A_1432 : memref<20000x128xf32, #tpu.memory_space<hbm>>) dst(%dma_wait3A_1426 : memref<80x128xf32, #tpu.memory_space<vmem>>)
      %dma_start3A_1435 = arith.constant 0 : i32
      %dma_start3A_1436 = arith.constant 49 : i32
      %dma_start3A_1437 = arith.constant 0 : i32
      %dma_start3A_1438 = arith.constant 0 : i32
      %dma_start3A_1439 = arith.constant 0 : i32
      %dma_start3A_1440 = tpu.memref_slice %arg8[%dma_start3A_1435, %dma_start3A_1438, %dma_start3A_1439] : memref<4x80x128xf32, #tpu.memory_space<vmem>> -> memref<1x80x128xf32, #tpu.memory_space<vmem>>
      %dma_start3A_1441 = tpu.memref_squeeze %dma_start3A_1440 : memref<1x80x128xf32, #tpu.memory_space<vmem>> -> memref<80x128xf32, #tpu.memory_space<vmem>>
      %dma_start3A_1442 = arith.constant 0 : i32
      %dma_start3A_1443 = tpu.memref_slice %arg7[%dma_start3A_1436, %dma_start3A_1442] : memref<50x80xi32, #tpu.memory_space<vmem>> -> memref<1x80xi32, #tpu.memory_space<vmem>>
      %dma_start3A_1444 = tpu.memref_squeeze %dma_start3A_1443 : memref<1x80xi32, #tpu.memory_space<vmem>> -> memref<80xi32, #tpu.memory_space<vmem>>
      %dma_start3A_1445 = arith.constant 0 : i32
      %dma_start3A_1446 = arith.constant 0 : i32
      %dma_start3A_1447 = tpu.memref_slice %arg6[%dma_start3A_1445, %dma_start3A_1446] : memref<10000x128xf32, #tpu.memory_space<vmem_shared>> -> memref<10000x128xf32, #tpu.memory_space<vmem_shared>>
      %dma_start3A_1448 = tpu.memref_slice %arg10[%dma_start3A_1437] : memref<4x!tpu.dma_semaphore, #tpu.memory_space<semaphore_mem>> -> memref<1x!tpu.dma_semaphore, #tpu.memory_space<semaphore_mem>>
      %dma_start3A_1449 = tpu.memref_squeeze %dma_start3A_1448 : memref<1x!tpu.dma_semaphore, #tpu.memory_space<semaphore_mem>> -> memref<!tpu.dma_semaphore, #tpu.memory_space<semaphore_mem>>
      tpu.enqueue_indirect_dma source(%dma_start3A_1441 : memref<80x128xf32, #tpu.memory_space<vmem>>) target(%dma_start3A_1447 : memref<10000x128xf32, #tpu.memory_space<vmem_shared>>) offsets(%dma_start3A_1444 : memref<80xi32, #tpu.memory_space<vmem>>) semaphore(%dma_start3A_1449 : memref<!tpu.dma_semaphore, #tpu.memory_space<semaphore_mem>>) {add = true}
      %dma_wait3A_1450 = arith.constant 1 : i32
      %dma_wait3A_1451 = arith.constant 46 : i32
      %dma_wait3A_1452 = arith.constant 1 : i32
      %dma_wait3A_1453 = arith.constant 0 : i32
      %dma_wait3A_1454 = arith.constant 0 : i32
      %dma_wait3A_1455 = tpu.memref_slice %arg8[%dma_wait3A_1450, %dma_wait3A_1453, %dma_wait3A_1454] : memref<4x80x128xf32, #tpu.memory_space<vmem>> -> memref<1x80x128xf32, #tpu.memory_space<vmem>>
      %dma_wait3A_1456 = tpu.memref_squeeze %dma_wait3A_1455 : memref<1x80x128xf32, #tpu.memory_space<vmem>> -> memref<80x128xf32, #tpu.memory_space<vmem>>
      %dma_wait3A_1457 = arith.constant 0 : i32
      %dma_wait3A_1458 = tpu.memref_slice %arg7[%dma_wait3A_1451, %dma_wait3A_1457] : memref<50x80xi32, #tpu.memory_space<vmem>> -> memref<1x80xi32, #tpu.memory_space<vmem>>
      %dma_wait3A_1459 = tpu.memref_squeeze %dma_wait3A_1458 : memref<1x80xi32, #tpu.memory_space<vmem>> -> memref<80xi32, #tpu.memory_space<vmem>>
      %dma_wait3A_1460 = arith.constant 0 : i32
      %dma_wait3A_1461 = arith.constant 0 : i32
      %dma_wait3A_1462 = tpu.memref_slice %arg6[%dma_wait3A_1460, %dma_wait3A_1461] : memref<10000x128xf32, #tpu.memory_space<vmem_shared>> -> memref<10000x128xf32, #tpu.memory_space<vmem_shared>>
      %dma_wait3A_1463 = tpu.memref_slice %arg10[%dma_wait3A_1452] : memref<4x!tpu.dma_semaphore, #tpu.memory_space<semaphore_mem>> -> memref<1x!tpu.dma_semaphore, #tpu.memory_space<semaphore_mem>>
      %dma_wait3A_1464 = tpu.memref_squeeze %dma_wait3A_1463 : memref<1x!tpu.dma_semaphore, #tpu.memory_space<semaphore_mem>> -> memref<!tpu.dma_semaphore, #tpu.memory_space<semaphore_mem>>
      tpu.wait_indirect_dma semaphore(%dma_wait3A_1464 : memref<!tpu.dma_semaphore, #tpu.memory_space<semaphore_mem>>) src(%dma_wait3A_1456 : memref<80x128xf32, #tpu.memory_space<vmem>>) dst(%dma_wait3A_1462 : memref<10000x128xf32, #tpu.memory_space<vmem_shared>>)
      %dma_wait3A_1465 = arith.constant 2 : i32
      %dma_wait3A_1466 = arith.constant 47 : i32
      %dma_wait3A_1467 = arith.constant 2 : i32
      %dma_wait3A_1468 = arith.constant 0 : i32
      %dma_wait3A_1469 = arith.constant 0 : i32
      %dma_wait3A_1470 = tpu.memref_slice %arg8[%dma_wait3A_1465, %dma_wait3A_1468, %dma_wait3A_1469] : memref<4x80x128xf32, #tpu.memory_space<vmem>> -> memref<1x80x128xf32, #tpu.memory_space<vmem>>
      %dma_wait3A_1471 = tpu.memref_squeeze %dma_wait3A_1470 : memref<1x80x128xf32, #tpu.memory_space<vmem>> -> memref<80x128xf32, #tpu.memory_space<vmem>>
      %dma_wait3A_1472 = arith.constant 0 : i32
      %dma_wait3A_1473 = tpu.memref_slice %arg7[%dma_wait3A_1466, %dma_wait3A_1472] : memref<50x80xi32, #tpu.memory_space<vmem>> -> memref<1x80xi32, #tpu.memory_space<vmem>>
      %dma_wait3A_1474 = tpu.memref_squeeze %dma_wait3A_1473 : memref<1x80xi32, #tpu.memory_space<vmem>> -> memref<80xi32, #tpu.memory_space<vmem>>
      %dma_wait3A_1475 = arith.constant 0 : i32
      %dma_wait3A_1476 = arith.constant 0 : i32
      %dma_wait3A_1477 = tpu.memref_slice %arg6[%dma_wait3A_1475, %dma_wait3A_1476] : memref<10000x128xf32, #tpu.memory_space<vmem_shared>> -> memref<10000x128xf32, #tpu.memory_space<vmem_shared>>
      %dma_wait3A_1478 = tpu.memref_slice %arg10[%dma_wait3A_1467] : memref<4x!tpu.dma_semaphore, #tpu.memory_space<semaphore_mem>> -> memref<1x!tpu.dma_semaphore, #tpu.memory_space<semaphore_mem>>
      %dma_wait3A_1479 = tpu.memref_squeeze %dma_wait3A_1478 : memref<1x!tpu.dma_semaphore, #tpu.memory_space<semaphore_mem>> -> memref<!tpu.dma_semaphore, #tpu.memory_space<semaphore_mem>>
      tpu.wait_indirect_dma semaphore(%dma_wait3A_1479 : memref<!tpu.dma_semaphore, #tpu.memory_space<semaphore_mem>>) src(%dma_wait3A_1471 : memref<80x128xf32, #tpu.memory_space<vmem>>) dst(%dma_wait3A_1477 : memref<10000x128xf32, #tpu.memory_space<vmem_shared>>)
      %dma_wait3A_1480 = arith.constant 3 : i32
      %dma_wait3A_1481 = arith.constant 48 : i32
      %dma_wait3A_1482 = arith.constant 3 : i32
      %dma_wait3A_1483 = arith.constant 0 : i32
      %dma_wait3A_1484 = arith.constant 0 : i32
      %dma_wait3A_1485 = tpu.memref_slice %arg8[%dma_wait3A_1480, %dma_wait3A_1483, %dma_wait3A_1484] : memref<4x80x128xf32, #tpu.memory_space<vmem>> -> memref<1x80x128xf32, #tpu.memory_space<vmem>>
      %dma_wait3A_1486 = tpu.memref_squeeze %dma_wait3A_1485 : memref<1x80x128xf32, #tpu.memory_space<vmem>> -> memref<80x128xf32, #tpu.memory_space<vmem>>
      %dma_wait3A_1487 = arith.constant 0 : i32
      %dma_wait3A_1488 = tpu.memref_slice %arg7[%dma_wait3A_1481, %dma_wait3A_1487] : memref<50x80xi32, #tpu.memory_space<vmem>> -> memref<1x80xi32, #tpu.memory_space<vmem>>
      %dma_wait3A_1489 = tpu.memref_squeeze %dma_wait3A_1488 : memref<1x80xi32, #tpu.memory_space<vmem>> -> memref<80xi32, #tpu.memory_space<vmem>>
      %dma_wait3A_1490 = arith.constant 0 : i32
      %dma_wait3A_1491 = arith.constant 0 : i32
      %dma_wait3A_1492 = tpu.memref_slice %arg6[%dma_wait3A_1490, %dma_wait3A_1491] : memref<10000x128xf32, #tpu.memory_space<vmem_shared>> -> memref<10000x128xf32, #tpu.memory_space<vmem_shared>>
      %dma_wait3A_1493 = tpu.memref_slice %arg10[%dma_wait3A_1482] : memref<4x!tpu.dma_semaphore, #tpu.memory_space<semaphore_mem>> -> memref<1x!tpu.dma_semaphore, #tpu.memory_space<semaphore_mem>>
      %dma_wait3A_1494 = tpu.memref_squeeze %dma_wait3A_1493 : memref<1x!tpu.dma_semaphore, #tpu.memory_space<semaphore_mem>> -> memref<!tpu.dma_semaphore, #tpu.memory_space<semaphore_mem>>
      tpu.wait_indirect_dma semaphore(%dma_wait3A_1494 : memref<!tpu.dma_semaphore, #tpu.memory_space<semaphore_mem>>) src(%dma_wait3A_1486 : memref<80x128xf32, #tpu.memory_space<vmem>>) dst(%dma_wait3A_1492 : memref<10000x128xf32, #tpu.memory_space<vmem_shared>>)
      %dma_wait3A_1495 = arith.constant 0 : i32
      %dma_wait3A_1496 = arith.constant 49 : i32
      %dma_wait3A_1497 = arith.constant 0 : i32
      %dma_wait3A_1498 = arith.constant 0 : i32
      %dma_wait3A_1499 = arith.constant 0 : i32
      %dma_wait3A_1500 = tpu.memref_slice %arg8[%dma_wait3A_1495, %dma_wait3A_1498, %dma_wait3A_1499] : memref<4x80x128xf32, #tpu.memory_space<vmem>> -> memref<1x80x128xf32, #tpu.memory_space<vmem>>
      %dma_wait3A_1501 = tpu.memref_squeeze %dma_wait3A_1500 : memref<1x80x128xf32, #tpu.memory_space<vmem>> -> memref<80x128xf32, #tpu.memory_space<vmem>>
      %dma_wait3A_1502 = arith.constant 0 : i32
      %dma_wait3A_1503 = tpu.memref_slice %arg7[%dma_wait3A_1496, %dma_wait3A_1502] : memref<50x80xi32, #tpu.memory_space<vmem>> -> memref<1x80xi32, #tpu.memory_space<vmem>>
      %dma_wait3A_1504 = tpu.memref_squeeze %dma_wait3A_1503 : memref<1x80xi32, #tpu.memory_space<vmem>> -> memref<80xi32, #tpu.memory_space<vmem>>
      %dma_wait3A_1505 = arith.constant 0 : i32
      %dma_wait3A_1506 = arith.constant 0 : i32
      %dma_wait3A_1507 = tpu.memref_slice %arg6[%dma_wait3A_1505, %dma_wait3A_1506] : memref<10000x128xf32, #tpu.memory_space<vmem_shared>> -> memref<10000x128xf32, #tpu.memory_space<vmem_shared>>
      %dma_wait3A_1508 = tpu.memref_slice %arg10[%dma_wait3A_1497] : memref<4x!tpu.dma_semaphore, #tpu.memory_space<semaphore_mem>> -> memref<1x!tpu.dma_semaphore, #tpu.memory_space<semaphore_mem>>
      %dma_wait3A_1509 = tpu.memref_squeeze %dma_wait3A_1508 : memref<1x!tpu.dma_semaphore, #tpu.memory_space<semaphore_mem>> -> memref<!tpu.dma_semaphore, #tpu.memory_space<semaphore_mem>>
      tpu.wait_indirect_dma semaphore(%dma_wait3A_1509 : memref<!tpu.dma_semaphore, #tpu.memory_space<semaphore_mem>>) src(%dma_wait3A_1501 : memref<80x128xf32, #tpu.memory_space<vmem>>) dst(%dma_wait3A_1507 : memref<10000x128xf32, #tpu.memory_space<vmem_shared>>)
    }
    %scan3A_4 = arith.constant 10 : i32
    %barrier3A_5 = arith.constant 0 : index
    tpu.barrier barrier_id(%barrier3A_5)
    %mul3A_6 = arith.constant 625 : i32
    %mul3A_7 = arith.muli %arg1, %mul3A_6 : i32
    "tpu.region"() ({
      %run_scoped3A = tpu.sem_alloc : memref<!tpu.dma_semaphore, #tpu.memory_space<semaphore_mem>>
      %dma_start3A = arith.constant 0 : i32
      %dma_start3A_8 = arith.constant 0 : i32
      %dma_start3A_9 = tpu.memref_slice %arg5[%arg0, %arg1, %dma_start3A, %dma_start3A_8] : memref<2x16x625x128xf32, #tpu.memory_space<hbm>> -> memref<1x1x625x128xf32, #tpu.memory_space<hbm>>
      %dma_start3A_10 = tpu.memref_squeeze %dma_start3A_9 : memref<1x1x625x128xf32, #tpu.memory_space<hbm>> -> memref<625x128xf32, #tpu.memory_space<hbm>>
      %dma_start3A_11 = arith.constant 0 : i32
      %dma_start3A_12 = tpu.memref_slice %arg6[%mul3A_7, %dma_start3A_11] : memref<10000x128xf32, #tpu.memory_space<vmem_shared>> -> memref<625x128xf32, #tpu.memory_space<vmem_shared>>
      tpu.enqueue_dma source(%dma_start3A_12 : memref<625x128xf32, #tpu.memory_space<vmem_shared>>) target(%dma_start3A_10 : memref<625x128xf32, #tpu.memory_space<hbm>>) target_semaphore(%run_scoped3A : memref<!tpu.dma_semaphore, #tpu.memory_space<semaphore_mem>>)
      %dma_wait3A = arith.constant 0 : i32
      %dma_wait3A_13 = arith.constant 0 : i32
      %dma_wait3A_14 = tpu.memref_slice %arg5[%arg0, %arg1, %dma_wait3A, %dma_wait3A_13] : memref<2x16x625x128xf32, #tpu.memory_space<hbm>> -> memref<1x1x625x128xf32, #tpu.memory_space<hbm>>
      %dma_wait3A_15 = tpu.memref_squeeze %dma_wait3A_14 : memref<1x1x625x128xf32, #tpu.memory_space<hbm>> -> memref<625x128xf32, #tpu.memory_space<hbm>>
      %dma_wait3A_16 = arith.constant 0 : i32
      %dma_wait3A_17 = tpu.memref_slice %arg6[%mul3A_7, %dma_wait3A_16] : memref<10000x128xf32, #tpu.memory_space<vmem_shared>> -> memref<625x128xf32, #tpu.memory_space<vmem_shared>>
      tpu.wait_dma2 semaphore(%run_scoped3A : memref<!tpu.dma_semaphore, #tpu.memory_space<semaphore_mem>>) src(%dma_wait3A_17 : memref<625x128xf32, #tpu.memory_space<vmem_shared>>) dst(%dma_wait3A_15 : memref<625x128xf32, #tpu.memory_space<hbm>>)
      tpu.yield
    }) : () -> ()
    return
  }
}

#map = affine_map<(d0, d1) -> (0, 0, 0, 0)>
#map1 = affine_map<(d0, d1) -> (0, 0, 0)>
#map2 = affine_map<(d0, d1) -> (0)>
#map3 = affine_map<(d0, d1) -> (0, 0)>
module attributes {stable_mosaic.version = 14 : i64} {
  func.func @dcrnn_degrees(%arg0: i32, %arg1: i32, %arg2: memref<2x16x250x80xi32, #tpu.memory_space<hbm>>, %arg3: memref<16x250x80xf32, #tpu.memory_space<hbm>>, %arg4: memref<10000xf32, #tpu.memory_space<hbm>>, %arg5: memref<2x10000xf32, #tpu.memory_space<hbm>>, %arg6: memref<10000xf32, #tpu.memory_space<vmem_shared>>, %arg7: memref<250x80xi32, #tpu.memory_space<vmem>>, %arg8: memref<250x80xf32, #tpu.memory_space<vmem>>, %arg9: memref<!tpu.dma_semaphore, #tpu.memory_space<semaphore_mem>>) attributes {dimension_semantics = [#tpu.dimension_semantics<core_parallel>, #tpu.dimension_semantics<subcore_parallel>], iteration_bounds = array<i64: 2, 16>, scalar_prefetch = 0 : i64, scratch_operands = 4 : i64, tpu.core_type = #tpu.core_type<sc_vector_subcore>, window_params = [{transform_indices = #map}, {transform_indices = #map1}, {transform_indices = #map2}, {transform_indices = #map3}]} {
    %eq3A = arith.constant 0 : i32
    %eq3A_0 = arith.cmpi eq, %arg1, %eq3A : i32
    %convert_element_type3A = arith.extui %eq3A_0 : i1 to i32
    %cond3A = arith.constant 0 : i32
    %cond3A_1 = arith.cmpi ne, %convert_element_type3A, %cond3A : i32
    scf.if %cond3A_1 {
      "tpu.region"() ({
        %run_scoped3A = tpu.sem_alloc : memref<!tpu.dma_semaphore, #tpu.memory_space<semaphore_mem>>
        tpu.enqueue_dma source(%arg4 : memref<10000xf32, #tpu.memory_space<hbm>>) target(%arg6 : memref<10000xf32, #tpu.memory_space<vmem_shared>>) target_semaphore(%run_scoped3A : memref<!tpu.dma_semaphore, #tpu.memory_space<semaphore_mem>>)
        tpu.wait_dma2 semaphore(%run_scoped3A : memref<!tpu.dma_semaphore, #tpu.memory_space<semaphore_mem>>) src(%arg4 : memref<10000xf32, #tpu.memory_space<hbm>>) dst(%arg6 : memref<10000xf32, #tpu.memory_space<vmem_shared>>)
        tpu.yield
      }) : () -> ()
    } else {
    }
    %barrier3A = arith.constant 0 : index
    tpu.barrier barrier_id(%barrier3A)
    "tpu.region"() ({
      %run_scoped3A = tpu.sem_alloc : memref<!tpu.dma_semaphore, #tpu.memory_space<semaphore_mem>>
      %dma_start3A = arith.constant 0 : i32
      %dma_start3A_12 = arith.constant 0 : i32
      %dma_start3A_13 = tpu.memref_slice %arg2[%arg0, %arg1, %dma_start3A, %dma_start3A_12] : memref<2x16x250x80xi32, #tpu.memory_space<hbm>> -> memref<1x1x250x80xi32, #tpu.memory_space<hbm>>
      %dma_start3A_14 = tpu.memref_squeeze %dma_start3A_13 : memref<1x1x250x80xi32, #tpu.memory_space<hbm>> -> memref<250x80xi32, #tpu.memory_space<hbm>>
      %dma_start3A_15 = arith.constant 0 : i32
      %dma_start3A_16 = arith.constant 0 : i32
      %dma_start3A_17 = tpu.memref_slice %arg2[%arg0, %arg1, %dma_start3A_15, %dma_start3A_16] : memref<2x16x250x80xi32, #tpu.memory_space<hbm>> -> memref<1x1x250x80xi32, #tpu.memory_space<hbm>>
      %dma_start3A_18 = tpu.memref_squeeze %dma_start3A_17 : memref<1x1x250x80xi32, #tpu.memory_space<hbm>> -> memref<250x80xi32, #tpu.memory_space<hbm>>
      tpu.enqueue_dma source(%dma_start3A_18 : memref<250x80xi32, #tpu.memory_space<hbm>>) target(%arg7 : memref<250x80xi32, #tpu.memory_space<vmem>>) target_semaphore(%run_scoped3A : memref<!tpu.dma_semaphore, #tpu.memory_space<semaphore_mem>>)
      %dma_wait3A = arith.constant 0 : i32
      %dma_wait3A_19 = arith.constant 0 : i32
      %dma_wait3A_20 = tpu.memref_slice %arg2[%arg0, %arg1, %dma_wait3A, %dma_wait3A_19] : memref<2x16x250x80xi32, #tpu.memory_space<hbm>> -> memref<1x1x250x80xi32, #tpu.memory_space<hbm>>
      %dma_wait3A_21 = tpu.memref_squeeze %dma_wait3A_20 : memref<1x1x250x80xi32, #tpu.memory_space<hbm>> -> memref<250x80xi32, #tpu.memory_space<hbm>>
      %dma_wait3A_22 = arith.constant 0 : i32
      %dma_wait3A_23 = arith.constant 0 : i32
      %dma_wait3A_24 = tpu.memref_slice %arg2[%arg0, %arg1, %dma_wait3A_22, %dma_wait3A_23] : memref<2x16x250x80xi32, #tpu.memory_space<hbm>> -> memref<1x1x250x80xi32, #tpu.memory_space<hbm>>
      %dma_wait3A_25 = tpu.memref_squeeze %dma_wait3A_24 : memref<1x1x250x80xi32, #tpu.memory_space<hbm>> -> memref<250x80xi32, #tpu.memory_space<hbm>>
      tpu.wait_dma2 semaphore(%run_scoped3A : memref<!tpu.dma_semaphore, #tpu.memory_space<semaphore_mem>>) src(%dma_wait3A_25 : memref<250x80xi32, #tpu.memory_space<hbm>>) dst(%arg7 : memref<250x80xi32, #tpu.memory_space<vmem>>)
      tpu.yield
    }) : () -> ()
    "tpu.region"() ({
      %run_scoped3A = tpu.sem_alloc : memref<!tpu.dma_semaphore, #tpu.memory_space<semaphore_mem>>
      %dma_start3A = arith.constant 0 : i32
      %dma_start3A_12 = arith.constant 0 : i32
      %dma_start3A_13 = tpu.memref_slice %arg3[%arg1, %dma_start3A, %dma_start3A_12] : memref<16x250x80xf32, #tpu.memory_space<hbm>> -> memref<1x250x80xf32, #tpu.memory_space<hbm>>
      %dma_start3A_14 = tpu.memref_squeeze %dma_start3A_13 : memref<1x250x80xf32, #tpu.memory_space<hbm>> -> memref<250x80xf32, #tpu.memory_space<hbm>>
      %dma_start3A_15 = arith.constant 0 : i32
      %dma_start3A_16 = arith.constant 0 : i32
      %dma_start3A_17 = tpu.memref_slice %arg3[%arg1, %dma_start3A_15, %dma_start3A_16] : memref<16x250x80xf32, #tpu.memory_space<hbm>> -> memref<1x250x80xf32, #tpu.memory_space<hbm>>
      %dma_start3A_18 = tpu.memref_squeeze %dma_start3A_17 : memref<1x250x80xf32, #tpu.memory_space<hbm>> -> memref<250x80xf32, #tpu.memory_space<hbm>>
      tpu.enqueue_dma source(%dma_start3A_18 : memref<250x80xf32, #tpu.memory_space<hbm>>) target(%arg8 : memref<250x80xf32, #tpu.memory_space<vmem>>) target_semaphore(%run_scoped3A : memref<!tpu.dma_semaphore, #tpu.memory_space<semaphore_mem>>)
      %dma_wait3A = arith.constant 0 : i32
      %dma_wait3A_19 = arith.constant 0 : i32
      %dma_wait3A_20 = tpu.memref_slice %arg3[%arg1, %dma_wait3A, %dma_wait3A_19] : memref<16x250x80xf32, #tpu.memory_space<hbm>> -> memref<1x250x80xf32, #tpu.memory_space<hbm>>
      %dma_wait3A_21 = tpu.memref_squeeze %dma_wait3A_20 : memref<1x250x80xf32, #tpu.memory_space<hbm>> -> memref<250x80xf32, #tpu.memory_space<hbm>>
      %dma_wait3A_22 = arith.constant 0 : i32
      %dma_wait3A_23 = arith.constant 0 : i32
      %dma_wait3A_24 = tpu.memref_slice %arg3[%arg1, %dma_wait3A_22, %dma_wait3A_23] : memref<16x250x80xf32, #tpu.memory_space<hbm>> -> memref<1x250x80xf32, #tpu.memory_space<hbm>>
      %dma_wait3A_25 = tpu.memref_squeeze %dma_wait3A_24 : memref<1x250x80xf32, #tpu.memory_space<hbm>> -> memref<250x80xf32, #tpu.memory_space<hbm>>
      tpu.wait_dma2 semaphore(%run_scoped3A : memref<!tpu.dma_semaphore, #tpu.memory_space<semaphore_mem>>) src(%dma_wait3A_25 : memref<250x80xf32, #tpu.memory_space<hbm>>) dst(%arg8 : memref<250x80xf32, #tpu.memory_space<vmem>>)
      tpu.yield
    }) : () -> ()
    %scan3A = arith.constant 0 : i32
    %scan3A_2 = arith.constant 10 : i32
    %scan3A_3 = arith.addi %scan3A, %scan3A_2 : i32
    %scan3A_4 = arith.constant 1 : i32
    scf.for %scan3A_12 = %scan3A to %scan3A_3 step %scan3A_4  : i32 {
      %mul3A = arith.constant 1 : i32
      %mul3A_13 = arith.muli %scan3A_12, %mul3A : i32
      %add3A = arith.constant 0 : i32
      %add3A_14 = arith.addi %add3A, %mul3A_13 : i32
      %scan3A_15 = arith.constant 0 : i32
      %scan3A_16 = arith.constant 25 : i32
      %scan3A_17 = arith.addi %scan3A_15, %scan3A_16 : i32
      %scan3A_18 = arith.constant 1 : i32
      scf.for %scan3A_25 = %scan3A_15 to %scan3A_17 step %scan3A_18  : i32 {
        %mul3A_26 = arith.constant 1 : i32
        %mul3A_27 = arith.muli %scan3A_25, %mul3A_26 : i32
        %add3A_28 = arith.constant 0 : i32
        %add3A_29 = arith.addi %add3A_28, %mul3A_27 : i32
        %mul3A_30 = arith.constant 25 : i32
        %mul3A_31 = arith.muli %add3A_14, %mul3A_30 : i32
        %add3A_32 = arith.addi %mul3A_31, %add3A_29 : i32
        %dma_start3A = arith.constant 0 : i32
        %dma_start3A_33 = tpu.memref_slice %arg8[%add3A_32, %dma_start3A] : memref<250x80xf32, #tpu.memory_space<vmem>> -> memref<1x80xf32, #tpu.memory_space<vmem>>
        %dma_start3A_34 = tpu.memref_squeeze %dma_start3A_33 : memref<1x80xf32, #tpu.memory_space<vmem>> -> memref<80xf32, #tpu.memory_space<vmem>>
        %dma_start3A_35 = arith.constant 0 : i32
        %dma_start3A_36 = tpu.memref_slice %arg7[%add3A_32, %dma_start3A_35] : memref<250x80xi32, #tpu.memory_space<vmem>> -> memref<1x80xi32, #tpu.memory_space<vmem>>
        %dma_start3A_37 = tpu.memref_squeeze %dma_start3A_36 : memref<1x80xi32, #tpu.memory_space<vmem>> -> memref<80xi32, #tpu.memory_space<vmem>>
        %dma_start3A_38 = arith.constant 0 : i32
        %dma_start3A_39 = tpu.memref_slice %arg6[%dma_start3A_38] : memref<10000xf32, #tpu.memory_space<vmem_shared>> -> memref<10000xf32, #tpu.memory_space<vmem_shared>>
        tpu.enqueue_indirect_dma source(%dma_start3A_34 : memref<80xf32, #tpu.memory_space<vmem>>) target(%dma_start3A_39 : memref<10000xf32, #tpu.memory_space<vmem_shared>>) offsets(%dma_start3A_37 : memref<80xi32, #tpu.memory_space<vmem>>) semaphore(%arg9 : memref<!tpu.dma_semaphore, #tpu.memory_space<semaphore_mem>>) {add = true}
      }
      %scan3A_19 = arith.constant 25 : i32
      %scan3A_20 = arith.constant 0 : i32
      %scan3A_21 = arith.constant 25 : i32
      %scan3A_22 = arith.addi %scan3A_20, %scan3A_21 : i32
      %scan3A_23 = arith.constant 1 : i32
      scf.for %scan3A_25 = %scan3A_20 to %scan3A_22 step %scan3A_23  : i32 {
        %mul3A_26 = arith.constant 1 : i32
        %mul3A_27 = arith.muli %scan3A_25, %mul3A_26 : i32
        %add3A_28 = arith.constant 0 : i32
        %add3A_29 = arith.addi %add3A_28, %mul3A_27 : i32
        %dma_wait3A = arith.constant 0 : i32
        %dma_wait3A_30 = arith.constant 0 : i32
        %dma_wait3A_31 = arith.constant 0 : i32
        %dma_wait3A_32 = tpu.memref_slice %arg8[%dma_wait3A, %dma_wait3A_31] : memref<250x80xf32, #tpu.memory_space<vmem>> -> memref<1x80xf32, #tpu.memory_space<vmem>>
        %dma_wait3A_33 = tpu.memref_squeeze %dma_wait3A_32 : memref<1x80xf32, #tpu.memory_space<vmem>> -> memref<80xf32, #tpu.memory_space<vmem>>
        %dma_wait3A_34 = arith.constant 0 : i32
        %dma_wait3A_35 = tpu.memref_slice %arg7[%dma_wait3A_30, %dma_wait3A_34] : memref<250x80xi32, #tpu.memory_space<vmem>> -> memref<1x80xi32, #tpu.memory_space<vmem>>
        %dma_wait3A_36 = tpu.memref_squeeze %dma_wait3A_35 : memref<1x80xi32, #tpu.memory_space<vmem>> -> memref<80xi32, #tpu.memory_space<vmem>>
        %dma_wait3A_37 = arith.constant 0 : i32
        %dma_wait3A_38 = tpu.memref_slice %arg6[%dma_wait3A_37] : memref<10000xf32, #tpu.memory_space<vmem_shared>> -> memref<10000xf32, #tpu.memory_space<vmem_shared>>
        tpu.wait_indirect_dma semaphore(%arg9 : memref<!tpu.dma_semaphore, #tpu.memory_space<semaphore_mem>>) src(%dma_wait3A_33 : memref<80xf32, #tpu.memory_space<vmem>>) dst(%dma_wait3A_38 : memref<10000xf32, #tpu.memory_space<vmem_shared>>)
      }
      %scan3A_24 = arith.constant 25 : i32
    }
    %scan3A_5 = arith.constant 10 : i32
    %barrier3A_6 = arith.constant 0 : index
    tpu.barrier barrier_id(%barrier3A_6)
    %eq3A_7 = arith.constant 0 : i32
    %eq3A_8 = arith.cmpi eq, %arg1, %eq3A_7 : i32
    %convert_element_type3A_9 = arith.extui %eq3A_8 : i1 to i32
    %cond3A_10 = arith.constant 0 : i32
    %cond3A_11 = arith.cmpi ne, %convert_element_type3A_9, %cond3A_10 : i32
    scf.if %cond3A_11 {
      "tpu.region"() ({
        %run_scoped3A = tpu.sem_alloc : memref<!tpu.dma_semaphore, #tpu.memory_space<semaphore_mem>>
        %dma_start3A = arith.constant 0 : i32
        %dma_start3A_12 = tpu.memref_slice %arg5[%arg0, %dma_start3A] : memref<2x10000xf32, #tpu.memory_space<hbm>> -> memref<1x10000xf32, #tpu.memory_space<hbm>>
        %dma_start3A_13 = tpu.memref_squeeze %dma_start3A_12 : memref<1x10000xf32, #tpu.memory_space<hbm>> -> memref<10000xf32, #tpu.memory_space<hbm>>
        tpu.enqueue_dma source(%arg6 : memref<10000xf32, #tpu.memory_space<vmem_shared>>) target(%dma_start3A_13 : memref<10000xf32, #tpu.memory_space<hbm>>) target_semaphore(%run_scoped3A : memref<!tpu.dma_semaphore, #tpu.memory_space<semaphore_mem>>)
        %dma_wait3A = arith.constant 0 : i32
        %dma_wait3A_14 = tpu.memref_slice %arg5[%arg0, %dma_wait3A] : memref<2x10000xf32, #tpu.memory_space<hbm>> -> memref<1x10000xf32, #tpu.memory_space<hbm>>
        %dma_wait3A_15 = tpu.memref_squeeze %dma_wait3A_14 : memref<1x10000xf32, #tpu.memory_space<hbm>> -> memref<10000xf32, #tpu.memory_space<hbm>>
        tpu.wait_dma2 semaphore(%run_scoped3A : memref<!tpu.dma_semaphore, #tpu.memory_space<semaphore_mem>>) src(%arg6 : memref<10000xf32, #tpu.memory_space<vmem_shared>>) dst(%dma_wait3A_15 : memref<10000xf32, #tpu.memory_space<hbm>>)
        tpu.yield
      }) : () -> ()
    } else {
    }
    return
  }
}

module attributes {stable_mosaic.version = 14 : i64} {
  func.func @dcrnn_tables(%arg0: i32, %arg1: memref<400x128xf32, #tpu.memory_space<vmem>>, %arg2: memref<1x400x2xf32, #tpu.memory_space<vmem>>, %arg3: memref<128x128xf32, #tpu.memory_space<vmem>>, %arg4: memref<128x128xf32, #tpu.memory_space<vmem>>, %arg5: memref<2x400x128xf32, #tpu.memory_space<vmem>>) attributes {dimension_semantics = [#tpu.dimension_semantics<arbitrary>], iteration_bounds = array<i64: 25>, scalar_prefetch = 0 : i64, scratch_operands = 0 : i64, tpu.core_type = #tpu.core_type<tc>, window_params = [{transform_indices = @transform_0, window_bounds = array<i64: 400, 128>}, {transform_indices = @transform_1, window_bounds = array<i64: 1, 400, 2>}, {pipeline_mode = #tpu.pipeline_mode<synchronous>, transform_indices = @transform_2, window_bounds = array<i64: 128, 128>}, {pipeline_mode = #tpu.pipeline_mode<synchronous>, transform_indices = @transform_3, window_bounds = array<i64: 128, 128>}, {transform_indices = @transform_4, window_bounds = array<i64: 2, 400, 128>}]} {
    %get3A = arith.constant 0 : index
    %get3A_0 = arith.constant 0 : index
    %get3A_1 = vector.load %arg1[%get3A, %get3A_0] : memref<400x128xf32, #tpu.memory_space<vmem>>, vector<400x128xf32>
    %get3A_2 = arith.constant 0 : index
    %get3A_3 = arith.constant 0 : index
    %get3A_4 = arith.constant 0 : index
    %get3A_5 = vector.load %arg2[%get3A_2, %get3A_3, %get3A_4] : memref<1x400x2xf32, #tpu.memory_space<vmem>>, vector<1x400x2xf32>
    %get3A_6 = vector.shape_cast %get3A_5 : vector<1x400x2xf32> to vector<400x2xf32>
    %slice3A = vector.extract_strided_slice %get3A_6 {offsets = [0, 0], sizes = [400, 1], strides = [1, 1]} : vector<400x2xf32> to vector<400x1xf32>
    %integer_pow3A = arith.constant 1.000000e+00 : f32
    %integer_pow3A_7 = vector.broadcast %integer_pow3A : f32 to vector<400x1xf32>
    %integer_pow3A_8 = arith.divf %integer_pow3A_7, %slice3A : vector<400x1xf32>
    %slice3A_9 = vector.extract_strided_slice %get3A_6 {offsets = [0, 1], sizes = [400, 1], strides = [1, 1]} : vector<400x2xf32> to vector<400x1xf32>
    %integer_pow3A_10 = arith.constant 1.000000e+00 : f32
    %integer_pow3A_11 = vector.broadcast %integer_pow3A_10 : f32 to vector<400x1xf32>
    %integer_pow3A_12 = arith.divf %integer_pow3A_11, %slice3A_9 : vector<400x1xf32>
    %get3A_13 = arith.constant 0 : index
    %get3A_14 = arith.constant 0 : index
    %get3A_15 = vector.load %arg3[%get3A_13, %get3A_14] : memref<128x128xf32, #tpu.memory_space<vmem>>, vector<128x128xf32>
    %dot_general3A = arith.constant dense<0.000000e+00> : vector<400x128xf32>
    %dot_general3A_16 = tpu.matmul %get3A_1, %get3A_15, %dot_general3A {dimension_numbers = #tpu.dot_dimension_numbers<[1], [0], [0], [1], [0, 0, 1, 1], [], []>, precision = #tpu.contract_precision<fp32>, transpose_lhs_hint = false} : vector<400x128xf32>, vector<128x128xf32>, vector<400x128xf32> -> vector<400x128xf32>
    %mul3A = vector.broadcast %integer_pow3A_8 : vector<400x1xf32> to vector<400x128xf32>
    %mul3A_17 = arith.mulf %dot_general3A_16, %mul3A : vector<400x128xf32>
    %swap3A = arith.constant 0 : index
    %swap3A_18 = arith.constant 0 : index
    %swap3A_19 = arith.constant 0 : index
    %swap3A_20 = vector.load %arg5[%swap3A, %swap3A_18, %swap3A_19] : memref<2x400x128xf32, #tpu.memory_space<vmem>>, vector<1x400x128xf32>
    %swap3A_21 = vector.shape_cast %swap3A_20 : vector<1x400x128xf32> to vector<400x128xf32>
    %swap3A_22 = vector.shape_cast %mul3A_17 : vector<400x128xf32> to vector<1x400x128xf32>
    tpu.vector_store %arg5[%swap3A, %swap3A_18, %swap3A_19], %swap3A_22 {strides = array<i32>} : memref<2x400x128xf32, #tpu.memory_space<vmem>>, vector<1x400x128xf32>,
    %get3A_23 = arith.constant 0 : index
    %get3A_24 = arith.constant 0 : index
    %get3A_25 = vector.load %arg4[%get3A_23, %get3A_24] : memref<128x128xf32, #tpu.memory_space<vmem>>, vector<128x128xf32>
    %dot_general3A_26 = arith.constant dense<0.000000e+00> : vector<400x128xf32>
    %dot_general3A_27 = tpu.matmul %get3A_1, %get3A_25, %dot_general3A_26 {dimension_numbers = #tpu.dot_dimension_numbers<[1], [0], [0], [1], [0, 0, 1, 1], [], []>, precision = #tpu.contract_precision<fp32>, transpose_lhs_hint = false} : vector<400x128xf32>, vector<128x128xf32>, vector<400x128xf32> -> vector<400x128xf32>
    %mul3A_28 = vector.broadcast %integer_pow3A_12 : vector<400x1xf32> to vector<400x128xf32>
    %mul3A_29 = arith.mulf %dot_general3A_27, %mul3A_28 : vector<400x128xf32>
    %swap3A_30 = arith.constant 1 : index
    %swap3A_31 = arith.constant 0 : index
    %swap3A_32 = arith.constant 0 : index
    %swap3A_33 = vector.load %arg5[%swap3A_30, %swap3A_31, %swap3A_32] : memref<2x400x128xf32, #tpu.memory_space<vmem>>, vector<1x400x128xf32>
    %swap3A_34 = vector.shape_cast %swap3A_33 : vector<1x400x128xf32> to vector<400x128xf32>
    %swap3A_35 = vector.shape_cast %mul3A_29 : vector<400x128xf32> to vector<1x400x128xf32>
    tpu.vector_store %arg5[%swap3A_30, %swap3A_31, %swap3A_32], %swap3A_35 {strides = array<i32>} : memref<2x400x128xf32, #tpu.memory_space<vmem>>, vector<1x400x128xf32>,
    return
  }
  func.func @transform_0(%arg0: i32) -> (i32, i32) {
    %c0_i32 = arith.constant 0 : i32
    %c0_i32_0 = arith.constant 0 : i32
    return %arg0, %c0_i32 : i32, i32
  }
  func.func @transform_1(%arg0: i32) -> (i32, i32, i32) {
    %c0_i32 = arith.constant 0 : i32
    %c0_i32_0 = arith.constant 0 : i32
    %c0_i32_1 = arith.constant 0 : i32
    return %arg0, %c0_i32, %c0_i32_0 : i32, i32, i32
  }
  func.func @transform_2(%arg0: i32) -> (i32, i32) {
    %c0_i32 = arith.constant 0 : i32
    %c0_i32_0 = arith.constant 0 : i32
    %c0_i32_1 = arith.constant 0 : i32
    return %c0_i32, %c0_i32_0 : i32, i32
  }
  func.func @transform_3(%arg0: i32) -> (i32, i32) {
    %c0_i32 = arith.constant 0 : i32
    %c0_i32_0 = arith.constant 0 : i32
    %c0_i32_1 = arith.constant 0 : i32
    return %c0_i32, %c0_i32_0 : i32, i32
  }
  func.func @transform_4(%arg0: i32) -> (i32, i32, i32) {
    %c0_i32 = arith.constant 0 : i32
    %c0_i32_0 = arith.constant 0 : i32
    %c0_i32_1 = arith.constant 0 : i32
    return %c0_i32, %arg0, %c0_i32_0 : i32, i32, i32
  }
}

module attributes {stable_mosaic.version = 14 : i64} {
  func.func @dcrnn_head(%arg0: i32, %arg1: memref<400x128xf32, #tpu.memory_space<vmem>>, %arg2: memref<128x128xf32, #tpu.memory_space<vmem>>, %arg3: memref<1x128xf32, #tpu.memory_space<vmem>>, %arg4: memref<2x400x128xf32, #tpu.memory_space<vmem>>, %arg5: memref<64x1xf32, #tpu.memory_space<vmem>>, %arg6: memref<1x1xf32, #tpu.memory_space<vmem>>, %arg7: memref<400x1xf32, #tpu.memory_space<vmem>>) attributes {dimension_semantics = [#tpu.dimension_semantics<arbitrary>], iteration_bounds = array<i64: 25>, scalar_prefetch = 0 : i64, scratch_operands = 0 : i64, tpu.core_type = #tpu.core_type<tc>, window_params = [{transform_indices = @transform_0, window_bounds = array<i64: 400, 128>}, {pipeline_mode = #tpu.pipeline_mode<synchronous>, transform_indices = @transform_1, window_bounds = array<i64: 128, 128>}, {pipeline_mode = #tpu.pipeline_mode<synchronous>, transform_indices = @transform_2, window_bounds = array<i64: 1, 128>}, {transform_indices = @transform_3, window_bounds = array<i64: 2, 400, 128>}, {pipeline_mode = #tpu.pipeline_mode<synchronous>, transform_indices = @transform_4, window_bounds = array<i64: 64, 1>}, {pipeline_mode = #tpu.pipeline_mode<synchronous>, transform_indices = @transform_5, window_bounds = array<i64: 1, 1>}, {transform_indices = @transform_6, window_bounds = array<i64: 400, 1>}]} {
    %get3A = arith.constant 0 : index
    %get3A_0 = arith.constant 0 : index
    %get3A_1 = vector.load %arg1[%get3A, %get3A_0] : memref<400x128xf32, #tpu.memory_space<vmem>>, vector<400x128xf32>
    %get3A_2 = arith.constant 0 : index
    %get3A_3 = arith.constant 0 : index
    %get3A_4 = vector.load %arg2[%get3A_2, %get3A_3] : memref<128x128xf32, #tpu.memory_space<vmem>>, vector<128x128xf32>
    %dot_general3A = arith.constant dense<0.000000e+00> : vector<400x128xf32>
    %dot_general3A_5 = tpu.matmul %get3A_1, %get3A_4, %dot_general3A {dimension_numbers = #tpu.dot_dimension_numbers<[1], [0], [0], [1], [0, 0, 1, 1], [], []>, precision = #tpu.contract_precision<fp32>, transpose_lhs_hint = false} : vector<400x128xf32>, vector<128x128xf32>, vector<400x128xf32> -> vector<400x128xf32>
    %get3A_6 = arith.constant 0 : index
    %get3A_7 = arith.constant 0 : index
    %get3A_8 = vector.load %arg3[%get3A_6, %get3A_7] : memref<1x128xf32, #tpu.memory_space<vmem>>, vector<1x128xf32>
    %add3A = vector.broadcast %get3A_8 : vector<1x128xf32> to vector<400x128xf32>
    %add3A_9 = arith.addf %dot_general3A_5, %add3A : vector<400x128xf32>
    %get3A_10 = arith.constant 0 : index
    %get3A_11 = arith.constant 0 : index
    %get3A_12 = arith.constant 0 : index
    %get3A_13 = vector.load %arg4[%get3A_10, %get3A_11, %get3A_12] : memref<2x400x128xf32, #tpu.memory_space<vmem>>, vector<1x400x128xf32>
    %get3A_14 = vector.shape_cast %get3A_13 : vector<1x400x128xf32> to vector<400x128xf32>
    %get3A_15 = arith.constant 1 : index
    %get3A_16 = arith.constant 0 : index
    %get3A_17 = arith.constant 0 : index
    %get3A_18 = vector.load %arg4[%get3A_15, %get3A_16, %get3A_17] : memref<2x400x128xf32, #tpu.memory_space<vmem>>, vector<1x400x128xf32>
    %get3A_19 = vector.shape_cast %get3A_18 : vector<1x400x128xf32> to vector<400x128xf32>
    %slice3A = vector.extract_strided_slice %add3A_9 {offsets = [0, 0], sizes = [400, 64], strides = [1, 1]} : vector<400x128xf32> to vector<400x64xf32>
    %slice3A_20 = vector.extract_strided_slice %get3A_14 {offsets = [0, 0], sizes = [400, 64], strides = [1, 1]} : vector<400x128xf32> to vector<400x64xf32>
    %add3A_21 = arith.addf %slice3A, %slice3A_20 : vector<400x64xf32>
    %slice3A_22 = vector.extract_strided_slice %get3A_19 {offsets = [0, 0], sizes = [400, 64], strides = [1, 1]} : vector<400x128xf32> to vector<400x64xf32>
    %add3A_23 = arith.addf %add3A_21, %slice3A_22 : vector<400x64xf32>
    %slice3A_24 = vector.extract_strided_slice %add3A_9 {offsets = [0, 64], sizes = [400, 64], strides = [1, 1]} : vector<400x128xf32> to vector<400x64xf32>
    %slice3A_25 = vector.extract_strided_slice %get3A_14 {offsets = [0, 64], sizes = [400, 64], strides = [1, 1]} : vector<400x128xf32> to vector<400x64xf32>
    %add3A_26 = arith.addf %slice3A_24, %slice3A_25 : vector<400x64xf32>
    %slice3A_27 = vector.extract_strided_slice %get3A_19 {offsets = [0, 64], sizes = [400, 64], strides = [1, 1]} : vector<400x128xf32> to vector<400x64xf32>
    %add3A_28 = arith.addf %add3A_26, %slice3A_27 : vector<400x64xf32>
    %logistic3A = arith.negf %add3A_23 : vector<400x64xf32>
    %logistic3A_29 = math.exp %logistic3A : vector<400x64xf32>
    %logistic3A_30 = arith.constant 1.000000e+00 : f32
    %logistic3A_31 = vector.broadcast %logistic3A_30 : f32 to vector<400x64xf32>
    %logistic3A_32 = arith.addf %logistic3A_31, %logistic3A_29 : vector<400x64xf32>
    %logistic3A_33 = arith.divf %logistic3A_31, %logistic3A_32 : vector<400x64xf32>
    %sub3A = arith.constant 1.000000e+00 : f32
    %sub3A_34 = vector.broadcast %sub3A : f32 to vector<400x64xf32>
    %sub3A_35 = arith.subf %sub3A_34, %logistic3A_33 : vector<400x64xf32>
    %tanh3A = math.tanh %add3A_28 : vector<400x64xf32>
    %mul3A = arith.mulf %sub3A_35, %tanh3A : vector<400x64xf32>
    %get3A_36 = arith.constant 0 : index
    %get3A_37 = arith.constant 0 : index
    %get3A_38 = vector.load %arg5[%get3A_36, %get3A_37] : memref<64x1xf32, #tpu.memory_space<vmem>>, vector<64x1xf32>
    %dot_general3A_39 = arith.constant dense<0.000000e+00> : vector<400x1xf32>
    %dot_general3A_40 = tpu.matmul %mul3A, %get3A_38, %dot_general3A_39 {dimension_numbers = #tpu.dot_dimension_numbers<[1], [0], [0], [1], [0, 0, 1, 1], [], []>, precision = #tpu.contract_precision<fp32>, transpose_lhs_hint = false} : vector<400x64xf32>, vector<64x1xf32>, vector<400x1xf32> -> vector<400x1xf32>
    %get3A_41 = arith.constant 0 : index
    %get3A_42 = arith.constant 0 : index
    %get3A_43 = vector.load %arg6[%get3A_41, %get3A_42] : memref<1x1xf32, #tpu.memory_space<vmem>>, vector<1x1xf32>
    %add3A_44 = vector.broadcast %get3A_43 : vector<1x1xf32> to vector<400x1xf32>
    %add3A_45 = arith.addf %dot_general3A_40, %add3A_44 : vector<400x1xf32>
    %swap3A = arith.constant 0 : index
    %swap3A_46 = arith.constant 0 : index
    %swap3A_47 = vector.load %arg7[%swap3A, %swap3A_46] : memref<400x1xf32, #tpu.memory_space<vmem>>, vector<400x1xf32>
    tpu.vector_store %arg7[%swap3A, %swap3A_46], %add3A_45 {strides = array<i32>} : memref<400x1xf32, #tpu.memory_space<vmem>>, vector<400x1xf32>,
    return
  }
  func.func @transform_0(%arg0: i32) -> (i32, i32) {
    %c0_i32 = arith.constant 0 : i32
    %c0_i32_0 = arith.constant 0 : i32
    return %arg0, %c0_i32 : i32, i32
  }
  func.func @transform_1(%arg0: i32) -> (i32, i32) {
    %c0_i32 = arith.constant 0 : i32
    %c0_i32_0 = arith.constant 0 : i32
    %c0_i32_1 = arith.constant 0 : i32
    return %c0_i32, %c0_i32_0 : i32, i32
  }
  func.func @transform_2(%arg0: i32) -> (i32, i32) {
    %c0_i32 = arith.constant 0 : i32
    %c0_i32_0 = arith.constant 0 : i32
    %c0_i32_1 = arith.constant 0 : i32
    return %c0_i32, %c0_i32_0 : i32, i32
  }
  func.func @transform_3(%arg0: i32) -> (i32, i32, i32) {
    %c0_i32 = arith.constant 0 : i32
    %c0_i32_0 = arith.constant 0 : i32
    %c0_i32_1 = arith.constant 0 : i32
    return %c0_i32, %arg0, %c0_i32_0 : i32, i32, i32
  }
  func.func @transform_4(%arg0: i32) -> (i32, i32) {
    %c0_i32 = arith.constant 0 : i32
    %c0_i32_0 = arith.constant 0 : i32
    %c0_i32_1 = arith.constant 0 : i32
    return %c0_i32, %c0_i32_0 : i32, i32
  }
  func.func @transform_5(%arg0: i32) -> (i32, i32) {
    %c0_i32 = arith.constant 0 : i32
    %c0_i32_0 = arith.constant 0 : i32
    %c0_i32_1 = arith.constant 0 : i32
    return %c0_i32, %c0_i32_0 : i32, i32
  }
  func.func @transform_6(%arg0: i32) -> (i32, i32) {
    %c0_i32 = arith.constant 0 : i32
    %c0_i32_0 = arith.constant 0 : i32
    return %arg0, %c0_i32 : i32, i32
  }
}

</mosaic_0001>

<sc_bundles>
// kernel: dcrnn_degrees.3.cloned.1.call-start
scs
__scs_entry_jumppad:
0x0: {  	(pc) =	sbr.rel $0x88, $3  }
0x1: {  	(tag) =	ssettag $0x0;
	lr =	simm.s32 $0x1  }
0x2: {  	[smem:$0x3F98] =	sst lr;
	_ =	strace $0xD0000000  }
0x3: {  	_ = 	snop  }
0x4: {  	_ = 	snop  }
0x5: {  	_ = 	snop  }
0x6: {  	_ = 	snop  }
0x7: {  	_ = 	snop  }
__scs_overlays_trampoline_lowered:
0x8: {  	[smem:$0x3FA7] =	sst s0  }
0x9: {  	[smem:$0x3FA8] =	sst s1  }
0xa: {  	[smem:$0x3FA9] =	sst s2  }
0xb: {  	[smem:$0x3FAA] =	sst s3  }
0xc: {  	[smem:$0x3FAB] =	sst s4  }
0xd: {  	[smem:$0x3FAC] =	sst s5  }
0xe: {  	[smem:$0x3FAD] =	sst s6  }
0xf: {  	[smem:$0x3FAE] =	sst s7  }
0x10: {  	[smem:$0x3FAF] =	sst s8  }
0x11: {  	[smem:$0x3FB0] =	sst s9;
	s0 =	simm.s32 @!p0 $0x0  }
0x12: {  	s1 =	sld [smem:$0x3F96];
	s0 =	simm.s32 @p0 $0x1  }
0x13: {  	[smem:$0x3FB1] =	sst s0;
	s0 =	simm.s32 @!p1 $0x0  }
0x14: {  	s2 =	sld [smem:$0x3F95];
	s0 =	simm.s32 @p1 $0x1  }
0x15: {  	[smem:$0x3FB2] =	sst s0;
	s0 =	simm.s32 @!p2 $0x0  }
0x16: {  	s3 =	sld [smem:$0x3FDB];
	s0 =	simm.s32 @p2 $0x1  }
0x17: {  	s4 =	simm.s32 $0x1BF5;
	[smem:$0x3FB4] =	sst s0  }
0x18: {  	s0 =	sld [smem:$0x3F97];
	_ =	swait.ge [sflag:s4], $0x0  }
0x19: {  	s7 =	sld [smem:$0x3F98]  }
0x1a: {  	s8 =	sadd.s32 $0xFFFFE003, lr  }
0x1b: {  	s9 =	sadd.s32 $0xFFFFFEF7, lr;
	s5 =	simm.s32 $0xFFFFFFFF;
	p2 =	slt.u32 s8, $0xFFFFF086  }
0x1c: {  	p1 =	slt.u32 s9, $0xF7A;
	s5 =	simm.s32 @!p2 $0x0  }
0x1d: {  	s5 =	simm.s32 @p1 $0x1;
	p0 =	seq.s32 s7, s2  }
0x1e: {  	s7 =	smul.u32 @!p0 $0xF7A, s2;
	p2 =	seq.s32 @!p0 s5, $0x0  }
0x1f: {  	s9 =	smul.u32 $0xF7A, s1;
	s8 =	simm.s32 @!p0 $0x1BF5;
	p2 =	por !p2, p0  }
0x20: {  	[sflag:s8] =	ssyncset.s32 @!p0 $0xFFFFF086;
	s6 =	sadd.s32 @!p0 s3, s7;
	s7 =	simm.s32 @!p0 $0x108  }
0x21: {  	s3 =	sadd.s32 s3, s9;
	s6 =	sadd.s32 @!p0 $0x88, s6;
	s7 =	simm.s32 @p2 $0x1082  }
0x22: {  	[simem:s7], [sflag:s8] =	dma.local @!p0 [hbm:s6], $0xF7A  }
0x23: {  	s9 =	sor.u32 $0xD0000000, s2;
	s6 =	simm.s32 $0x108;
	_ =	swait.ge @!p0 [sflag:s8], $0x0  }
0x24: {  	s3 =	sadd.s32 $0x88, s3;
	s6 =	simm.s32 @!p1 $0x1082;
	[sflag:s4] =	ssyncset.s32 $0xFFFFF086  }
0x25: {  	[simem:s6], [sflag:s4] =	dma.local [hbm:s3], $0xF7A  }
0x26: {  	[smem:$0x3F98] =	sst s1;
	(tag) =	ssettag s2;
	_ =	strace s9  }
0x27: {  	s1 =	sld [smem:$0x3FA8]  }
0x28: {  	s2 =	sld [smem:$0x3FA9]  }
0x29: {  	s4 =	sld [smem:$0x3FAB]  }
0x2a: {  	p0 =	seq.s32 s5, $0x0;
	s5 =	sld [smem:$0x3FAC]  }
0x2b: {  	s6 =	sld [smem:$0x3FAD]  }
0x2c: {  	s7 =	sld [smem:$0x3FAE]  }
0x2d: {  	s3 =	simm.s32 $0x108;
	s8 =	sld [smem:$0x3FAF]  }
0x2e: {  	s3 =	simm.s32 @!p0 $0x1082;
	s9 =	sld [smem:$0x3FB0]  }
0x2f: {  	lr =	sadd.s32 s0, s3;
	s0 =	sld [smem:$0x3FA7]  }
0x30: {  	s3 =	sld [smem:$0x3FAA]  }
0x31: {  	[smem:$0x3FB3] =	sst s10  }
0x32: {  	s10 =	sld [smem:$0x3FB1];
	_ =	sdelay $0x3  }
0x33: {  	p0 =	seq.s32 s10, $0x1;
	s10 =	sld [smem:$0x3FB3];
	_ =	sdelay $0x3  }
0x34: {  	[smem:$0x3FB3] =	sst s10  }
0x35: {  	s10 =	sld [smem:$0x3FB2];
	_ =	sdelay $0x3  }
0x36: {  	p1 =	seq.s32 s10, $0x1;
	s10 =	sld [smem:$0x3FB3];
	_ =	sdelay $0x3  }
0x37: {  	[smem:$0x3FB3] =	sst s10  }
0x38: {  	s10 =	sld [smem:$0x3FB4]  }
0x39: {  	_ = 	snop;
	(pc) =	sbr.ind lr, $3  }
0x3a: {  	_ = 	snop  }
0x3b: {  	_ = 	snop  }
0x3c: {  	p2 =	seq.s32 s10, $0x1;
	s10 =	sld [smem:$0x3FB3]  }
0x3d: {  	_ =	shalt  }
0x3e: {  	_ =	shalt  }
0x3f: {  	_ =	shalt  }
0x40: {  	_ =	shalt  }
0x41: {  	_ =	shalt  }
0x42: {  	_ =	shalt  }
0x43: {  	_ =	shalt  }
0x44: {  	_ =	shalt  }
0x45: {  	_ =	shalt  }
0x46: {  	_ =	shalt  }
0x47: {  	_ =	shalt  }
0x48: {  	_ =	shalt  }
0x49: {  	_ =	shalt  }
0x4a: {  	_ =	shalt  }
0x4b: {  	_ =	shalt  }
0x4c: {  	_ =	shalt  }
0x4d: {  	_ =	shalt  }
0x4e: {  	_ =	shalt  }
0x4f: {  	_ =	shalt  }
0x50: {  	_ =	shalt  }
0x51: {  	_ =	shalt  }
0x52: {  	_ =	shalt  }
0x53: {  	_ =	shalt  }
0x54: {  	_ =	shalt  }
0x55: {  	_ =	shalt  }
0x56: {  	_ =	shalt  }
0x57: {  	_ =	shalt  }
0x58: {  	_ =	shalt  }
0x59: {  	_ =	shalt  }
0x5a: {  	_ =	shalt  }
0x5b: {  	_ =	shalt  }
0x5c: {  	_ =	shalt  }
0x5d: {  	_ =	shalt  }
0x5e: {  	_ =	shalt  }
0x5f: {  	_ =	shalt  }
0x60: {  	_ =	shalt  }
0x61: {  	_ =	shalt  }
0x62: {  	_ =	shalt  }
0x63: {  	_ =	shalt  }
0x64: {  	_ =	shalt  }
0x65: {  	_ =	shalt  }
0x66: {  	_ =	shalt  }
0x67: {  	_ =	shalt  }
0x68: {  	_ =	shalt  }
0x69: {  	_ =	shalt  }
0x6a: {  	_ =	shalt  }
0x6b: {  	_ =	shalt  }
0x6c: {  	_ =	shalt  }
0x6d: {  	_ =	shalt  }
0x6e: {  	_ =	shalt  }
0x6f: {  	_ =	shalt  }
0x70: {  	_ =	shalt  }
0x71: {  	_ =	shalt  }
0x72: {  	_ =	shalt  }
0x73: {  	_ =	shalt  }
0x74: {  	_ =	shalt  }
0x75: {  	_ =	shalt  }
0x76: {  	_ =	shalt  }
0x77: {  	_ =	shalt  }
0x78: {  	_ =	shalt  }
0x79: {  	_ =	shalt  }
0x7a: {  	_ =	shalt  }
0x7b: {  	_ =	shalt  }
0x7c: {  	_ =	shalt  }
0x7d: {  	_ =	shalt  }
0x7e: {  	_ =	shalt  }
0x7f: {  	_ =	shalt  }
0x80: {  	_ =	shalt  }
0x81: {  	_ =	shalt  }
0x82: {  	_ =	shalt  }
0x83: {  	_ =	shalt  }
0x84: {  	_ =	shalt  }
0x85: {  	_ =	shalt  }
0x86: {  	_ =	shalt  }
0x87: {  	_ =	shalt  }
.Lfunc_end0:
.L_simem_size_0:
called_computation_lowered:
.L_overlay_start_0:
0x88: {  	s2 =	sld [smem:$0x3FD9]  }
0x89: {  	s3 =	sld [smem:$0x3FFE];
	_ =	sdelay $0x1  }
0x8a: {  	s1 =	srdreg.scid  }
0x8b: {  	s0 =	sand.u32 $0x1, s1  }
0x8c: {  	s17 =	sshll.u32 s0, $0xA;
	s2 =	sadd.s32 s3, s2  }
0x8d: {  	s2 =	sadd.s32 s2, s17  }
0x8e: {  	[smem:$0x3FBF] =	sst s2  }
0x8f: {  	_ = 	snop  }
0x90: {  	s2 =	sld [smem:$0x3FD0];
	(tm) =	ssettm $0x1  }
0x91: {  	s18 =	sld [smem:$0x3FFB];
	_ =	sdelay $0x3  }
0x92: {  	_ =	strace s18  }
0x93: {  	s3 =	sld [smem:$0x3FFC];
	_ =	sdelay $0x3  }
0x94: {  	_ =	strace s3  }
0x95: {  	s3 =	sld [smem:$0x3FFD];
	_ =	sdelay $0x3  }
0x96: {  	_ =	strace s3  }
0x97: {  	_ =	strace $0x8FFFFFFF  }
0x98: {  	s19 =	sld [smem:$0x3FDB];
	_ =	sdelay $0x1  }
0x99: {  	s4 =	simm.s32 $_scs_section_size  }
0x9a: {  	s5 =	simm.s32 $_size__tile_overlayer_lowered;
	s6 =	simm.s32 $_tile_overlayer_lowered  }
0x9b: {  	s22 =	simm.s32 $0x1BFF;
	s21 =	sshll.u32 s6, $0x1;
	s3 =	sadd.s32 s4, s19  }
0x9c: {  	s7 =	simm.s32 $0x0;
	s20 =	sshll.u32 s5, $0x1;
	s5 =	sadd.s32 s21, s3  }
0x9d: {  	[timem:s7], [sflag:s22] =	dma.local [hbm:s5], s20  }
0x9e: {  	_ =	swait.ge [sflag:s22], s20  }
0x9f: {  	s4 =	ssub.s32 $0x0, s20;
	[sflag:s22] =	ssyncset.done $0x0  }
0xa0: {  	[sflag:s22] =	ssyncadd.s32 s4;
	_ =	sdelay $0x1  }
0xa1: {  	s23 =	simm.s32 $0x1B8B  }
0xa2: {  	_ =	swait.ge [sflag:s23], $0x1  }
0xa3: {  	[sflag:s23] =	ssyncset.done $0x0  }
0xa4: {  	s25 =	simm.s32 $0x1B8E;
	s24 =	sld [smem:$0x3FFE];
	[sflag:s23] =	ssyncadd.s32 $0xFFFFFFFF  }
0xa5: {  	s26 =	simm.s32 $execute0_lowered;
	[smem:$0x3FD2] =	sst s25  }
0xa6: {  	s5 =	sshll.u32 s26, $0x1;
	_ =	strace $0x80000046;
	[dreg:$0x1] =	wrdreg $0xFFFFFFFF  }
0xa7: {  	s28 =	simm.s32 $_size_execute0_lowered;
	s3 =	sadd.s32 s3, s5;
	[dreg:$0x0] =	wrdreg $0x0  }
0xa8: {  	s5 =	sshll.u32 s28, $0x1;
	[dreg:$0x2] =	wrdreg s3  }
0xa9: {  	[dreg:$0x3] =	wrdreg s5  }
0xaa: {  	[dreg:$0x4] =	wrdreg $0xC0  }
0xab: {  	_ =	task [dreg:s7], $0x5FFFF  }
0xac: {  	[dreg:$0x1] =	wrdreg $0xFFFFFFFF  }
0xad: {  	[dreg:$0x0] =	wrdreg $0x60  }
0xae: {  	[dreg:$0x2] =	wrdreg s24  }
0xaf: {  	[dreg:$0x3] =	wrdreg s2  }
0xb0: {  	[dreg:$0x4] =	wrdreg $0x0  }
0xb1: {  	[dreg:$0x5] =	wrdreg $0x9  }
0xb2: {  	_ =	task.clear_ibuf [dreg:s7], $0x6FFFF;
	_ =	strace $0x90000046  }
0xb3: {  	s29 =	simm.s32 $0x9;
	_ =	strace $0x80000048  }
0xb4: {  	_ =	swait.ge [sflag:s29], $0x1  }
0xb5: {  	[sflag:s29] =	ssyncadd.s32 $0xFFFFFFFF  }
0xb6: {  	_ =	strace $0x90000048  }
0xb7: {  	_ =	sfence  }
0xb8: {  	s30 =	sld [smem:$0x0];
	_ =	sdelay $0x2  }
0xb9: {  	s31 =	sshll.u32 s1, $0xD;
	s1 =	sshrl.u32 s1, $0x2  }
0xba: {  	s3 =	sand.u32 $0x4000, s31;
	s1 =	sadd.s32 s1, s30  }
0xbb: {  	s0 =	sor.u32 s3, s0;
	s1 =	sshll.u32 s1, $0x11  }
0xbc: {  	s0 =	sor.u32 s1, s0  }
0xbd: {  	s0 =	sadd.s32 $0x8F2B, s0  }
0xbe: {  	[sflag:s0] =	ssyncadd.remote.s32 $0x1  }
0xbf: {  	_ =	sfence.sel $0xFFFF  }
0xc0: {  	[dreg:$0x0] =	wrdreg $0xFFFFFFFF;
	(pc) =	sbr.abs _section_cstart, $3  }
0xc1: {  	[dreg:$0x1] =	wrdreg $0xFFFFFFFF  }
0xc2: {  	_ =	task.clear_ibuf [dreg:s7], $0x2FFFF;
	_ =	strace $0x9FFFFFFF  }
0xc3: {  	(tm) =	ssettm $0x7FFFFFFF  }
tec
execute0_lowered:
.L_overlay_start_1:
0x0: {  	(tag) =	ssettag $0x1  }
0x1: {  	s4 =	rddreg [dreg:$0x0]  }
0x2: {  	s1 =	rddreg [dreg:$0x1]  }
0x3: {  	s2 =	rddreg [dreg:$0x2]  }
0x4: {  	s0 =	rddreg [dreg:$0x3];
	s3 =	simm.s32 $0x0  }
0x5: {  	s7 =	stileid.u32;
	s5 =	srdreg.scid;
	s12 =	simm.s32 $0x0  }
0x6: {  	[smem:$0x7FF] =	sst s3;
	s6 =	sshll.u32 s7, $0xC;
	s5 =	sand.u32 $0x1, s5  }
0x7: {  	p0 =	sne.s32 s7, $0x0;
	_ =	strace $0x80000047;
	s6 =	sadd.s32 s6, s4  }
0x8: {  	s8 =	ssub.s32 $0x2, s5;
	s9 =	sshll.u32 s5, $0x10;
	s5 =	sshll.u32 s5, $0x4  }
0x9: {  	s10 =	sshrl.u32 s8, $0x1;
	s9 =	sadd.s32 s9, s6;
	s11 =	sadd.s32 s5, s4  }
0xa: {  	s5 =	sadd.s32 $0x21A00, s6;
	s8 =	ssub.s32 s8, s10;
	s4 =	sadd.s32 $0x1A00, s9  }
0xb: {  	s6 =	sadd.s32 $0x31A00, s11;
	s9 =	simm.s32 $0x2;
	s10 =	simm.s32 $0x50  }
0xc: {  	s11 =	simm.s32 $0x1;
	s7 =	smax.u32 s8, $0x1;
	s8 =	sshrl.u32 @!p0 s2, $0x3  }
.LBB2_1:
0xd: {  	s13 =	simm.s32 @!p0 $0x1C02  }
0xe: {  	[spmem:s8], [sflag:s13] =	dma.local @!p0 [hbm:s1], $0x4F0  }
0xf: {  	s13 =	simm.s32 @!p0 $0x2  }
0x10: {  	_ =	swait.ge @!p0 [sflag:s13], $0x4F0  }
0x11: {  	[sflag:s13] =	ssyncset.done @!p0 $0x0  }
0x12: {  	[sflag:s13] =	ssyncadd.s32 @!p0 $0xFFFFFB10  }
0x13: {  	s13 =	simm.s32 $0x278;
	[bflag:$0x0] =	sbarrier.arrive $0xFFFF  }
0x14: {  	[tilespmem:s13], [sflag:$0x2] =	stream.linear.gather [hbm4b:s4+s3], $0x7D00, $0x38;
	[tilespmem:$0x10278] =	vst v63  }
0x15: {  	_ =	swait.ge [sflag:s9], $0x7D00  }
0x16: {  	[sflag:s9] =	ssyncset.done $0x0  }
0x17: {  	s14 =	simm.s32 $0x8278;
	[sflag:s9] =	ssyncadd.s32 $0xFFFF8300  }
0x18: {  	[tilespmem:s14], [sflag:$0x2] =	stream.linear.gather [hbm4b:s5+s3], $0x7D00, $0x38;
	[tilespmem:$0x10278] =	vst v63  }
0x19: {  	_ =	swait.ge [sflag:s9], $0x7D00  }
0x1a: {  	[sflag:s9] =	ssyncset.done $0x0  }
0x1b: {  	s15 =	simm.s32 $0x0;
	[sflag:s9] =	ssyncadd.s32 $0xFFFF8300  }
.LBB2_2:
0x1c: {  	s16 =	simm.s32 $0x200;
	s17 =	sadd.s32 $0x0, s14;
	s18 =	sadd.s32 $0x0, s13  }
.LBB2_3:
0x1d: {  	[spmem:s2] =	stream.indirect.scatter.add.f32 [tilespmem:s17], [sflag:$0x1], $0x1, s18, s10, $0xb8;
	[tilespmem:$0x10278] =	vst v63  }
0x1e: {  	s17 =	smov.u32 s16;
	p1 =	sne.s32 s16, $0x3000  }
.Ltmp0:
0x1f: {  	s16 =	sadd.s32 $0x200, s16;
	(pc) =	sbr.rel @p1 .LBB2_3-.Ltmp0, $3  }
0x20: {  	_ =	sdelay $0x1  }
0x21: {  	s18 =	sshra.s32 s17, $0x2  }
0x22: {  	s17 =	sadd.s32 s18, s14;
	s18 =	sadd.s32 s18, s13  }
0x23: {  	[spmem:s2] =	stream.indirect.scatter.add.f32 [tilespmem:s17], [sflag:$0x1], $0x1, s18, s10, $0xb8;
	[tilespmem:$0x10278] =	vst v63  }
0x24: {  	_ =	swait.ge [sflag:s11], $0x50  }
0x25: {  	[sflag:s11] =	ssyncset.done $0x0  }
0x26: {  	[sflag:s11] =	ssyncadd.s32 $0xFFFFFFB0  }
0x27: {  	_ =	swait.ge [sflag:s11], $0x50  }
0x28: {  	[sflag:s11] =	ssyncset.done $0x0  }
0x29: {  	[sflag:s11] =	ssyncadd.s32 $0xFFFFFFB0  }
0x2a: {  	_ =	swait.ge [sflag:s11], $0x50  }
0x2b: {  	[sflag:s11] =	ssyncset.done $0x0  }
0x2c: {  	[sflag:s11] =	ssyncadd.s32 $0xFFFFFFB0  }
0x2d: {  	_ =	swait.ge [sflag:s11], $0x50  }
0x2e: {  	[sflag:s11] =	ssyncset.done $0x0  }
0x2f: {  	[sflag:s11] =	ssyncadd.s32 $0xFFFFFFB0  }
0x30: {  	_ =	swait.ge [sflag:s11], $0x50  }
0x31: {  	[sflag:s11] =	ssyncset.done $0x0  }
0x32: {  	[sflag:s11] =	ssyncadd.s32 $0xFFFFFFB0  }
0x33: {  	_ =	swait.ge [sflag:s11], $0x50  }
0x34: {  	[sflag:s11] =	ssyncset.done $0x0  }
0x35: {  	[sflag:s11] =	ssyncadd.s32 $0xFFFFFFB0  }
0x36: {  	_ =	swait.ge [sflag:s11], $0x50  }
0x37: {  	[sflag:s11] =	ssyncset.done $0x0  }
0x38: {  	[sflag:s11] =	ssyncadd.s32 $0xFFFFFFB0  }
0x39: {  	_ =	swait.ge [sflag:s11], $0x50  }
0x3a: {  	[sflag:s11] =	ssyncset.done $0x0  }
0x3b: {  	[sflag:s11] =	ssyncadd.s32 $0xFFFFFFB0  }
0x3c: {  	_ =	swait.ge [sflag:s11], $0x50  }
0x3d: {  	[sflag:s11] =	ssyncset.done $0x0  }
0x3e: {  	[sflag:s11] =	ssyncadd.s32 $0xFFFFFFB0  }
0x3f: {  	_ =	swait.ge [sflag:s11], $0x50  }
0x40: {  	[sflag:s11] =	ssyncset.done $0x0  }
0x41: {  	[sflag:s11] =	ssyncadd.s32 $0xFFFFFFB0  }
0x42: {  	_ =	swait.ge [sflag:s11], $0x50  }
0x43: {  	[sflag:s11] =	ssyncset.done $0x0  }
0x44: {  	[sflag:s11] =	ssyncadd.s32 $0xFFFFFFB0  }
0x45: {  	_ =	swait.ge [sflag:s11], $0x50  }
0x46: {  	[sflag:s11] =	ssyncset.done $0x0  }
0x47: {  	[sflag:s11] =	ssyncadd.s32 $0xFFFFFFB0  }
0x48: {  	_ =	swait.ge [sflag:s11], $0x50  }
0x49: {  	[sflag:s11] =	ssyncset.done $0x0  }
0x4a: {  	[sflag:s11] =	ssyncadd.s32 $0xFFFFFFB0  }
0x4b: {  	_ =	swait.ge [sflag:s11], $0x50  }
0x4c: {  	[sflag:s11] =	ssyncset.done $0x0  }
0x4d: {  	[sflag:s11] =	ssyncadd.s32 $0xFFFFFFB0  }
0x4e: {  	_ =	swait.ge [sflag:s11], $0x50  }
0x4f: {  	[sflag:s11] =	ssyncset.done $0x0  }
0x50: {  	[sflag:s11] =	ssyncadd.s32 $0xFFFFFFB0  }
0x51: {  	_ =	swait.ge [sflag:s11], $0x50  }
0x52: {  	[sflag:s11] =	ssyncset.done $0x0  }
0x53: {  	[sflag:s11] =	ssyncadd.s32 $0xFFFFFFB0  }
0x54: {  	_ =	swait.ge [sflag:s11], $0x50  }
0x55: {  	[sflag:s11] =	ssyncset.done $0x0  }
0x56: {  	[sflag:s11] =	ssyncadd.s32 $0xFFFFFFB0  }
0x57: {  	_ =	swait.ge [sflag:s11], $0x50  }
0x58: {  	[sflag:s11] =	ssyncset.done $0x0  }
0x59: {  	[sflag:s11] =	ssyncadd.s32 $0xFFFFFFB0  }
0x5a: {  	_ =	swait.ge [sflag:s11], $0x50  }
0x5b: {  	[sflag:s11] =	ssyncset.done $0x0  }
0x5c: {  	[sflag:s11] =	ssyncadd.s32 $0xFFFFFFB0  }
0x5d: {  	_ =	swait.ge [sflag:s11], $0x50  }
0x5e: {  	[sflag:s11] =	ssyncset.done $0x0  }
0x5f: {  	[sflag:s11] =	ssyncadd.s32 $0xFFFFFFB0  }
0x60: {  	_ =	swait.ge [sflag:s11], $0x50  }
0x61: {  	[sflag:s11] =	ssyncset.done $0x0  }
0x62: {  	[sflag:s11] =	ssyncadd.s32 $0xFFFFFFB0  }
0x63: {  	_ =	swait.ge [sflag:s11], $0x50  }
0x64: {  	[sflag:s11] =	ssyncset.done $0x0  }
0x65: {  	[sflag:s11] =	ssyncadd.s32 $0xFFFFFFB0  }
0x66: {  	_ =	swait.ge [sflag:s11], $0x50  }
0x67: {  	[sflag:s11] =	ssyncset.done $0x0  }
0x68: {  	s15 =	sadd.s32 $0x1, s15;
	[sflag:s11] =	ssyncadd.s32 $0xFFFFFFB0  }
0x69: {  	p1 =	sne.s32 s15, $0xA;
	_ =	swait.ge [sflag:s11], $0x50  }
.Ltmp1:
0x6a: {  	[sflag:s11] =	ssyncset.done $0x0;
	(pc) =	sbr.rel @p1 .LBB2_2-.Ltmp1, $4  }
0x6b: {  	[sflag:s11] =	ssyncadd.s32 $0xFFFFFFB0  }
0x6c: {  	_ =	swait.ge [sflag:s11], $0x50  }
0x6d: {  	[sflag:s11] =	ssyncset.done $0x0  }
0x6e: {  	s14 =	sadd.s32 $0xC80, s14;
	s13 =	sadd.s32 $0xC80, s13;
	[sflag:s11] =	ssyncadd.s32 $0xFFFFFFB0  }
0x6f: {  	[bflag:$0x0] =	sbarrier.arrive $0xFFFF;
	s13 =	simm.s32 @!p0 $0x1;
	s14 =	simm.s32 @!p0 $0x20  }
0x70: {  	s15 =	simm.s32 @!p0 $0x10;
	s16 =	simm.s32 @!p0 $0x1C02;
	s12 =	sadd.s32 $0x1, s12  }
0x71: {  	[hbm:s6@s14], [sflag:s16] =	dma.strided @!p0 [spmem:s8@s15], $0x4F0, s13, $0x10   }
0x72: {  	p1 =	sne.s32 s12, s7  }
.Ltmp2:
0x73: {  	_ = 	snop;
	(pc) =	sbr.rel @p1 .LBB2_1-.Ltmp2, $4  }
0x74: {  	s13 =	simm.s32 @!p0 $0x2  }
0x75: {  	_ =	swait.ge @!p0 [sflag:s13], $0x4F0  }
0x76: {  	[sflag:s13] =	ssyncset.done @!p0 $0x0  }
0x77: {  	[sflag:s13] =	ssyncadd.s32 @!p0 $0xFFFFFB10  }
0x78: {  	_ =	sfence.sel $0x180000  }
0x79: {  	[bflag:$0x0] =	sbarrier.arrive $0xFFFF  }
0x7a: {  	_ =	strace $0x90000047  }
0x7b: {  	s0 =	sadd.s32 @!p0 $0x100000, s0;
	[bflag:$0x2] =	sbarrier.arrive $0xFFFF  }
0x7c: {  	[sflag:s0] =	ssyncadd.tile.s32 @!p0 $0x1;
	_ =	shalt  }
.Lfunc_end2:
_tile_overlayer_lowered:
.L_overlay_start_2:
0x7d: {  	(tag) =	ssettag $0x2  }
0x7e: {  	s0 =	rddreg [dreg:$0x0];
	s2 =	stileid.u32  }
0x7f: {  	s1 =	rddreg [dreg:$0x1];
	p0 =	sne.s32 s2, $0x0  }
0x80: {  	s3 =	rddreg [dreg:$0x2];
	[bflag:$0x3] =	sbarrier.arrive $0xFFFF;
	s2 =	simm.s32 @!p0 $0x1C02  }
0x81: {  	[timem:s3], [sflag:s2] =	dma.local @!p0 [hbm:s0], s1  }
0x82: {  	s0 =	simm.s32 @!p0 $0x2  }
0x83: {  	_ =	swait.ge @!p0 [sflag:s0], s1  }
0x84: {  	s1 =	ssub.s32 @!p0 $0x0, s1;
	[sflag:s0] =	ssyncset.done @!p0 $0x0  }
0x85: {  	[sflag:s0] =	ssyncadd.s32 @!p0 s1  }
0x86: {  	[bflag:$0x3] =	sbarrier.arrive $0xFFFF  }
0x87: {  	_ =	shalt  }

// kernel: dcrnn_diffusion.3.cloned.1.call-start
scs
__scs_entry_jumppad:
0x0: {  	(pc) =	sbr.rel $0x88, $3  }
0x1: {  	(tag) =	ssettag $0x0;
	lr =	simm.s32 $0x1  }
0x2: {  	[smem:$0x3F98] =	sst lr;
	_ =	strace $0xD0000000  }
0x3: {  	_ = 	snop  }
0x4: {  	_ = 	snop  }
0x5: {  	_ = 	snop  }
0x6: {  	_ = 	snop  }
0x7: {  	_ = 	snop  }
__scs_overlays_trampoline_lowered:
0x8: {  	[smem:$0x3FA7] =	sst s0  }
0x9: {  	[smem:$0x3FA8] =	sst s1  }
0xa: {  	[smem:$0x3FA9] =	sst s2  }
0xb: {  	[smem:$0x3FAA] =	sst s3  }
0xc: {  	[smem:$0x3FAB] =	sst s4  }
0xd: {  	[smem:$0x3FAC] =	sst s5  }
0xe: {  	[smem:$0x3FAD] =	sst s6  }
0xf: {  	[smem:$0x3FAE] =	sst s7  }
0x10: {  	[smem:$0x3FAF] =	sst s8  }
0x11: {  	[smem:$0x3FB0] =	sst s9;
	s0 =	simm.s32 @!p0 $0x0  }
0x12: {  	s1 =	sld [smem:$0x3F96];
	s0 =	simm.s32 @p0 $0x1  }
0x13: {  	[smem:$0x3FB1] =	sst s0;
	s0 =	simm.s32 @!p1 $0x0  }
0x14: {  	s2 =	sld [smem:$0x3F95];
	s0 =	simm.s32 @p1 $0x1  }
0x15: {  	[smem:$0x3FB2] =	sst s0;
	s0 =	simm.s32 @!p2 $0x0  }
0x16: {  	s3 =	sld [smem:$0x3FDB];
	s0 =	simm.s32 @p2 $0x1  }
0x17: {  	s4 =	simm.s32 $0x1BF5;
	[smem:$0x3FB4] =	sst s0  }
0x18: {  	s0 =	sld [smem:$0x3F97];
	_ =	swait.ge [sflag:s4], $0x0  }
0x19: {  	s7 =	sld [smem:$0x3F98]  }
0x1a: {  	s8 =	sadd.s32 $0xFFFFE003, lr  }
0x1b: {  	s9 =	sadd.s32 $0xFFFFFEF7, lr;
	s5 =	simm.s32 $0xFFFFFFFF;
	p2 =	slt.u32 s8, $0xFFFFF086  }
0x1c: {  	p1 =	slt.u32 s9, $0xF7A;
	s5 =	simm.s32 @!p2 $0x0  }
0x1d: {  	s5 =	simm.s32 @p1 $0x1;
	p0 =	seq.s32 s7, s2  }
0x1e: {  	s7 =	smul.u32 @!p0 $0xF7A, s2;
	p2 =	seq.s32 @!p0 s5, $0x0  }
0x1f: {  	s9 =	smul.u32 $0xF7A, s1;
	s8 =	simm.s32 @!p0 $0x1BF5;
	p2 =	por !p2, p0  }
0x20: {  	[sflag:s8] =	ssyncset.s32 @!p0 $0xFFFFF086;
	s6 =	sadd.s32 @!p0 s3, s7;
	s7 =	simm.s32 @!p0 $0x108  }
0x21: {  	s3 =	sadd.s32 s3, s9;
	s6 =	sadd.s32 @!p0 $0x88, s6;
	s7 =	simm.s32 @p2 $0x1082  }
0x22: {  	[simem:s7], [sflag:s8] =	dma.local @!p0 [hbm:s6], $0xF7A  }
0x23: {  	s9 =	sor.u32 $0xD0000000, s2;
	s6 =	simm.s32 $0x108;
	_ =	swait.ge @!p0 [sflag:s8], $0x0  }
0x24: {  	s3 =	sadd.s32 $0x88, s3;
	s6 =	simm.s32 @!p1 $0x1082;
	[sflag:s4] =	ssyncset.s32 $0xFFFFF086  }
0x25: {  	[simem:s6], [sflag:s4] =	dma.local [hbm:s3], $0xF7A  }
0x26: {  	[smem:$0x3F98] =	sst s1;
	(tag) =	ssettag s2;
	_ =	strace s9  }
0x27: {  	s1 =	sld [smem:$0x3FA8]  }
0x28: {  	s2 =	sld [smem:$0x3FA9]  }
0x29: {  	s4 =	sld [smem:$0x3FAB]  }
0x2a: {  	p0 =	seq.s32 s5, $0x0;
	s5 =	sld [smem:$0x3FAC]  }
0x2b: {  	s6 =	sld [smem:$0x3FAD]  }
0x2c: {  	s7 =	sld [smem:$0x3FAE]  }
0x2d: {  	s3 =	simm.s32 $0x108;
	s8 =	sld [smem:$0x3FAF]  }
0x2e: {  	s3 =	simm.s32 @!p0 $0x1082;
	s9 =	sld [smem:$0x3FB0]  }
0x2f: {  	lr =	sadd.s32 s0, s3;
	s0 =	sld [smem:$0x3FA7]  }
0x30: {  	s3 =	sld [smem:$0x3FAA]  }
0x31: {  	[smem:$0x3FB3] =	sst s10  }
0x32: {  	s10 =	sld [smem:$0x3FB1];
	_ =	sdelay $0x3  }
0x33: {  	p0 =	seq.s32 s10, $0x1;
	s10 =	sld [smem:$0x3FB3];
	_ =	sdelay $0x3  }
0x34: {  	[smem:$0x3FB3] =	sst s10  }
0x35: {  	s10 =	sld [smem:$0x3FB2];
	_ =	sdelay $0x3  }
0x36: {  	p1 =	seq.s32 s10, $0x1;
	s10 =	sld [smem:$0x3FB3];
	_ =	sdelay $0x3  }
0x37: {  	[smem:$0x3FB3] =	sst s10  }
0x38: {  	s10 =	sld [smem:$0x3FB4]  }
0x39: {  	_ = 	snop;
	(pc) =	sbr.ind lr, $3  }
0x3a: {  	_ = 	snop  }
0x3b: {  	_ = 	snop  }
0x3c: {  	p2 =	seq.s32 s10, $0x1;
	s10 =	sld [smem:$0x3FB3]  }
0x3d: {  	_ =	shalt  }
0x3e: {  	_ =	shalt  }
0x3f: {  	_ =	shalt  }
0x40: {  	_ =	shalt  }
0x41: {  	_ =	shalt  }
0x42: {  	_ =	shalt  }
0x43: {  	_ =	shalt  }
0x44: {  	_ =	shalt  }
0x45: {  	_ =	shalt  }
0x46: {  	_ =	shalt  }
0x47: {  	_ =	shalt  }
0x48: {  	_ =	shalt  }
0x49: {  	_ =	shalt  }
0x4a: {  	_ =	shalt  }
0x4b: {  	_ =	shalt  }
0x4c: {  	_ =	shalt  }
0x4d: {  	_ =	shalt  }
0x4e: {  	_ =	shalt  }
0x4f: {  	_ =	shalt  }
0x50: {  	_ =	shalt  }
0x51: {  	_ =	shalt  }
0x52: {  	_ =	shalt  }
0x53: {  	_ =	shalt  }
0x54: {  	_ =	shalt  }
0x55: {  	_ =	shalt  }
0x56: {  	_ =	shalt  }
0x57: {  	_ =	shalt  }
0x58: {  	_ =	shalt  }
0x59: {  	_ =	shalt  }
0x5a: {  	_ =	shalt  }
0x5b: {  	_ =	shalt  }
0x5c: {  	_ =	shalt  }
0x5d: {  	_ =	shalt  }
0x5e: {  	_ =	shalt  }
0x5f: {  	_ =	shalt  }
0x60: {  	_ =	shalt  }
0x61: {  	_ =	shalt  }
0x62: {  	_ =	shalt  }
0x63: {  	_ =	shalt  }
0x64: {  	_ =	shalt  }
0x65: {  	_ =	shalt  }
0x66: {  	_ =	shalt  }
0x67: {  	_ =	shalt  }
0x68: {  	_ =	shalt  }
0x69: {  	_ =	shalt  }
0x6a: {  	_ =	shalt  }
0x6b: {  	_ =	shalt  }
0x6c: {  	_ =	shalt  }
0x6d: {  	_ =	shalt  }
0x6e: {  	_ =	shalt  }
0x6f: {  	_ =	shalt  }
0x70: {  	_ =	shalt  }
0x71: {  	_ =	shalt  }
0x72: {  	_ =	shalt  }
0x73: {  	_ =	shalt  }
0x74: {  	_ =	shalt  }
0x75: {  	_ =	shalt  }
0x76: {  	_ =	shalt  }
0x77: {  	_ =	shalt  }
0x78: {  	_ =	shalt  }
0x79: {  	_ =	shalt  }
0x7a: {  	_ =	shalt  }
0x7b: {  	_ =	shalt  }
0x7c: {  	_ =	shalt  }
0x7d: {  	_ =	shalt  }
0x7e: {  	_ =	shalt  }
0x7f: {  	_ =	shalt  }
0x80: {  	_ =	shalt  }
0x81: {  	_ =	shalt  }
0x82: {  	_ =	shalt  }
0x83: {  	_ =	shalt  }
0x84: {  	_ =	shalt  }
0x85: {  	_ =	shalt  }
0x86: {  	_ =	shalt  }
0x87: {  	_ =	shalt  }
.Lfunc_end0:
.L_simem_size_0:
called_computation.1_lowered:
.L_overlay_start_0:
0x88: {  	s2 =	sld [smem:$0x3FD9]  }
0x89: {  	s3 =	sld [smem:$0x3FFE];
	_ =	sdelay $0x1  }
0x8a: {  	s1 =	srdreg.scid  }
0x8b: {  	s0 =	sand.u32 $0x1, s1  }
0x8c: {  	s16 =	sshll.u32 s0, $0xA;
	s2 =	sadd.s32 s3, s2  }
0x8d: {  	s2 =	sadd.s32 s2, s16  }
0x8e: {  	[smem:$0x3FBF] =	sst s2  }
0x8f: {  	_ = 	snop  }
0x90: {  	(tm) =	ssettm $0x1  }
0x91: {  	s17 =	sld [smem:$0x3FFB];
	_ =	sdelay $0x3  }
0x92: {  	_ =	strace s17  }
0x93: {  	s2 =	sld [smem:$0x3FFC];
	_ =	sdelay $0x3  }
0x94: {  	_ =	strace s2  }
0x95: {  	s2 =	sld [smem:$0x3FFD];
	_ =	sdelay $0x3  }
0x96: {  	_ =	strace s2  }
0x97: {  	_ =	strace $0x8FFFFFFF  }
0x98: {  	s18 =	sld [smem:$0x3FDB];
	_ =	sdelay $0x1  }
0x99: {  	s19 =	simm.s32 $_scs_section_size  }
0x9a: {  	s4 =	simm.s32 $_size__tile_overlayer_lowered;
	s5 =	simm.s32 $_tile_overlayer_lowered  }
0x9b: {  	s22 =	simm.s32 $0x1BFF;
	s21 =	sshll.u32 s5, $0x1;
	s2 =	sadd.s32 s19, s18  }
0x9c: {  	s6 =	simm.s32 $0x0;
	s20 =	sshll.u32 s4, $0x1;
	s4 =	sadd.s32 s21, s2  }
0x9d: {  	[timem:s6], [sflag:s22] =	dma.local [hbm:s4], s20  }
0x9e: {  	_ =	swait.ge [sflag:s22], s20  }
0x9f: {  	s3 =	ssub.s32 $0x0, s20;
	[sflag:s22] =	ssyncset.done $0x0  }
0xa0: {  	[sflag:s22] =	ssyncadd.s32 s3;
	_ =	sdelay $0x1  }
0xa1: {  	s23 =	simm.s32 $0x1B8B  }
0xa2: {  	_ =	swait.ge [sflag:s23], $0x1  }
0xa3: {  	[sflag:s23] =	ssyncset.done $0x0  }
0xa4: {  	s25 =	simm.s32 $0x1B8E;
	s24 =	sld [smem:$0x3FFE];
	[sflag:s23] =	ssyncadd.s32 $0xFFFFFFFF  }
0xa5: {  	s26 =	simm.s32 $execute0_lowered;
	[smem:$0x3FD2] =	sst s25  }
0xa6: {  	s4 =	sshll.u32 s26, $0x1;
	_ =	strace $0x80000049;
	[dreg:$0x1] =	wrdreg $0xFFFFFFFF  }
0xa7: {  	s28 =	simm.s32 $_size_execute0_lowered;
	s2 =	sadd.s32 s2, s4;
	[dreg:$0x0] =	wrdreg $0x0  }
0xa8: {  	s4 =	sshll.u32 s28, $0x1;
	[dreg:$0x2] =	wrdreg s2  }
0xa9: {  	[dreg:$0x3] =	wrdreg s4  }
0xaa: {  	[dreg:$0x4] =	wrdreg $0xC0  }
0xab: {  	_ =	task [dreg:s6], $0x5FFFF  }
0xac: {  	[dreg:$0x1] =	wrdreg $0xFFFFFFFF  }
0xad: {  	[dreg:$0x0] =	wrdreg $0x60  }
0xae: {  	[dreg:$0x2] =	wrdreg s24  }
0xaf: {  	[dreg:$0x3] =	wrdreg $0x0  }
0xb0: {  	[dreg:$0x4] =	wrdreg $0x9  }
0xb1: {  	_ =	task.clear_ibuf [dreg:s6], $0x5FFFF;
	_ =	strace $0x90000049  }
0xb2: {  	s29 =	simm.s32 $0x9;
	_ =	strace $0x8000004B  }
0xb3: {  	_ =	swait.ge [sflag:s29], $0x1  }
0xb4: {  	[sflag:s29] =	ssyncadd.s32 $0xFFFFFFFF  }
0xb5: {  	_ =	strace $0x9000004B  }
0xb6: {  	_ =	sfence  }
0xb7: {  	s30 =	sld [smem:$0x0];
	_ =	sdelay $0x2  }
0xb8: {  	s31 =	sshll.u32 s1, $0xD;
	s1 =	sshrl.u32 s1, $0x2  }
0xb9: {  	s3 =	sand.u32 $0x4000, s31;
	s1 =	sadd.s32 s1, s30  }
0xba: {  	s0 =	sor.u32 s3, s0;
	s1 =	sshll.u32 s1, $0x11  }
0xbb: {  	s0 =	sor.u32 s1, s0  }
0xbc: {  	s0 =	sadd.s32 $0x8F2B, s0  }
0xbd: {  	[sflag:s0] =	ssyncadd.remote.s32 $0x1  }
0xbe: {  	_ =	sfence.sel $0xFFFF  }
0xbf: {  	[dreg:$0x0] =	wrdreg $0xFFFFFFFF;
	(pc) =	sbr.abs _section_cstart, $3  }
0xc0: {  	[dreg:$0x1] =	wrdreg $0xFFFFFFFF  }
0xc1: {  	_ =	task.clear_ibuf [dreg:s6], $0x2FFFF;
	_ =	strace $0x9FFFFFFF  }
0xc2: {  	(tm) =	ssettm $0x7FFFFFFF  }
0xc3: {  	_ =	shalt  }
tec
execute0_lowered:
.L_overlay_start_1:
0x0: {  	(tag) =	ssettag $0x1  }
0x1: {  	s5 =	rddreg [dreg:$0x0]  }
0x2: {  	s2 =	rddreg [dreg:$0x1];
	s19 =	simm.s32 $0x0  }
0x3: {  	s20 =	simm.s32 $0x13900;
	[smem:$0x7FF] =	sst s19  }
0x4: {  	s21 =	simm.s32 $0x14500;
	_ =	strace $0x8000004A;
	[dreg:$0x4] =	wrdreg s20  }
0x5: {  	s22 =	simm.s32 $0x13980;
	[dreg:$0x5] =	wrdreg s21  }
0x6: {  	s23 =	simm.s32 $0x14580;
	[dreg:$0x6] =	wrdreg s22  }
0x7: {  	s24 =	simm.s32 $0x13A00;
	[dreg:$0x7] =	wrdreg s23  }
0x8: {  	s25 =	simm.s32 $0x14600;
	[dreg:$0x8] =	wrdreg s24  }
0x9: {  	s0 =	srdreg.scid;
	s26 =	simm.s32 $0x13A80;
	[dreg:$0x9] =	wrdreg s25  }
0xa: {  	s8 =	stileid.u32;
	s10 =	sadd.s32 $0x1A00, s5;
	[dreg:$0xa] =	wrdreg s26  }
0xb: {  	s9 =	simm.s32 $0x13B00;
	s11 =	simm.s32 $0x14700;
	[smem:$0x7EE] =	sst s10  }
0xc: {  	s12 =	simm.s32 $0x13B80;
	s13 =	simm.s32 $0x14780;
	[dreg:$0xc] =	wrdreg s9  }
0xd: {  	s14 =	simm.s32 $0x13C00;
	s15 =	simm.s32 $0x14800;
	[dreg:$0xd] =	wrdreg s11  }
0xe: {  	s17 =	simm.s32 $0x13C80;
	s28 =	simm.s32 $0x14F00;
	[dreg:$0xe] =	wrdreg s12  }
0xf: {  	s29 =	simm.s32 $0x14380;
	s30 =	simm.s32 $0x14F80;
	[dreg:$0xf] =	wrdreg s13  }
0x10: {  	s31 =	simm.s32 $0x14400;
	s0 =	sand.u32 $0x1, s0;
	[dreg:$0x10] =	wrdreg s14  }
0x11: {  	s3 =	smul.u32 $0x11800, s8;
	s4 =	sadd.s32 $0x78400, s5;
	[dreg:$0x11] =	wrdreg s15  }
0x12: {  	s7 =	smul.u32 $0x13C00, s8;
	s19 =	simm.s32 $0x14880;
	[dreg:$0x12] =	wrdreg s17  }
0x13: {  	s18 =	smul.u32 $0x4E200, s8;
	[dreg:$0x13] =	wrdreg s19;
	s20 =	simm.s32 $0x13D00  }
0x14: {  	s1 =	smul.u32 $0x118000, s0;
	s22 =	simm.s32 $0x14900;
	[dreg:$0x14] =	wrdreg s20  }
0x15: {  	s6 =	smul.u32 $0x13C000, s0;
	s23 =	simm.s32 $0x13D80;
	[dreg:$0x15] =	wrdreg s22  }
0x16: {  	s0 =	ssub.s32 $0x2, s0;
	s25 =	simm.s32 $0x14980;
	[dreg:$0x16] =	wrdreg s23  }
0x17: {  	s24 =	sshll.u32 s8, $0x6;
	s26 =	simm.s32 $0x13E00;
	[dreg:$0x17] =	wrdreg s25  }
0x18: {  	s9 =	simm.s32 $0x14A00;
	s10 =	simm.s32 $0x13E80;
	[dreg:$0x18] =	wrdreg s26  }
0x19: {  	s11 =	simm.s32 $0x14A80;
	s12 =	simm.s32 $0x13F00;
	[dreg:$0x19] =	wrdreg s9  }
0x1a: {  	s13 =	simm.s32 $0x14B00;
	s14 =	simm.s32 $0x13F80;
	[dreg:$0x1a] =	wrdreg s10  }
0x1b: {  	s15 =	simm.s32 $0x14B80;
	s17 =	simm.s32 $0x14C00;
	[dreg:$0x1b] =	wrdreg s11  }
0x1c: {  	s19 =	simm.s32 $0x14C80;
	s16 =	sshrl.u32 s0, $0x1;
	[dreg:$0x1c] =	wrdreg s12  }
0x1d: {  	s21 =	sshrl.u32 s18, $0x2;
	s8 =	sor.u32 $0x1C09, s24;
	[dreg:$0x1d] =	wrdreg s13  }
0x1e: {  	s10 =	simm.s32 $0x9;
	s11 =	simm.s32 $0x13880;
	[dreg:$0x1e] =	wrdreg s14  }
0x1f: {  	s12 =	simm.s32 $0x50;
	s13 =	simm.s32 $0x15480;
	[dreg:$0x1f] =	wrdreg s15  }
0x20: {  	s14 =	simm.s32 $0x17C80;
	s15 =	simm.s32 $0x1;
	[smem:$0x7F2] =	sst s17  }
0x21: {  	s18 =	simm.s32 $0x14080;
	s17 =	simm.s32 $0x2;
	[smem:$0x7F4] =	sst s19  }
0x22: {  	s20 =	simm.s32 $0x14100;
	s19 =	simm.s32 $0x3;
	s22 =	simm.s32 $0x14180  }
0x23: {  	s23 =	simm.s32 $0x14D80;
	s24 =	simm.s32 $0x14200;
	[smem:$0x7F3] =	sst s18  }
0x24: {  	s25 =	simm.s32 $0x14E00;
	s26 =	simm.s32 $0x14280;
	[smem:$0x7F5] =	sst s20  }
0x25: {  	s9 =	simm.s32 $0x0;
	s1 =	sadd.s32 s3, s1;
	[smem:$0x7F7] =	sst s22  }
0x26: {  	s3 =	simm.s32 $0x14680;
	s6 =	sadd.s32 s7, s6;
	[smem:$0x7F8] =	sst s23  }
0x27: {  	s0 =	ssub.s32 s0, s16;
	s16 =	simm.s32 $0x14000;
	[smem:$0x7F9] =	sst s24  }
0x28: {  	s18 =	simm.s32 $0x1CC80;
	s20 =	simm.s32 $0x5;
	[smem:$0x7FA] =	sst s25  }
0x29: {  	s22 =	simm.s32 $0x6;
	s23 =	simm.s32 $0x7;
	[smem:$0x7FB] =	sst s26  }
0x2a: {  	s24 =	simm.s32 $0x8;
	s25 =	simm.s32 $0x14E80;
	[smem:$0x7FC] =	sst s8  }
0x2b: {  	s26 =	simm.s32 $0x14300;
	s1 =	sshrl.u32 s1, $0x3;
	[dreg:$0xb] =	wrdreg s3  }
0x2c: {  	s6 =	sshrl.u32 s6, $0x3;
	s0 =	smax.u32 s0, $0x1;
	[smem:$0x7F1] =	sst s16  }
0x2d: {  	s16 =	simm.s32 $0x1A480;
	s1 =	sadd.s32 s1, s5;
	s5 =	sadd.s32 s6, s5  }
0x2e: {  	s6 =	sadd.s32 s21, s2;
	[smem:$0x7F0] =	sst s0;
	s21 =	simm.s32 $0x14D00  }
0x2f: {  	s0 =	simm.s32 $0x14480;
	s1 =	sadd.s32 $0x32400, s1;
	[smem:$0x7F6] =	sst s21  }
0x30: {  	s7 =	sadd.s32 $0xC6600, s5;
	s6 =	sshrl.u32 s6, $0x3;
	[dreg:$0x3] =	wrdreg s1  }
0x31: {  	s21 =	simm.s32 $0x4;
	s5 =	simm.s32 $0x15080;
	[smem:$0x7EF] =	sst s7  }
0x32: {  	s1 =	simm.s32 $0x15000;
	s7 =	simm.s32 $0x15100;
	[smem:$0x7FD] =	sst s6  }
.LBB2_1:
0x33: {  	s3 =	sld [smem:$0x7EE];
	_ =	sdelay $0x1  }
0x34: {  	[smem:$0x7ED] =	sst s9  }
0x35: {  	[spmem:s6], [sflag:s8] =	dma.local [hbm:s3], $0x2710  }
0x36: {  	_ =	swait.ge [sflag:s10], $0x2710  }
0x37: {  	[sflag:s10] =	ssyncset.done $0x0  }
0x38: {  	[sflag:s10] =	ssyncadd.s32 $0xFFFFD8F0  }
0x39: {  	[bflag:$0x0] =	sbarrier.arrive $0xFFFF  }
0x3a: {  	s8 =	rddreg [dreg:$0x3]  }
0x3b: {  	s9 =	simm.s32 $0x0;
	s6 =	sadd.s32 $0x0, s8  }
0x3c: {  	[tilespmem:s11], [sflag:$0x9] =	stream.linear.gather [hbm4b:s6+s9], $0x1900, $0x38;
	[tilespmem:$0x1F480] =	vst v63  }
0x3d: {  	_ =	swait.ge [sflag:s10], $0x1900  }
0x3e: {  	[sflag:s10] =	ssyncset.done $0x0  }
0x3f: {  	[sflag:s10] =	ssyncadd.s32 $0xFFFFE700  }
0x40: {  	[tilespmem:s13], [sflag:$0x1] =	stream.indirect.gather [hbm4b:s4+s12], $0x80, s11, s12, $0xb8;
	[tilespmem:$0x1F480] =	vst v63  }
0x41: {  	s8 =	rddreg [dreg:$0x4]  }
0x42: {  	[tilespmem:s14], [sflag:$0x2] =	stream.indirect.gather [hbm4b:s4+s12], $0x80, s8, s12, $0xb8;
	[tilespmem:$0x1F480] =	vst v63  }
0x43: {  	_ =	swait.ge [sflag:s15], $0x2800  }
0x44: {  	[sflag:s15] =	ssyncset.done $0x0  }
0x45: {  	s9 =	rddreg [dreg:$0x5];
	[sflag:s15] =	ssyncadd.s32 $0xFFFFD800  }
0x46: {  	[spmem:s2] =	stream.indirect.scatter.add.f32 [tilespmem:s13], [sflag:$0x5], $0x80, s9, s12, $0xb8;
	[tilespmem:$0x1F480] =	vst v63  }
0x47: {  	s3 =	rddreg [dreg:$0x6]  }
0x48: {  	[tilespmem:s16], [sflag:$0x3] =	stream.indirect.gather [hbm4b:s4+s12], $0x80, s3, s12, $0xb8;
	[tilespmem:$0x1F480] =	vst v63  }
0x49: {  	_ =	swait.ge [sflag:s17], $0x2800  }
0x4a: {  	[sflag:s17] =	ssyncset.done $0x0  }
0x4b: {  	s9 =	rddreg [dreg:$0x7];
	[sflag:s17] =	ssyncadd.s32 $0xFFFFD800  }
0x4c: {  	[spmem:s2] =	stream.indirect.scatter.add.f32 [tilespmem:s14], [sflag:$0x6], $0x80, s9, s12, $0xb8;
	[tilespmem:$0x1F480] =	vst v63  }
0x4d: {  	s3 =	rddreg [dreg:$0x8]  }
0x4e: {  	[tilespmem:s18], [sflag:$0x4] =	stream.indirect.gather [hbm4b:s4+s12], $0x80, s3, s12, $0xb8;
	[tilespmem:$0x1F480] =	vst v63  }
0x4f: {  	_ =	swait.ge [sflag:s19], $0x2800  }
0x50: {  	[sflag:s19] =	ssyncset.done $0x0  }
0x51: {  	s9 =	rddreg [dreg:$0x9];
	[sflag:s19] =	ssyncadd.s32 $0xFFFFD800  }
0x52: {  	[spmem:s2] =	stream.indirect.scatter.add.f32 [tilespmem:s16], [sflag:$0x7], $0x80, s9, s12, $0xb8;
	[tilespmem:$0x1F480] =	vst v63  }
0x53: {  	_ =	swait.ge [sflag:s20], $0x2800  }
0x54: {  	[sflag:s20] =	ssyncset.done $0x0  }
0x55: {  	s3 =	rddreg [dreg:$0xa];
	[sflag:s20] =	ssyncadd.s32 $0xFFFFD800  }
0x56: {  	[tilespmem:s13], [sflag:$0x1] =	stream.indirect.gather [hbm4b:s4+s12], $0x80, s3, s12, $0xb8;
	[tilespmem:$0x1F480] =	vst v63  }
0x57: {  	_ =	swait.ge [sflag:s21], $0x2800  }
0x58: {  	[sflag:s21] =	ssyncset.done $0x0  }
0x59: {  	s8 =	rddreg [dreg:$0xb];
	[sflag:s21] =	ssyncadd.s32 $0xFFFFD800  }
0x5a: {  	[spmem:s2] =	stream.indirect.scatter.add.f32 [tilespmem:s18], [sflag:$0x8], $0x80, s8, s12, $0xb8;
	[tilespmem:$0x1F480] =	vst v63  }
0x5b: {  	_ =	swait.ge [sflag:s22], $0x2800  }
0x5c: {  	[sflag:s22] =	ssyncset.done $0x0  }
0x5d: {  	s9 =	rddreg [dreg:$0xc];
	[sflag:s22] =	ssyncadd.s32 $0xFFFFD800  }
0x5e: {  	[tilespmem:s14], [sflag:$0x2] =	stream.indirect.gather [hbm4b:s4+s12], $0x80, s9, s12, $0xb8;
	[tilespmem:$0x1F480] =	vst v63  }
0x5f: {  	_ =	swait.ge [sflag:s15], $0x2800  }
0x60: {  	[sflag:s15] =	ssyncset.done $0x0  }
0x61: {  	s3 =	rddreg [dreg:$0xd];
	[sflag:s15] =	ssyncadd.s32 $0xFFFFD800  }
0x62: {  	[spmem:s2] =	stream.indirect.scatter.add.f32 [tilespmem:s13], [sflag:$0x5], $0x80, s3, s12, $0xb8;
	[tilespmem:$0x1F480] =	vst v63  }
0x63: {  	_ =	swait.ge [sflag:s23], $0x2800  }
0x64: {  	[sflag:s23] =	ssyncset.done $0x0  }
0x65: {  	s8 =	rddreg [dreg:$0xe];
	[sflag:s23] =	ssyncadd.s32 $0xFFFFD800  }
0x66: {  	[tilespmem:s16], [sflag:$0x3] =	stream.indirect.gather [hbm4b:s4+s12], $0x80, s8, s12, $0xb8;
	[tilespmem:$0x1F480] =	vst v63  }
0x67: {  	_ =	swait.ge [sflag:s17], $0x2800  }
0x68: {  	[sflag:s17] =	ssyncset.done $0x0  }
0x69: {  	s9 =	rddreg [dreg:$0xf];
	[sflag:s17] =	ssyncadd.s32 $0xFFFFD800  }
0x6a: {  	[spmem:s2] =	stream.indirect.scatter.add.f32 [tilespmem:s14], [sflag:$0x6], $0x80, s9, s12, $0xb8;
	[tilespmem:$0x1F480] =	vst v63  }
0x6b: {  	_ =	swait.ge [sflag:s24], $0x2800  }
0x6c: {  	[sflag:s24] =	ssyncset.done $0x0  }
0x6d: {  	s3 =	rddreg [dreg:$0x10];
	[sflag:s24] =	ssyncadd.s32 $0xFFFFD800  }
0x6e: {  	[tilespmem:s18], [sflag:$0x4] =	stream.indirect.gather [hbm4b:s4+s12], $0x80, s3, s12, $0xb8;
	[tilespmem:$0x1F480] =	vst v63  }
0x6f: {  	_ =	swait.ge [sflag:s19], $0x2800  }
0x70: {  	[sflag:s19] =	ssyncset.done $0x0  }
0x71: {  	s8 =	rddreg [dreg:$0x11];
	[sflag:s19] =	ssyncadd.s32 $0xFFFFD800  }
0x72: {  	[spmem:s2] =	stream.indirect.scatter.add.f32 [tilespmem:s16], [sflag:$0x7], $0x80, s8, s12, $0xb8;
	[tilespmem:$0x1F480] =	vst v63  }
0x73: {  	_ =	swait.ge [sflag:s20], $0x2800  }
0x74: {  	[sflag:s20] =	ssyncset.done $0x0  }
0x75: {  	s9 =	rddreg [dreg:$0x12];
	[sflag:s20] =	ssyncadd.s32 $0xFFFFD800  }
0x76: {  	[tilespmem:s13], [sflag:$0x1] =	stream.indirect.gather [hbm4b:s4+s12], $0x80, s9, s12, $0xb8;
	[tilespmem:$0x1F480] =	vst v63  }
0x77: {  	_ =	swait.ge [sflag:s21], $0x2800  }
0x78: {  	[sflag:s21] =	ssyncset.done $0x0  }
0x79: {  	s3 =	rddreg [dreg:$0x13];
	[sflag:s21] =	ssyncadd.s32 $0xFFFFD800  }
0x7a: {  	[spmem:s2] =	stream.indirect.scatter.add.f32 [tilespmem:s18], [sflag:$0x8], $0x80, s3, s12, $0xb8;
	[tilespmem:$0x1F480] =	vst v63  }
0x7b: {  	_ =	swait.ge [sflag:s22], $0x2800  }
0x7c: {  	[sflag:s22] =	ssyncset.done $0x0  }
0x7d: {  	s8 =	rddreg [dreg:$0x14];
	[sflag:s22] =	ssyncadd.s32 $0xFFFFD800  }
0x7e: {  	[tilespmem:s14], [sflag:$0x2] =	stream.indirect.gather [hbm4b:s4+s12], $0x80, s8, s12, $0xb8;
	[tilespmem:$0x1F480] =	vst v63  }
0x7f: {  	_ =	swait.ge [sflag:s15], $0x2800  }
0x80: {  	[sflag:s15] =	ssyncset.done $0x0  }
0x81: {  	s9 =	rddreg [dreg:$0x15];
	[sflag:s15] =	ssyncadd.s32 $0xFFFFD800  }
0x82: {  	[spmem:s2] =	stream.indirect.scatter.add.f32 [tilespmem:s13], [sflag:$0x5], $0x80, s9, s12, $0xb8;
	[tilespmem:$0x1F480] =	vst v63  }
0x83: {  	_ =	swait.ge [sflag:s23], $0x2800  }
0x84: {  	[sflag:s23] =	ssyncset.done $0x0  }
0x85: {  	s3 =	rddreg [dreg:$0x16];
	[sflag:s23] =	ssyncadd.s32 $0xFFFFD800  }
0x86: {  	[tilespmem:s16], [sflag:$0x3] =	stream.indirect.gather [hbm4b:s4+s12], $0x80, s3, s12, $0xb8;
	[tilespmem:$0x1F480] =	vst v63  }
0x87: {  	_ =	swait.ge [sflag:s17], $0x2800  }
0x88: {  	[sflag:s17] =	ssyncset.done $0x0  }
0x89: {  	s8 =	rddreg [dreg:$0x17];
	[sflag:s17] =	ssyncadd.s32 $0xFFFFD800  }
0x8a: {  	[spmem:s2] =	stream.indirect.scatter.add.f32 [tilespmem:s14], [sflag:$0x6], $0x80, s8, s12, $0xb8;
	[tilespmem:$0x1F480] =	vst v63  }
0x8b: {  	_ =	swait.ge [sflag:s24], $0x2800  }
0x8c: {  	[sflag:s24] =	ssyncset.done $0x0  }
0x8d: {  	s9 =	rddreg [dreg:$0x18];
	[sflag:s24] =	ssyncadd.s32 $0xFFFFD800  }
0x8e: {  	[tilespmem:s18], [sflag:$0x4] =	stream.indirect.gather [hbm4b:s4+s12], $0x80, s9, s12, $0xb8;
	[tilespmem:$0x1F480] =	vst v63  }
0x8f: {  	_ =	swait.ge [sflag:s19], $0x2800  }
0x90: {  	[sflag:s19] =	ssyncset.done $0x0  }
0x91: {  	s3 =	rddreg [dreg:$0x19];
	[sflag:s19] =	ssyncadd.s32 $0xFFFFD800  }
0x92: {  	[spmem:s2] =	stream.indirect.scatter.add.f32 [tilespmem:s16], [sflag:$0x7], $0x80, s3, s12, $0xb8;
	[tilespmem:$0x1F480] =	vst v63  }
0x93: {  	_ =	swait.ge [sflag:s20], $0x2800  }
0x94: {  	[sflag:s20] =	ssyncset.done $0x0  }
0x95: {  	s8 =	rddreg [dreg:$0x1a];
	[sflag:s20] =	ssyncadd.s32 $0xFFFFD800  }
0x96: {  	[tilespmem:s13], [sflag:$0x1] =	stream.indirect.gather [hbm4b:s4+s12], $0x80, s8, s12, $0xb8;
	[tilespmem:$0x1F480] =	vst v63  }
0x97: {  	_ =	swait.ge [sflag:s21], $0x2800  }
0x98: {  	[sflag:s21] =	ssyncset.done $0x0  }
0x99: {  	s9 =	rddreg [dreg:$0x1b];
	[sflag:s21] =	ssyncadd.s32 $0xFFFFD800  }
0x9a: {  	[spmem:s2] =	stream.indirect.scatter.add.f32 [tilespmem:s18], [sflag:$0x8], $0x80, s9, s12, $0xb8;
	[tilespmem:$0x1F480] =	vst v63  }
0x9b: {  	_ =	swait.ge [sflag:s22], $0x2800  }
0x9c: {  	[sflag:s22] =	ssyncset.done $0x0  }
0x9d: {  	s3 =	rddreg [dreg:$0x1c];
	[sflag:s22] =	ssyncadd.s32 $0xFFFFD800  }
0x9e: {  	[tilespmem:s14], [sflag:$0x2] =	stream.indirect.gather [hbm4b:s4+s12], $0x80, s3, s12, $0xb8;
	[tilespmem:$0x1F480] =	vst v63  }
0x9f: {  	_ =	swait.ge [sflag:s15], $0x2800  }
0xa0: {  	[sflag:s15] =	ssyncset.done $0x0  }
0xa1: {  	s8 =	rddreg [dreg:$0x1d];
	[sflag:s15] =	ssyncadd.s32 $0xFFFFD800  }
0xa2: {  	[spmem:s2] =	stream.indirect.scatter.add.f32 [tilespmem:s13], [sflag:$0x5], $0x80, s8, s12, $0xb8;
	[tilespmem:$0x1F480] =	vst v63  }
0xa3: {  	_ =	swait.ge [sflag:s23], $0x2800  }
0xa4: {  	[sflag:s23] =	ssyncset.done $0x0  }
0xa5: {  	s9 =	rddreg [dreg:$0x1e];
	[sflag:s23] =	ssyncadd.s32 $0xFFFFD800  }
0xa6: {  	[tilespmem:s16], [sflag:$0x3] =	stream.indirect.gather [hbm4b:s4+s12], $0x80, s9, s12, $0xb8;
	[tilespmem:$0x1F480] =	vst v63  }
0xa7: {  	_ =	swait.ge [sflag:s17], $0x2800  }
0xa8: {  	[sflag:s17] =	ssyncset.done $0x0  }
0xa9: {  	s3 =	rddreg [dreg:$0x1f];
	[sflag:s17] =	ssyncadd.s32 $0xFFFFD800  }
0xaa: {  	[spmem:s2] =	stream.indirect.scatter.add.f32 [tilespmem:s14], [sflag:$0x6], $0x80, s3, s12, $0xb8;
	[tilespmem:$0x1F480] =	vst v63  }
0xab: {  	_ =	swait.ge [sflag:s24], $0x2800  }
0xac: {  	s8 =	sld [smem:$0x7F1]  }
0xad: {  	[sflag:s24] =	ssyncset.done $0x0  }
0xae: {  	[sflag:s24] =	ssyncadd.s32 $0xFFFFD800  }
0xaf: {  	[tilespmem:s18], [sflag:$0x4] =	stream.indirect.gather [hbm4b:s4+s12], $0x80, s8, s12, $0xb8;
	[tilespmem:$0x1F480] =	vst v63  }
0xb0: {  	_ =	swait.ge [sflag:s19], $0x2800  }
0xb1: {  	s9 =	sld [smem:$0x7F2]  }
0xb2: {  	[sflag:s19] =	ssyncset.done $0x0  }
0xb3: {  	[sflag:s19] =	ssyncadd.s32 $0xFFFFD800  }
0xb4: {  	[spmem:s2] =	stream.indirect.scatter.add.f32 [tilespmem:s16], [sflag:$0x7], $0x80, s9, s12, $0xb8;
	[tilespmem:$0x1F480] =	vst v63  }
0xb5: {  	_ =	swait.ge [sflag:s20], $0x2800  }
0xb6: {  	s3 =	sld [smem:$0x7F3]  }
0xb7: {  	[sflag:s20] =	ssyncset.done $0x0  }
0xb8: {  	[sflag:s20] =	ssyncadd.s32 $0xFFFFD800  }
0xb9: {  	[tilespmem:s13], [sflag:$0x1] =	stream.indirect.gather [hbm4b:s4+s12], $0x80, s3, s12, $0xb8;
	[tilespmem:$0x1F480] =	vst v63  }
0xba: {  	_ =	swait.ge [sflag:s21], $0x2800  }
0xbb: {  	s8 =	sld [smem:$0x7F4]  }
0xbc: {  	[sflag:s21] =	ssyncset.done $0x0  }
0xbd: {  	[sflag:s21] =	ssyncadd.s32 $0xFFFFD800  }
0xbe: {  	[spmem:s2] =	stream.indirect.scatter.add.f32 [tilespmem:s18], [sflag:$0x8], $0x80, s8, s12, $0xb8;
	[tilespmem:$0x1F480] =	vst v63  }
0xbf: {  	_ =	swait.ge [sflag:s22], $0x2800  }
0xc0: {  	s9 =	sld [smem:$0x7F5]  }
0xc1: {  	[sflag:s22] =	ssyncset.done $0x0  }
0xc2: {  	[sflag:s22] =	ssyncadd.s32 $0xFFFFD800  }
0xc3: {  	[tilespmem:s14], [sflag:$0x2] =	stream.indirect.gather [hbm4b:s4+s12], $0x80, s9, s12, $0xb8;
	[tilespmem:$0x1F480] =	vst v63  }
0xc4: {  	_ =	swait.ge [sflag:s15], $0x2800  }
0xc5: {  	s3 =	sld [smem:$0x7F6]  }
0xc6: {  	[sflag:s15] =	ssyncset.done $0x0  }
0xc7: {  	[sflag:s15] =	ssyncadd.s32 $0xFFFFD800  }
0xc8: {  	[spmem:s2] =	stream.indirect.scatter.add.f32 [tilespmem:s13], [sflag:$0x5], $0x80, s3, s12, $0xb8;
	[tilespmem:$0x1F480] =	vst v63  }
0xc9: {  	_ =	swait.ge [sflag:s23], $0x2800  }
0xca: {  	s8 =	sld [smem:$0x7F7]  }
0xcb: {  	[sflag:s23] =	ssyncset.done $0x0  }
0xcc: {  	[sflag:s23] =	ssyncadd.s32 $0xFFFFD800  }
0xcd: {  	[tilespmem:s16], [sflag:$0x3] =	stream.indirect.gather [hbm4b:s4+s12], $0x80, s8, s12, $0xb8;
	[tilespmem:$0x1F480] =	vst v63  }
0xce: {  	_ =	swait.ge [sflag:s17], $0x2800  }
0xcf: {  	s9 =	sld [smem:$0x7F8]  }
0xd0: {  	[sflag:s17] =	ssyncset.done $0x0  }
0xd1: {  	[sflag:s17] =	ssyncadd.s32 $0xFFFFD800  }
0xd2: {  	[spmem:s2] =	stream.indirect.scatter.add.f32 [tilespmem:s14], [sflag:$0x6], $0x80, s9, s12, $0xb8;
	[tilespmem:$0x1F480] =	vst v63  }
0xd3: {  	_ =	swait.ge [sflag:s24], $0x2800  }
0xd4: {  	s3 =	sld [smem:$0x7F9]  }
0xd5: {  	[sflag:s24] =	ssyncset.done $0x0  }
0xd6: {  	[sflag:s24] =	ssyncadd.s32 $0xFFFFD800  }
0xd7: {  	[tilespmem:s18], [sflag:$0x4] =	stream.indirect.gather [hbm4b:s4+s12], $0x80, s3, s12, $0xb8;
	[tilespmem:$0x1F480] =	vst v63  }
0xd8: {  	_ =	swait.ge [sflag:s19], $0x2800  }
0xd9: {  	s8 =	sld [smem:$0x7FA]  }
0xda: {  	[sflag:s19] =	ssyncset.done $0x0  }
0xdb: {  	[sflag:s19] =	ssyncadd.s32 $0xFFFFD800  }
0xdc: {  	[spmem:s2] =	stream.indirect.scatter.add.f32 [tilespmem:s16], [sflag:$0x7], $0x80, s8, s12, $0xb8;
	[tilespmem:$0x1F480] =	vst v63  }
0xdd: {  	_ =	swait.ge [sflag:s20], $0x2800  }
0xde: {  	s9 =	sld [smem:$0x7FB]  }
0xdf: {  	[sflag:s20] =	ssyncset.done $0x0  }
0xe0: {  	[sflag:s20] =	ssyncadd.s32 $0xFFFFD800  }
0xe1: {  	[tilespmem:s13], [sflag:$0x1] =	stream.indirect.gather [hbm4b:s4+s12], $0x80, s9, s12, $0xb8;
	[tilespmem:$0x1F480] =	vst v63  }
0xe2: {  	_ =	swait.ge [sflag:s21], $0x2800  }
0xe3: {  	[sflag:s21] =	ssyncset.done $0x0  }
0xe4: {  	[sflag:s21] =	ssyncadd.s32 $0xFFFFD800  }
0xe5: {  	[spmem:s2] =	stream.indirect.scatter.add.f32 [tilespmem:s18], [sflag:$0x8], $0x80, s25, s12, $0xb8;
	[tilespmem:$0x1F480] =	vst v63  }
0xe6: {  	_ =	swait.ge [sflag:s22], $0x2800  }
0xe7: {  	[sflag:s22] =	ssyncset.done $0x0  }
0xe8: {  	[sflag:s22] =	ssyncadd.s32 $0xFFFFD800  }
0xe9: {  	[tilespmem:s14], [sflag:$0x2] =	stream.indirect.gather [hbm4b:s4+s12], $0x80, s26, s12, $0xb8;
	[tilespmem:$0x1F480] =	vst v63  }
0xea: {  	_ =	swait.ge [sflag:s15], $0x2800  }
0xeb: {  	[sflag:s15] =	ssyncset.done $0x0  }
0xec: {  	[sflag:s15] =	ssyncadd.s32 $0xFFFFD800  }
0xed: {  	[spmem:s2] =	stream.indirect.scatter.add.f32 [tilespmem:s13], [sflag:$0x5], $0x80, s28, s12, $0xb8;
	[tilespmem:$0x1F480] =	vst v63  }
0xee: {  	_ =	swait.ge [sflag:s23], $0x2800  }
0xef: {  	[sflag:s23] =	ssyncset.done $0x0  }
0xf0: {  	[sflag:s23] =	ssyncadd.s32 $0xFFFFD800  }
0xf1: {  	[tilespmem:s16], [sflag:$0x3] =	stream.indirect.gather [hbm4b:s4+s12], $0x80, s29, s12, $0xb8;
	[tilespmem:$0x1F480] =	vst v63  }
0xf2: {  	_ =	swait.ge [sflag:s17], $0x2800  }
0xf3: {  	[sflag:s17] =	ssyncset.done $0x0  }
0xf4: {  	[sflag:s17] =	ssyncadd.s32 $0xFFFFD800  }
0xf5: {  	[spmem:s2] =	stream.indirect.scatter.add.f32 [tilespmem:s14], [sflag:$0x6], $0x80, s30, s12, $0xb8;
	[tilespmem:$0x1F480] =	vst v63  }
0xf6: {  	_ =	swait.ge [sflag:s24], $0x2800  }
0xf7: {  	[sflag:s24] =	ssyncset.done $0x0  }
0xf8: {  	[sflag:s24] =	ssyncadd.s32 $0xFFFFD800  }
0xf9: {  	[tilespmem:s18], [sflag:$0x4] =	stream.indirect.gather [hbm4b:s4+s12], $0x80, s31, s12, $0xb8;
	[tilespmem:$0x1F480] =	vst v63  }
0xfa: {  	_ =	swait.ge [sflag:s19], $0x2800  }
0xfb: {  	[sflag:s19] =	ssyncset.done $0x0  }
0xfc: {  	[sflag:s19] =	ssyncadd.s32 $0xFFFFD800  }
0xfd: {  	[spmem:s2] =	stream.indirect.scatter.add.f32 [tilespmem:s16], [sflag:$0x7], $0x80, s1, s12, $0xb8;
	[tilespmem:$0x1F480] =	vst v63  }
0xfe: {  	_ =	swait.ge [sflag:s20], $0x2800  }
0xff: {  	[sflag:s20] =	ssyncset.done $0x0  }
0x100: {  	[sflag:s20] =	ssyncadd.s32 $0xFFFFD800  }
0x101: {  	[tilespmem:s13], [sflag:$0x1] =	stream.indirect.gather [hbm4b:s4+s12], $0x80, s0, s12, $0xb8;
	[tilespmem:$0x1F480] =	vst v63  }
0x102: {  	_ =	swait.ge [sflag:s21], $0x2800  }
0x103: {  	[sflag:s21] =	ssyncset.done $0x0  }
0x104: {  	[sflag:s21] =	ssyncadd.s32 $0xFFFFD800  }
0x105: {  	[spmem:s2] =	stream.indirect.scatter.add.f32 [tilespmem:s18], [sflag:$0x8], $0x80, s5, s12, $0xb8;
	[tilespmem:$0x1F480] =	vst v63  }
0x106: {  	_ =	swait.ge [sflag:s15], $0x2800  }
0x107: {  	[sflag:s15] =	ssyncset.done $0x0  }
0x108: {  	[sflag:s15] =	ssyncadd.s32 $0xFFFFD800  }
0x109: {  	[spmem:s2] =	stream.indirect.scatter.add.f32 [tilespmem:s13], [sflag:$0x5], $0x80, s7, s12, $0xb8;
	[tilespmem:$0x1F480] =	vst v63  }
0x10a: {  	_ =	swait.ge [sflag:s22], $0x2800  }
0x10b: {  	[sflag:s22] =	ssyncset.done $0x0  }
0x10c: {  	[sflag:s22] =	ssyncadd.s32 $0xFFFFD800  }
0x10d: {  	_ =	swait.ge [sflag:s23], $0x2800  }
0x10e: {  	[sflag:s23] =	ssyncset.done $0x0  }
0x10f: {  	[sflag:s23] =	ssyncadd.s32 $0xFFFFD800  }
0x110: {  	_ =	swait.ge [sflag:s24], $0x2800  }
0x111: {  	[sflag:s24] =	ssyncset.done $0x0  }
0x112: {  	[sflag:s24] =	ssyncadd.s32 $0xFFFFD800  }
0x113: {  	s6 =	simm.s32 $0x380;
	_ =	swait.ge [sflag:s20], $0x2800  }
0x114: {  	s9 =	simm.s32 $0x700;
	s8 =	rddreg [dreg:$0x3];
	[sflag:s20] =	ssyncset.done $0x0  }
.LBB2_2:
0x115: {  	[sflag:s20] =	ssyncadd.s32 $0xFFFFD800;
	s3 =	smov.u32 s9  }
0x116: {  	s8 =	sadd.s32 s6, s8;
	s6 =	smov.u32 s3;
	s3 =	simm.s32 $0x0  }
0x117: {  	[tilespmem:s11], [sflag:$0x9] =	stream.linear.gather [hbm4b:s8+s3], $0x1900, $0x38;
	[tilespmem:$0x1F480] =	vst v63  }
0x118: {  	_ =	swait.ge [sflag:s10], $0x1900  }
0x119: {  	[sflag:s10] =	ssyncset.done $0x0  }
0x11a: {  	[sflag:s10] =	ssyncadd.s32 $0xFFFFE700  }
0x11b: {  	[tilespmem:s13], [sflag:$0x1] =	stream.indirect.gather [hbm4b:s4+s12], $0x80, s11, s12, $0xb8;
	[tilespmem:$0x1F480] =	vst v63  }
0x11c: {  	s8 =	rddreg [dreg:$0x4]  }
0x11d: {  	[tilespmem:s14], [sflag:$0x2] =	stream.indirect.gather [hbm4b:s4+s12], $0x80, s8, s12, $0xb8;
	[tilespmem:$0x1F480] =	vst v63  }
0x11e: {  	_ =	swait.ge [sflag:s15], $0x2800  }
0x11f: {  	[sflag:s15] =	ssyncset.done $0x0  }
0x120: {  	s3 =	rddreg [dreg:$0x5];
	[sflag:s15] =	ssyncadd.s32 $0xFFFFD800  }
0x121: {  	[spmem:s2] =	stream.indirect.scatter.add.f32 [tilespmem:s13], [sflag:$0x5], $0x80, s3, s12, $0xb8;
	[tilespmem:$0x1F480] =	vst v63  }
0x122: {  	s8 =	rddreg [dreg:$0x6]  }
0x123: {  	[tilespmem:s16], [sflag:$0x3] =	stream.indirect.gather [hbm4b:s4+s12], $0x80, s8, s12, $0xb8;
	[tilespmem:$0x1F480] =	vst v63  }
0x124: {  	_ =	swait.ge [sflag:s17], $0x2800  }
0x125: {  	[sflag:s17] =	ssyncset.done $0x0  }
0x126: {  	s3 =	rddreg [dreg:$0x7];
	[sflag:s17] =	ssyncadd.s32 $0xFFFFD800  }
0x127: {  	[spmem:s2] =	stream.indirect.scatter.add.f32 [tilespmem:s14], [sflag:$0x6], $0x80, s3, s12, $0xb8;
	[tilespmem:$0x1F480] =	vst v63  }
0x128: {  	s8 =	rddreg [dreg:$0x8]  }
0x129: {  	[tilespmem:s18], [sflag:$0x4] =	stream.indirect.gather [hbm4b:s4+s12], $0x80, s8, s12, $0xb8;
	[tilespmem:$0x1F480] =	vst v63  }
0x12a: {  	_ =	swait.ge [sflag:s19], $0x2800  }
0x12b: {  	[sflag:s19] =	ssyncset.done $0x0  }
0x12c: {  	s8 =	rddreg [dreg:$0x9];
	[sflag:s19] =	ssyncadd.s32 $0xFFFFD800  }
0x12d: {  	[spmem:s2] =	stream.indirect.scatter.add.f32 [tilespmem:s16], [sflag:$0x7], $0x80, s8, s12, $0xb8;
	[tilespmem:$0x1F480] =	vst v63  }
0x12e: {  	_ =	swait.ge [sflag:s20], $0x2800  }
0x12f: {  	[sflag:s20] =	ssyncset.done $0x0  }
0x130: {  	s8 =	rddreg [dreg:$0xa];
	[sflag:s20] =	ssyncadd.s32 $0xFFFFD800  }
0x131: {  	[tilespmem:s13], [sflag:$0x1] =	stream.indirect.gather [hbm4b:s4+s12], $0x80, s8, s12, $0xb8;
	[tilespmem:$0x1F480] =	vst v63  }
0x132: {  	_ =	swait.ge [sflag:s21], $0x2800  }
0x133: {  	[sflag:s21] =	ssyncset.done $0x0  }
0x134: {  	s8 =	rddreg [dreg:$0xb];
	[sflag:s21] =	ssyncadd.s32 $0xFFFFD800  }
0x135: {  	[spmem:s2] =	stream.indirect.scatter.add.f32 [tilespmem:s18], [sflag:$0x8], $0x80, s8, s12, $0xb8;
	[tilespmem:$0x1F480] =	vst v63  }
0x136: {  	_ =	swait.ge [sflag:s22], $0x2800  }
0x137: {  	[sflag:s22] =	ssyncset.done $0x0  }
0x138: {  	s8 =	rddreg [dreg:$0xc];
	[sflag:s22] =	ssyncadd.s32 $0xFFFFD800  }
0x139: {  	[tilespmem:s14], [sflag:$0x2] =	stream.indirect.gather [hbm4b:s4+s12], $0x80, s8, s12, $0xb8;
	[tilespmem:$0x1F480] =	vst v63  }
0x13a: {  	_ =	swait.ge [sflag:s15], $0x2800  }
0x13b: {  	[sflag:s15] =	ssyncset.done $0x0  }
0x13c: {  	s8 =	rddreg [dreg:$0xd];
	[sflag:s15] =	ssyncadd.s32 $0xFFFFD800  }
0x13d: {  	[spmem:s2] =	stream.indirect.scatter.add.f32 [tilespmem:s13], [sflag:$0x5], $0x80, s8, s12, $0xb8;
	[tilespmem:$0x1F480] =	vst v63  }
0x13e: {  	_ =	swait.ge [sflag:s23], $0x2800  }
0x13f: {  	[sflag:s23] =	ssyncset.done $0x0  }
0x140: {  	s8 =	rddreg [dreg:$0xe];
	[sflag:s23] =	ssyncadd.s32 $0xFFFFD800  }
0x141: {  	[tilespmem:s16], [sflag:$0x3] =	stream.indirect.gather [hbm4b:s4+s12], $0x80, s8, s12, $0xb8;
	[tilespmem:$0x1F480] =	vst v63  }
0x142: {  	_ =	swait.ge [sflag:s17], $0x2800  }
0x143: {  	[sflag:s17] =	ssyncset.done $0x0  }
0x144: {  	s8 =	rddreg [dreg:$0xf];
	[sflag:s17] =	ssyncadd.s32 $0xFFFFD800  }
0x145: {  	[spmem:s2] =	stream.indirect.scatter.add.f32 [tilespmem:s14], [sflag:$0x6], $0x80, s8, s12, $0xb8;
	[tilespmem:$0x1F480] =	vst v63  }
0x146: {  	_ =	swait.ge [sflag:s24], $0x2800  }
0x147: {  	[sflag:s24] =	ssyncset.done $0x0  }
0x148: {  	s8 =	rddreg [dreg:$0x10];
	[sflag:s24] =	ssyncadd.s32 $0xFFFFD800  }
0x149: {  	[tilespmem:s18], [sflag:$0x4] =	stream.indirect.gather [hbm4b:s4+s12], $0x80, s8, s12, $0xb8;
	[tilespmem:$0x1F480] =	vst v63  }
0x14a: {  	_ =	swait.ge [sflag:s19], $0x2800  }
0x14b: {  	[sflag:s19] =	ssyncset.done $0x0  }
0x14c: {  	s8 =	rddreg [dreg:$0x11];
	[sflag:s19] =	ssyncadd.s32 $0xFFFFD800  }
0x14d: {  	[spmem:s2] =	stream.indirect.scatter.add.f32 [tilespmem:s16], [sflag:$0x7], $0x80, s8, s12, $0xb8;
	[tilespmem:$0x1F480] =	vst v63  }
0x14e: {  	_ =	swait.ge [sflag:s20], $0x2800  }
0x14f: {  	[sflag:s20] =	ssyncset.done $0x0  }
0x150: {  	s8 =	rddreg [dreg:$0x12];
	[sflag:s20] =	ssyncadd.s32 $0xFFFFD800  }
0x151: {  	[tilespmem:s13], [sflag:$0x1] =	stream.indirect.gather [hbm4b:s4+s12], $0x80, s8, s12, $0xb8;
	[tilespmem:$0x1F480] =	vst v63  }
0x152: {  	_ =	swait.ge [sflag:s21], $0x2800  }
0x153: {  	[sflag:s21] =	ssyncset.done $0x0  }
0x154: {  	s8 =	rddreg [dreg:$0x13];
	[sflag:s21] =	ssyncadd.s32 $0xFFFFD800  }
0x155: {  	[spmem:s2] =	stream.indirect.scatter.add.f32 [tilespmem:s18], [sflag:$0x8], $0x80, s8, s12, $0xb8;
	[tilespmem:$0x1F480] =	vst v63  }
0x156: {  	_ =	swait.ge [sflag:s22], $0x2800  }
0x157: {  	[sflag:s22] =	ssyncset.done $0x0  }
0x158: {  	s8 =	rddreg [dreg:$0x14];
	[sflag:s22] =	ssyncadd.s32 $0xFFFFD800  }
0x159: {  	[tilespmem:s14], [sflag:$0x2] =	stream.indirect.gather [hbm4b:s4+s12], $0x80, s8, s12, $0xb8;
	[tilespmem:$0x1F480] =	vst v63  }
0x15a: {  	_ =	swait.ge [sflag:s15], $0x2800  }
0x15b: {  	[sflag:s15] =	ssyncset.done $0x0  }
0x15c: {  	s8 =	rddreg [dreg:$0x15];
	[sflag:s15] =	ssyncadd.s32 $0xFFFFD800  }
0x15d: {  	[spmem:s2] =	stream.indirect.scatter.add.f32 [tilespmem:s13], [sflag:$0x5], $0x80, s8, s12, $0xb8;
	[tilespmem:$0x1F480] =	vst v63  }
0x15e: {  	_ =	swait.ge [sflag:s23], $0x2800  }
0x15f: {  	[sflag:s23] =	ssyncset.done $0x0  }
0x160: {  	s8 =	rddreg [dreg:$0x16];
	[sflag:s23] =	ssyncadd.s32 $0xFFFFD800  }
0x161: {  	[tilespmem:s16], [sflag:$0x3] =	stream.indirect.gather [hbm4b:s4+s12], $0x80, s8, s12, $0xb8;
	[tilespmem:$0x1F480] =	vst v63  }
0x162: {  	_ =	swait.ge [sflag:s17], $0x2800  }
0x163: {  	[sflag:s17] =	ssyncset.done $0x0  }
0x164: {  	s8 =	rddreg [dreg:$0x17];
	[sflag:s17] =	ssyncadd.s32 $0xFFFFD800  }
0x165: {  	[spmem:s2] =	stream.indirect.scatter.add.f32 [tilespmem:s14], [sflag:$0x6], $0x80, s8, s12, $0xb8;
	[tilespmem:$0x1F480] =	vst v63  }
0x166: {  	_ =	swait.ge [sflag:s24], $0x2800  }
0x167: {  	[sflag:s24] =	ssyncset.done $0x0  }
0x168: {  	s8 =	rddreg [dreg:$0x18];
	[sflag:s24] =	ssyncadd.s32 $0xFFFFD800  }
0x169: {  	[tilespmem:s18], [sflag:$0x4] =	stream.indirect.gather [hbm4b:s4+s12], $0x80, s8, s12, $0xb8;
	[tilespmem:$0x1F480] =	vst v63  }
0x16a: {  	_ =	swait.ge [sflag:s19], $0x2800  }
0x16b: {  	[sflag:s19] =	ssyncset.done $0x0  }
0x16c: {  	s8 =	rddreg [dreg:$0x19];
	[sflag:s19] =	ssyncadd.s32 $0xFFFFD800  }
0x16d: {  	[spmem:s2] =	stream.indirect.scatter.add.f32 [tilespmem:s16], [sflag:$0x7], $0x80, s8, s12, $0xb8;
	[tilespmem:$0x1F480] =	vst v63  }
0x16e: {  	_ =	swait.ge [sflag:s20], $0x2800  }
0x16f: {  	[sflag:s20] =	ssyncset.done $0x0  }
0x170: {  	s8 =	rddreg [dreg:$0x1a];
	[sflag:s20] =	ssyncadd.s32 $0xFFFFD800  }
0x171: {  	[tilespmem:s13], [sflag:$0x1] =	stream.indirect.gather [hbm4b:s4+s12], $0x80, s8, s12, $0xb8;
	[tilespmem:$0x1F480] =	vst v63  }
0x172: {  	_ =	swait.ge [sflag:s21], $0x2800  }
0x173: {  	[sflag:s21] =	ssyncset.done $0x0  }
0x174: {  	s8 =	rddreg [dreg:$0x1b];
	[sflag:s21] =	ssyncadd.s32 $0xFFFFD800  }
0x175: {  	[spmem:s2] =	stream.indirect.scatter.add.f32 [tilespmem:s18], [sflag:$0x8], $0x80, s8, s12, $0xb8;
	[tilespmem:$0x1F480] =	vst v63  }
0x176: {  	_ =	swait.ge [sflag:s22], $0x2800  }
0x177: {  	[sflag:s22] =	ssyncset.done $0x0  }
0x178: {  	s8 =	rddreg [dreg:$0x1c];
	[sflag:s22] =	ssyncadd.s32 $0xFFFFD800  }
0x179: {  	[tilespmem:s14], [sflag:$0x2] =	stream.indirect.gather [hbm4b:s4+s12], $0x80, s8, s12, $0xb8;
	[tilespmem:$0x1F480] =	vst v63  }
0x17a: {  	_ =	swait.ge [sflag:s15], $0x2800  }
0x17b: {  	[sflag:s15] =	ssyncset.done $0x0  }
0x17c: {  	s8 =	rddreg [dreg:$0x1d];
	[sflag:s15] =	ssyncadd.s32 $0xFFFFD800  }
0x17d: {  	[spmem:s2] =	stream.indirect.scatter.add.f32 [tilespmem:s13], [sflag:$0x5], $0x80, s8, s12, $0xb8;
	[tilespmem:$0x1F480] =	vst v63  }
0x17e: {  	_ =	swait.ge [sflag:s23], $0x2800  }
0x17f: {  	[sflag:s23] =	ssyncset.done $0x0  }
0x180: {  	s8 =	rddreg [dreg:$0x1e];
	[sflag:s23] =	ssyncadd.s32 $0xFFFFD800  }
0x181: {  	[tilespmem:s16], [sflag:$0x3] =	stream.indirect.gather [hbm4b:s4+s12], $0x80, s8, s12, $0xb8;
	[tilespmem:$0x1F480] =	vst v63  }
0x182: {  	_ =	swait.ge [sflag:s17], $0x2800  }
0x183: {  	[sflag:s17] =	ssyncset.done $0x0  }
0x184: {  	s8 =	rddreg [dreg:$0x1f];
	[sflag:s17] =	ssyncadd.s32 $0xFFFFD800  }
0x185: {  	[spmem:s2] =	stream.indirect.scatter.add.f32 [tilespmem:s14], [sflag:$0x6], $0x80, s8, s12, $0xb8;
	[tilespmem:$0x1F480] =	vst v63  }
0x186: {  	_ =	swait.ge [sflag:s24], $0x2800  }
0x187: {  	s8 =	sld [smem:$0x7F1]  }
0x188: {  	[sflag:s24] =	ssyncset.done $0x0  }
0x189: {  	[sflag:s24] =	ssyncadd.s32 $0xFFFFD800  }
0x18a: {  	[tilespmem:s18], [sflag:$0x4] =	stream.indirect.gather [hbm4b:s4+s12], $0x80, s8, s12, $0xb8;
	[tilespmem:$0x1F480] =	vst v63  }
0x18b: {  	_ =	swait.ge [sflag:s19], $0x2800  }
0x18c: {  	s8 =	sld [smem:$0x7F2]  }
0x18d: {  	[sflag:s19] =	ssyncset.done $0x0  }
0x18e: {  	[sflag:s19] =	ssyncadd.s32 $0xFFFFD800  }
0x18f: {  	[spmem:s2] =	stream.indirect.scatter.add.f32 [tilespmem:s16], [sflag:$0x7], $0x80, s8, s12, $0xb8;
	[tilespmem:$0x1F480] =	vst v63  }
0x190: {  	_ =	swait.ge [sflag:s20], $0x2800  }
0x191: {  	s8 =	sld [smem:$0x7F3]  }
0x192: {  	[sflag:s20] =	ssyncset.done $0x0  }
0x193: {  	[sflag:s20] =	ssyncadd.s32 $0xFFFFD800  }
0x194: {  	[tilespmem:s13], [sflag:$0x1] =	stream.indirect.gather [hbm4b:s4+s12], $0x80, s8, s12, $0xb8;
	[tilespmem:$0x1F480] =	vst v63  }
0x195: {  	_ =	swait.ge [sflag:s21], $0x2800  }
0x196: {  	s8 =	sld [smem:$0x7F4]  }
0x197: {  	[sflag:s21] =	ssyncset.done $0x0  }
0x198: {  	[sflag:s21] =	ssyncadd.s32 $0xFFFFD800  }
0x199: {  	[spmem:s2] =	stream.indirect.scatter.add.f32 [tilespmem:s18], [sflag:$0x8], $0x80, s8, s12, $0xb8;
	[tilespmem:$0x1F480] =	vst v63  }
0x19a: {  	_ =	swait.ge [sflag:s22], $0x2800  }
0x19b: {  	s8 =	sld [smem:$0x7F5]  }
0x19c: {  	[sflag:s22] =	ssyncset.done $0x0  }
0x19d: {  	[sflag:s22] =	ssyncadd.s32 $0xFFFFD800  }
0x19e: {  	[tilespmem:s14], [sflag:$0x2] =	stream.indirect.gather [hbm4b:s4+s12], $0x80, s8, s12, $0xb8;
	[tilespmem:$0x1F480] =	vst v63  }
0x19f: {  	_ =	swait.ge [sflag:s15], $0x2800  }
0x1a0: {  	s8 =	sld [smem:$0x7F6]  }
0x1a1: {  	[sflag:s15] =	ssyncset.done $0x0  }
0x1a2: {  	[sflag:s15] =	ssyncadd.s32 $0xFFFFD800  }
0x1a3: {  	[spmem:s2] =	stream.indirect.scatter.add.f32 [tilespmem:s13], [sflag:$0x5], $0x80, s8, s12, $0xb8;
	[tilespmem:$0x1F480] =	vst v63  }
0x1a4: {  	_ =	swait.ge [sflag:s23], $0x2800  }
0x1a5: {  	s8 =	sld [smem:$0x7F7]  }
0x1a6: {  	[sflag:s23] =	ssyncset.done $0x0  }
0x1a7: {  	[sflag:s23] =	ssyncadd.s32 $0xFFFFD800  }
0x1a8: {  	[tilespmem:s16], [sflag:$0x3] =	stream.indirect.gather [hbm4b:s4+s12], $0x80, s8, s12, $0xb8;
	[tilespmem:$0x1F480] =	vst v63  }
0x1a9: {  	_ =	swait.ge [sflag:s17], $0x2800  }
0x1aa: {  	s8 =	sld [smem:$0x7F8]  }
0x1ab: {  	[sflag:s17] =	ssyncset.done $0x0  }
0x1ac: {  	[sflag:s17] =	ssyncadd.s32 $0xFFFFD800  }
0x1ad: {  	[spmem:s2] =	stream.indirect.scatter.add.f32 [tilespmem:s14], [sflag:$0x6], $0x80, s8, s12, $0xb8;
	[tilespmem:$0x1F480] =	vst v63  }
0x1ae: {  	_ =	swait.ge [sflag:s24], $0x2800  }
0x1af: {  	s8 =	sld [smem:$0x7F9]  }
0x1b0: {  	[sflag:s24] =	ssyncset.done $0x0  }
0x1b1: {  	[sflag:s24] =	ssyncadd.s32 $0xFFFFD800  }
0x1b2: {  	[tilespmem:s18], [sflag:$0x4] =	stream.indirect.gather [hbm4b:s4+s12], $0x80, s8, s12, $0xb8;
	[tilespmem:$0x1F480] =	vst v63  }
0x1b3: {  	_ =	swait.ge [sflag:s19], $0x2800  }
0x1b4: {  	s8 =	sld [smem:$0x7FA]  }
0x1b5: {  	[sflag:s19] =	ssyncset.done $0x0  }
0x1b6: {  	[sflag:s19] =	ssyncadd.s32 $0xFFFFD800  }
0x1b7: {  	[spmem:s2] =	stream.indirect.scatter.add.f32 [tilespmem:s16], [sflag:$0x7], $0x80, s8, s12, $0xb8;
	[tilespmem:$0x1F480] =	vst v63  }
0x1b8: {  	_ =	swait.ge [sflag:s20], $0x2800  }
0x1b9: {  	s8 =	sld [smem:$0x7FB]  }
0x1ba: {  	[sflag:s20] =	ssyncset.done $0x0  }
0x1bb: {  	[sflag:s20] =	ssyncadd.s32 $0xFFFFD800  }
0x1bc: {  	[tilespmem:s13], [sflag:$0x1] =	stream.indirect.gather [hbm4b:s4+s12], $0x80, s8, s12, $0xb8;
	[tilespmem:$0x1F480] =	vst v63  }
0x1bd: {  	_ =	swait.ge [sflag:s21], $0x2800  }
0x1be: {  	[sflag:s21] =	ssyncset.done $0x0  }
0x1bf: {  	[sflag:s21] =	ssyncadd.s32 $0xFFFFD800  }
0x1c0: {  	[spmem:s2] =	stream.indirect.scatter.add.f32 [tilespmem:s18], [sflag:$0x8], $0x80, s25, s12, $0xb8;
	[tilespmem:$0x1F480] =	vst v63  }
0x1c1: {  	_ =	swait.ge [sflag:s22], $0x2800  }
0x1c2: {  	[sflag:s22] =	ssyncset.done $0x0  }
0x1c3: {  	[sflag:s22] =	ssyncadd.s32 $0xFFFFD800  }
0x1c4: {  	[tilespmem:s14], [sflag:$0x2] =	stream.indirect.gather [hbm4b:s4+s12], $0x80, s26, s12, $0xb8;
	[tilespmem:$0x1F480] =	vst v63  }
0x1c5: {  	_ =	swait.ge [sflag:s15], $0x2800  }
0x1c6: {  	[sflag:s15] =	ssyncset.done $0x0  }
0x1c7: {  	[sflag:s15] =	ssyncadd.s32 $0xFFFFD800  }
0x1c8: {  	[spmem:s2] =	stream.indirect.scatter.add.f32 [tilespmem:s13], [sflag:$0x5], $0x80, s28, s12, $0xb8;
	[tilespmem:$0x1F480] =	vst v63  }
0x1c9: {  	_ =	swait.ge [sflag:s23], $0x2800  }
0x1ca: {  	[sflag:s23] =	ssyncset.done $0x0  }
0x1cb: {  	[sflag:s23] =	ssyncadd.s32 $0xFFFFD800  }
0x1cc: {  	[tilespmem:s16], [sflag:$0x3] =	stream.indirect.gather [hbm4b:s4+s12], $0x80, s29, s12, $0xb8;
	[tilespmem:$0x1F480] =	vst v63  }
0x1cd: {  	_ =	swait.ge [sflag:s17], $0x2800  }
0x1ce: {  	[sflag:s17] =	ssyncset.done $0x0  }
0x1cf: {  	[sflag:s17] =	ssyncadd.s32 $0xFFFFD800  }
0x1d0: {  	[spmem:s2] =	stream.indirect.scatter.add.f32 [tilespmem:s14], [sflag:$0x6], $0x80, s30, s12, $0xb8;
	[tilespmem:$0x1F480] =	vst v63  }
0x1d1: {  	_ =	swait.ge [sflag:s24], $0x2800  }
0x1d2: {  	[sflag:s24] =	ssyncset.done $0x0  }
0x1d3: {  	[sflag:s24] =	ssyncadd.s32 $0xFFFFD800  }
0x1d4: {  	[tilespmem:s18], [sflag:$0x4] =	stream.indirect.gather [hbm4b:s4+s12], $0x80, s31, s12, $0xb8;
	[tilespmem:$0x1F480] =	vst v63  }
0x1d5: {  	_ =	swait.ge [sflag:s19], $0x2800  }
0x1d6: {  	[sflag:s19] =	ssyncset.done $0x0  }
0x1d7: {  	[sflag:s19] =	ssyncadd.s32 $0xFFFFD800  }
0x1d8: {  	[spmem:s2] =	stream.indirect.scatter.add.f32 [tilespmem:s16], [sflag:$0x7], $0x80, s1, s12, $0xb8;
	[tilespmem:$0x1F480] =	vst v63  }
0x1d9: {  	_ =	swait.ge [sflag:s20], $0x2800  }
0x1da: {  	[sflag:s20] =	ssyncset.done $0x0  }
0x1db: {  	[sflag:s20] =	ssyncadd.s32 $0xFFFFD800  }
0x1dc: {  	[tilespmem:s13], [sflag:$0x1] =	stream.indirect.gather [hbm4b:s4+s12], $0x80, s0, s12, $0xb8;
	[tilespmem:$0x1F480] =	vst v63  }
0x1dd: {  	_ =	swait.ge [sflag:s21], $0x2800  }
0x1de: {  	[sflag:s21] =	ssyncset.done $0x0  }
0x1df: {  	[sflag:s21] =	ssyncadd.s32 $0xFFFFD800  }
0x1e0: {  	[spmem:s2] =	stream.indirect.scatter.add.f32 [tilespmem:s18], [sflag:$0x8], $0x80, s5, s12, $0xb8;
	[tilespmem:$0x1F480] =	vst v63  }
0x1e1: {  	_ =	swait.ge [sflag:s15], $0x2800  }
0x1e2: {  	[sflag:s15] =	ssyncset.done $0x0  }
0x1e3: {  	[sflag:s15] =	ssyncadd.s32 $0xFFFFD800  }
0x1e4: {  	[spmem:s2] =	stream.indirect.scatter.add.f32 [tilespmem:s13], [sflag:$0x5], $0x80, s7, s12, $0xb8;
	[tilespmem:$0x1F480] =	vst v63  }
0x1e5: {  	_ =	swait.ge [sflag:s22], $0x2800  }
0x1e6: {  	[sflag:s22] =	ssyncset.done $0x0  }
0x1e7: {  	[sflag:s22] =	ssyncadd.s32 $0xFFFFD800  }
0x1e8: {  	_ =	swait.ge [sflag:s23], $0x2800  }
0x1e9: {  	[sflag:s23] =	ssyncset.done $0x0  }
0x1ea: {  	p0 =	sne.s32 s9, $0x1F80;
	[sflag:s23] =	ssyncadd.s32 $0xFFFFD800  }
.Ltmp0:
0x1eb: {  	_ =	swait.ge [sflag:s24], $0x2800;
	(pc) =	sbr.rel @p0 .LBB2_2-.Ltmp0, $4  }
0x1ec: {  	[sflag:s24] =	ssyncset.done $0x0  }
0x1ed: {  	[sflag:s24] =	ssyncadd.s32 $0xFFFFD800  }
0x1ee: {  	_ =	swait.ge [sflag:s20], $0x2800  }
0x1ef: {  	s9 =	sadd.s32 $0x380, s9;
	s8 =	rddreg [dreg:$0x3];
	[sflag:s20] =	ssyncset.done $0x0  }
0x1f0: {  	[sflag:s20] =	ssyncadd.s32 $0xFFFFD800;
	s3 =	sadd.s32 s6, s8;
	s9 =	simm.s32 $0x0  }
0x1f1: {  	[tilespmem:s11], [sflag:$0x9] =	stream.linear.gather [hbm4b:s3+s9], $0x1900, $0x38;
	[tilespmem:$0x1F480] =	vst v63  }
0x1f2: {  	_ =	swait.ge [sflag:s10], $0x1900  }
0x1f3: {  	[sflag:s10] =	ssyncset.done $0x0  }
0x1f4: {  	[sflag:s10] =	ssyncadd.s32 $0xFFFFE700  }
0x1f5: {  	[tilespmem:s13], [sflag:$0x1] =	stream.indirect.gather [hbm4b:s4+s12], $0x80, s11, s12, $0xb8;
	[tilespmem:$0x1F480] =	vst v63  }
0x1f6: {  	s6 =	rddreg [dreg:$0x4]  }
0x1f7: {  	[tilespmem:s14], [sflag:$0x2] =	stream.indirect.gather [hbm4b:s4+s12], $0x80, s6, s12, $0xb8;
	[tilespmem:$0x1F480] =	vst v63  }
0x1f8: {  	_ =	swait.ge [sflag:s15], $0x2800  }
0x1f9: {  	[sflag:s15] =	ssyncset.done $0x0  }
0x1fa: {  	s8 =	rddreg [dreg:$0x5];
	[sflag:s15] =	ssyncadd.s32 $0xFFFFD800  }
0x1fb: {  	[spmem:s2] =	stream.indirect.scatter.add.f32 [tilespmem:s13], [sflag:$0x5], $0x80, s8, s12, $0xb8;
	[tilespmem:$0x1F480] =	vst v63  }
0x1fc: {  	s9 =	rddreg [dreg:$0x6]  }
0x1fd: {  	[tilespmem:s16], [sflag:$0x3] =	stream.indirect.gather [hbm4b:s4+s12], $0x80, s9, s12, $0xb8;
	[tilespmem:$0x1F480] =	vst v63  }
0x1fe: {  	_ =	swait.ge [sflag:s17], $0x2800  }
0x1ff: {  	[sflag:s17] =	ssyncset.done $0x0  }
0x200: {  	s8 =	rddreg [dreg:$0x7];
	[sflag:s17] =	ssyncadd.s32 $0xFFFFD800  }
0x201: {  	[spmem:s2] =	stream.indirect.scatter.add.f32 [tilespmem:s14], [sflag:$0x6], $0x80, s8, s12, $0xb8;
	[tilespmem:$0x1F480] =	vst v63  }
0x202: {  	s9 =	rddreg [dreg:$0x8]  }
0x203: {  	[tilespmem:s18], [sflag:$0x4] =	stream.indirect.gather [hbm4b:s4+s12], $0x80, s9, s12, $0xb8;
	[tilespmem:$0x1F480] =	vst v63  }
0x204: {  	_ =	swait.ge [sflag:s19], $0x2800  }
0x205: {  	[sflag:s19] =	ssyncset.done $0x0  }
0x206: {  	s8 =	rddreg [dreg:$0x9];
	[sflag:s19] =	ssyncadd.s32 $0xFFFFD800  }
0x207: {  	[spmem:s2] =	stream.indirect.scatter.add.f32 [tilespmem:s16], [sflag:$0x7], $0x80, s8, s12, $0xb8;
	[tilespmem:$0x1F480] =	vst v63  }
0x208: {  	_ =	swait.ge [sflag:s20], $0x2800  }
0x209: {  	[sflag:s20] =	ssyncset.done $0x0  }
0x20a: {  	s9 =	rddreg [dreg:$0xa];
	[sflag:s20] =	ssyncadd.s32 $0xFFFFD800  }
0x20b: {  	[tilespmem:s13], [sflag:$0x1] =	stream.indirect.gather [hbm4b:s4+s12], $0x80, s9, s12, $0xb8;
	[tilespmem:$0x1F480] =	vst v63  }
0x20c: {  	_ =	swait.ge [sflag:s21], $0x2800  }
0x20d: {  	[sflag:s21] =	ssyncset.done $0x0  }
0x20e: {  	s6 =	rddreg [dreg:$0xb];
	[sflag:s21] =	ssyncadd.s32 $0xFFFFD800  }
0x20f: {  	[spmem:s2] =	stream.indirect.scatter.add.f32 [tilespmem:s18], [sflag:$0x8], $0x80, s6, s12, $0xb8;
	[tilespmem:$0x1F480] =	vst v63  }
0x210: {  	_ =	swait.ge [sflag:s22], $0x2800  }
0x211: {  	[sflag:s22] =	ssyncset.done $0x0  }
0x212: {  	s8 =	rddreg [dreg:$0xc];
	[sflag:s22] =	ssyncadd.s32 $0xFFFFD800  }
0x213: {  	[tilespmem:s14], [sflag:$0x2] =	stream.indirect.gather [hbm4b:s4+s12], $0x80, s8, s12, $0xb8;
	[tilespmem:$0x1F480] =	vst v63  }
0x214: {  	_ =	swait.ge [sflag:s15], $0x2800  }
0x215: {  	[sflag:s15] =	ssyncset.done $0x0  }
0x216: {  	s9 =	rddreg [dreg:$0xd];
	[sflag:s15] =	ssyncadd.s32 $0xFFFFD800  }
0x217: {  	[spmem:s2] =	stream.indirect.scatter.add.f32 [tilespmem:s13], [sflag:$0x5], $0x80, s9, s12, $0xb8;
	[tilespmem:$0x1F480] =	vst v63  }
0x218: {  	_ =	swait.ge [sflag:s23], $0x2800  }
0x219: {  	[sflag:s23] =	ssyncset.done $0x0  }
0x21a: {  	s6 =	rddreg [dreg:$0xe];
	[sflag:s23] =	ssyncadd.s32 $0xFFFFD800  }
0x21b: {  	[tilespmem:s16], [sflag:$0x3] =	stream.indirect.gather [hbm4b:s4+s12], $0x80, s6, s12, $0xb8;
	[tilespmem:$0x1F480] =	vst v63  }
0x21c: {  	_ =	swait.ge [sflag:s17], $0x2800  }
0x21d: {  	[sflag:s17] =	ssyncset.done $0x0  }
0x21e: {  	s8 =	rddreg [dreg:$0xf];
	[sflag:s17] =	ssyncadd.s32 $0xFFFFD800  }
0x21f: {  	[spmem:s2] =	stream.indirect.scatter.add.f32 [tilespmem:s14], [sflag:$0x6], $0x80, s8, s12, $0xb8;
	[tilespmem:$0x1F480] =	vst v63  }
0x220: {  	_ =	swait.ge [sflag:s24], $0x2800  }
0x221: {  	[sflag:s24] =	ssyncset.done $0x0  }
0x222: {  	s9 =	rddreg [dreg:$0x10];
	[sflag:s24] =	ssyncadd.s32 $0xFFFFD800  }
0x223: {  	[tilespmem:s18], [sflag:$0x4] =	stream.indirect.gather [hbm4b:s4+s12], $0x80, s9, s12, $0xb8;
	[tilespmem:$0x1F480] =	vst v63  }
0x224: {  	_ =	swait.ge [sflag:s19], $0x2800  }
0x225: {  	[sflag:s19] =	ssyncset.done $0x0  }
0x226: {  	s6 =	rddreg [dreg:$0x11];
	[sflag:s19] =	ssyncadd.s32 $0xFFFFD800  }
0x227: {  	[spmem:s2] =	stream.indirect.scatter.add.f32 [tilespmem:s16], [sflag:$0x7], $0x80, s6, s12, $0xb8;
	[tilespmem:$0x1F480] =	vst v63  }
0x228: {  	_ =	swait.ge [sflag:s20], $0x2800  }
0x229: {  	[sflag:s20] =	ssyncset.done $0x0  }
0x22a: {  	s8 =	rddreg [dreg:$0x12];
	[sflag:s20] =	ssyncadd.s32 $0xFFFFD800  }
0x22b: {  	[tilespmem:s13], [sflag:$0x1] =	stream.indirect.gather [hbm4b:s4+s12], $0x80, s8, s12, $0xb8;
	[tilespmem:$0x1F480] =	vst v63  }
0x22c: {  	_ =	swait.ge [sflag:s21], $0x2800  }
0x22d: {  	[sflag:s21] =	ssyncset.done $0x0  }
0x22e: {  	s9 =	rddreg [dreg:$0x13];
	[sflag:s21] =	ssyncadd.s32 $0xFFFFD800  }
0x22f: {  	[spmem:s2] =	stream.indirect.scatter.add.f32 [tilespmem:s18], [sflag:$0x8], $0x80, s9, s12, $0xb8;
	[tilespmem:$0x1F480] =	vst v63  }
0x230: {  	_ =	swait.ge [sflag:s22], $0x2800  }
0x231: {  	[sflag:s22] =	ssyncset.done $0x0  }
0x232: {  	s6 =	rddreg [dreg:$0x14];
	[sflag:s22] =	ssyncadd.s32 $0xFFFFD800  }
0x233: {  	[tilespmem:s14], [sflag:$0x2] =	stream.indirect.gather [hbm4b:s4+s12], $0x80, s6, s12, $0xb8;
	[tilespmem:$0x1F480] =	vst v63  }
0x234: {  	_ =	swait.ge [sflag:s15], $0x2800  }
0x235: {  	[sflag:s15] =	ssyncset.done $0x0  }
0x236: {  	s8 =	rddreg [dreg:$0x15];
	[sflag:s15] =	ssyncadd.s32 $0xFFFFD800  }
0x237: {  	[spmem:s2] =	stream.indirect.scatter.add.f32 [tilespmem:s13], [sflag:$0x5], $0x80, s8, s12, $0xb8;
	[tilespmem:$0x1F480] =	vst v63  }
0x238: {  	_ =	swait.ge [sflag:s23], $0x2800  }
0x239: {  	[sflag:s23] =	ssyncset.done $0x0  }
0x23a: {  	s9 =	rddreg [dreg:$0x16];
	[sflag:s23] =	ssyncadd.s32 $0xFFFFD800  }
0x23b: {  	[tilespmem:s16], [sflag:$0x3] =	stream.indirect.gather [hbm4b:s4+s12], $0x80, s9, s12, $0xb8;
	[tilespmem:$0x1F480] =	vst v63  }
0x23c: {  	_ =	swait.ge [sflag:s17], $0x2800  }
0x23d: {  	[sflag:s17] =	ssyncset.done $0x0  }
0x23e: {  	s6 =	rddreg [dreg:$0x17];
	[sflag:s17] =	ssyncadd.s32 $0xFFFFD800  }
0x23f: {  	[spmem:s2] =	stream.indirect.scatter.add.f32 [tilespmem:s14], [sflag:$0x6], $0x80, s6, s12, $0xb8;
	[tilespmem:$0x1F480] =	vst v63  }
0x240: {  	_ =	swait.ge [sflag:s24], $0x2800  }
0x241: {  	[sflag:s24] =	ssyncset.done $0x0  }
0x242: {  	s8 =	rddreg [dreg:$0x18];
	[sflag:s24] =	ssyncadd.s32 $0xFFFFD800  }
0x243: {  	[tilespmem:s18], [sflag:$0x4] =	stream.indirect.gather [hbm4b:s4+s12], $0x80, s8, s12, $0xb8;
	[tilespmem:$0x1F480] =	vst v63  }
0x244: {  	_ =	swait.ge [sflag:s19], $0x2800  }
0x245: {  	[sflag:s19] =	ssyncset.done $0x0  }
0x246: {  	s9 =	rddreg [dreg:$0x19];
	[sflag:s19] =	ssyncadd.s32 $0xFFFFD800  }
0x247: {  	[spmem:s2] =	stream.indirect.scatter.add.f32 [tilespmem:s16], [sflag:$0x7], $0x80, s9, s12, $0xb8;
	[tilespmem:$0x1F480] =	vst v63  }
0x248: {  	_ =	swait.ge [sflag:s20], $0x2800  }
0x249: {  	[sflag:s20] =	ssyncset.done $0x0  }
0x24a: {  	s6 =	rddreg [dreg:$0x1a];
	[sflag:s20] =	ssyncadd.s32 $0xFFFFD800  }
0x24b: {  	[tilespmem:s13], [sflag:$0x1] =	stream.indirect.gather [hbm4b:s4+s12], $0x80, s6, s12, $0xb8;
	[tilespmem:$0x1F480] =	vst v63  }
0x24c: {  	_ =	swait.ge [sflag:s21], $0x2800  }
0x24d: {  	[sflag:s21] =	ssyncset.done $0x0  }
0x24e: {  	s8 =	rddreg [dreg:$0x1b];
	[sflag:s21] =	ssyncadd.s32 $0xFFFFD800  }
0x24f: {  	[spmem:s2] =	stream.indirect.scatter.add.f32 [tilespmem:s18], [sflag:$0x8], $0x80, s8, s12, $0xb8;
	[tilespmem:$0x1F480] =	vst v63  }
0x250: {  	_ =	swait.ge [sflag:s22], $0x2800  }
0x251: {  	[sflag:s22] =	ssyncset.done $0x0  }
0x252: {  	s9 =	rddreg [dreg:$0x1c];
	[sflag:s22] =	ssyncadd.s32 $0xFFFFD800  }
0x253: {  	[tilespmem:s14], [sflag:$0x2] =	stream.indirect.gather [hbm4b:s4+s12], $0x80, s9, s12, $0xb8;
	[tilespmem:$0x1F480] =	vst v63  }
0x254: {  	_ =	swait.ge [sflag:s15], $0x2800  }
0x255: {  	[sflag:s15] =	ssyncset.done $0x0  }
0x256: {  	s6 =	rddreg [dreg:$0x1d];
	[sflag:s15] =	ssyncadd.s32 $0xFFFFD800  }
0x257: {  	[spmem:s2] =	stream.indirect.scatter.add.f32 [tilespmem:s13], [sflag:$0x5], $0x80, s6, s12, $0xb8;
	[tilespmem:$0x1F480] =	vst v63  }
0x258: {  	_ =	swait.ge [sflag:s23], $0x2800  }
0x259: {  	[sflag:s23] =	ssyncset.done $0x0  }
0x25a: {  	s8 =	rddreg [dreg:$0x1e];
	[sflag:s23] =	ssyncadd.s32 $0xFFFFD800  }
0x25b: {  	[tilespmem:s16], [sflag:$0x3] =	stream.indirect.gather [hbm4b:s4+s12], $0x80, s8, s12, $0xb8;
	[tilespmem:$0x1F480] =	vst v63  }
0x25c: {  	_ =	swait.ge [sflag:s17], $0x2800  }
0x25d: {  	[sflag:s17] =	ssyncset.done $0x0  }
0x25e: {  	s9 =	rddreg [dreg:$0x1f];
	[sflag:s17] =	ssyncadd.s32 $0xFFFFD800  }
0x25f: {  	[spmem:s2] =	stream.indirect.scatter.add.f32 [tilespmem:s14], [sflag:$0x6], $0x80, s9, s12, $0xb8;
	[tilespmem:$0x1F480] =	vst v63  }
0x260: {  	_ =	swait.ge [sflag:s24], $0x2800  }
0x261: {  	s6 =	sld [smem:$0x7F1]  }
0x262: {  	[sflag:s24] =	ssyncset.done $0x0  }
0x263: {  	[sflag:s24] =	ssyncadd.s32 $0xFFFFD800  }
0x264: {  	[tilespmem:s18], [sflag:$0x4] =	stream.indirect.gather [hbm4b:s4+s12], $0x80, s6, s12, $0xb8;
	[tilespmem:$0x1F480] =	vst v63  }
0x265: {  	_ =	swait.ge [sflag:s19], $0x2800  }
0x266: {  	s8 =	sld [smem:$0x7F2]  }
0x267: {  	[sflag:s19] =	ssyncset.done $0x0  }
0x268: {  	[sflag:s19] =	ssyncadd.s32 $0xFFFFD800  }
0x269: {  	[spmem:s2] =	stream.indirect.scatter.add.f32 [tilespmem:s16], [sflag:$0x7], $0x80, s8, s12, $0xb8;
	[tilespmem:$0x1F480] =	vst v63  }
0x26a: {  	_ =	swait.ge [sflag:s20], $0x2800  }
0x26b: {  	s9 =	sld [smem:$0x7F3]  }
0x26c: {  	[sflag:s20] =	ssyncset.done $0x0  }
0x26d: {  	[sflag:s20] =	ssyncadd.s32 $0xFFFFD800  }
0x26e: {  	[tilespmem:s13], [sflag:$0x1] =	stream.indirect.gather [hbm4b:s4+s12], $0x80, s9, s12, $0xb8;
	[tilespmem:$0x1F480] =	vst v63  }
0x26f: {  	_ =	swait.ge [sflag:s21], $0x2800  }
0x270: {  	s6 =	sld [smem:$0x7F4]  }
0x271: {  	[sflag:s21] =	ssyncset.done $0x0  }
0x272: {  	[sflag:s21] =	ssyncadd.s32 $0xFFFFD800  }
0x273: {  	[spmem:s2] =	stream.indirect.scatter.add.f32 [tilespmem:s18], [sflag:$0x8], $0x80, s6, s12, $0xb8;
	[tilespmem:$0x1F480] =	vst v63  }
0x274: {  	_ =	swait.ge [sflag:s22], $0x2800  }
0x275: {  	s8 =	sld [smem:$0x7F5]  }
0x276: {  	[sflag:s22] =	ssyncset.done $0x0  }
0x277: {  	[sflag:s22] =	ssyncadd.s32 $0xFFFFD800  }
0x278: {  	[tilespmem:s14], [sflag:$0x2] =	stream.indirect.gather [hbm4b:s4+s12], $0x80, s8, s12, $0xb8;
	[tilespmem:$0x1F480] =	vst v63  }
0x279: {  	_ =	swait.ge [sflag:s15], $0x2800  }
0x27a: {  	s9 =	sld [smem:$0x7F6]  }
0x27b: {  	[sflag:s15] =	ssyncset.done $0x0  }
0x27c: {  	[sflag:s15] =	ssyncadd.s32 $0xFFFFD800  }
0x27d: {  	[spmem:s2] =	stream.indirect.scatter.add.f32 [tilespmem:s13], [sflag:$0x5], $0x80, s9, s12, $0xb8;
	[tilespmem:$0x1F480] =	vst v63  }
0x27e: {  	_ =	swait.ge [sflag:s23], $0x2800  }
0x27f: {  	s6 =	sld [smem:$0x7F7]  }
0x280: {  	[sflag:s23] =	ssyncset.done $0x0  }
0x281: {  	[sflag:s23] =	ssyncadd.s32 $0xFFFFD800  }
0x282: {  	[tilespmem:s16], [sflag:$0x3] =	stream.indirect.gather [hbm4b:s4+s12], $0x80, s6, s12, $0xb8;
	[tilespmem:$0x1F480] =	vst v63  }
0x283: {  	_ =	swait.ge [sflag:s17], $0x2800  }
0x284: {  	s8 =	sld [smem:$0x7F8]  }
0x285: {  	[sflag:s17] =	ssyncset.done $0x0  }
0x286: {  	[sflag:s17] =	ssyncadd.s32 $0xFFFFD800  }
0x287: {  	[spmem:s2] =	stream.indirect.scatter.add.f32 [tilespmem:s14], [sflag:$0x6], $0x80, s8, s12, $0xb8;
	[tilespmem:$0x1F480] =	vst v63  }
0x288: {  	_ =	swait.ge [sflag:s24], $0x2800  }
0x289: {  	s9 =	sld [smem:$0x7F9]  }
0x28a: {  	[sflag:s24] =	ssyncset.done $0x0  }
0x28b: {  	[sflag:s24] =	ssyncadd.s32 $0xFFFFD800  }
0x28c: {  	[tilespmem:s18], [sflag:$0x4] =	stream.indirect.gather [hbm4b:s4+s12], $0x80, s9, s12, $0xb8;
	[tilespmem:$0x1F480] =	vst v63  }
0x28d: {  	_ =	swait.ge [sflag:s19], $0x2800  }
0x28e: {  	s6 =	sld [smem:$0x7FA]  }
0x28f: {  	[sflag:s19] =	ssyncset.done $0x0  }
0x290: {  	[sflag:s19] =	ssyncadd.s32 $0xFFFFD800  }
0x291: {  	[spmem:s2] =	stream.indirect.scatter.add.f32 [tilespmem:s16], [sflag:$0x7], $0x80, s6, s12, $0xb8;
	[tilespmem:$0x1F480] =	vst v63  }
0x292: {  	_ =	swait.ge [sflag:s20], $0x2800  }
0x293: {  	s8 =	sld [smem:$0x7FB]  }
0x294: {  	[sflag:s20] =	ssyncset.done $0x0  }
0x295: {  	[sflag:s20] =	ssyncadd.s32 $0xFFFFD800  }
0x296: {  	[tilespmem:s13], [sflag:$0x1] =	stream.indirect.gather [hbm4b:s4+s12], $0x80, s8, s12, $0xb8;
	[tilespmem:$0x1F480] =	vst v63  }
0x297: {  	_ =	swait.ge [sflag:s21], $0x2800  }
0x298: {  	[sflag:s21] =	ssyncset.done $0x0  }
0x299: {  	[sflag:s21] =	ssyncadd.s32 $0xFFFFD800  }
0x29a: {  	[spmem:s2] =	stream.indirect.scatter.add.f32 [tilespmem:s18], [sflag:$0x8], $0x80, s25, s12, $0xb8;
	[tilespmem:$0x1F480] =	vst v63  }
0x29b: {  	_ =	swait.ge [sflag:s22], $0x2800  }
0x29c: {  	[sflag:s22] =	ssyncset.done $0x0  }
0x29d: {  	[sflag:s22] =	ssyncadd.s32 $0xFFFFD800  }
0x29e: {  	[tilespmem:s14], [sflag:$0x2] =	stream.indirect.gather [hbm4b:s4+s12], $0x80, s26, s12, $0xb8;
	[tilespmem:$0x1F480] =	vst v63  }
0x29f: {  	_ =	swait.ge [sflag:s15], $0x2800  }
0x2a0: {  	[sflag:s15] =	ssyncset.done $0x0  }
0x2a1: {  	[sflag:s15] =	ssyncadd.s32 $0xFFFFD800  }
0x2a2: {  	[spmem:s2] =	stream.indirect.scatter.add.f32 [tilespmem:s13], [sflag:$0x5], $0x80, s28, s12, $0xb8;
	[tilespmem:$0x1F480] =	vst v63  }
0x2a3: {  	_ =	swait.ge [sflag:s23], $0x2800  }
0x2a4: {  	[sflag:s23] =	ssyncset.done $0x0  }
0x2a5: {  	[sflag:s23] =	ssyncadd.s32 $0xFFFFD800  }
0x2a6: {  	[tilespmem:s16], [sflag:$0x3] =	stream.indirect.gather [hbm4b:s4+s12], $0x80, s29, s12, $0xb8;
	[tilespmem:$0x1F480] =	vst v63  }
0x2a7: {  	_ =	swait.ge [sflag:s17], $0x2800  }
0x2a8: {  	[sflag:s17] =	ssyncset.done $0x0  }
0x2a9: {  	[sflag:s17] =	ssyncadd.s32 $0xFFFFD800  }
0x2aa: {  	[spmem:s2] =	stream.indirect.scatter.add.f32 [tilespmem:s14], [sflag:$0x6], $0x80, s30, s12, $0xb8;
	[tilespmem:$0x1F480] =	vst v63  }
0x2ab: {  	_ =	swait.ge [sflag:s24], $0x2800  }
0x2ac: {  	[sflag:s24] =	ssyncset.done $0x0  }
0x2ad: {  	[sflag:s24] =	ssyncadd.s32 $0xFFFFD800  }
0x2ae: {  	[tilespmem:s18], [sflag:$0x4] =	stream.indirect.gather [hbm4b:s4+s12], $0x80, s31, s12, $0xb8;
	[tilespmem:$0x1F480] =	vst v63  }
0x2af: {  	_ =	swait.ge [sflag:s19], $0x2800  }
0x2b0: {  	[sflag:s19] =	ssyncset.done $0x0  }
0x2b1: {  	[sflag:s19] =	ssyncadd.s32 $0xFFFFD800  }
0x2b2: {  	[spmem:s2] =	stream.indirect.scatter.add.f32 [tilespmem:s16], [sflag:$0x7], $0x80, s1, s12, $0xb8;
	[tilespmem:$0x1F480] =	vst v63  }
0x2b3: {  	_ =	swait.ge [sflag:s20], $0x2800  }
0x2b4: {  	[sflag:s20] =	ssyncset.done $0x0  }
0x2b5: {  	[sflag:s20] =	ssyncadd.s32 $0xFFFFD800  }
0x2b6: {  	[tilespmem:s13], [sflag:$0x1] =	stream.indirect.gather [hbm4b:s4+s12], $0x80, s0, s12, $0xb8;
	[tilespmem:$0x1F480] =	vst v63  }
0x2b7: {  	_ =	swait.ge [sflag:s21], $0x2800  }
0x2b8: {  	[sflag:s21] =	ssyncset.done $0x0  }
0x2b9: {  	[sflag:s21] =	ssyncadd.s32 $0xFFFFD800  }
0x2ba: {  	[spmem:s2] =	stream.indirect.scatter.add.f32 [tilespmem:s18], [sflag:$0x8], $0x80, s5, s12, $0xb8;
	[tilespmem:$0x1F480] =	vst v63  }
0x2bb: {  	_ =	swait.ge [sflag:s15], $0x2800  }
0x2bc: {  	[sflag:s15] =	ssyncset.done $0x0  }
0x2bd: {  	[sflag:s15] =	ssyncadd.s32 $0xFFFFD800  }
0x2be: {  	[spmem:s2] =	stream.indirect.scatter.add.f32 [tilespmem:s13], [sflag:$0x5], $0x80, s7, s12, $0xb8;
	[tilespmem:$0x1F480] =	vst v63  }
0x2bf: {  	_ =	swait.ge [sflag:s22], $0x2800  }
0x2c0: {  	[sflag:s22] =	ssyncset.done $0x0  }
0x2c1: {  	[sflag:s22] =	ssyncadd.s32 $0xFFFFD800  }
0x2c2: {  	_ =	swait.ge [sflag:s23], $0x2800  }
0x2c3: {  	[sflag:s23] =	ssyncset.done $0x0  }
0x2c4: {  	[sflag:s23] =	ssyncadd.s32 $0xFFFFD800  }
0x2c5: {  	_ =	swait.ge [sflag:s24], $0x2800  }
0x2c6: {  	[sflag:s24] =	ssyncset.done $0x0  }
0x2c7: {  	[sflag:s24] =	ssyncadd.s32 $0xFFFFD800  }
0x2c8: {  	_ =	swait.ge [sflag:s20], $0x2800  }
0x2c9: {  	[sflag:s20] =	ssyncset.done $0x0  }
0x2ca: {  	[sflag:s20] =	ssyncadd.s32 $0xFFFFD800  }
0x2cb: {  	[bflag:$0x0] =	sbarrier.arrive $0xFFFF  }
0x2cc: {  	s8 =	sld [smem:$0x7FC]  }
0x2cd: {  	s9 =	sld [smem:$0x7EF]  }
0x2ce: {  	s6 =	sld [smem:$0x7FD];
	_ =	sdelay $0x2  }
0x2cf: {  	[hbm:s9], [sflag:s8] =	dma.local [spmem:s6], $0x2710  }
0x2d0: {  	_ =	swait.ge [sflag:s10], $0x2710  }
0x2d1: {  	s9 =	sld [smem:$0x7ED]  }
0x2d2: {  	s3 =	sld [smem:$0x7F0];
	_ =	sdelay $0x1  }
0x2d3: {  	s9 =	sadd.s32 $0x1, s9  }
0x2d4: {  	p0 =	sne.s32 s9, s3  }
.Ltmp1:
0x2d5: {  	_ = 	snop;
	(pc) =	sbr.rel @p0 .LBB2_1-.Ltmp1, $3  }
0x2d6: {  	_ =	sdelay $0x1  }
0x2d7: {  	[sflag:s10] =	ssyncset.done $0x0  }
0x2d8: {  	[sflag:s10] =	ssyncadd.s32 $0xFFFFD8F0  }
0x2d9: {  	_ =	sfence.sel $0x180000  }
0x2da: {  	[bflag:$0x0] =	sbarrier.arrive $0xFFFF  }
0x2db: {  	_ =	strace $0x9000004A  }
0x2dc: {  	s0 =	stileid.u32;
	[bflag:$0x2] =	sbarrier.arrive $0xFFFF  }
0x2dd: {  	p0 =	sne.s32 s0, $0x0;
	s0 =	rddreg [dreg:$0x2]  }
0x2de: {  	s0 =	sadd.s32 @!p0 $0x100000, s0  }
0x2df: {  	[sflag:s0] =	ssyncadd.tile.s32 @!p0 $0x1;
	_ =	shalt  }
.Lfunc_end2:
_tile_overlayer_lowered:
.L_overlay_start_2:
0x2e0: {  	(tag) =	ssettag $0x2  }
0x2e1: {  	s0 =	rddreg [dreg:$0x0];
	s2 =	stileid.u32  }
0x2e2: {  	s1 =	rddreg [dreg:$0x1];
	p0 =	sne.s32 s2, $0x0  }
0x2e3: {  	s3 =	rddreg [dreg:$0x2];
	[bflag:$0x3] =	sbarrier.arrive $0xFFFF;
	s2 =	simm.s32 @!p0 $0x1C09  }
0x2e4: {  	[timem:s3], [sflag:s2] =	dma.local @!p0 [hbm:s0], s1  }
0x2e5: {  	s0 =	simm.s32 @!p0 $0x9  }
0x2e6: {  	_ =	swait.ge @!p0 [sflag:s0], s1  }
0x2e7: {  	s1 =	ssub.s32 @!p0 $0x0, s1;
	[sflag:s0] =	ssyncset.done @!p0 $0x0  }
0x2e8: {  	[sflag:s0] =	ssyncadd.s32 @!p0 s1  }
0x2e9: {  	[bflag:$0x3] =	sbarrier.arrive $0xFFFF  }
0x2ea: {  	_ =	shalt  }

</sc_bundles>
